<compile_context>
chip_gen: v7x
topology: tpu7x:2x2x1
jax: 0.10.2.dev20260603
libtpu: 0.0.44.dev20260713+nightly
codegen_flags: <defaults>
</compile_context>

<pallas_src>
import functools

import jax
import jax.numpy as jnp
from jax import lax
from jax.experimental import pallas as pl
from jax.experimental.pallas import tpu as pltpu
from jax.experimental.pallas import tpu_sc as plsc

N = 10000
E = 160000
D = 256
H = 128
ED = 16
G = 128
T = 12

CH = 128
EP = 163840
NCH = EP // CH
CPT = NCH // 16
IW = 16
ECH_PER_SC = NCH // 2
ECH_PT = ECH_PER_SC // 16
TRASH = N
ACC_ROWS = N + 16
RPT = 624
REM = N - 16 * RPT


def _copy_rows(src, dst, s):
    pltpu.sync_copy(src.at[pl.ds(s * RPT, RPT)], dst.at[pl.ds(s * RPT, RPT)])

    @pl.when(s == 15)
    def _():
        pltpu.sync_copy(src.at[pl.ds(16 * RPT, REM)],
                        dst.at[pl.ds(16 * RPT, REM)])

MB = 1000
NBLK = N // MB

_mesh = plsc.VectorSubcoreMesh(core_axis_name="c", subcore_axis_name="s")
f32 = jnp.float32



@functools.partial(
    pl.kernel,
    out_type=(jax.ShapeDtypeStruct((N, H), f32),
              jax.ShapeDtypeStruct((N, H), f32)),
    mesh=_mesh,
    scratch_types=[
        pltpu.VMEM_SHARED((ACC_ROWS, H), f32),
        pltpu.VMEM((ECH_PT, CH), jnp.int32),
        pltpu.VMEM((2, CH, H), f32),
        pltpu.SemaphoreType.DMA,
    ],
)
def _esum_kernel(ea_hbm, dst_hbm, z_hbm, e0_hbm, e1_hbm, acc, didx, ebuf, sem):
    c = lax.axis_index("c")
    s = lax.axis_index("s")
    _copy_rows(z_hbm, acc, s)
    base = c * ECH_PER_SC + s * ECH_PT
    pltpu.sync_copy(dst_hbm.at[pl.ds(base, ECH_PT)], didx)
    plsc.subcore_barrier()

    pltpu.async_copy(ea_hbm.at[pl.ds(base * CH, CH)], ebuf.at[0], sem)

    def grp(g, carry):
        for b in range(2):
            j = 2 * g + b
            pltpu.make_async_copy(ea_hbm.at[pl.ds((base + j) * CH, CH)],
                                  ebuf.at[b], sem).wait()

            @pl.when(j + 1 < ECH_PT)
            def _():
                pltpu.async_copy(ea_hbm.at[pl.ds((base + j + 1) * CH, CH)],
                                 ebuf.at[1 - b], sem)

            pltpu.sync_copy(ebuf.at[b], acc.at[didx.at[j]], add=True)
        return carry

    lax.fori_loop(0, ECH_PT // 2, grp, 0)
    plsc.subcore_barrier()

    @pl.when(c == 0)
    def _():
        _copy_rows(acc, e0_hbm, s)

    @pl.when(c == 1)
    def _():
        _copy_rows(acc, e1_hbm, s)


@functools.partial(
    pl.kernel,
    out_type=(jax.ShapeDtypeStruct((N, H), f32),
              jax.ShapeDtypeStruct((N, H), f32)),
    mesh=_mesh,
    scratch_types=[
        pltpu.VMEM_SHARED((ACC_ROWS, H), f32),
        pltpu.VMEM((IW, CH), jnp.int32),
        pltpu.VMEM((IW, CH), jnp.int32),
        pltpu.VMEM((2, CH, H), f32),
        pltpu.SemaphoreType.DMA,
    ],
)
def _spmm_kernel(h0_hbm, h1_hbm, src_hbm, dst_hbm, z_hbm, a0_hbm, a1_hbm,
                 acc, sidx, didx, rows, sem):
    c = lax.axis_index("c")
    s = lax.axis_index("s")
    _copy_rows(z_hbm, acc, s)
    plsc.subcore_barrier()

    def do(h_hbm):
        def win(w, carry):
            base = s * CPT + w * IW
            pltpu.sync_copy(src_hbm.at[pl.ds(base, IW)], sidx)
            pltpu.sync_copy(dst_hbm.at[pl.ds(base, IW)], didx)
            pltpu.async_copy(h_hbm.at[sidx.at[0]], rows.at[0], sem)

            def grp(g, carry2):
                for b in range(2):
                    j = 2 * g + b
                    pltpu.make_async_copy(h_hbm.at[sidx.at[j]],
                                          rows.at[b], sem).wait()

                    @pl.when(j + 1 < IW)
                    def _():
                        pltpu.async_copy(h_hbm.at[sidx.at[j + 1]],
                                         rows.at[1 - b], sem)

                    pltpu.sync_copy(rows.at[b], acc.at[didx.at[j]], add=True)
                return carry2

            lax.fori_loop(0, IW // 2, grp, 0)
            return carry

        lax.fori_loop(0, CPT // IW, win, 0)

    @pl.when(c == 0)
    def _():
        do(h0_hbm)

    @pl.when(c == 1)
    def _():
        do(h1_hbm)

    plsc.subcore_barrier()

    @pl.when(c == 0)
    def _():
        _copy_rows(acc, a0_hbm, s)

    @pl.when(c == 1)
    def _():
        _copy_rows(acc, a1_hbm, s)



def _update_body(h0, h1, a0, a1, e0, e1, we, w, b, o0, o1):
    es = e0[...] + e1[...]
    e = jnp.dot(es, we[...], preferred_element_type=f32)
    u0 = h0[...] + a0[...] + e[:, :H]
    u1 = h1[...] + a1[...] + e[:, H:]
    u = jnp.concatenate([u0, u1], axis=1)
    hn = jnp.maximum(jnp.dot(u, w[...], preferred_element_type=f32) + b[...], 0.0)
    o0[...] = hn[:, :H]
    o1[...] = hn[:, H:]


_update_call = pl.pallas_call(
    _update_body,
    grid=(NBLK,),
    in_specs=[
        pl.BlockSpec((MB, H), lambda i: (i, 0)),
        pl.BlockSpec((MB, H), lambda i: (i, 0)),
        pl.BlockSpec((MB, H), lambda i: (i, 0)),
        pl.BlockSpec((MB, H), lambda i: (i, 0)),
        pl.BlockSpec((MB, H), lambda i: (i, 0)),
        pl.BlockSpec((MB, H), lambda i: (i, 0)),
        pl.BlockSpec((H, D), lambda i: (0, 0)),
        pl.BlockSpec((D, D), lambda i: (0, 0)),
        pl.BlockSpec((1, D), lambda i: (0, 0)),
    ],
    out_specs=[
        pl.BlockSpec((MB, H), lambda i: (i, 0)),
        pl.BlockSpec((MB, H), lambda i: (i, 0)),
    ],
    out_shape=(jax.ShapeDtypeStruct((N, H), f32),
               jax.ShapeDtypeStruct((N, H), f32)),
)


def _pool_body(h0, h1, bt, wp, bp, out, sums, cnts):
    i = pl.program_id(0)

    @pl.when(i == 0)
    def _():
        sums[...] = jnp.zeros_like(sums)
        cnts[...] = jnp.zeros_like(cnts)

    b = bt[0]
    oh = (lax.broadcasted_iota(jnp.int32, (G, MB), 0) == b).astype(f32)
    h = jnp.concatenate([h0[...], h1[...]], axis=1)
    sums[...] += jnp.dot(oh, h, preferred_element_type=f32)
    cnts[...] += jnp.dot(oh, jnp.ones((MB, G), f32), preferred_element_type=f32)

    @pl.when(i == NBLK - 1)
    def _():
        rec = 1.0 / jnp.maximum(cnts[...], 1.0)
        gr0 = sums[:, :H] * rec
        gr1 = sums[:, H:] * rec
        out[...] = (jnp.dot(gr0, wp[:H, :], preferred_element_type=f32)
                    + jnp.dot(gr1, wp[H:, :], preferred_element_type=f32)
                    + bp[...])


_pool_call = pl.pallas_call(
    _pool_body,
    grid=(NBLK,),
    in_specs=[
        pl.BlockSpec((MB, H), lambda i: (i, 0)),
        pl.BlockSpec((MB, H), lambda i: (i, 0)),
        pl.BlockSpec((1, 1, MB), lambda i: (i, 0, 0)),
        pl.BlockSpec((D, T), lambda i: (0, 0)),
        pl.BlockSpec((1, T), lambda i: (0, 0)),
    ],
    out_specs=pl.BlockSpec((G, T), lambda i: (0, 0)),
    out_shape=jax.ShapeDtypeStruct((G, T), f32),
    scratch_shapes=[pltpu.VMEM((G, D), f32), pltpu.VMEM((G, G), f32)],
)



def kernel(x, edge_index, edge_attr, batch, W_edge, W1, b1, W2, b2, Wp, bp):
    src = edge_index[0].astype(jnp.int32)
    dst = edge_index[1].astype(jnp.int32)
    pad = EP - E
    src2d = jnp.pad(src, (0, pad)).reshape(NCH, CH)
    dst2d = jnp.pad(dst, (0, pad), constant_values=TRASH).reshape(NCH, CH)
    ea_pad = jnp.pad(edge_attr, ((0, pad), (0, H - ED)))
    we_pad = jnp.pad(W_edge, ((0, H - ED), (0, 0)))
    zeros_h = jnp.zeros((N, H), f32)
    bt3 = batch.astype(jnp.int32).reshape(NBLK, 1, MB)

    x0 = x[:, :H]
    x1 = x[:, H:]

    e0, e1 = _esum_kernel(ea_pad, dst2d, zeros_h)

    a0, a1 = _spmm_kernel(x0, x1, src2d, dst2d, zeros_h)
    h0, h1 = _update_call(x0, x1, a0, a1, e0, e1, we_pad, W1, b1.reshape(1, D))

    a0, a1 = _spmm_kernel(h0, h1, src2d, dst2d, zeros_h)
    h0, h1 = _update_call(h0, h1, a0, a1, e0, e1, we_pad, W2, b2.reshape(1, D))

    out = _pool_call(h0, h1, bt3, Wp, bp.reshape(1, T))
    node_representation = jnp.concatenate([h0, h1], axis=1)
    return (out, node_representation)

# --- scband reference (transcript-rebuilt; emitter-appended) ---
"""Pipeline reference for scband-gnn-graphpred-1778116460570 (READ-ONLY COPY).

The authoritative reference and input builder live on the scoring server;
editing this copy changes nothing except your own understanding.
"""

import jax, jax.numpy as jnp
import numpy as np

NUM_NODES = 10000
NUM_EDGES = 160000
EMB_DIM = 256
EDGE_DIM = 16
NUM_GRAPHS = 128
NUM_TASKS = 12


def setup_inputs(seed: int = 0) -> dict:
    key = jax.random.key(seed)
    ks = jax.random.split(key, 12)
    x = jax.random.normal(ks[0], (NUM_NODES, EMB_DIM), dtype=jnp.float32)
    edge_index = jax.random.randint(ks[1], (2, NUM_EDGES), 0, NUM_NODES, dtype=jnp.int64)
    edge_attr = jax.random.normal(ks[2], (NUM_EDGES, EDGE_DIM), dtype=jnp.float32)
    batch = jnp.sort(jax.random.randint(ks[3], (NUM_NODES,), 0, NUM_GRAPHS, dtype=jnp.int64))
    # molecule_model parameters: 2-layer GIN-style MPNN with edge features (num_layer=2, emb_dim=256)
    s = 1.0 / np.sqrt(EMB_DIM)
    W_edge = jax.random.normal(ks[4], (EDGE_DIM, EMB_DIM), dtype=jnp.float32) / np.sqrt(EDGE_DIM)
    W1 = jax.random.normal(ks[5], (EMB_DIM, EMB_DIM), dtype=jnp.float32) * s
    b1 = jnp.zeros((EMB_DIM,), dtype=jnp.float32)
    W2 = jax.random.normal(ks[6], (EMB_DIM, EMB_DIM), dtype=jnp.float32) * s
    b2 = jnp.zeros((EMB_DIM,), dtype=jnp.float32)
    # graph_pred_linear (JK='last' -> in_dim = emb_dim)
    Wp = jax.random.normal(ks[7], (EMB_DIM, NUM_TASKS), dtype=jnp.float32) * s
    bp = jnp.zeros((NUM_TASKS,), dtype=jnp.float32)
    return {"x": x, "edge_index": edge_index, "edge_attr": edge_attr, "batch": batch,
            "W_edge": W_edge, "W1": W1, "b1": b1, "W2": W2, "b2": b2, "Wp": Wp, "bp": bp}


def reference(x, edge_index, edge_attr, batch, W_edge, W1, b1, W2, b2, Wp, bp):
    src = edge_index[0]
    dst = edge_index[1]
    e = edge_attr @ W_edge  # edge embedding shared across layers
    h = x
    for W, b in ((W1, b1), (W2, b2)):
        msg = h[src] + e                                   # gather + edge feature
        agg = jax.ops.segment_sum(msg, dst, num_segments=NUM_NODES)  # scatter-add
        h = jax.nn.relu((h + agg) @ W + b)                 # GIN-style update
    node_representation = h
    # global_mean_pool over graph ids
    sums = jax.ops.segment_sum(node_representation, batch, num_segments=NUM_GRAPHS)
    counts = jax.ops.segment_sum(jnp.ones((NUM_NODES,), dtype=jnp.float32), batch, num_segments=NUM_GRAPHS)
    graph_representation = sums / jnp.maximum(counts, 1.0)[:, None]
    output = graph_representation @ Wp + bp                # graph_pred_linear
    return (output, node_representation)

if __name__ == "__main__":
    import jax
    _d = setup_inputs()
    print(jax.jit(kernel)(*tuple(_d.values())))

</pallas_src>

<mosaic_0001>
#map = affine_map<(d0, d1) -> (0, 0)>
module attributes {stable_mosaic.version = 14 : i64} {
  func.func @_spmm_kernel(%arg0: i32, %arg1: i32, %arg2: memref<10000x128xf32, #tpu.memory_space<hbm>>, %arg3: memref<10000x128xf32, #tpu.memory_space<hbm>>, %arg4: memref<1280x128xi32, #tpu.memory_space<hbm>>, %arg5: memref<1280x128xi32, #tpu.memory_space<hbm>>, %arg6: memref<10000x128xf32, #tpu.memory_space<hbm>>, %arg7: memref<10000x128xf32, #tpu.memory_space<hbm>>, %arg8: memref<10000x128xf32, #tpu.memory_space<hbm>>, %arg9: memref<10016x128xf32, #tpu.memory_space<vmem_shared>>, %arg10: memref<16x128xi32, #tpu.memory_space<vmem>>, %arg11: memref<16x128xi32, #tpu.memory_space<vmem>>, %arg12: memref<2x128x128xf32, #tpu.memory_space<vmem>>, %arg13: memref<!tpu.dma_semaphore, #tpu.memory_space<semaphore_mem>>) attributes {dimension_semantics = [#tpu.dimension_semantics<core_parallel>, #tpu.dimension_semantics<subcore_parallel>], iteration_bounds = array<i64: 2, 16>, scalar_prefetch = 0 : i64, scratch_operands = 5 : i64, tpu.core_type = #tpu.core_type<sc_vector_subcore>, window_params = [{transform_indices = #map}, {transform_indices = #map}, {transform_indices = #map}, {transform_indices = #map}, {transform_indices = #map}, {transform_indices = #map}, {transform_indices = #map}]} {
    %mul3A = arith.constant 624 : i32
    %mul3A_0 = arith.muli %arg1, %mul3A : i32
    %mul3A_1 = arith.constant 624 : i32
    %mul3A_2 = arith.muli %arg1, %mul3A_1 : i32
    "tpu.region"() ({
      %run_scoped3A = tpu.sem_alloc : memref<!tpu.dma_semaphore, #tpu.memory_space<semaphore_mem>>
      %dma_start3A = arith.constant 0 : i32
      %dma_start3A_26 = tpu.memref_slice %arg9[%mul3A_2, %dma_start3A] : memref<10016x128xf32, #tpu.memory_space<vmem_shared>> -> memref<624x128xf32, #tpu.memory_space<vmem_shared>>
      %dma_start3A_27 = arith.constant 0 : i32
      %dma_start3A_28 = tpu.memref_slice %arg6[%mul3A_0, %dma_start3A_27] : memref<10000x128xf32, #tpu.memory_space<hbm>> -> memref<624x128xf32, #tpu.memory_space<hbm>>
      tpu.enqueue_dma source(%dma_start3A_28 : memref<624x128xf32, #tpu.memory_space<hbm>>) target(%dma_start3A_26 : memref<624x128xf32, #tpu.memory_space<vmem_shared>>) target_semaphore(%run_scoped3A : memref<!tpu.dma_semaphore, #tpu.memory_space<semaphore_mem>>)
      %dma_wait3A = arith.constant 0 : i32
      %dma_wait3A_29 = tpu.memref_slice %arg9[%mul3A_2, %dma_wait3A] : memref<10016x128xf32, #tpu.memory_space<vmem_shared>> -> memref<624x128xf32, #tpu.memory_space<vmem_shared>>
      %dma_wait3A_30 = arith.constant 0 : i32
      %dma_wait3A_31 = tpu.memref_slice %arg6[%mul3A_0, %dma_wait3A_30] : memref<10000x128xf32, #tpu.memory_space<hbm>> -> memref<624x128xf32, #tpu.memory_space<hbm>>
      tpu.wait_dma2 semaphore(%run_scoped3A : memref<!tpu.dma_semaphore, #tpu.memory_space<semaphore_mem>>) src(%dma_wait3A_31 : memref<624x128xf32, #tpu.memory_space<hbm>>) dst(%dma_wait3A_29 : memref<624x128xf32, #tpu.memory_space<vmem_shared>>)
      tpu.yield
    }) : () -> ()
    %eq3A = arith.constant 15 : i32
    %eq3A_3 = arith.cmpi eq, %arg1, %eq3A : i32
    %convert_element_type3A = arith.extui %eq3A_3 : i1 to i32
    %cond3A = arith.constant 0 : i32
    %cond3A_4 = arith.cmpi ne, %convert_element_type3A, %cond3A : i32
    scf.if %cond3A_4 {
      "tpu.region"() ({
        %run_scoped3A = tpu.sem_alloc : memref<!tpu.dma_semaphore, #tpu.memory_space<semaphore_mem>>
        %dma_start3A = arith.constant 9984 : i32
        %dma_start3A_26 = arith.constant 0 : i32
        %dma_start3A_27 = tpu.memref_slice %arg9[%dma_start3A, %dma_start3A_26] : memref<10016x128xf32, #tpu.memory_space<vmem_shared>> -> memref<16x128xf32, #tpu.memory_space<vmem_shared>>
        %dma_start3A_28 = arith.constant 9984 : i32
        %dma_start3A_29 = arith.constant 0 : i32
        %dma_start3A_30 = tpu.memref_slice %arg6[%dma_start3A_28, %dma_start3A_29] : memref<10000x128xf32, #tpu.memory_space<hbm>> -> memref<16x128xf32, #tpu.memory_space<hbm>>
        tpu.enqueue_dma source(%dma_start3A_30 : memref<16x128xf32, #tpu.memory_space<hbm>>) target(%dma_start3A_27 : memref<16x128xf32, #tpu.memory_space<vmem_shared>>) target_semaphore(%run_scoped3A : memref<!tpu.dma_semaphore, #tpu.memory_space<semaphore_mem>>)
        %dma_wait3A = arith.constant 9984 : i32
        %dma_wait3A_31 = arith.constant 0 : i32
        %dma_wait3A_32 = tpu.memref_slice %arg9[%dma_wait3A, %dma_wait3A_31] : memref<10016x128xf32, #tpu.memory_space<vmem_shared>> -> memref<16x128xf32, #tpu.memory_space<vmem_shared>>
        %dma_wait3A_33 = arith.constant 9984 : i32
        %dma_wait3A_34 = arith.constant 0 : i32
        %dma_wait3A_35 = tpu.memref_slice %arg6[%dma_wait3A_33, %dma_wait3A_34] : memref<10000x128xf32, #tpu.memory_space<hbm>> -> memref<16x128xf32, #tpu.memory_space<hbm>>
        tpu.wait_dma2 semaphore(%run_scoped3A : memref<!tpu.dma_semaphore, #tpu.memory_space<semaphore_mem>>) src(%dma_wait3A_35 : memref<16x128xf32, #tpu.memory_space<hbm>>) dst(%dma_wait3A_32 : memref<16x128xf32, #tpu.memory_space<vmem_shared>>)
        tpu.yield
      }) : () -> ()
    } else {
    }
    %barrier3A = arith.constant 0 : index
    tpu.barrier barrier_id(%barrier3A)
    %eq3A_5 = arith.constant 0 : i32
    %eq3A_6 = arith.cmpi eq, %arg0, %eq3A_5 : i32
    %convert_element_type3A_7 = arith.extui %eq3A_6 : i1 to i32
    %cond3A_8 = arith.constant 0 : i32
    %cond3A_9 = arith.cmpi ne, %convert_element_type3A_7, %cond3A_8 : i32
    scf.if %cond3A_9 {
      %scan3A = arith.constant 0 : i32
      %scan3A_26 = arith.constant 0 : i32
      %scan3A_27 = arith.constant 5 : i32
      %scan3A_28 = arith.addi %scan3A_26, %scan3A_27 : i32
      %scan3A_29 = arith.constant 1 : i32
      scf.for %scan3A_31 = %scan3A_26 to %scan3A_28 step %scan3A_29  : i32 {
        %mul3A_32 = arith.constant 80 : i32
        %mul3A_33 = arith.muli %arg1, %mul3A_32 : i32
        %mul3A_34 = arith.constant 16 : i32
        %mul3A_35 = arith.muli %scan3A_31, %mul3A_34 : i32
        %add3A = arith.addi %mul3A_33, %mul3A_35 : i32
        "tpu.region"() ({
          %run_scoped3A = tpu.sem_alloc : memref<!tpu.dma_semaphore, #tpu.memory_space<semaphore_mem>>
          %dma_start3A_53 = arith.constant 0 : i32
          %dma_start3A_54 = tpu.memref_slice %arg4[%add3A, %dma_start3A_53] : memref<1280x128xi32, #tpu.memory_space<hbm>> -> memref<16x128xi32, #tpu.memory_space<hbm>>
          %dma_start3A_55 = arith.constant 0 : i32
          %dma_start3A_56 = tpu.memref_slice %arg4[%add3A, %dma_start3A_55] : memref<1280x128xi32, #tpu.memory_space<hbm>> -> memref<16x128xi32, #tpu.memory_space<hbm>>
          tpu.enqueue_dma source(%dma_start3A_56 : memref<16x128xi32, #tpu.memory_space<hbm>>) target(%arg10 : memref<16x128xi32, #tpu.memory_space<vmem>>) target_semaphore(%run_scoped3A : memref<!tpu.dma_semaphore, #tpu.memory_space<semaphore_mem>>)
          %dma_wait3A = arith.constant 0 : i32
          %dma_wait3A_57 = tpu.memref_slice %arg4[%add3A, %dma_wait3A] : memref<1280x128xi32, #tpu.memory_space<hbm>> -> memref<16x128xi32, #tpu.memory_space<hbm>>
          %dma_wait3A_58 = arith.constant 0 : i32
          %dma_wait3A_59 = tpu.memref_slice %arg4[%add3A, %dma_wait3A_58] : memref<1280x128xi32, #tpu.memory_space<hbm>> -> memref<16x128xi32, #tpu.memory_space<hbm>>
          tpu.wait_dma2 semaphore(%run_scoped3A : memref<!tpu.dma_semaphore, #tpu.memory_space<semaphore_mem>>) src(%dma_wait3A_59 : memref<16x128xi32, #tpu.memory_space<hbm>>) dst(%arg10 : memref<16x128xi32, #tpu.memory_space<vmem>>)
          tpu.yield
        }) : () -> ()
        "tpu.region"() ({
          %run_scoped3A = tpu.sem_alloc : memref<!tpu.dma_semaphore, #tpu.memory_space<semaphore_mem>>
          %dma_start3A_53 = arith.constant 0 : i32
          %dma_start3A_54 = tpu.memref_slice %arg5[%add3A, %dma_start3A_53] : memref<1280x128xi32, #tpu.memory_space<hbm>> -> memref<16x128xi32, #tpu.memory_space<hbm>>
          %dma_start3A_55 = arith.constant 0 : i32
          %dma_start3A_56 = tpu.memref_slice %arg5[%add3A, %dma_start3A_55] : memref<1280x128xi32, #tpu.memory_space<hbm>> -> memref<16x128xi32, #tpu.memory_space<hbm>>
          tpu.enqueue_dma source(%dma_start3A_56 : memref<16x128xi32, #tpu.memory_space<hbm>>) target(%arg11 : memref<16x128xi32, #tpu.memory_space<vmem>>) target_semaphore(%run_scoped3A : memref<!tpu.dma_semaphore, #tpu.memory_space<semaphore_mem>>)
          %dma_wait3A = arith.constant 0 : i32
          %dma_wait3A_57 = tpu.memref_slice %arg5[%add3A, %dma_wait3A] : memref<1280x128xi32, #tpu.memory_space<hbm>> -> memref<16x128xi32, #tpu.memory_space<hbm>>
          %dma_wait3A_58 = arith.constant 0 : i32
          %dma_wait3A_59 = tpu.memref_slice %arg5[%add3A, %dma_wait3A_58] : memref<1280x128xi32, #tpu.memory_space<hbm>> -> memref<16x128xi32, #tpu.memory_space<hbm>>
          tpu.wait_dma2 semaphore(%run_scoped3A : memref<!tpu.dma_semaphore, #tpu.memory_space<semaphore_mem>>) src(%dma_wait3A_59 : memref<16x128xi32, #tpu.memory_space<hbm>>) dst(%arg11 : memref<16x128xi32, #tpu.memory_space<vmem>>)
          tpu.yield
        }) : () -> ()
        %dma_start3A = arith.constant 0 : i32
        %dma_start3A_36 = arith.constant 0 : i32
        %dma_start3A_37 = arith.constant 0 : i32
        %dma_start3A_38 = arith.constant 0 : i32
        %dma_start3A_39 = tpu.memref_slice %arg12[%dma_start3A_36, %dma_start3A_37, %dma_start3A_38] : memref<2x128x128xf32, #tpu.memory_space<vmem>> -> memref<1x128x128xf32, #tpu.memory_space<vmem>>
        %dma_start3A_40 = tpu.memref_squeeze %dma_start3A_39 : memref<1x128x128xf32, #tpu.memory_space<vmem>> -> memref<128x128xf32, #tpu.memory_space<vmem>>
        %dma_start3A_41 = arith.constant 0 : i32
        %dma_start3A_42 = tpu.memref_slice %arg10[%dma_start3A, %dma_start3A_41] : memref<16x128xi32, #tpu.memory_space<vmem>> -> memref<1x128xi32, #tpu.memory_space<vmem>>
        %dma_start3A_43 = tpu.memref_squeeze %dma_start3A_42 : memref<1x128xi32, #tpu.memory_space<vmem>> -> memref<128xi32, #tpu.memory_space<vmem>>
        %dma_start3A_44 = arith.constant 0 : i32
        %dma_start3A_45 = arith.constant 0 : i32
        %dma_start3A_46 = tpu.memref_slice %arg2[%dma_start3A_44, %dma_start3A_45] : memref<10000x128xf32, #tpu.memory_space<hbm>> -> memref<10000x128xf32, #tpu.memory_space<hbm>>
        tpu.enqueue_indirect_dma source(%dma_start3A_46 : memref<10000x128xf32, #tpu.memory_space<hbm>>) target(%dma_start3A_40 : memref<128x128xf32, #tpu.memory_space<vmem>>) offsets(%dma_start3A_43 : memref<128xi32, #tpu.memory_space<vmem>>) semaphore(%arg13 : memref<!tpu.dma_semaphore, #tpu.memory_space<semaphore_mem>>)
        %scan3A_47 = arith.constant 0 : i32
        %scan3A_48 = arith.constant 0 : i32
        %scan3A_49 = arith.constant 8 : i32
        %scan3A_50 = arith.addi %scan3A_48, %scan3A_49 : i32
        %scan3A_51 = arith.constant 1 : i32
        scf.for %scan3A_53 = %scan3A_48 to %scan3A_50 step %scan3A_51  : i32 {
          %mul3A_54 = arith.constant 2 : i32
          %mul3A_55 = arith.muli %mul3A_54, %scan3A_53 : i32
          %add3A_56 = arith.constant 0 : i32
          %add3A_57 = arith.addi %mul3A_55, %add3A_56 : i32
          %dma_wait3A = arith.constant 0 : i32
          %dma_wait3A_58 = arith.constant 0 : i32
          %dma_wait3A_59 = arith.constant 0 : i32
          %dma_wait3A_60 = tpu.memref_slice %arg12[%dma_wait3A, %dma_wait3A_58, %dma_wait3A_59] : memref<2x128x128xf32, #tpu.memory_space<vmem>> -> memref<1x128x128xf32, #tpu.memory_space<vmem>>
          %dma_wait3A_61 = tpu.memref_squeeze %dma_wait3A_60 : memref<1x128x128xf32, #tpu.memory_space<vmem>> -> memref<128x128xf32, #tpu.memory_space<vmem>>
          %dma_wait3A_62 = arith.constant 0 : i32
          %dma_wait3A_63 = tpu.memref_slice %arg10[%add3A_57, %dma_wait3A_62] : memref<16x128xi32, #tpu.memory_space<vmem>> -> memref<1x128xi32, #tpu.memory_space<vmem>>
          %dma_wait3A_64 = tpu.memref_squeeze %dma_wait3A_63 : memref<1x128xi32, #tpu.memory_space<vmem>> -> memref<128xi32, #tpu.memory_space<vmem>>
          %dma_wait3A_65 = arith.constant 0 : i32
          %dma_wait3A_66 = arith.constant 0 : i32
          %dma_wait3A_67 = tpu.memref_slice %arg2[%dma_wait3A_65, %dma_wait3A_66] : memref<10000x128xf32, #tpu.memory_space<hbm>> -> memref<10000x128xf32, #tpu.memory_space<hbm>>
          tpu.wait_indirect_dma semaphore(%arg13 : memref<!tpu.dma_semaphore, #tpu.memory_space<semaphore_mem>>) src(%dma_wait3A_67 : memref<10000x128xf32, #tpu.memory_space<hbm>>) dst(%dma_wait3A_61 : memref<128x128xf32, #tpu.memory_space<vmem>>)
          %add3A_68 = arith.constant 1 : i32
          %add3A_69 = arith.addi %add3A_57, %add3A_68 : i32
          %lt3A = arith.constant 16 : i32
          %lt3A_70 = arith.cmpi slt, %add3A_69, %lt3A : i32
          %convert_element_type3A_71 = arith.extui %lt3A_70 : i1 to i32
          %cond3A_72 = arith.constant 0 : i32
          %cond3A_73 = arith.cmpi ne, %convert_element_type3A_71, %cond3A_72 : i32
          scf.if %cond3A_73 {
            %add3A_97 = arith.constant 1 : i32
            %add3A_98 = arith.addi %add3A_57, %add3A_97 : i32
            %dma_start3A_99 = arith.constant 1 : i32
            %dma_start3A_100 = arith.constant 0 : i32
            %dma_start3A_101 = arith.constant 0 : i32
            %dma_start3A_102 = tpu.memref_slice %arg12[%dma_start3A_99, %dma_start3A_100, %dma_start3A_101] : memref<2x128x128xf32, #tpu.memory_space<vmem>> -> memref<1x128x128xf32, #tpu.memory_space<vmem>>
            %dma_start3A_103 = tpu.memref_squeeze %dma_start3A_102 : memref<1x128x128xf32, #tpu.memory_space<vmem>> -> memref<128x128xf32, #tpu.memory_space<vmem>>
            %dma_start3A_104 = arith.constant 0 : i32
            %dma_start3A_105 = tpu.memref_slice %arg10[%add3A_98, %dma_start3A_104] : memref<16x128xi32, #tpu.memory_space<vmem>> -> memref<1x128xi32, #tpu.memory_space<vmem>>
            %dma_start3A_106 = tpu.memref_squeeze %dma_start3A_105 : memref<1x128xi32, #tpu.memory_space<vmem>> -> memref<128xi32, #tpu.memory_space<vmem>>
            %dma_start3A_107 = arith.constant 0 : i32
            %dma_start3A_108 = arith.constant 0 : i32
            %dma_start3A_109 = tpu.memref_slice %arg2[%dma_start3A_107, %dma_start3A_108] : memref<10000x128xf32, #tpu.memory_space<hbm>> -> memref<10000x128xf32, #tpu.memory_space<hbm>>
            tpu.enqueue_indirect_dma source(%dma_start3A_109 : memref<10000x128xf32, #tpu.memory_space<hbm>>) target(%dma_start3A_103 : memref<128x128xf32, #tpu.memory_space<vmem>>) offsets(%dma_start3A_106 : memref<128xi32, #tpu.memory_space<vmem>>) semaphore(%arg13 : memref<!tpu.dma_semaphore, #tpu.memory_space<semaphore_mem>>)
          } else {
          }
          %run_scoped3A = arith.constant 0 : i32
          "tpu.region"() ({
            %run_scoped3A_97 = tpu.sem_alloc : memref<!tpu.dma_semaphore, #tpu.memory_space<semaphore_mem>>
            %dma_start3A_98 = arith.constant 0 : i32
            %dma_start3A_99 = arith.constant 0 : i32
            %dma_start3A_100 = tpu.memref_slice %arg12[%run_scoped3A, %dma_start3A_98, %dma_start3A_99] : memref<2x128x128xf32, #tpu.memory_space<vmem>> -> memref<1x128x128xf32, #tpu.memory_space<vmem>>
            %dma_start3A_101 = tpu.memref_squeeze %dma_start3A_100 : memref<1x128x128xf32, #tpu.memory_space<vmem>> -> memref<128x128xf32, #tpu.memory_space<vmem>>
            %dma_start3A_102 = arith.constant 0 : i32
            %dma_start3A_103 = tpu.memref_slice %arg11[%add3A_57, %dma_start3A_102] : memref<16x128xi32, #tpu.memory_space<vmem>> -> memref<1x128xi32, #tpu.memory_space<vmem>>
            %dma_start3A_104 = tpu.memref_squeeze %dma_start3A_103 : memref<1x128xi32, #tpu.memory_space<vmem>> -> memref<128xi32, #tpu.memory_space<vmem>>
            %dma_start3A_105 = arith.constant 0 : i32
            %dma_start3A_106 = arith.constant 0 : i32
            %dma_start3A_107 = tpu.memref_slice %arg9[%dma_start3A_105, %dma_start3A_106] : memref<10016x128xf32, #tpu.memory_space<vmem_shared>> -> memref<10016x128xf32, #tpu.memory_space<vmem_shared>>
            tpu.enqueue_indirect_dma source(%dma_start3A_101 : memref<128x128xf32, #tpu.memory_space<vmem>>) target(%dma_start3A_107 : memref<10016x128xf32, #tpu.memory_space<vmem_shared>>) offsets(%dma_start3A_104 : memref<128xi32, #tpu.memory_space<vmem>>) semaphore(%run_scoped3A_97 : memref<!tpu.dma_semaphore, #tpu.memory_space<semaphore_mem>>) {add = true}
            %dma_wait3A_108 = arith.constant 0 : i32
            %dma_wait3A_109 = arith.constant 0 : i32
            %dma_wait3A_110 = tpu.memref_slice %arg12[%run_scoped3A, %dma_wait3A_108, %dma_wait3A_109] : memref<2x128x128xf32, #tpu.memory_space<vmem>> -> memref<1x128x128xf32, #tpu.memory_space<vmem>>
            %dma_wait3A_111 = tpu.memref_squeeze %dma_wait3A_110 : memref<1x128x128xf32, #tpu.memory_space<vmem>> -> memref<128x128xf32, #tpu.memory_space<vmem>>
            %dma_wait3A_112 = arith.constant 0 : i32
            %dma_wait3A_113 = tpu.memref_slice %arg11[%add3A_57, %dma_wait3A_112] : memref<16x128xi32, #tpu.memory_space<vmem>> -> memref<1x128xi32, #tpu.memory_space<vmem>>
            %dma_wait3A_114 = tpu.memref_squeeze %dma_wait3A_113 : memref<1x128xi32, #tpu.memory_space<vmem>> -> memref<128xi32, #tpu.memory_space<vmem>>
            %dma_wait3A_115 = arith.constant 0 : i32
            %dma_wait3A_116 = arith.constant 0 : i32
            %dma_wait3A_117 = tpu.memref_slice %arg9[%dma_wait3A_115, %dma_wait3A_116] : memref<10016x128xf32, #tpu.memory_space<vmem_shared>> -> memref<10016x128xf32, #tpu.memory_space<vmem_shared>>
            tpu.wait_indirect_dma semaphore(%run_scoped3A_97 : memref<!tpu.dma_semaphore, #tpu.memory_space<semaphore_mem>>) src(%dma_wait3A_111 : memref<128x128xf32, #tpu.memory_space<vmem>>) dst(%dma_wait3A_117 : memref<10016x128xf32, #tpu.memory_space<vmem_shared>>)
            tpu.yield
          }) : () -> ()
          %mul3A_74 = arith.constant 2 : i32
          %mul3A_75 = arith.muli %mul3A_74, %scan3A_53 : i32
          %add3A_76 = arith.constant 1 : i32
          %add3A_77 = arith.addi %mul3A_75, %add3A_76 : i32
          %dma_wait3A_78 = arith.constant 1 : i32
          %dma_wait3A_79 = arith.constant 0 : i32
          %dma_wait3A_80 = arith.constant 0 : i32
          %dma_wait3A_81 = tpu.memref_slice %arg12[%dma_wait3A_78, %dma_wait3A_79, %dma_wait3A_80] : memref<2x128x128xf32, #tpu.memory_space<vmem>> -> memref<1x128x128xf32, #tpu.memory_space<vmem>>
          %dma_wait3A_82 = tpu.memref_squeeze %dma_wait3A_81 : memref<1x128x128xf32, #tpu.memory_space<vmem>> -> memref<128x128xf32, #tpu.memory_space<vmem>>
          %dma_wait3A_83 = arith.constant 0 : i32
          %dma_wait3A_84 = tpu.memref_slice %arg10[%add3A_77, %dma_wait3A_83] : memref<16x128xi32, #tpu.memory_space<vmem>> -> memref<1x128xi32, #tpu.memory_space<vmem>>
          %dma_wait3A_85 = tpu.memref_squeeze %dma_wait3A_84 : memref<1x128xi32, #tpu.memory_space<vmem>> -> memref<128xi32, #tpu.memory_space<vmem>>
          %dma_wait3A_86 = arith.constant 0 : i32
          %dma_wait3A_87 = arith.constant 0 : i32
          %dma_wait3A_88 = tpu.memref_slice %arg2[%dma_wait3A_86, %dma_wait3A_87] : memref<10000x128xf32, #tpu.memory_space<hbm>> -> memref<10000x128xf32, #tpu.memory_space<hbm>>
          tpu.wait_indirect_dma semaphore(%arg13 : memref<!tpu.dma_semaphore, #tpu.memory_space<semaphore_mem>>) src(%dma_wait3A_88 : memref<10000x128xf32, #tpu.memory_space<hbm>>) dst(%dma_wait3A_82 : memref<128x128xf32, #tpu.memory_space<vmem>>)
          %add3A_89 = arith.constant 1 : i32
          %add3A_90 = arith.addi %add3A_77, %add3A_89 : i32
          %lt3A_91 = arith.constant 16 : i32
          %lt3A_92 = arith.cmpi slt, %add3A_90, %lt3A_91 : i32
          %convert_element_type3A_93 = arith.extui %lt3A_92 : i1 to i32
          %cond3A_94 = arith.constant 0 : i32
          %cond3A_95 = arith.cmpi ne, %convert_element_type3A_93, %cond3A_94 : i32
          scf.if %cond3A_95 {
            %add3A_97 = arith.constant 1 : i32
            %add3A_98 = arith.addi %add3A_77, %add3A_97 : i32
            %dma_start3A_99 = arith.constant 0 : i32
            %dma_start3A_100 = arith.constant 0 : i32
            %dma_start3A_101 = arith.constant 0 : i32
            %dma_start3A_102 = tpu.memref_slice %arg12[%dma_start3A_99, %dma_start3A_100, %dma_start3A_101] : memref<2x128x128xf32, #tpu.memory_space<vmem>> -> memref<1x128x128xf32, #tpu.memory_space<vmem>>
            %dma_start3A_103 = tpu.memref_squeeze %dma_start3A_102 : memref<1x128x128xf32, #tpu.memory_space<vmem>> -> memref<128x128xf32, #tpu.memory_space<vmem>>
            %dma_start3A_104 = arith.constant 0 : i32
            %dma_start3A_105 = tpu.memref_slice %arg10[%add3A_98, %dma_start3A_104] : memref<16x128xi32, #tpu.memory_space<vmem>> -> memref<1x128xi32, #tpu.memory_space<vmem>>
            %dma_start3A_106 = tpu.memref_squeeze %dma_start3A_105 : memref<1x128xi32, #tpu.memory_space<vmem>> -> memref<128xi32, #tpu.memory_space<vmem>>
            %dma_start3A_107 = arith.constant 0 : i32
            %dma_start3A_108 = arith.constant 0 : i32
            %dma_start3A_109 = tpu.memref_slice %arg2[%dma_start3A_107, %dma_start3A_108] : memref<10000x128xf32, #tpu.memory_space<hbm>> -> memref<10000x128xf32, #tpu.memory_space<hbm>>
            tpu.enqueue_indirect_dma source(%dma_start3A_109 : memref<10000x128xf32, #tpu.memory_space<hbm>>) target(%dma_start3A_103 : memref<128x128xf32, #tpu.memory_space<vmem>>) offsets(%dma_start3A_106 : memref<128xi32, #tpu.memory_space<vmem>>) semaphore(%arg13 : memref<!tpu.dma_semaphore, #tpu.memory_space<semaphore_mem>>)
          } else {
          }
          %run_scoped3A_96 = arith.constant 1 : i32
          "tpu.region"() ({
            %run_scoped3A_97 = tpu.sem_alloc : memref<!tpu.dma_semaphore, #tpu.memory_space<semaphore_mem>>
            %dma_start3A_98 = arith.constant 0 : i32
            %dma_start3A_99 = arith.constant 0 : i32
            %dma_start3A_100 = tpu.memref_slice %arg12[%run_scoped3A_96, %dma_start3A_98, %dma_start3A_99] : memref<2x128x128xf32, #tpu.memory_space<vmem>> -> memref<1x128x128xf32, #tpu.memory_space<vmem>>
            %dma_start3A_101 = tpu.memref_squeeze %dma_start3A_100 : memref<1x128x128xf32, #tpu.memory_space<vmem>> -> memref<128x128xf32, #tpu.memory_space<vmem>>
            %dma_start3A_102 = arith.constant 0 : i32
            %dma_start3A_103 = tpu.memref_slice %arg11[%add3A_77, %dma_start3A_102] : memref<16x128xi32, #tpu.memory_space<vmem>> -> memref<1x128xi32, #tpu.memory_space<vmem>>
            %dma_start3A_104 = tpu.memref_squeeze %dma_start3A_103 : memref<1x128xi32, #tpu.memory_space<vmem>> -> memref<128xi32, #tpu.memory_space<vmem>>
            %dma_start3A_105 = arith.constant 0 : i32
            %dma_start3A_106 = arith.constant 0 : i32
            %dma_start3A_107 = tpu.memref_slice %arg9[%dma_start3A_105, %dma_start3A_106] : memref<10016x128xf32, #tpu.memory_space<vmem_shared>> -> memref<10016x128xf32, #tpu.memory_space<vmem_shared>>
            tpu.enqueue_indirect_dma source(%dma_start3A_101 : memref<128x128xf32, #tpu.memory_space<vmem>>) target(%dma_start3A_107 : memref<10016x128xf32, #tpu.memory_space<vmem_shared>>) offsets(%dma_start3A_104 : memref<128xi32, #tpu.memory_space<vmem>>) semaphore(%run_scoped3A_97 : memref<!tpu.dma_semaphore, #tpu.memory_space<semaphore_mem>>) {add = true}
            %dma_wait3A_108 = arith.constant 0 : i32
            %dma_wait3A_109 = arith.constant 0 : i32
            %dma_wait3A_110 = tpu.memref_slice %arg12[%run_scoped3A_96, %dma_wait3A_108, %dma_wait3A_109] : memref<2x128x128xf32, #tpu.memory_space<vmem>> -> memref<1x128x128xf32, #tpu.memory_space<vmem>>
            %dma_wait3A_111 = tpu.memref_squeeze %dma_wait3A_110 : memref<1x128x128xf32, #tpu.memory_space<vmem>> -> memref<128x128xf32, #tpu.memory_space<vmem>>
            %dma_wait3A_112 = arith.constant 0 : i32
            %dma_wait3A_113 = tpu.memref_slice %arg11[%add3A_77, %dma_wait3A_112] : memref<16x128xi32, #tpu.memory_space<vmem>> -> memref<1x128xi32, #tpu.memory_space<vmem>>
            %dma_wait3A_114 = tpu.memref_squeeze %dma_wait3A_113 : memref<1x128xi32, #tpu.memory_space<vmem>> -> memref<128xi32, #tpu.memory_space<vmem>>
            %dma_wait3A_115 = arith.constant 0 : i32
            %dma_wait3A_116 = arith.constant 0 : i32
            %dma_wait3A_117 = tpu.memref_slice %arg9[%dma_wait3A_115, %dma_wait3A_116] : memref<10016x128xf32, #tpu.memory_space<vmem_shared>> -> memref<10016x128xf32, #tpu.memory_space<vmem_shared>>
            tpu.wait_indirect_dma semaphore(%run_scoped3A_97 : memref<!tpu.dma_semaphore, #tpu.memory_space<semaphore_mem>>) src(%dma_wait3A_111 : memref<128x128xf32, #tpu.memory_space<vmem>>) dst(%dma_wait3A_117 : memref<10016x128xf32, #tpu.memory_space<vmem_shared>>)
            tpu.yield
          }) : () -> ()
        }
        %scan3A_52 = arith.constant 8 : i32
      }
      %scan3A_30 = arith.constant 5 : i32
    } else {
    }
    %eq3A_10 = arith.constant 1 : i32
    %eq3A_11 = arith.cmpi eq, %arg0, %eq3A_10 : i32
    %convert_element_type3A_12 = arith.extui %eq3A_11 : i1 to i32
    %cond3A_13 = arith.constant 0 : i32
    %cond3A_14 = arith.cmpi ne, %convert_element_type3A_12, %cond3A_13 : i32
    scf.if %cond3A_14 {
      %scan3A = arith.constant 0 : i32
      %scan3A_26 = arith.constant 0 : i32
      %scan3A_27 = arith.constant 5 : i32
      %scan3A_28 = arith.addi %scan3A_26, %scan3A_27 : i32
      %scan3A_29 = arith.constant 1 : i32
      scf.for %scan3A_31 = %scan3A_26 to %scan3A_28 step %scan3A_29  : i32 {
        %mul3A_32 = arith.constant 80 : i32
        %mul3A_33 = arith.muli %arg1, %mul3A_32 : i32
        %mul3A_34 = arith.constant 16 : i32
        %mul3A_35 = arith.muli %scan3A_31, %mul3A_34 : i32
        %add3A = arith.addi %mul3A_33, %mul3A_35 : i32
        "tpu.region"() ({
          %run_scoped3A = tpu.sem_alloc : memref<!tpu.dma_semaphore, #tpu.memory_space<semaphore_mem>>
          %dma_start3A_53 = arith.constant 0 : i32
          %dma_start3A_54 = tpu.memref_slice %arg4[%add3A, %dma_start3A_53] : memref<1280x128xi32, #tpu.memory_space<hbm>> -> memref<16x128xi32, #tpu.memory_space<hbm>>
          %dma_start3A_55 = arith.constant 0 : i32
          %dma_start3A_56 = tpu.memref_slice %arg4[%add3A, %dma_start3A_55] : memref<1280x128xi32, #tpu.memory_space<hbm>> -> memref<16x128xi32, #tpu.memory_space<hbm>>
          tpu.enqueue_dma source(%dma_start3A_56 : memref<16x128xi32, #tpu.memory_space<hbm>>) target(%arg10 : memref<16x128xi32, #tpu.memory_space<vmem>>) target_semaphore(%run_scoped3A : memref<!tpu.dma_semaphore, #tpu.memory_space<semaphore_mem>>)
          %dma_wait3A = arith.constant 0 : i32
          %dma_wait3A_57 = tpu.memref_slice %arg4[%add3A, %dma_wait3A] : memref<1280x128xi32, #tpu.memory_space<hbm>> -> memref<16x128xi32, #tpu.memory_space<hbm>>
          %dma_wait3A_58 = arith.constant 0 : i32
          %dma_wait3A_59 = tpu.memref_slice %arg4[%add3A, %dma_wait3A_58] : memref<1280x128xi32, #tpu.memory_space<hbm>> -> memref<16x128xi32, #tpu.memory_space<hbm>>
          tpu.wait_dma2 semaphore(%run_scoped3A : memref<!tpu.dma_semaphore, #tpu.memory_space<semaphore_mem>>) src(%dma_wait3A_59 : memref<16x128xi32, #tpu.memory_space<hbm>>) dst(%arg10 : memref<16x128xi32, #tpu.memory_space<vmem>>)
          tpu.yield
        }) : () -> ()
        "tpu.region"() ({
          %run_scoped3A = tpu.sem_alloc : memref<!tpu.dma_semaphore, #tpu.memory_space<semaphore_mem>>
          %dma_start3A_53 = arith.constant 0 : i32
          %dma_start3A_54 = tpu.memref_slice %arg5[%add3A, %dma_start3A_53] : memref<1280x128xi32, #tpu.memory_space<hbm>> -> memref<16x128xi32, #tpu.memory_space<hbm>>
          %dma_start3A_55 = arith.constant 0 : i32
          %dma_start3A_56 = tpu.memref_slice %arg5[%add3A, %dma_start3A_55] : memref<1280x128xi32, #tpu.memory_space<hbm>> -> memref<16x128xi32, #tpu.memory_space<hbm>>
          tpu.enqueue_dma source(%dma_start3A_56 : memref<16x128xi32, #tpu.memory_space<hbm>>) target(%arg11 : memref<16x128xi32, #tpu.memory_space<vmem>>) target_semaphore(%run_scoped3A : memref<!tpu.dma_semaphore, #tpu.memory_space<semaphore_mem>>)
          %dma_wait3A = arith.constant 0 : i32
          %dma_wait3A_57 = tpu.memref_slice %arg5[%add3A, %dma_wait3A] : memref<1280x128xi32, #tpu.memory_space<hbm>> -> memref<16x128xi32, #tpu.memory_space<hbm>>
          %dma_wait3A_58 = arith.constant 0 : i32
          %dma_wait3A_59 = tpu.memref_slice %arg5[%add3A, %dma_wait3A_58] : memref<1280x128xi32, #tpu.memory_space<hbm>> -> memref<16x128xi32, #tpu.memory_space<hbm>>
          tpu.wait_dma2 semaphore(%run_scoped3A : memref<!tpu.dma_semaphore, #tpu.memory_space<semaphore_mem>>) src(%dma_wait3A_59 : memref<16x128xi32, #tpu.memory_space<hbm>>) dst(%arg11 : memref<16x128xi32, #tpu.memory_space<vmem>>)
          tpu.yield
        }) : () -> ()
        %dma_start3A = arith.constant 0 : i32
        %dma_start3A_36 = arith.constant 0 : i32
        %dma_start3A_37 = arith.constant 0 : i32
        %dma_start3A_38 = arith.constant 0 : i32
        %dma_start3A_39 = tpu.memref_slice %arg12[%dma_start3A_36, %dma_start3A_37, %dma_start3A_38] : memref<2x128x128xf32, #tpu.memory_space<vmem>> -> memref<1x128x128xf32, #tpu.memory_space<vmem>>
        %dma_start3A_40 = tpu.memref_squeeze %dma_start3A_39 : memref<1x128x128xf32, #tpu.memory_space<vmem>> -> memref<128x128xf32, #tpu.memory_space<vmem>>
        %dma_start3A_41 = arith.constant 0 : i32
        %dma_start3A_42 = tpu.memref_slice %arg10[%dma_start3A, %dma_start3A_41] : memref<16x128xi32, #tpu.memory_space<vmem>> -> memref<1x128xi32, #tpu.memory_space<vmem>>
        %dma_start3A_43 = tpu.memref_squeeze %dma_start3A_42 : memref<1x128xi32, #tpu.memory_space<vmem>> -> memref<128xi32, #tpu.memory_space<vmem>>
        %dma_start3A_44 = arith.constant 0 : i32
        %dma_start3A_45 = arith.constant 0 : i32
        %dma_start3A_46 = tpu.memref_slice %arg3[%dma_start3A_44, %dma_start3A_45] : memref<10000x128xf32, #tpu.memory_space<hbm>> -> memref<10000x128xf32, #tpu.memory_space<hbm>>
        tpu.enqueue_indirect_dma source(%dma_start3A_46 : memref<10000x128xf32, #tpu.memory_space<hbm>>) target(%dma_start3A_40 : memref<128x128xf32, #tpu.memory_space<vmem>>) offsets(%dma_start3A_43 : memref<128xi32, #tpu.memory_space<vmem>>) semaphore(%arg13 : memref<!tpu.dma_semaphore, #tpu.memory_space<semaphore_mem>>)
        %scan3A_47 = arith.constant 0 : i32
        %scan3A_48 = arith.constant 0 : i32
        %scan3A_49 = arith.constant 8 : i32
        %scan3A_50 = arith.addi %scan3A_48, %scan3A_49 : i32
        %scan3A_51 = arith.constant 1 : i32
        scf.for %scan3A_53 = %scan3A_48 to %scan3A_50 step %scan3A_51  : i32 {
          %mul3A_54 = arith.constant 2 : i32
          %mul3A_55 = arith.muli %mul3A_54, %scan3A_53 : i32
          %add3A_56 = arith.constant 0 : i32
          %add3A_57 = arith.addi %mul3A_55, %add3A_56 : i32
          %dma_wait3A = arith.constant 0 : i32
          %dma_wait3A_58 = arith.constant 0 : i32
          %dma_wait3A_59 = arith.constant 0 : i32
          %dma_wait3A_60 = tpu.memref_slice %arg12[%dma_wait3A, %dma_wait3A_58, %dma_wait3A_59] : memref<2x128x128xf32, #tpu.memory_space<vmem>> -> memref<1x128x128xf32, #tpu.memory_space<vmem>>
          %dma_wait3A_61 = tpu.memref_squeeze %dma_wait3A_60 : memref<1x128x128xf32, #tpu.memory_space<vmem>> -> memref<128x128xf32, #tpu.memory_space<vmem>>
          %dma_wait3A_62 = arith.constant 0 : i32
          %dma_wait3A_63 = tpu.memref_slice %arg10[%add3A_57, %dma_wait3A_62] : memref<16x128xi32, #tpu.memory_space<vmem>> -> memref<1x128xi32, #tpu.memory_space<vmem>>
          %dma_wait3A_64 = tpu.memref_squeeze %dma_wait3A_63 : memref<1x128xi32, #tpu.memory_space<vmem>> -> memref<128xi32, #tpu.memory_space<vmem>>
          %dma_wait3A_65 = arith.constant 0 : i32
          %dma_wait3A_66 = arith.constant 0 : i32
          %dma_wait3A_67 = tpu.memref_slice %arg3[%dma_wait3A_65, %dma_wait3A_66] : memref<10000x128xf32, #tpu.memory_space<hbm>> -> memref<10000x128xf32, #tpu.memory_space<hbm>>
          tpu.wait_indirect_dma semaphore(%arg13 : memref<!tpu.dma_semaphore, #tpu.memory_space<semaphore_mem>>) src(%dma_wait3A_67 : memref<10000x128xf32, #tpu.memory_space<hbm>>) dst(%dma_wait3A_61 : memref<128x128xf32, #tpu.memory_space<vmem>>)
          %add3A_68 = arith.constant 1 : i32
          %add3A_69 = arith.addi %add3A_57, %add3A_68 : i32
          %lt3A = arith.constant 16 : i32
          %lt3A_70 = arith.cmpi slt, %add3A_69, %lt3A : i32
          %convert_element_type3A_71 = arith.extui %lt3A_70 : i1 to i32
          %cond3A_72 = arith.constant 0 : i32
          %cond3A_73 = arith.cmpi ne, %convert_element_type3A_71, %cond3A_72 : i32
          scf.if %cond3A_73 {
            %add3A_97 = arith.constant 1 : i32
            %add3A_98 = arith.addi %add3A_57, %add3A_97 : i32
            %dma_start3A_99 = arith.constant 1 : i32
            %dma_start3A_100 = arith.constant 0 : i32
            %dma_start3A_101 = arith.constant 0 : i32
            %dma_start3A_102 = tpu.memref_slice %arg12[%dma_start3A_99, %dma_start3A_100, %dma_start3A_101] : memref<2x128x128xf32, #tpu.memory_space<vmem>> -> memref<1x128x128xf32, #tpu.memory_space<vmem>>
            %dma_start3A_103 = tpu.memref_squeeze %dma_start3A_102 : memref<1x128x128xf32, #tpu.memory_space<vmem>> -> memref<128x128xf32, #tpu.memory_space<vmem>>
            %dma_start3A_104 = arith.constant 0 : i32
            %dma_start3A_105 = tpu.memref_slice %arg10[%add3A_98, %dma_start3A_104] : memref<16x128xi32, #tpu.memory_space<vmem>> -> memref<1x128xi32, #tpu.memory_space<vmem>>
            %dma_start3A_106 = tpu.memref_squeeze %dma_start3A_105 : memref<1x128xi32, #tpu.memory_space<vmem>> -> memref<128xi32, #tpu.memory_space<vmem>>
            %dma_start3A_107 = arith.constant 0 : i32
            %dma_start3A_108 = arith.constant 0 : i32
            %dma_start3A_109 = tpu.memref_slice %arg3[%dma_start3A_107, %dma_start3A_108] : memref<10000x128xf32, #tpu.memory_space<hbm>> -> memref<10000x128xf32, #tpu.memory_space<hbm>>
            tpu.enqueue_indirect_dma source(%dma_start3A_109 : memref<10000x128xf32, #tpu.memory_space<hbm>>) target(%dma_start3A_103 : memref<128x128xf32, #tpu.memory_space<vmem>>) offsets(%dma_start3A_106 : memref<128xi32, #tpu.memory_space<vmem>>) semaphore(%arg13 : memref<!tpu.dma_semaphore, #tpu.memory_space<semaphore_mem>>)
          } else {
          }
          %run_scoped3A = arith.constant 0 : i32
          "tpu.region"() ({
            %run_scoped3A_97 = tpu.sem_alloc : memref<!tpu.dma_semaphore, #tpu.memory_space<semaphore_mem>>
            %dma_start3A_98 = arith.constant 0 : i32
            %dma_start3A_99 = arith.constant 0 : i32
            %dma_start3A_100 = tpu.memref_slice %arg12[%run_scoped3A, %dma_start3A_98, %dma_start3A_99] : memref<2x128x128xf32, #tpu.memory_space<vmem>> -> memref<1x128x128xf32, #tpu.memory_space<vmem>>
            %dma_start3A_101 = tpu.memref_squeeze %dma_start3A_100 : memref<1x128x128xf32, #tpu.memory_space<vmem>> -> memref<128x128xf32, #tpu.memory_space<vmem>>
            %dma_start3A_102 = arith.constant 0 : i32
            %dma_start3A_103 = tpu.memref_slice %arg11[%add3A_57, %dma_start3A_102] : memref<16x128xi32, #tpu.memory_space<vmem>> -> memref<1x128xi32, #tpu.memory_space<vmem>>
            %dma_start3A_104 = tpu.memref_squeeze %dma_start3A_103 : memref<1x128xi32, #tpu.memory_space<vmem>> -> memref<128xi32, #tpu.memory_space<vmem>>
            %dma_start3A_105 = arith.constant 0 : i32
            %dma_start3A_106 = arith.constant 0 : i32
            %dma_start3A_107 = tpu.memref_slice %arg9[%dma_start3A_105, %dma_start3A_106] : memref<10016x128xf32, #tpu.memory_space<vmem_shared>> -> memref<10016x128xf32, #tpu.memory_space<vmem_shared>>
            tpu.enqueue_indirect_dma source(%dma_start3A_101 : memref<128x128xf32, #tpu.memory_space<vmem>>) target(%dma_start3A_107 : memref<10016x128xf32, #tpu.memory_space<vmem_shared>>) offsets(%dma_start3A_104 : memref<128xi32, #tpu.memory_space<vmem>>) semaphore(%run_scoped3A_97 : memref<!tpu.dma_semaphore, #tpu.memory_space<semaphore_mem>>) {add = true}
            %dma_wait3A_108 = arith.constant 0 : i32
            %dma_wait3A_109 = arith.constant 0 : i32
            %dma_wait3A_110 = tpu.memref_slice %arg12[%run_scoped3A, %dma_wait3A_108, %dma_wait3A_109] : memref<2x128x128xf32, #tpu.memory_space<vmem>> -> memref<1x128x128xf32, #tpu.memory_space<vmem>>
            %dma_wait3A_111 = tpu.memref_squeeze %dma_wait3A_110 : memref<1x128x128xf32, #tpu.memory_space<vmem>> -> memref<128x128xf32, #tpu.memory_space<vmem>>
            %dma_wait3A_112 = arith.constant 0 : i32
            %dma_wait3A_113 = tpu.memref_slice %arg11[%add3A_57, %dma_wait3A_112] : memref<16x128xi32, #tpu.memory_space<vmem>> -> memref<1x128xi32, #tpu.memory_space<vmem>>
            %dma_wait3A_114 = tpu.memref_squeeze %dma_wait3A_113 : memref<1x128xi32, #tpu.memory_space<vmem>> -> memref<128xi32, #tpu.memory_space<vmem>>
            %dma_wait3A_115 = arith.constant 0 : i32
            %dma_wait3A_116 = arith.constant 0 : i32
            %dma_wait3A_117 = tpu.memref_slice %arg9[%dma_wait3A_115, %dma_wait3A_116] : memref<10016x128xf32, #tpu.memory_space<vmem_shared>> -> memref<10016x128xf32, #tpu.memory_space<vmem_shared>>
            tpu.wait_indirect_dma semaphore(%run_scoped3A_97 : memref<!tpu.dma_semaphore, #tpu.memory_space<semaphore_mem>>) src(%dma_wait3A_111 : memref<128x128xf32, #tpu.memory_space<vmem>>) dst(%dma_wait3A_117 : memref<10016x128xf32, #tpu.memory_space<vmem_shared>>)
            tpu.yield
          }) : () -> ()
          %mul3A_74 = arith.constant 2 : i32
          %mul3A_75 = arith.muli %mul3A_74, %scan3A_53 : i32
          %add3A_76 = arith.constant 1 : i32
          %add3A_77 = arith.addi %mul3A_75, %add3A_76 : i32
          %dma_wait3A_78 = arith.constant 1 : i32
          %dma_wait3A_79 = arith.constant 0 : i32
          %dma_wait3A_80 = arith.constant 0 : i32
          %dma_wait3A_81 = tpu.memref_slice %arg12[%dma_wait3A_78, %dma_wait3A_79, %dma_wait3A_80] : memref<2x128x128xf32, #tpu.memory_space<vmem>> -> memref<1x128x128xf32, #tpu.memory_space<vmem>>
          %dma_wait3A_82 = tpu.memref_squeeze %dma_wait3A_81 : memref<1x128x128xf32, #tpu.memory_space<vmem>> -> memref<128x128xf32, #tpu.memory_space<vmem>>
          %dma_wait3A_83 = arith.constant 0 : i32
          %dma_wait3A_84 = tpu.memref_slice %arg10[%add3A_77, %dma_wait3A_83] : memref<16x128xi32, #tpu.memory_space<vmem>> -> memref<1x128xi32, #tpu.memory_space<vmem>>
          %dma_wait3A_85 = tpu.memref_squeeze %dma_wait3A_84 : memref<1x128xi32, #tpu.memory_space<vmem>> -> memref<128xi32, #tpu.memory_space<vmem>>
          %dma_wait3A_86 = arith.constant 0 : i32
          %dma_wait3A_87 = arith.constant 0 : i32
          %dma_wait3A_88 = tpu.memref_slice %arg3[%dma_wait3A_86, %dma_wait3A_87] : memref<10000x128xf32, #tpu.memory_space<hbm>> -> memref<10000x128xf32, #tpu.memory_space<hbm>>
          tpu.wait_indirect_dma semaphore(%arg13 : memref<!tpu.dma_semaphore, #tpu.memory_space<semaphore_mem>>) src(%dma_wait3A_88 : memref<10000x128xf32, #tpu.memory_space<hbm>>) dst(%dma_wait3A_82 : memref<128x128xf32, #tpu.memory_space<vmem>>)
          %add3A_89 = arith.constant 1 : i32
          %add3A_90 = arith.addi %add3A_77, %add3A_89 : i32
          %lt3A_91 = arith.constant 16 : i32
          %lt3A_92 = arith.cmpi slt, %add3A_90, %lt3A_91 : i32
          %convert_element_type3A_93 = arith.extui %lt3A_92 : i1 to i32
          %cond3A_94 = arith.constant 0 : i32
          %cond3A_95 = arith.cmpi ne, %convert_element_type3A_93, %cond3A_94 : i32
          scf.if %cond3A_95 {
            %add3A_97 = arith.constant 1 : i32
            %add3A_98 = arith.addi %add3A_77, %add3A_97 : i32
            %dma_start3A_99 = arith.constant 0 : i32
            %dma_start3A_100 = arith.constant 0 : i32
            %dma_start3A_101 = arith.constant 0 : i32
            %dma_start3A_102 = tpu.memref_slice %arg12[%dma_start3A_99, %dma_start3A_100, %dma_start3A_101] : memref<2x128x128xf32, #tpu.memory_space<vmem>> -> memref<1x128x128xf32, #tpu.memory_space<vmem>>
            %dma_start3A_103 = tpu.memref_squeeze %dma_start3A_102 : memref<1x128x128xf32, #tpu.memory_space<vmem>> -> memref<128x128xf32, #tpu.memory_space<vmem>>
            %dma_start3A_104 = arith.constant 0 : i32
            %dma_start3A_105 = tpu.memref_slice %arg10[%add3A_98, %dma_start3A_104] : memref<16x128xi32, #tpu.memory_space<vmem>> -> memref<1x128xi32, #tpu.memory_space<vmem>>
            %dma_start3A_106 = tpu.memref_squeeze %dma_start3A_105 : memref<1x128xi32, #tpu.memory_space<vmem>> -> memref<128xi32, #tpu.memory_space<vmem>>
            %dma_start3A_107 = arith.constant 0 : i32
            %dma_start3A_108 = arith.constant 0 : i32
            %dma_start3A_109 = tpu.memref_slice %arg3[%dma_start3A_107, %dma_start3A_108] : memref<10000x128xf32, #tpu.memory_space<hbm>> -> memref<10000x128xf32, #tpu.memory_space<hbm>>
            tpu.enqueue_indirect_dma source(%dma_start3A_109 : memref<10000x128xf32, #tpu.memory_space<hbm>>) target(%dma_start3A_103 : memref<128x128xf32, #tpu.memory_space<vmem>>) offsets(%dma_start3A_106 : memref<128xi32, #tpu.memory_space<vmem>>) semaphore(%arg13 : memref<!tpu.dma_semaphore, #tpu.memory_space<semaphore_mem>>)
          } else {
          }
          %run_scoped3A_96 = arith.constant 1 : i32
          "tpu.region"() ({
            %run_scoped3A_97 = tpu.sem_alloc : memref<!tpu.dma_semaphore, #tpu.memory_space<semaphore_mem>>
            %dma_start3A_98 = arith.constant 0 : i32
            %dma_start3A_99 = arith.constant 0 : i32
            %dma_start3A_100 = tpu.memref_slice %arg12[%run_scoped3A_96, %dma_start3A_98, %dma_start3A_99] : memref<2x128x128xf32, #tpu.memory_space<vmem>> -> memref<1x128x128xf32, #tpu.memory_space<vmem>>
            %dma_start3A_101 = tpu.memref_squeeze %dma_start3A_100 : memref<1x128x128xf32, #tpu.memory_space<vmem>> -> memref<128x128xf32, #tpu.memory_space<vmem>>
            %dma_start3A_102 = arith.constant 0 : i32
            %dma_start3A_103 = tpu.memref_slice %arg11[%add3A_77, %dma_start3A_102] : memref<16x128xi32, #tpu.memory_space<vmem>> -> memref<1x128xi32, #tpu.memory_space<vmem>>
            %dma_start3A_104 = tpu.memref_squeeze %dma_start3A_103 : memref<1x128xi32, #tpu.memory_space<vmem>> -> memref<128xi32, #tpu.memory_space<vmem>>
            %dma_start3A_105 = arith.constant 0 : i32
            %dma_start3A_106 = arith.constant 0 : i32
            %dma_start3A_107 = tpu.memref_slice %arg9[%dma_start3A_105, %dma_start3A_106] : memref<10016x128xf32, #tpu.memory_space<vmem_shared>> -> memref<10016x128xf32, #tpu.memory_space<vmem_shared>>
            tpu.enqueue_indirect_dma source(%dma_start3A_101 : memref<128x128xf32, #tpu.memory_space<vmem>>) target(%dma_start3A_107 : memref<10016x128xf32, #tpu.memory_space<vmem_shared>>) offsets(%dma_start3A_104 : memref<128xi32, #tpu.memory_space<vmem>>) semaphore(%run_scoped3A_97 : memref<!tpu.dma_semaphore, #tpu.memory_space<semaphore_mem>>) {add = true}
            %dma_wait3A_108 = arith.constant 0 : i32
            %dma_wait3A_109 = arith.constant 0 : i32
            %dma_wait3A_110 = tpu.memref_slice %arg12[%run_scoped3A_96, %dma_wait3A_108, %dma_wait3A_109] : memref<2x128x128xf32, #tpu.memory_space<vmem>> -> memref<1x128x128xf32, #tpu.memory_space<vmem>>
            %dma_wait3A_111 = tpu.memref_squeeze %dma_wait3A_110 : memref<1x128x128xf32, #tpu.memory_space<vmem>> -> memref<128x128xf32, #tpu.memory_space<vmem>>
            %dma_wait3A_112 = arith.constant 0 : i32
            %dma_wait3A_113 = tpu.memref_slice %arg11[%add3A_77, %dma_wait3A_112] : memref<16x128xi32, #tpu.memory_space<vmem>> -> memref<1x128xi32, #tpu.memory_space<vmem>>
            %dma_wait3A_114 = tpu.memref_squeeze %dma_wait3A_113 : memref<1x128xi32, #tpu.memory_space<vmem>> -> memref<128xi32, #tpu.memory_space<vmem>>
            %dma_wait3A_115 = arith.constant 0 : i32
            %dma_wait3A_116 = arith.constant 0 : i32
            %dma_wait3A_117 = tpu.memref_slice %arg9[%dma_wait3A_115, %dma_wait3A_116] : memref<10016x128xf32, #tpu.memory_space<vmem_shared>> -> memref<10016x128xf32, #tpu.memory_space<vmem_shared>>
            tpu.wait_indirect_dma semaphore(%run_scoped3A_97 : memref<!tpu.dma_semaphore, #tpu.memory_space<semaphore_mem>>) src(%dma_wait3A_111 : memref<128x128xf32, #tpu.memory_space<vmem>>) dst(%dma_wait3A_117 : memref<10016x128xf32, #tpu.memory_space<vmem_shared>>)
            tpu.yield
          }) : () -> ()
        }
        %scan3A_52 = arith.constant 8 : i32
      }
      %scan3A_30 = arith.constant 5 : i32
    } else {
    }
    %barrier3A_15 = arith.constant 0 : index
    tpu.barrier barrier_id(%barrier3A_15)
    %eq3A_16 = arith.constant 0 : i32
    %eq3A_17 = arith.cmpi eq, %arg0, %eq3A_16 : i32
    %convert_element_type3A_18 = arith.extui %eq3A_17 : i1 to i32
    %cond3A_19 = arith.constant 0 : i32
    %cond3A_20 = arith.cmpi ne, %convert_element_type3A_18, %cond3A_19 : i32
    scf.if %cond3A_20 {
      %mul3A_26 = arith.constant 624 : i32
      %mul3A_27 = arith.muli %arg1, %mul3A_26 : i32
      %mul3A_28 = arith.constant 624 : i32
      %mul3A_29 = arith.muli %arg1, %mul3A_28 : i32
      "tpu.region"() ({
        %run_scoped3A = tpu.sem_alloc : memref<!tpu.dma_semaphore, #tpu.memory_space<semaphore_mem>>
        %dma_start3A = arith.constant 0 : i32
        %dma_start3A_35 = tpu.memref_slice %arg7[%mul3A_29, %dma_start3A] : memref<10000x128xf32, #tpu.memory_space<hbm>> -> memref<624x128xf32, #tpu.memory_space<hbm>>
        %dma_start3A_36 = arith.constant 0 : i32
        %dma_start3A_37 = tpu.memref_slice %arg9[%mul3A_27, %dma_start3A_36] : memref<10016x128xf32, #tpu.memory_space<vmem_shared>> -> memref<624x128xf32, #tpu.memory_space<vmem_shared>>
        tpu.enqueue_dma source(%dma_start3A_37 : memref<624x128xf32, #tpu.memory_space<vmem_shared>>) target(%dma_start3A_35 : memref<624x128xf32, #tpu.memory_space<hbm>>) target_semaphore(%run_scoped3A : memref<!tpu.dma_semaphore, #tpu.memory_space<semaphore_mem>>)
        %dma_wait3A = arith.constant 0 : i32
        %dma_wait3A_38 = tpu.memref_slice %arg7[%mul3A_29, %dma_wait3A] : memref<10000x128xf32, #tpu.memory_space<hbm>> -> memref<624x128xf32, #tpu.memory_space<hbm>>
        %dma_wait3A_39 = arith.constant 0 : i32
        %dma_wait3A_40 = tpu.memref_slice %arg9[%mul3A_27, %dma_wait3A_39] : memref<10016x128xf32, #tpu.memory_space<vmem_shared>> -> memref<624x128xf32, #tpu.memory_space<vmem_shared>>
        tpu.wait_dma2 semaphore(%run_scoped3A : memref<!tpu.dma_semaphore, #tpu.memory_space<semaphore_mem>>) src(%dma_wait3A_40 : memref<624x128xf32, #tpu.memory_space<vmem_shared>>) dst(%dma_wait3A_38 : memref<624x128xf32, #tpu.memory_space<hbm>>)
        tpu.yield
      }) : () -> ()
      %eq3A_30 = arith.constant 15 : i32
      %eq3A_31 = arith.cmpi eq, %arg1, %eq3A_30 : i32
      %convert_element_type3A_32 = arith.extui %eq3A_31 : i1 to i32
      %cond3A_33 = arith.constant 0 : i32
      %cond3A_34 = arith.cmpi ne, %convert_element_type3A_32, %cond3A_33 : i32
      scf.if %cond3A_34 {
        "tpu.region"() ({
          %run_scoped3A = tpu.sem_alloc : memref<!tpu.dma_semaphore, #tpu.memory_space<semaphore_mem>>
          %dma_start3A = arith.constant 9984 : i32
          %dma_start3A_35 = arith.constant 0 : i32
          %dma_start3A_36 = tpu.memref_slice %arg7[%dma_start3A, %dma_start3A_35] : memref<10000x128xf32, #tpu.memory_space<hbm>> -> memref<16x128xf32, #tpu.memory_space<hbm>>
          %dma_start3A_37 = arith.constant 9984 : i32
          %dma_start3A_38 = arith.constant 0 : i32
          %dma_start3A_39 = tpu.memref_slice %arg9[%dma_start3A_37, %dma_start3A_38] : memref<10016x128xf32, #tpu.memory_space<vmem_shared>> -> memref<16x128xf32, #tpu.memory_space<vmem_shared>>
          tpu.enqueue_dma source(%dma_start3A_39 : memref<16x128xf32, #tpu.memory_space<vmem_shared>>) target(%dma_start3A_36 : memref<16x128xf32, #tpu.memory_space<hbm>>) target_semaphore(%run_scoped3A : memref<!tpu.dma_semaphore, #tpu.memory_space<semaphore_mem>>)
          %dma_wait3A = arith.constant 9984 : i32
          %dma_wait3A_40 = arith.constant 0 : i32
          %dma_wait3A_41 = tpu.memref_slice %arg7[%dma_wait3A, %dma_wait3A_40] : memref<10000x128xf32, #tpu.memory_space<hbm>> -> memref<16x128xf32, #tpu.memory_space<hbm>>
          %dma_wait3A_42 = arith.constant 9984 : i32
          %dma_wait3A_43 = arith.constant 0 : i32
          %dma_wait3A_44 = tpu.memref_slice %arg9[%dma_wait3A_42, %dma_wait3A_43] : memref<10016x128xf32, #tpu.memory_space<vmem_shared>> -> memref<16x128xf32, #tpu.memory_space<vmem_shared>>
          tpu.wait_dma2 semaphore(%run_scoped3A : memref<!tpu.dma_semaphore, #tpu.memory_space<semaphore_mem>>) src(%dma_wait3A_44 : memref<16x128xf32, #tpu.memory_space<vmem_shared>>) dst(%dma_wait3A_41 : memref<16x128xf32, #tpu.memory_space<hbm>>)
          tpu.yield
        }) : () -> ()
      } else {
      }
    } else {
    }
    %eq3A_21 = arith.constant 1 : i32
    %eq3A_22 = arith.cmpi eq, %arg0, %eq3A_21 : i32
    %convert_element_type3A_23 = arith.extui %eq3A_22 : i1 to i32
    %cond3A_24 = arith.constant 0 : i32
    %cond3A_25 = arith.cmpi ne, %convert_element_type3A_23, %cond3A_24 : i32
    scf.if %cond3A_25 {
      %mul3A_26 = arith.constant 624 : i32
      %mul3A_27 = arith.muli %arg1, %mul3A_26 : i32
      %mul3A_28 = arith.constant 624 : i32
      %mul3A_29 = arith.muli %arg1, %mul3A_28 : i32
      "tpu.region"() ({
        %run_scoped3A = tpu.sem_alloc : memref<!tpu.dma_semaphore, #tpu.memory_space<semaphore_mem>>
        %dma_start3A = arith.constant 0 : i32
        %dma_start3A_35 = tpu.memref_slice %arg8[%mul3A_29, %dma_start3A] : memref<10000x128xf32, #tpu.memory_space<hbm>> -> memref<624x128xf32, #tpu.memory_space<hbm>>
        %dma_start3A_36 = arith.constant 0 : i32
        %dma_start3A_37 = tpu.memref_slice %arg9[%mul3A_27, %dma_start3A_36] : memref<10016x128xf32, #tpu.memory_space<vmem_shared>> -> memref<624x128xf32, #tpu.memory_space<vmem_shared>>
        tpu.enqueue_dma source(%dma_start3A_37 : memref<624x128xf32, #tpu.memory_space<vmem_shared>>) target(%dma_start3A_35 : memref<624x128xf32, #tpu.memory_space<hbm>>) target_semaphore(%run_scoped3A : memref<!tpu.dma_semaphore, #tpu.memory_space<semaphore_mem>>)
        %dma_wait3A = arith.constant 0 : i32
        %dma_wait3A_38 = tpu.memref_slice %arg8[%mul3A_29, %dma_wait3A] : memref<10000x128xf32, #tpu.memory_space<hbm>> -> memref<624x128xf32, #tpu.memory_space<hbm>>
        %dma_wait3A_39 = arith.constant 0 : i32
        %dma_wait3A_40 = tpu.memref_slice %arg9[%mul3A_27, %dma_wait3A_39] : memref<10016x128xf32, #tpu.memory_space<vmem_shared>> -> memref<624x128xf32, #tpu.memory_space<vmem_shared>>
        tpu.wait_dma2 semaphore(%run_scoped3A : memref<!tpu.dma_semaphore, #tpu.memory_space<semaphore_mem>>) src(%dma_wait3A_40 : memref<624x128xf32, #tpu.memory_space<vmem_shared>>) dst(%dma_wait3A_38 : memref<624x128xf32, #tpu.memory_space<hbm>>)
        tpu.yield
      }) : () -> ()
      %eq3A_30 = arith.constant 15 : i32
      %eq3A_31 = arith.cmpi eq, %arg1, %eq3A_30 : i32
      %convert_element_type3A_32 = arith.extui %eq3A_31 : i1 to i32
      %cond3A_33 = arith.constant 0 : i32
      %cond3A_34 = arith.cmpi ne, %convert_element_type3A_32, %cond3A_33 : i32
      scf.if %cond3A_34 {
        "tpu.region"() ({
          %run_scoped3A = tpu.sem_alloc : memref<!tpu.dma_semaphore, #tpu.memory_space<semaphore_mem>>
          %dma_start3A = arith.constant 9984 : i32
          %dma_start3A_35 = arith.constant 0 : i32
          %dma_start3A_36 = tpu.memref_slice %arg8[%dma_start3A, %dma_start3A_35] : memref<10000x128xf32, #tpu.memory_space<hbm>> -> memref<16x128xf32, #tpu.memory_space<hbm>>
          %dma_start3A_37 = arith.constant 9984 : i32
          %dma_start3A_38 = arith.constant 0 : i32
          %dma_start3A_39 = tpu.memref_slice %arg9[%dma_start3A_37, %dma_start3A_38] : memref<10016x128xf32, #tpu.memory_space<vmem_shared>> -> memref<16x128xf32, #tpu.memory_space<vmem_shared>>
          tpu.enqueue_dma source(%dma_start3A_39 : memref<16x128xf32, #tpu.memory_space<vmem_shared>>) target(%dma_start3A_36 : memref<16x128xf32, #tpu.memory_space<hbm>>) target_semaphore(%run_scoped3A : memref<!tpu.dma_semaphore, #tpu.memory_space<semaphore_mem>>)
          %dma_wait3A = arith.constant 9984 : i32
          %dma_wait3A_40 = arith.constant 0 : i32
          %dma_wait3A_41 = tpu.memref_slice %arg8[%dma_wait3A, %dma_wait3A_40] : memref<10000x128xf32, #tpu.memory_space<hbm>> -> memref<16x128xf32, #tpu.memory_space<hbm>>
          %dma_wait3A_42 = arith.constant 9984 : i32
          %dma_wait3A_43 = arith.constant 0 : i32
          %dma_wait3A_44 = tpu.memref_slice %arg9[%dma_wait3A_42, %dma_wait3A_43] : memref<10016x128xf32, #tpu.memory_space<vmem_shared>> -> memref<16x128xf32, #tpu.memory_space<vmem_shared>>
          tpu.wait_dma2 semaphore(%run_scoped3A : memref<!tpu.dma_semaphore, #tpu.memory_space<semaphore_mem>>) src(%dma_wait3A_44 : memref<16x128xf32, #tpu.memory_space<vmem_shared>>) dst(%dma_wait3A_41 : memref<16x128xf32, #tpu.memory_space<hbm>>)
          tpu.yield
        }) : () -> ()
      } else {
      }
    } else {
    }
    return
  }
}

#map = affine_map<(d0, d1) -> (0, 0)>
module attributes {stable_mosaic.version = 14 : i64} {
  func.func @_esum_kernel(%arg0: i32, %arg1: i32, %arg2: memref<163840x128xf32, #tpu.memory_space<hbm>>, %arg3: memref<1280x128xi32, #tpu.memory_space<hbm>>, %arg4: memref<10000x128xf32, #tpu.memory_space<hbm>>, %arg5: memref<10000x128xf32, #tpu.memory_space<hbm>>, %arg6: memref<10000x128xf32, #tpu.memory_space<hbm>>, %arg7: memref<10016x128xf32, #tpu.memory_space<vmem_shared>>, %arg8: memref<40x128xi32, #tpu.memory_space<vmem>>, %arg9: memref<2x128x128xf32, #tpu.memory_space<vmem>>, %arg10: memref<!tpu.dma_semaphore, #tpu.memory_space<semaphore_mem>>) attributes {dimension_semantics = [#tpu.dimension_semantics<core_parallel>, #tpu.dimension_semantics<subcore_parallel>], iteration_bounds = array<i64: 2, 16>, scalar_prefetch = 0 : i64, scratch_operands = 4 : i64, tpu.core_type = #tpu.core_type<sc_vector_subcore>, window_params = [{transform_indices = #map}, {transform_indices = #map}, {transform_indices = #map}, {transform_indices = #map}, {transform_indices = #map}]} {
    %mul3A = arith.constant 624 : i32
    %mul3A_0 = arith.muli %arg1, %mul3A : i32
    %mul3A_1 = arith.constant 624 : i32
    %mul3A_2 = arith.muli %arg1, %mul3A_1 : i32
    "tpu.region"() ({
      %run_scoped3A = tpu.sem_alloc : memref<!tpu.dma_semaphore, #tpu.memory_space<semaphore_mem>>
      %dma_start3A_39 = arith.constant 0 : i32
      %dma_start3A_40 = tpu.memref_slice %arg7[%mul3A_2, %dma_start3A_39] : memref<10016x128xf32, #tpu.memory_space<vmem_shared>> -> memref<624x128xf32, #tpu.memory_space<vmem_shared>>
      %dma_start3A_41 = arith.constant 0 : i32
      %dma_start3A_42 = tpu.memref_slice %arg4[%mul3A_0, %dma_start3A_41] : memref<10000x128xf32, #tpu.memory_space<hbm>> -> memref<624x128xf32, #tpu.memory_space<hbm>>
      tpu.enqueue_dma source(%dma_start3A_42 : memref<624x128xf32, #tpu.memory_space<hbm>>) target(%dma_start3A_40 : memref<624x128xf32, #tpu.memory_space<vmem_shared>>) target_semaphore(%run_scoped3A : memref<!tpu.dma_semaphore, #tpu.memory_space<semaphore_mem>>)
      %dma_wait3A = arith.constant 0 : i32
      %dma_wait3A_43 = tpu.memref_slice %arg7[%mul3A_2, %dma_wait3A] : memref<10016x128xf32, #tpu.memory_space<vmem_shared>> -> memref<624x128xf32, #tpu.memory_space<vmem_shared>>
      %dma_wait3A_44 = arith.constant 0 : i32
      %dma_wait3A_45 = tpu.memref_slice %arg4[%mul3A_0, %dma_wait3A_44] : memref<10000x128xf32, #tpu.memory_space<hbm>> -> memref<624x128xf32, #tpu.memory_space<hbm>>
      tpu.wait_dma2 semaphore(%run_scoped3A : memref<!tpu.dma_semaphore, #tpu.memory_space<semaphore_mem>>) src(%dma_wait3A_45 : memref<624x128xf32, #tpu.memory_space<hbm>>) dst(%dma_wait3A_43 : memref<624x128xf32, #tpu.memory_space<vmem_shared>>)
      tpu.yield
    }) : () -> ()
    %eq3A = arith.constant 15 : i32
    %eq3A_3 = arith.cmpi eq, %arg1, %eq3A : i32
    %convert_element_type3A = arith.extui %eq3A_3 : i1 to i32
    %cond3A = arith.constant 0 : i32
    %cond3A_4 = arith.cmpi ne, %convert_element_type3A, %cond3A : i32
    scf.if %cond3A_4 {
      "tpu.region"() ({
        %run_scoped3A = tpu.sem_alloc : memref<!tpu.dma_semaphore, #tpu.memory_space<semaphore_mem>>
        %dma_start3A_39 = arith.constant 9984 : i32
        %dma_start3A_40 = arith.constant 0 : i32
        %dma_start3A_41 = tpu.memref_slice %arg7[%dma_start3A_39, %dma_start3A_40] : memref<10016x128xf32, #tpu.memory_space<vmem_shared>> -> memref<16x128xf32, #tpu.memory_space<vmem_shared>>
        %dma_start3A_42 = arith.constant 9984 : i32
        %dma_start3A_43 = arith.constant 0 : i32
        %dma_start3A_44 = tpu.memref_slice %arg4[%dma_start3A_42, %dma_start3A_43] : memref<10000x128xf32, #tpu.memory_space<hbm>> -> memref<16x128xf32, #tpu.memory_space<hbm>>
        tpu.enqueue_dma source(%dma_start3A_44 : memref<16x128xf32, #tpu.memory_space<hbm>>) target(%dma_start3A_41 : memref<16x128xf32, #tpu.memory_space<vmem_shared>>) target_semaphore(%run_scoped3A : memref<!tpu.dma_semaphore, #tpu.memory_space<semaphore_mem>>)
        %dma_wait3A = arith.constant 9984 : i32
        %dma_wait3A_45 = arith.constant 0 : i32
        %dma_wait3A_46 = tpu.memref_slice %arg7[%dma_wait3A, %dma_wait3A_45] : memref<10016x128xf32, #tpu.memory_space<vmem_shared>> -> memref<16x128xf32, #tpu.memory_space<vmem_shared>>
        %dma_wait3A_47 = arith.constant 9984 : i32
        %dma_wait3A_48 = arith.constant 0 : i32
        %dma_wait3A_49 = tpu.memref_slice %arg4[%dma_wait3A_47, %dma_wait3A_48] : memref<10000x128xf32, #tpu.memory_space<hbm>> -> memref<16x128xf32, #tpu.memory_space<hbm>>
        tpu.wait_dma2 semaphore(%run_scoped3A : memref<!tpu.dma_semaphore, #tpu.memory_space<semaphore_mem>>) src(%dma_wait3A_49 : memref<16x128xf32, #tpu.memory_space<hbm>>) dst(%dma_wait3A_46 : memref<16x128xf32, #tpu.memory_space<vmem_shared>>)
        tpu.yield
      }) : () -> ()
    } else {
    }
    %mul3A_5 = arith.constant 640 : i32
    %mul3A_6 = arith.muli %arg0, %mul3A_5 : i32
    %mul3A_7 = arith.constant 40 : i32
    %mul3A_8 = arith.muli %arg1, %mul3A_7 : i32
    %add3A = arith.addi %mul3A_6, %mul3A_8 : i32
    "tpu.region"() ({
      %run_scoped3A = tpu.sem_alloc : memref<!tpu.dma_semaphore, #tpu.memory_space<semaphore_mem>>
      %dma_start3A_39 = arith.constant 0 : i32
      %dma_start3A_40 = tpu.memref_slice %arg3[%add3A, %dma_start3A_39] : memref<1280x128xi32, #tpu.memory_space<hbm>> -> memref<40x128xi32, #tpu.memory_space<hbm>>
      %dma_start3A_41 = arith.constant 0 : i32
      %dma_start3A_42 = tpu.memref_slice %arg3[%add3A, %dma_start3A_41] : memref<1280x128xi32, #tpu.memory_space<hbm>> -> memref<40x128xi32, #tpu.memory_space<hbm>>
      tpu.enqueue_dma source(%dma_start3A_42 : memref<40x128xi32, #tpu.memory_space<hbm>>) target(%arg8 : memref<40x128xi32, #tpu.memory_space<vmem>>) target_semaphore(%run_scoped3A : memref<!tpu.dma_semaphore, #tpu.memory_space<semaphore_mem>>)
      %dma_wait3A = arith.constant 0 : i32
      %dma_wait3A_43 = tpu.memref_slice %arg3[%add3A, %dma_wait3A] : memref<1280x128xi32, #tpu.memory_space<hbm>> -> memref<40x128xi32, #tpu.memory_space<hbm>>
      %dma_wait3A_44 = arith.constant 0 : i32
      %dma_wait3A_45 = tpu.memref_slice %arg3[%add3A, %dma_wait3A_44] : memref<1280x128xi32, #tpu.memory_space<hbm>> -> memref<40x128xi32, #tpu.memory_space<hbm>>
      tpu.wait_dma2 semaphore(%run_scoped3A : memref<!tpu.dma_semaphore, #tpu.memory_space<semaphore_mem>>) src(%dma_wait3A_45 : memref<40x128xi32, #tpu.memory_space<hbm>>) dst(%arg8 : memref<40x128xi32, #tpu.memory_space<vmem>>)
      tpu.yield
    }) : () -> ()
    %barrier3A = arith.constant 0 : index
    tpu.barrier barrier_id(%barrier3A)
    %mul3A_9 = arith.constant 128 : i32
    %mul3A_10 = arith.muli %add3A, %mul3A_9 : i32
    %dma_start3A = arith.constant 0 : i32
    %dma_start3A_11 = arith.constant 0 : i32
    %dma_start3A_12 = arith.constant 0 : i32
    %dma_start3A_13 = tpu.memref_slice %arg9[%dma_start3A, %dma_start3A_11, %dma_start3A_12] : memref<2x128x128xf32, #tpu.memory_space<vmem>> -> memref<1x128x128xf32, #tpu.memory_space<vmem>>
    %dma_start3A_14 = tpu.memref_squeeze %dma_start3A_13 : memref<1x128x128xf32, #tpu.memory_space<vmem>> -> memref<128x128xf32, #tpu.memory_space<vmem>>
    %dma_start3A_15 = arith.constant 0 : i32
    %dma_start3A_16 = tpu.memref_slice %arg2[%mul3A_10, %dma_start3A_15] : memref<163840x128xf32, #tpu.memory_space<hbm>> -> memref<128x128xf32, #tpu.memory_space<hbm>>
    %dma_start3A_17 = arith.constant 0 : i32
    %dma_start3A_18 = arith.constant 0 : i32
    %dma_start3A_19 = tpu.memref_slice %arg9[%dma_start3A, %dma_start3A_17, %dma_start3A_18] : memref<2x128x128xf32, #tpu.memory_space<vmem>> -> memref<1x128x128xf32, #tpu.memory_space<vmem>>
    %dma_start3A_20 = tpu.memref_squeeze %dma_start3A_19 : memref<1x128x128xf32, #tpu.memory_space<vmem>> -> memref<128x128xf32, #tpu.memory_space<vmem>>
    %dma_start3A_21 = arith.constant 0 : i32
    %dma_start3A_22 = tpu.memref_slice %arg2[%mul3A_10, %dma_start3A_21] : memref<163840x128xf32, #tpu.memory_space<hbm>> -> memref<128x128xf32, #tpu.memory_space<hbm>>
    tpu.enqueue_dma source(%dma_start3A_22 : memref<128x128xf32, #tpu.memory_space<hbm>>) target(%dma_start3A_20 : memref<128x128xf32, #tpu.memory_space<vmem>>) target_semaphore(%arg10 : memref<!tpu.dma_semaphore, #tpu.memory_space<semaphore_mem>>)
    %scan3A = arith.constant 0 : i32
    %scan3A_23 = arith.constant 0 : i32
    %scan3A_24 = arith.constant 20 : i32
    %scan3A_25 = arith.addi %scan3A_23, %scan3A_24 : i32
    %scan3A_26 = arith.constant 1 : i32
    scf.for %scan3A_39 = %scan3A_23 to %scan3A_25 step %scan3A_26  : i32 {
      %mul3A_40 = arith.constant 2 : i32
      %mul3A_41 = arith.muli %mul3A_40, %scan3A_39 : i32
      %add3A_42 = arith.constant 0 : i32
      %add3A_43 = arith.addi %mul3A_41, %add3A_42 : i32
      %add3A_44 = arith.addi %add3A, %add3A_43 : i32
      %mul3A_45 = arith.constant 128 : i32
      %mul3A_46 = arith.muli %add3A_44, %mul3A_45 : i32
      %dma_wait3A = arith.constant 0 : i32
      %dma_wait3A_47 = arith.constant 0 : i32
      %dma_wait3A_48 = arith.constant 0 : i32
      %dma_wait3A_49 = tpu.memref_slice %arg9[%dma_wait3A, %dma_wait3A_47, %dma_wait3A_48] : memref<2x128x128xf32, #tpu.memory_space<vmem>> -> memref<1x128x128xf32, #tpu.memory_space<vmem>>
      %dma_wait3A_50 = tpu.memref_squeeze %dma_wait3A_49 : memref<1x128x128xf32, #tpu.memory_space<vmem>> -> memref<128x128xf32, #tpu.memory_space<vmem>>
      %dma_wait3A_51 = arith.constant 0 : i32
      %dma_wait3A_52 = tpu.memref_slice %arg2[%mul3A_46, %dma_wait3A_51] : memref<163840x128xf32, #tpu.memory_space<hbm>> -> memref<128x128xf32, #tpu.memory_space<hbm>>
      %dma_wait3A_53 = arith.constant 0 : i32
      %dma_wait3A_54 = arith.constant 0 : i32
      %dma_wait3A_55 = tpu.memref_slice %arg9[%dma_wait3A, %dma_wait3A_53, %dma_wait3A_54] : memref<2x128x128xf32, #tpu.memory_space<vmem>> -> memref<1x128x128xf32, #tpu.memory_space<vmem>>
      %dma_wait3A_56 = tpu.memref_squeeze %dma_wait3A_55 : memref<1x128x128xf32, #tpu.memory_space<vmem>> -> memref<128x128xf32, #tpu.memory_space<vmem>>
      %dma_wait3A_57 = arith.constant 0 : i32
      %dma_wait3A_58 = tpu.memref_slice %arg2[%mul3A_46, %dma_wait3A_57] : memref<163840x128xf32, #tpu.memory_space<hbm>> -> memref<128x128xf32, #tpu.memory_space<hbm>>
      tpu.wait_dma2 semaphore(%arg10 : memref<!tpu.dma_semaphore, #tpu.memory_space<semaphore_mem>>) src(%dma_wait3A_58 : memref<128x128xf32, #tpu.memory_space<hbm>>) dst(%dma_wait3A_56 : memref<128x128xf32, #tpu.memory_space<vmem>>)
      %add3A_59 = arith.constant 1 : i32
      %add3A_60 = arith.addi %add3A_43, %add3A_59 : i32
      %lt3A = arith.constant 40 : i32
      %lt3A_61 = arith.cmpi slt, %add3A_60, %lt3A : i32
      %convert_element_type3A_62 = arith.extui %lt3A_61 : i1 to i32
      %cond3A_63 = arith.constant 0 : i32
      %cond3A_64 = arith.cmpi ne, %convert_element_type3A_62, %cond3A_63 : i32
      scf.if %cond3A_64 {
        %add3A_93 = arith.addi %add3A, %add3A_43 : i32
        %add3A_94 = arith.constant 1 : i32
        %add3A_95 = arith.addi %add3A_93, %add3A_94 : i32
        %mul3A_96 = arith.constant 128 : i32
        %mul3A_97 = arith.muli %add3A_95, %mul3A_96 : i32
        %dma_start3A_98 = arith.constant 1 : i32
        %dma_start3A_99 = arith.constant 0 : i32
        %dma_start3A_100 = arith.constant 0 : i32
        %dma_start3A_101 = tpu.memref_slice %arg9[%dma_start3A_98, %dma_start3A_99, %dma_start3A_100] : memref<2x128x128xf32, #tpu.memory_space<vmem>> -> memref<1x128x128xf32, #tpu.memory_space<vmem>>
        %dma_start3A_102 = tpu.memref_squeeze %dma_start3A_101 : memref<1x128x128xf32, #tpu.memory_space<vmem>> -> memref<128x128xf32, #tpu.memory_space<vmem>>
        %dma_start3A_103 = arith.constant 0 : i32
        %dma_start3A_104 = tpu.memref_slice %arg2[%mul3A_97, %dma_start3A_103] : memref<163840x128xf32, #tpu.memory_space<hbm>> -> memref<128x128xf32, #tpu.memory_space<hbm>>
        %dma_start3A_105 = arith.constant 0 : i32
        %dma_start3A_106 = arith.constant 0 : i32
        %dma_start3A_107 = tpu.memref_slice %arg9[%dma_start3A_98, %dma_start3A_105, %dma_start3A_106] : memref<2x128x128xf32, #tpu.memory_space<vmem>> -> memref<1x128x128xf32, #tpu.memory_space<vmem>>
        %dma_start3A_108 = tpu.memref_squeeze %dma_start3A_107 : memref<1x128x128xf32, #tpu.memory_space<vmem>> -> memref<128x128xf32, #tpu.memory_space<vmem>>
        %dma_start3A_109 = arith.constant 0 : i32
        %dma_start3A_110 = tpu.memref_slice %arg2[%mul3A_97, %dma_start3A_109] : memref<163840x128xf32, #tpu.memory_space<hbm>> -> memref<128x128xf32, #tpu.memory_space<hbm>>
        tpu.enqueue_dma source(%dma_start3A_110 : memref<128x128xf32, #tpu.memory_space<hbm>>) target(%dma_start3A_108 : memref<128x128xf32, #tpu.memory_space<vmem>>) target_semaphore(%arg10 : memref<!tpu.dma_semaphore, #tpu.memory_space<semaphore_mem>>)
      } else {
      }
      %run_scoped3A = arith.constant 0 : i32
      "tpu.region"() ({
        %run_scoped3A_93 = tpu.sem_alloc : memref<!tpu.dma_semaphore, #tpu.memory_space<semaphore_mem>>
        %dma_start3A_94 = arith.constant 0 : i32
        %dma_start3A_95 = arith.constant 0 : i32
        %dma_start3A_96 = tpu.memref_slice %arg9[%run_scoped3A, %dma_start3A_94, %dma_start3A_95] : memref<2x128x128xf32, #tpu.memory_space<vmem>> -> memref<1x128x128xf32, #tpu.memory_space<vmem>>
        %dma_start3A_97 = tpu.memref_squeeze %dma_start3A_96 : memref<1x128x128xf32, #tpu.memory_space<vmem>> -> memref<128x128xf32, #tpu.memory_space<vmem>>
        %dma_start3A_98 = arith.constant 0 : i32
        %dma_start3A_99 = tpu.memref_slice %arg8[%add3A_43, %dma_start3A_98] : memref<40x128xi32, #tpu.memory_space<vmem>> -> memref<1x128xi32, #tpu.memory_space<vmem>>
        %dma_start3A_100 = tpu.memref_squeeze %dma_start3A_99 : memref<1x128xi32, #tpu.memory_space<vmem>> -> memref<128xi32, #tpu.memory_space<vmem>>
        %dma_start3A_101 = arith.constant 0 : i32
        %dma_start3A_102 = arith.constant 0 : i32
        %dma_start3A_103 = tpu.memref_slice %arg7[%dma_start3A_101, %dma_start3A_102] : memref<10016x128xf32, #tpu.memory_space<vmem_shared>> -> memref<10016x128xf32, #tpu.memory_space<vmem_shared>>
        tpu.enqueue_indirect_dma source(%dma_start3A_97 : memref<128x128xf32, #tpu.memory_space<vmem>>) target(%dma_start3A_103 : memref<10016x128xf32, #tpu.memory_space<vmem_shared>>) offsets(%dma_start3A_100 : memref<128xi32, #tpu.memory_space<vmem>>) semaphore(%run_scoped3A_93 : memref<!tpu.dma_semaphore, #tpu.memory_space<semaphore_mem>>) {add = true}
        %dma_wait3A_104 = arith.constant 0 : i32
        %dma_wait3A_105 = arith.constant 0 : i32
        %dma_wait3A_106 = tpu.memref_slice %arg9[%run_scoped3A, %dma_wait3A_104, %dma_wait3A_105] : memref<2x128x128xf32, #tpu.memory_space<vmem>> -> memref<1x128x128xf32, #tpu.memory_space<vmem>>
        %dma_wait3A_107 = tpu.memref_squeeze %dma_wait3A_106 : memref<1x128x128xf32, #tpu.memory_space<vmem>> -> memref<128x128xf32, #tpu.memory_space<vmem>>
        %dma_wait3A_108 = arith.constant 0 : i32
        %dma_wait3A_109 = tpu.memref_slice %arg8[%add3A_43, %dma_wait3A_108] : memref<40x128xi32, #tpu.memory_space<vmem>> -> memref<1x128xi32, #tpu.memory_space<vmem>>
        %dma_wait3A_110 = tpu.memref_squeeze %dma_wait3A_109 : memref<1x128xi32, #tpu.memory_space<vmem>> -> memref<128xi32, #tpu.memory_space<vmem>>
        %dma_wait3A_111 = arith.constant 0 : i32
        %dma_wait3A_112 = arith.constant 0 : i32
        %dma_wait3A_113 = tpu.memref_slice %arg7[%dma_wait3A_111, %dma_wait3A_112] : memref<10016x128xf32, #tpu.memory_space<vmem_shared>> -> memref<10016x128xf32, #tpu.memory_space<vmem_shared>>
        tpu.wait_indirect_dma semaphore(%run_scoped3A_93 : memref<!tpu.dma_semaphore, #tpu.memory_space<semaphore_mem>>) src(%dma_wait3A_107 : memref<128x128xf32, #tpu.memory_space<vmem>>) dst(%dma_wait3A_113 : memref<10016x128xf32, #tpu.memory_space<vmem_shared>>)
        tpu.yield
      }) : () -> ()
      %mul3A_65 = arith.constant 2 : i32
      %mul3A_66 = arith.muli %mul3A_65, %scan3A_39 : i32
      %add3A_67 = arith.constant 1 : i32
      %add3A_68 = arith.addi %mul3A_66, %add3A_67 : i32
      %add3A_69 = arith.addi %add3A, %add3A_68 : i32
      %mul3A_70 = arith.constant 128 : i32
      %mul3A_71 = arith.muli %add3A_69, %mul3A_70 : i32
      %dma_wait3A_72 = arith.constant 1 : i32
      %dma_wait3A_73 = arith.constant 0 : i32
      %dma_wait3A_74 = arith.constant 0 : i32
      %dma_wait3A_75 = tpu.memref_slice %arg9[%dma_wait3A_72, %dma_wait3A_73, %dma_wait3A_74] : memref<2x128x128xf32, #tpu.memory_space<vmem>> -> memref<1x128x128xf32, #tpu.memory_space<vmem>>
      %dma_wait3A_76 = tpu.memref_squeeze %dma_wait3A_75 : memref<1x128x128xf32, #tpu.memory_space<vmem>> -> memref<128x128xf32, #tpu.memory_space<vmem>>
      %dma_wait3A_77 = arith.constant 0 : i32
      %dma_wait3A_78 = tpu.memref_slice %arg2[%mul3A_71, %dma_wait3A_77] : memref<163840x128xf32, #tpu.memory_space<hbm>> -> memref<128x128xf32, #tpu.memory_space<hbm>>
      %dma_wait3A_79 = arith.constant 0 : i32
      %dma_wait3A_80 = arith.constant 0 : i32
      %dma_wait3A_81 = tpu.memref_slice %arg9[%dma_wait3A_72, %dma_wait3A_79, %dma_wait3A_80] : memref<2x128x128xf32, #tpu.memory_space<vmem>> -> memref<1x128x128xf32, #tpu.memory_space<vmem>>
      %dma_wait3A_82 = tpu.memref_squeeze %dma_wait3A_81 : memref<1x128x128xf32, #tpu.memory_space<vmem>> -> memref<128x128xf32, #tpu.memory_space<vmem>>
      %dma_wait3A_83 = arith.constant 0 : i32
      %dma_wait3A_84 = tpu.memref_slice %arg2[%mul3A_71, %dma_wait3A_83] : memref<163840x128xf32, #tpu.memory_space<hbm>> -> memref<128x128xf32, #tpu.memory_space<hbm>>
      tpu.wait_dma2 semaphore(%arg10 : memref<!tpu.dma_semaphore, #tpu.memory_space<semaphore_mem>>) src(%dma_wait3A_84 : memref<128x128xf32, #tpu.memory_space<hbm>>) dst(%dma_wait3A_82 : memref<128x128xf32, #tpu.memory_space<vmem>>)
      %add3A_85 = arith.constant 1 : i32
      %add3A_86 = arith.addi %add3A_68, %add3A_85 : i32
      %lt3A_87 = arith.constant 40 : i32
      %lt3A_88 = arith.cmpi slt, %add3A_86, %lt3A_87 : i32
      %convert_element_type3A_89 = arith.extui %lt3A_88 : i1 to i32
      %cond3A_90 = arith.constant 0 : i32
      %cond3A_91 = arith.cmpi ne, %convert_element_type3A_89, %cond3A_90 : i32
      scf.if %cond3A_91 {
        %add3A_93 = arith.addi %add3A, %add3A_68 : i32
        %add3A_94 = arith.constant 1 : i32
        %add3A_95 = arith.addi %add3A_93, %add3A_94 : i32
        %mul3A_96 = arith.constant 128 : i32
        %mul3A_97 = arith.muli %add3A_95, %mul3A_96 : i32
        %dma_start3A_98 = arith.constant 0 : i32
        %dma_start3A_99 = arith.constant 0 : i32
        %dma_start3A_100 = arith.constant 0 : i32
        %dma_start3A_101 = tpu.memref_slice %arg9[%dma_start3A_98, %dma_start3A_99, %dma_start3A_100] : memref<2x128x128xf32, #tpu.memory_space<vmem>> -> memref<1x128x128xf32, #tpu.memory_space<vmem>>
        %dma_start3A_102 = tpu.memref_squeeze %dma_start3A_101 : memref<1x128x128xf32, #tpu.memory_space<vmem>> -> memref<128x128xf32, #tpu.memory_space<vmem>>
        %dma_start3A_103 = arith.constant 0 : i32
        %dma_start3A_104 = tpu.memref_slice %arg2[%mul3A_97, %dma_start3A_103] : memref<163840x128xf32, #tpu.memory_space<hbm>> -> memref<128x128xf32, #tpu.memory_space<hbm>>
        %dma_start3A_105 = arith.constant 0 : i32
        %dma_start3A_106 = arith.constant 0 : i32
        %dma_start3A_107 = tpu.memref_slice %arg9[%dma_start3A_98, %dma_start3A_105, %dma_start3A_106] : memref<2x128x128xf32, #tpu.memory_space<vmem>> -> memref<1x128x128xf32, #tpu.memory_space<vmem>>
        %dma_start3A_108 = tpu.memref_squeeze %dma_start3A_107 : memref<1x128x128xf32, #tpu.memory_space<vmem>> -> memref<128x128xf32, #tpu.memory_space<vmem>>
        %dma_start3A_109 = arith.constant 0 : i32
        %dma_start3A_110 = tpu.memref_slice %arg2[%mul3A_97, %dma_start3A_109] : memref<163840x128xf32, #tpu.memory_space<hbm>> -> memref<128x128xf32, #tpu.memory_space<hbm>>
        tpu.enqueue_dma source(%dma_start3A_110 : memref<128x128xf32, #tpu.memory_space<hbm>>) target(%dma_start3A_108 : memref<128x128xf32, #tpu.memory_space<vmem>>) target_semaphore(%arg10 : memref<!tpu.dma_semaphore, #tpu.memory_space<semaphore_mem>>)
      } else {
      }
      %run_scoped3A_92 = arith.constant 1 : i32
      "tpu.region"() ({
        %run_scoped3A_93 = tpu.sem_alloc : memref<!tpu.dma_semaphore, #tpu.memory_space<semaphore_mem>>
        %dma_start3A_94 = arith.constant 0 : i32
        %dma_start3A_95 = arith.constant 0 : i32
        %dma_start3A_96 = tpu.memref_slice %arg9[%run_scoped3A_92, %dma_start3A_94, %dma_start3A_95] : memref<2x128x128xf32, #tpu.memory_space<vmem>> -> memref<1x128x128xf32, #tpu.memory_space<vmem>>
        %dma_start3A_97 = tpu.memref_squeeze %dma_start3A_96 : memref<1x128x128xf32, #tpu.memory_space<vmem>> -> memref<128x128xf32, #tpu.memory_space<vmem>>
        %dma_start3A_98 = arith.constant 0 : i32
        %dma_start3A_99 = tpu.memref_slice %arg8[%add3A_68, %dma_start3A_98] : memref<40x128xi32, #tpu.memory_space<vmem>> -> memref<1x128xi32, #tpu.memory_space<vmem>>
        %dma_start3A_100 = tpu.memref_squeeze %dma_start3A_99 : memref<1x128xi32, #tpu.memory_space<vmem>> -> memref<128xi32, #tpu.memory_space<vmem>>
        %dma_start3A_101 = arith.constant 0 : i32
        %dma_start3A_102 = arith.constant 0 : i32
        %dma_start3A_103 = tpu.memref_slice %arg7[%dma_start3A_101, %dma_start3A_102] : memref<10016x128xf32, #tpu.memory_space<vmem_shared>> -> memref<10016x128xf32, #tpu.memory_space<vmem_shared>>
        tpu.enqueue_indirect_dma source(%dma_start3A_97 : memref<128x128xf32, #tpu.memory_space<vmem>>) target(%dma_start3A_103 : memref<10016x128xf32, #tpu.memory_space<vmem_shared>>) offsets(%dma_start3A_100 : memref<128xi32, #tpu.memory_space<vmem>>) semaphore(%run_scoped3A_93 : memref<!tpu.dma_semaphore, #tpu.memory_space<semaphore_mem>>) {add = true}
        %dma_wait3A_104 = arith.constant 0 : i32
        %dma_wait3A_105 = arith.constant 0 : i32
        %dma_wait3A_106 = tpu.memref_slice %arg9[%run_scoped3A_92, %dma_wait3A_104, %dma_wait3A_105] : memref<2x128x128xf32, #tpu.memory_space<vmem>> -> memref<1x128x128xf32, #tpu.memory_space<vmem>>
        %dma_wait3A_107 = tpu.memref_squeeze %dma_wait3A_106 : memref<1x128x128xf32, #tpu.memory_space<vmem>> -> memref<128x128xf32, #tpu.memory_space<vmem>>
        %dma_wait3A_108 = arith.constant 0 : i32
        %dma_wait3A_109 = tpu.memref_slice %arg8[%add3A_68, %dma_wait3A_108] : memref<40x128xi32, #tpu.memory_space<vmem>> -> memref<1x128xi32, #tpu.memory_space<vmem>>
        %dma_wait3A_110 = tpu.memref_squeeze %dma_wait3A_109 : memref<1x128xi32, #tpu.memory_space<vmem>> -> memref<128xi32, #tpu.memory_space<vmem>>
        %dma_wait3A_111 = arith.constant 0 : i32
        %dma_wait3A_112 = arith.constant 0 : i32
        %dma_wait3A_113 = tpu.memref_slice %arg7[%dma_wait3A_111, %dma_wait3A_112] : memref<10016x128xf32, #tpu.memory_space<vmem_shared>> -> memref<10016x128xf32, #tpu.memory_space<vmem_shared>>
        tpu.wait_indirect_dma semaphore(%run_scoped3A_93 : memref<!tpu.dma_semaphore, #tpu.memory_space<semaphore_mem>>) src(%dma_wait3A_107 : memref<128x128xf32, #tpu.memory_space<vmem>>) dst(%dma_wait3A_113 : memref<10016x128xf32, #tpu.memory_space<vmem_shared>>)
        tpu.yield
      }) : () -> ()
    }
    %scan3A_27 = arith.constant 20 : i32
    %barrier3A_28 = arith.constant 0 : index
    tpu.barrier barrier_id(%barrier3A_28)
    %eq3A_29 = arith.constant 0 : i32
    %eq3A_30 = arith.cmpi eq, %arg0, %eq3A_29 : i32
    %convert_element_type3A_31 = arith.extui %eq3A_30 : i1 to i32
    %cond3A_32 = arith.constant 0 : i32
    %cond3A_33 = arith.cmpi ne, %convert_element_type3A_31, %cond3A_32 : i32
    scf.if %cond3A_33 {
      %mul3A_39 = arith.constant 624 : i32
      %mul3A_40 = arith.muli %arg1, %mul3A_39 : i32
      %mul3A_41 = arith.constant 624 : i32
      %mul3A_42 = arith.muli %arg1, %mul3A_41 : i32
      "tpu.region"() ({
        %run_scoped3A = tpu.sem_alloc : memref<!tpu.dma_semaphore, #tpu.memory_space<semaphore_mem>>
        %dma_start3A_48 = arith.constant 0 : i32
        %dma_start3A_49 = tpu.memref_slice %arg5[%mul3A_42, %dma_start3A_48] : memref<10000x128xf32, #tpu.memory_space<hbm>> -> memref<624x128xf32, #tpu.memory_space<hbm>>
        %dma_start3A_50 = arith.constant 0 : i32
        %dma_start3A_51 = tpu.memref_slice %arg7[%mul3A_40, %dma_start3A_50] : memref<10016x128xf32, #tpu.memory_space<vmem_shared>> -> memref<624x128xf32, #tpu.memory_space<vmem_shared>>
        tpu.enqueue_dma source(%dma_start3A_51 : memref<624x128xf32, #tpu.memory_space<vmem_shared>>) target(%dma_start3A_49 : memref<624x128xf32, #tpu.memory_space<hbm>>) target_semaphore(%run_scoped3A : memref<!tpu.dma_semaphore, #tpu.memory_space<semaphore_mem>>)
        %dma_wait3A = arith.constant 0 : i32
        %dma_wait3A_52 = tpu.memref_slice %arg5[%mul3A_42, %dma_wait3A] : memref<10000x128xf32, #tpu.memory_space<hbm>> -> memref<624x128xf32, #tpu.memory_space<hbm>>
        %dma_wait3A_53 = arith.constant 0 : i32
        %dma_wait3A_54 = tpu.memref_slice %arg7[%mul3A_40, %dma_wait3A_53] : memref<10016x128xf32, #tpu.memory_space<vmem_shared>> -> memref<624x128xf32, #tpu.memory_space<vmem_shared>>
        tpu.wait_dma2 semaphore(%run_scoped3A : memref<!tpu.dma_semaphore, #tpu.memory_space<semaphore_mem>>) src(%dma_wait3A_54 : memref<624x128xf32, #tpu.memory_space<vmem_shared>>) dst(%dma_wait3A_52 : memref<624x128xf32, #tpu.memory_space<hbm>>)
        tpu.yield
      }) : () -> ()
      %eq3A_43 = arith.constant 15 : i32
      %eq3A_44 = arith.cmpi eq, %arg1, %eq3A_43 : i32
      %convert_element_type3A_45 = arith.extui %eq3A_44 : i1 to i32
      %cond3A_46 = arith.constant 0 : i32
      %cond3A_47 = arith.cmpi ne, %convert_element_type3A_45, %cond3A_46 : i32
      scf.if %cond3A_47 {
        "tpu.region"() ({
          %run_scoped3A = tpu.sem_alloc : memref<!tpu.dma_semaphore, #tpu.memory_space<semaphore_mem>>
          %dma_start3A_48 = arith.constant 9984 : i32
          %dma_start3A_49 = arith.constant 0 : i32
          %dma_start3A_50 = tpu.memref_slice %arg5[%dma_start3A_48, %dma_start3A_49] : memref<10000x128xf32, #tpu.memory_space<hbm>> -> memref<16x128xf32, #tpu.memory_space<hbm>>
          %dma_start3A_51 = arith.constant 9984 : i32
          %dma_start3A_52 = arith.constant 0 : i32
          %dma_start3A_53 = tpu.memref_slice %arg7[%dma_start3A_51, %dma_start3A_52] : memref<10016x128xf32, #tpu.memory_space<vmem_shared>> -> memref<16x128xf32, #tpu.memory_space<vmem_shared>>
          tpu.enqueue_dma source(%dma_start3A_53 : memref<16x128xf32, #tpu.memory_space<vmem_shared>>) target(%dma_start3A_50 : memref<16x128xf32, #tpu.memory_space<hbm>>) target_semaphore(%run_scoped3A : memref<!tpu.dma_semaphore, #tpu.memory_space<semaphore_mem>>)
          %dma_wait3A = arith.constant 9984 : i32
          %dma_wait3A_54 = arith.constant 0 : i32
          %dma_wait3A_55 = tpu.memref_slice %arg5[%dma_wait3A, %dma_wait3A_54] : memref<10000x128xf32, #tpu.memory_space<hbm>> -> memref<16x128xf32, #tpu.memory_space<hbm>>
          %dma_wait3A_56 = arith.constant 9984 : i32
          %dma_wait3A_57 = arith.constant 0 : i32
          %dma_wait3A_58 = tpu.memref_slice %arg7[%dma_wait3A_56, %dma_wait3A_57] : memref<10016x128xf32, #tpu.memory_space<vmem_shared>> -> memref<16x128xf32, #tpu.memory_space<vmem_shared>>
          tpu.wait_dma2 semaphore(%run_scoped3A : memref<!tpu.dma_semaphore, #tpu.memory_space<semaphore_mem>>) src(%dma_wait3A_58 : memref<16x128xf32, #tpu.memory_space<vmem_shared>>) dst(%dma_wait3A_55 : memref<16x128xf32, #tpu.memory_space<hbm>>)
          tpu.yield
        }) : () -> ()
      } else {
      }
    } else {
    }
    %eq3A_34 = arith.constant 1 : i32
    %eq3A_35 = arith.cmpi eq, %arg0, %eq3A_34 : i32
    %convert_element_type3A_36 = arith.extui %eq3A_35 : i1 to i32
    %cond3A_37 = arith.constant 0 : i32
    %cond3A_38 = arith.cmpi ne, %convert_element_type3A_36, %cond3A_37 : i32
    scf.if %cond3A_38 {
      %mul3A_39 = arith.constant 624 : i32
      %mul3A_40 = arith.muli %arg1, %mul3A_39 : i32
      %mul3A_41 = arith.constant 624 : i32
      %mul3A_42 = arith.muli %arg1, %mul3A_41 : i32
      "tpu.region"() ({
        %run_scoped3A = tpu.sem_alloc : memref<!tpu.dma_semaphore, #tpu.memory_space<semaphore_mem>>
        %dma_start3A_48 = arith.constant 0 : i32
        %dma_start3A_49 = tpu.memref_slice %arg6[%mul3A_42, %dma_start3A_48] : memref<10000x128xf32, #tpu.memory_space<hbm>> -> memref<624x128xf32, #tpu.memory_space<hbm>>
        %dma_start3A_50 = arith.constant 0 : i32
        %dma_start3A_51 = tpu.memref_slice %arg7[%mul3A_40, %dma_start3A_50] : memref<10016x128xf32, #tpu.memory_space<vmem_shared>> -> memref<624x128xf32, #tpu.memory_space<vmem_shared>>
        tpu.enqueue_dma source(%dma_start3A_51 : memref<624x128xf32, #tpu.memory_space<vmem_shared>>) target(%dma_start3A_49 : memref<624x128xf32, #tpu.memory_space<hbm>>) target_semaphore(%run_scoped3A : memref<!tpu.dma_semaphore, #tpu.memory_space<semaphore_mem>>)
        %dma_wait3A = arith.constant 0 : i32
        %dma_wait3A_52 = tpu.memref_slice %arg6[%mul3A_42, %dma_wait3A] : memref<10000x128xf32, #tpu.memory_space<hbm>> -> memref<624x128xf32, #tpu.memory_space<hbm>>
        %dma_wait3A_53 = arith.constant 0 : i32
        %dma_wait3A_54 = tpu.memref_slice %arg7[%mul3A_40, %dma_wait3A_53] : memref<10016x128xf32, #tpu.memory_space<vmem_shared>> -> memref<624x128xf32, #tpu.memory_space<vmem_shared>>
        tpu.wait_dma2 semaphore(%run_scoped3A : memref<!tpu.dma_semaphore, #tpu.memory_space<semaphore_mem>>) src(%dma_wait3A_54 : memref<624x128xf32, #tpu.memory_space<vmem_shared>>) dst(%dma_wait3A_52 : memref<624x128xf32, #tpu.memory_space<hbm>>)
        tpu.yield
      }) : () -> ()
      %eq3A_43 = arith.constant 15 : i32
      %eq3A_44 = arith.cmpi eq, %arg1, %eq3A_43 : i32
      %convert_element_type3A_45 = arith.extui %eq3A_44 : i1 to i32
      %cond3A_46 = arith.constant 0 : i32
      %cond3A_47 = arith.cmpi ne, %convert_element_type3A_45, %cond3A_46 : i32
      scf.if %cond3A_47 {
        "tpu.region"() ({
          %run_scoped3A = tpu.sem_alloc : memref<!tpu.dma_semaphore, #tpu.memory_space<semaphore_mem>>
          %dma_start3A_48 = arith.constant 9984 : i32
          %dma_start3A_49 = arith.constant 0 : i32
          %dma_start3A_50 = tpu.memref_slice %arg6[%dma_start3A_48, %dma_start3A_49] : memref<10000x128xf32, #tpu.memory_space<hbm>> -> memref<16x128xf32, #tpu.memory_space<hbm>>
          %dma_start3A_51 = arith.constant 9984 : i32
          %dma_start3A_52 = arith.constant 0 : i32
          %dma_start3A_53 = tpu.memref_slice %arg7[%dma_start3A_51, %dma_start3A_52] : memref<10016x128xf32, #tpu.memory_space<vmem_shared>> -> memref<16x128xf32, #tpu.memory_space<vmem_shared>>
          tpu.enqueue_dma source(%dma_start3A_53 : memref<16x128xf32, #tpu.memory_space<vmem_shared>>) target(%dma_start3A_50 : memref<16x128xf32, #tpu.memory_space<hbm>>) target_semaphore(%run_scoped3A : memref<!tpu.dma_semaphore, #tpu.memory_space<semaphore_mem>>)
          %dma_wait3A = arith.constant 9984 : i32
          %dma_wait3A_54 = arith.constant 0 : i32
          %dma_wait3A_55 = tpu.memref_slice %arg6[%dma_wait3A, %dma_wait3A_54] : memref<10000x128xf32, #tpu.memory_space<hbm>> -> memref<16x128xf32, #tpu.memory_space<hbm>>
          %dma_wait3A_56 = arith.constant 9984 : i32
          %dma_wait3A_57 = arith.constant 0 : i32
          %dma_wait3A_58 = tpu.memref_slice %arg7[%dma_wait3A_56, %dma_wait3A_57] : memref<10016x128xf32, #tpu.memory_space<vmem_shared>> -> memref<16x128xf32, #tpu.memory_space<vmem_shared>>
          tpu.wait_dma2 semaphore(%run_scoped3A : memref<!tpu.dma_semaphore, #tpu.memory_space<semaphore_mem>>) src(%dma_wait3A_58 : memref<16x128xf32, #tpu.memory_space<vmem_shared>>) dst(%dma_wait3A_55 : memref<16x128xf32, #tpu.memory_space<hbm>>)
          tpu.yield
        }) : () -> ()
      } else {
      }
    } else {
    }
    return
  }
}

#map = affine_map<(d0, d1) -> (0, 0)>
module attributes {stable_mosaic.version = 14 : i64} {
  func.func @_spmm_kernel(%arg0: i32, %arg1: i32, %arg2: memref<10000x128xf32, #tpu.memory_space<hbm>>, %arg3: memref<10000x128xf32, #tpu.memory_space<hbm>>, %arg4: memref<1280x128xi32, #tpu.memory_space<hbm>>, %arg5: memref<1280x128xi32, #tpu.memory_space<hbm>>, %arg6: memref<10000x128xf32, #tpu.memory_space<hbm>>, %arg7: memref<10000x128xf32, #tpu.memory_space<hbm>>, %arg8: memref<10000x128xf32, #tpu.memory_space<hbm>>, %arg9: memref<10016x128xf32, #tpu.memory_space<vmem_shared>>, %arg10: memref<16x128xi32, #tpu.memory_space<vmem>>, %arg11: memref<16x128xi32, #tpu.memory_space<vmem>>, %arg12: memref<2x128x128xf32, #tpu.memory_space<vmem>>, %arg13: memref<!tpu.dma_semaphore, #tpu.memory_space<semaphore_mem>>) attributes {dimension_semantics = [#tpu.dimension_semantics<core_parallel>, #tpu.dimension_semantics<subcore_parallel>], iteration_bounds = array<i64: 2, 16>, scalar_prefetch = 0 : i64, scratch_operands = 5 : i64, tpu.core_type = #tpu.core_type<sc_vector_subcore>, window_params = [{transform_indices = #map}, {transform_indices = #map}, {transform_indices = #map}, {transform_indices = #map}, {transform_indices = #map}, {transform_indices = #map}, {transform_indices = #map}]} {
    %mul3A = arith.constant 624 : i32
    %mul3A_0 = arith.muli %arg1, %mul3A : i32
    %mul3A_1 = arith.constant 624 : i32
    %mul3A_2 = arith.muli %arg1, %mul3A_1 : i32
    "tpu.region"() ({
      %run_scoped3A = tpu.sem_alloc : memref<!tpu.dma_semaphore, #tpu.memory_space<semaphore_mem>>
      %dma_start3A = arith.constant 0 : i32
      %dma_start3A_26 = tpu.memref_slice %arg9[%mul3A_2, %dma_start3A] : memref<10016x128xf32, #tpu.memory_space<vmem_shared>> -> memref<624x128xf32, #tpu.memory_space<vmem_shared>>
      %dma_start3A_27 = arith.constant 0 : i32
      %dma_start3A_28 = tpu.memref_slice %arg6[%mul3A_0, %dma_start3A_27] : memref<10000x128xf32, #tpu.memory_space<hbm>> -> memref<624x128xf32, #tpu.memory_space<hbm>>
      tpu.enqueue_dma source(%dma_start3A_28 : memref<624x128xf32, #tpu.memory_space<hbm>>) target(%dma_start3A_26 : memref<624x128xf32, #tpu.memory_space<vmem_shared>>) target_semaphore(%run_scoped3A : memref<!tpu.dma_semaphore, #tpu.memory_space<semaphore_mem>>)
      %dma_wait3A = arith.constant 0 : i32
      %dma_wait3A_29 = tpu.memref_slice %arg9[%mul3A_2, %dma_wait3A] : memref<10016x128xf32, #tpu.memory_space<vmem_shared>> -> memref<624x128xf32, #tpu.memory_space<vmem_shared>>
      %dma_wait3A_30 = arith.constant 0 : i32
      %dma_wait3A_31 = tpu.memref_slice %arg6[%mul3A_0, %dma_wait3A_30] : memref<10000x128xf32, #tpu.memory_space<hbm>> -> memref<624x128xf32, #tpu.memory_space<hbm>>
      tpu.wait_dma2 semaphore(%run_scoped3A : memref<!tpu.dma_semaphore, #tpu.memory_space<semaphore_mem>>) src(%dma_wait3A_31 : memref<624x128xf32, #tpu.memory_space<hbm>>) dst(%dma_wait3A_29 : memref<624x128xf32, #tpu.memory_space<vmem_shared>>)
      tpu.yield
    }) : () -> ()
    %eq3A = arith.constant 15 : i32
    %eq3A_3 = arith.cmpi eq, %arg1, %eq3A : i32
    %convert_element_type3A = arith.extui %eq3A_3 : i1 to i32
    %cond3A = arith.constant 0 : i32
    %cond3A_4 = arith.cmpi ne, %convert_element_type3A, %cond3A : i32
    scf.if %cond3A_4 {
      "tpu.region"() ({
        %run_scoped3A = tpu.sem_alloc : memref<!tpu.dma_semaphore, #tpu.memory_space<semaphore_mem>>
        %dma_start3A = arith.constant 9984 : i32
        %dma_start3A_26 = arith.constant 0 : i32
        %dma_start3A_27 = tpu.memref_slice %arg9[%dma_start3A, %dma_start3A_26] : memref<10016x128xf32, #tpu.memory_space<vmem_shared>> -> memref<16x128xf32, #tpu.memory_space<vmem_shared>>
        %dma_start3A_28 = arith.constant 9984 : i32
        %dma_start3A_29 = arith.constant 0 : i32
        %dma_start3A_30 = tpu.memref_slice %arg6[%dma_start3A_28, %dma_start3A_29] : memref<10000x128xf32, #tpu.memory_space<hbm>> -> memref<16x128xf32, #tpu.memory_space<hbm>>
        tpu.enqueue_dma source(%dma_start3A_30 : memref<16x128xf32, #tpu.memory_space<hbm>>) target(%dma_start3A_27 : memref<16x128xf32, #tpu.memory_space<vmem_shared>>) target_semaphore(%run_scoped3A : memref<!tpu.dma_semaphore, #tpu.memory_space<semaphore_mem>>)
        %dma_wait3A = arith.constant 9984 : i32
        %dma_wait3A_31 = arith.constant 0 : i32
        %dma_wait3A_32 = tpu.memref_slice %arg9[%dma_wait3A, %dma_wait3A_31] : memref<10016x128xf32, #tpu.memory_space<vmem_shared>> -> memref<16x128xf32, #tpu.memory_space<vmem_shared>>
        %dma_wait3A_33 = arith.constant 9984 : i32
        %dma_wait3A_34 = arith.constant 0 : i32
        %dma_wait3A_35 = tpu.memref_slice %arg6[%dma_wait3A_33, %dma_wait3A_34] : memref<10000x128xf32, #tpu.memory_space<hbm>> -> memref<16x128xf32, #tpu.memory_space<hbm>>
        tpu.wait_dma2 semaphore(%run_scoped3A : memref<!tpu.dma_semaphore, #tpu.memory_space<semaphore_mem>>) src(%dma_wait3A_35 : memref<16x128xf32, #tpu.memory_space<hbm>>) dst(%dma_wait3A_32 : memref<16x128xf32, #tpu.memory_space<vmem_shared>>)
        tpu.yield
      }) : () -> ()
    } else {
    }
    %barrier3A = arith.constant 0 : index
    tpu.barrier barrier_id(%barrier3A)
    %eq3A_5 = arith.constant 0 : i32
    %eq3A_6 = arith.cmpi eq, %arg0, %eq3A_5 : i32
    %convert_element_type3A_7 = arith.extui %eq3A_6 : i1 to i32
    %cond3A_8 = arith.constant 0 : i32
    %cond3A_9 = arith.cmpi ne, %convert_element_type3A_7, %cond3A_8 : i32
    scf.if %cond3A_9 {
      %scan3A = arith.constant 0 : i32
      %scan3A_26 = arith.constant 0 : i32
      %scan3A_27 = arith.constant 5 : i32
      %scan3A_28 = arith.addi %scan3A_26, %scan3A_27 : i32
      %scan3A_29 = arith.constant 1 : i32
      scf.for %scan3A_31 = %scan3A_26 to %scan3A_28 step %scan3A_29  : i32 {
        %mul3A_32 = arith.constant 80 : i32
        %mul3A_33 = arith.muli %arg1, %mul3A_32 : i32
        %mul3A_34 = arith.constant 16 : i32
        %mul3A_35 = arith.muli %scan3A_31, %mul3A_34 : i32
        %add3A = arith.addi %mul3A_33, %mul3A_35 : i32
        "tpu.region"() ({
          %run_scoped3A = tpu.sem_alloc : memref<!tpu.dma_semaphore, #tpu.memory_space<semaphore_mem>>
          %dma_start3A_53 = arith.constant 0 : i32
          %dma_start3A_54 = tpu.memref_slice %arg4[%add3A, %dma_start3A_53] : memref<1280x128xi32, #tpu.memory_space<hbm>> -> memref<16x128xi32, #tpu.memory_space<hbm>>
          %dma_start3A_55 = arith.constant 0 : i32
          %dma_start3A_56 = tpu.memref_slice %arg4[%add3A, %dma_start3A_55] : memref<1280x128xi32, #tpu.memory_space<hbm>> -> memref<16x128xi32, #tpu.memory_space<hbm>>
          tpu.enqueue_dma source(%dma_start3A_56 : memref<16x128xi32, #tpu.memory_space<hbm>>) target(%arg10 : memref<16x128xi32, #tpu.memory_space<vmem>>) target_semaphore(%run_scoped3A : memref<!tpu.dma_semaphore, #tpu.memory_space<semaphore_mem>>)
          %dma_wait3A = arith.constant 0 : i32
          %dma_wait3A_57 = tpu.memref_slice %arg4[%add3A, %dma_wait3A] : memref<1280x128xi32, #tpu.memory_space<hbm>> -> memref<16x128xi32, #tpu.memory_space<hbm>>
          %dma_wait3A_58 = arith.constant 0 : i32
          %dma_wait3A_59 = tpu.memref_slice %arg4[%add3A, %dma_wait3A_58] : memref<1280x128xi32, #tpu.memory_space<hbm>> -> memref<16x128xi32, #tpu.memory_space<hbm>>
          tpu.wait_dma2 semaphore(%run_scoped3A : memref<!tpu.dma_semaphore, #tpu.memory_space<semaphore_mem>>) src(%dma_wait3A_59 : memref<16x128xi32, #tpu.memory_space<hbm>>) dst(%arg10 : memref<16x128xi32, #tpu.memory_space<vmem>>)
          tpu.yield
        }) : () -> ()
        "tpu.region"() ({
          %run_scoped3A = tpu.sem_alloc : memref<!tpu.dma_semaphore, #tpu.memory_space<semaphore_mem>>
          %dma_start3A_53 = arith.constant 0 : i32
          %dma_start3A_54 = tpu.memref_slice %arg5[%add3A, %dma_start3A_53] : memref<1280x128xi32, #tpu.memory_space<hbm>> -> memref<16x128xi32, #tpu.memory_space<hbm>>
          %dma_start3A_55 = arith.constant 0 : i32
          %dma_start3A_56 = tpu.memref_slice %arg5[%add3A, %dma_start3A_55] : memref<1280x128xi32, #tpu.memory_space<hbm>> -> memref<16x128xi32, #tpu.memory_space<hbm>>
          tpu.enqueue_dma source(%dma_start3A_56 : memref<16x128xi32, #tpu.memory_space<hbm>>) target(%arg11 : memref<16x128xi32, #tpu.memory_space<vmem>>) target_semaphore(%run_scoped3A : memref<!tpu.dma_semaphore, #tpu.memory_space<semaphore_mem>>)
          %dma_wait3A = arith.constant 0 : i32
          %dma_wait3A_57 = tpu.memref_slice %arg5[%add3A, %dma_wait3A] : memref<1280x128xi32, #tpu.memory_space<hbm>> -> memref<16x128xi32, #tpu.memory_space<hbm>>
          %dma_wait3A_58 = arith.constant 0 : i32
          %dma_wait3A_59 = tpu.memref_slice %arg5[%add3A, %dma_wait3A_58] : memref<1280x128xi32, #tpu.memory_space<hbm>> -> memref<16x128xi32, #tpu.memory_space<hbm>>
          tpu.wait_dma2 semaphore(%run_scoped3A : memref<!tpu.dma_semaphore, #tpu.memory_space<semaphore_mem>>) src(%dma_wait3A_59 : memref<16x128xi32, #tpu.memory_space<hbm>>) dst(%arg11 : memref<16x128xi32, #tpu.memory_space<vmem>>)
          tpu.yield
        }) : () -> ()
        %dma_start3A = arith.constant 0 : i32
        %dma_start3A_36 = arith.constant 0 : i32
        %dma_start3A_37 = arith.constant 0 : i32
        %dma_start3A_38 = arith.constant 0 : i32
        %dma_start3A_39 = tpu.memref_slice %arg12[%dma_start3A_36, %dma_start3A_37, %dma_start3A_38] : memref<2x128x128xf32, #tpu.memory_space<vmem>> -> memref<1x128x128xf32, #tpu.memory_space<vmem>>
        %dma_start3A_40 = tpu.memref_squeeze %dma_start3A_39 : memref<1x128x128xf32, #tpu.memory_space<vmem>> -> memref<128x128xf32, #tpu.memory_space<vmem>>
        %dma_start3A_41 = arith.constant 0 : i32
        %dma_start3A_42 = tpu.memref_slice %arg10[%dma_start3A, %dma_start3A_41] : memref<16x128xi32, #tpu.memory_space<vmem>> -> memref<1x128xi32, #tpu.memory_space<vmem>>
        %dma_start3A_43 = tpu.memref_squeeze %dma_start3A_42 : memref<1x128xi32, #tpu.memory_space<vmem>> -> memref<128xi32, #tpu.memory_space<vmem>>
        %dma_start3A_44 = arith.constant 0 : i32
        %dma_start3A_45 = arith.constant 0 : i32
        %dma_start3A_46 = tpu.memref_slice %arg2[%dma_start3A_44, %dma_start3A_45] : memref<10000x128xf32, #tpu.memory_space<hbm>> -> memref<10000x128xf32, #tpu.memory_space<hbm>>
        tpu.enqueue_indirect_dma source(%dma_start3A_46 : memref<10000x128xf32, #tpu.memory_space<hbm>>) target(%dma_start3A_40 : memref<128x128xf32, #tpu.memory_space<vmem>>) offsets(%dma_start3A_43 : memref<128xi32, #tpu.memory_space<vmem>>) semaphore(%arg13 : memref<!tpu.dma_semaphore, #tpu.memory_space<semaphore_mem>>)
        %scan3A_47 = arith.constant 0 : i32
        %scan3A_48 = arith.constant 0 : i32
        %scan3A_49 = arith.constant 8 : i32
        %scan3A_50 = arith.addi %scan3A_48, %scan3A_49 : i32
        %scan3A_51 = arith.constant 1 : i32
        scf.for %scan3A_53 = %scan3A_48 to %scan3A_50 step %scan3A_51  : i32 {
          %mul3A_54 = arith.constant 2 : i32
          %mul3A_55 = arith.muli %mul3A_54, %scan3A_53 : i32
          %add3A_56 = arith.constant 0 : i32
          %add3A_57 = arith.addi %mul3A_55, %add3A_56 : i32
          %dma_wait3A = arith.constant 0 : i32
          %dma_wait3A_58 = arith.constant 0 : i32
          %dma_wait3A_59 = arith.constant 0 : i32
          %dma_wait3A_60 = tpu.memref_slice %arg12[%dma_wait3A, %dma_wait3A_58, %dma_wait3A_59] : memref<2x128x128xf32, #tpu.memory_space<vmem>> -> memref<1x128x128xf32, #tpu.memory_space<vmem>>
          %dma_wait3A_61 = tpu.memref_squeeze %dma_wait3A_60 : memref<1x128x128xf32, #tpu.memory_space<vmem>> -> memref<128x128xf32, #tpu.memory_space<vmem>>
          %dma_wait3A_62 = arith.constant 0 : i32
          %dma_wait3A_63 = tpu.memref_slice %arg10[%add3A_57, %dma_wait3A_62] : memref<16x128xi32, #tpu.memory_space<vmem>> -> memref<1x128xi32, #tpu.memory_space<vmem>>
          %dma_wait3A_64 = tpu.memref_squeeze %dma_wait3A_63 : memref<1x128xi32, #tpu.memory_space<vmem>> -> memref<128xi32, #tpu.memory_space<vmem>>
          %dma_wait3A_65 = arith.constant 0 : i32
          %dma_wait3A_66 = arith.constant 0 : i32
          %dma_wait3A_67 = tpu.memref_slice %arg2[%dma_wait3A_65, %dma_wait3A_66] : memref<10000x128xf32, #tpu.memory_space<hbm>> -> memref<10000x128xf32, #tpu.memory_space<hbm>>
          tpu.wait_indirect_dma semaphore(%arg13 : memref<!tpu.dma_semaphore, #tpu.memory_space<semaphore_mem>>) src(%dma_wait3A_67 : memref<10000x128xf32, #tpu.memory_space<hbm>>) dst(%dma_wait3A_61 : memref<128x128xf32, #tpu.memory_space<vmem>>)
          %add3A_68 = arith.constant 1 : i32
          %add3A_69 = arith.addi %add3A_57, %add3A_68 : i32
          %lt3A = arith.constant 16 : i32
          %lt3A_70 = arith.cmpi slt, %add3A_69, %lt3A : i32
          %convert_element_type3A_71 = arith.extui %lt3A_70 : i1 to i32
          %cond3A_72 = arith.constant 0 : i32
          %cond3A_73 = arith.cmpi ne, %convert_element_type3A_71, %cond3A_72 : i32
          scf.if %cond3A_73 {
            %add3A_97 = arith.constant 1 : i32
            %add3A_98 = arith.addi %add3A_57, %add3A_97 : i32
            %dma_start3A_99 = arith.constant 1 : i32
            %dma_start3A_100 = arith.constant 0 : i32
            %dma_start3A_101 = arith.constant 0 : i32
            %dma_start3A_102 = tpu.memref_slice %arg12[%dma_start3A_99, %dma_start3A_100, %dma_start3A_101] : memref<2x128x128xf32, #tpu.memory_space<vmem>> -> memref<1x128x128xf32, #tpu.memory_space<vmem>>
            %dma_start3A_103 = tpu.memref_squeeze %dma_start3A_102 : memref<1x128x128xf32, #tpu.memory_space<vmem>> -> memref<128x128xf32, #tpu.memory_space<vmem>>
            %dma_start3A_104 = arith.constant 0 : i32
            %dma_start3A_105 = tpu.memref_slice %arg10[%add3A_98, %dma_start3A_104] : memref<16x128xi32, #tpu.memory_space<vmem>> -> memref<1x128xi32, #tpu.memory_space<vmem>>
            %dma_start3A_106 = tpu.memref_squeeze %dma_start3A_105 : memref<1x128xi32, #tpu.memory_space<vmem>> -> memref<128xi32, #tpu.memory_space<vmem>>
            %dma_start3A_107 = arith.constant 0 : i32
            %dma_start3A_108 = arith.constant 0 : i32
            %dma_start3A_109 = tpu.memref_slice %arg2[%dma_start3A_107, %dma_start3A_108] : memref<10000x128xf32, #tpu.memory_space<hbm>> -> memref<10000x128xf32, #tpu.memory_space<hbm>>
            tpu.enqueue_indirect_dma source(%dma_start3A_109 : memref<10000x128xf32, #tpu.memory_space<hbm>>) target(%dma_start3A_103 : memref<128x128xf32, #tpu.memory_space<vmem>>) offsets(%dma_start3A_106 : memref<128xi32, #tpu.memory_space<vmem>>) semaphore(%arg13 : memref<!tpu.dma_semaphore, #tpu.memory_space<semaphore_mem>>)
          } else {
          }
          %run_scoped3A = arith.constant 0 : i32
          "tpu.region"() ({
            %run_scoped3A_97 = tpu.sem_alloc : memref<!tpu.dma_semaphore, #tpu.memory_space<semaphore_mem>>
            %dma_start3A_98 = arith.constant 0 : i32
            %dma_start3A_99 = arith.constant 0 : i32
            %dma_start3A_100 = tpu.memref_slice %arg12[%run_scoped3A, %dma_start3A_98, %dma_start3A_99] : memref<2x128x128xf32, #tpu.memory_space<vmem>> -> memref<1x128x128xf32, #tpu.memory_space<vmem>>
            %dma_start3A_101 = tpu.memref_squeeze %dma_start3A_100 : memref<1x128x128xf32, #tpu.memory_space<vmem>> -> memref<128x128xf32, #tpu.memory_space<vmem>>
            %dma_start3A_102 = arith.constant 0 : i32
            %dma_start3A_103 = tpu.memref_slice %arg11[%add3A_57, %dma_start3A_102] : memref<16x128xi32, #tpu.memory_space<vmem>> -> memref<1x128xi32, #tpu.memory_space<vmem>>
            %dma_start3A_104 = tpu.memref_squeeze %dma_start3A_103 : memref<1x128xi32, #tpu.memory_space<vmem>> -> memref<128xi32, #tpu.memory_space<vmem>>
            %dma_start3A_105 = arith.constant 0 : i32
            %dma_start3A_106 = arith.constant 0 : i32
            %dma_start3A_107 = tpu.memref_slice %arg9[%dma_start3A_105, %dma_start3A_106] : memref<10016x128xf32, #tpu.memory_space<vmem_shared>> -> memref<10016x128xf32, #tpu.memory_space<vmem_shared>>
            tpu.enqueue_indirect_dma source(%dma_start3A_101 : memref<128x128xf32, #tpu.memory_space<vmem>>) target(%dma_start3A_107 : memref<10016x128xf32, #tpu.memory_space<vmem_shared>>) offsets(%dma_start3A_104 : memref<128xi32, #tpu.memory_space<vmem>>) semaphore(%run_scoped3A_97 : memref<!tpu.dma_semaphore, #tpu.memory_space<semaphore_mem>>) {add = true}
            %dma_wait3A_108 = arith.constant 0 : i32
            %dma_wait3A_109 = arith.constant 0 : i32
            %dma_wait3A_110 = tpu.memref_slice %arg12[%run_scoped3A, %dma_wait3A_108, %dma_wait3A_109] : memref<2x128x128xf32, #tpu.memory_space<vmem>> -> memref<1x128x128xf32, #tpu.memory_space<vmem>>
            %dma_wait3A_111 = tpu.memref_squeeze %dma_wait3A_110 : memref<1x128x128xf32, #tpu.memory_space<vmem>> -> memref<128x128xf32, #tpu.memory_space<vmem>>
            %dma_wait3A_112 = arith.constant 0 : i32
            %dma_wait3A_113 = tpu.memref_slice %arg11[%add3A_57, %dma_wait3A_112] : memref<16x128xi32, #tpu.memory_space<vmem>> -> memref<1x128xi32, #tpu.memory_space<vmem>>
            %dma_wait3A_114 = tpu.memref_squeeze %dma_wait3A_113 : memref<1x128xi32, #tpu.memory_space<vmem>> -> memref<128xi32, #tpu.memory_space<vmem>>
            %dma_wait3A_115 = arith.constant 0 : i32
            %dma_wait3A_116 = arith.constant 0 : i32
            %dma_wait3A_117 = tpu.memref_slice %arg9[%dma_wait3A_115, %dma_wait3A_116] : memref<10016x128xf32, #tpu.memory_space<vmem_shared>> -> memref<10016x128xf32, #tpu.memory_space<vmem_shared>>
            tpu.wait_indirect_dma semaphore(%run_scoped3A_97 : memref<!tpu.dma_semaphore, #tpu.memory_space<semaphore_mem>>) src(%dma_wait3A_111 : memref<128x128xf32, #tpu.memory_space<vmem>>) dst(%dma_wait3A_117 : memref<10016x128xf32, #tpu.memory_space<vmem_shared>>)
            tpu.yield
          }) : () -> ()
          %mul3A_74 = arith.constant 2 : i32
          %mul3A_75 = arith.muli %mul3A_74, %scan3A_53 : i32
          %add3A_76 = arith.constant 1 : i32
          %add3A_77 = arith.addi %mul3A_75, %add3A_76 : i32
          %dma_wait3A_78 = arith.constant 1 : i32
          %dma_wait3A_79 = arith.constant 0 : i32
          %dma_wait3A_80 = arith.constant 0 : i32
          %dma_wait3A_81 = tpu.memref_slice %arg12[%dma_wait3A_78, %dma_wait3A_79, %dma_wait3A_80] : memref<2x128x128xf32, #tpu.memory_space<vmem>> -> memref<1x128x128xf32, #tpu.memory_space<vmem>>
          %dma_wait3A_82 = tpu.memref_squeeze %dma_wait3A_81 : memref<1x128x128xf32, #tpu.memory_space<vmem>> -> memref<128x128xf32, #tpu.memory_space<vmem>>
          %dma_wait3A_83 = arith.constant 0 : i32
          %dma_wait3A_84 = tpu.memref_slice %arg10[%add3A_77, %dma_wait3A_83] : memref<16x128xi32, #tpu.memory_space<vmem>> -> memref<1x128xi32, #tpu.memory_space<vmem>>
          %dma_wait3A_85 = tpu.memref_squeeze %dma_wait3A_84 : memref<1x128xi32, #tpu.memory_space<vmem>> -> memref<128xi32, #tpu.memory_space<vmem>>
          %dma_wait3A_86 = arith.constant 0 : i32
          %dma_wait3A_87 = arith.constant 0 : i32
          %dma_wait3A_88 = tpu.memref_slice %arg2[%dma_wait3A_86, %dma_wait3A_87] : memref<10000x128xf32, #tpu.memory_space<hbm>> -> memref<10000x128xf32, #tpu.memory_space<hbm>>
          tpu.wait_indirect_dma semaphore(%arg13 : memref<!tpu.dma_semaphore, #tpu.memory_space<semaphore_mem>>) src(%dma_wait3A_88 : memref<10000x128xf32, #tpu.memory_space<hbm>>) dst(%dma_wait3A_82 : memref<128x128xf32, #tpu.memory_space<vmem>>)
          %add3A_89 = arith.constant 1 : i32
          %add3A_90 = arith.addi %add3A_77, %add3A_89 : i32
          %lt3A_91 = arith.constant 16 : i32
          %lt3A_92 = arith.cmpi slt, %add3A_90, %lt3A_91 : i32
          %convert_element_type3A_93 = arith.extui %lt3A_92 : i1 to i32
          %cond3A_94 = arith.constant 0 : i32
          %cond3A_95 = arith.cmpi ne, %convert_element_type3A_93, %cond3A_94 : i32
          scf.if %cond3A_95 {
            %add3A_97 = arith.constant 1 : i32
            %add3A_98 = arith.addi %add3A_77, %add3A_97 : i32
            %dma_start3A_99 = arith.constant 0 : i32
            %dma_start3A_100 = arith.constant 0 : i32
            %dma_start3A_101 = arith.constant 0 : i32
            %dma_start3A_102 = tpu.memref_slice %arg12[%dma_start3A_99, %dma_start3A_100, %dma_start3A_101] : memref<2x128x128xf32, #tpu.memory_space<vmem>> -> memref<1x128x128xf32, #tpu.memory_space<vmem>>
            %dma_start3A_103 = tpu.memref_squeeze %dma_start3A_102 : memref<1x128x128xf32, #tpu.memory_space<vmem>> -> memref<128x128xf32, #tpu.memory_space<vmem>>
            %dma_start3A_104 = arith.constant 0 : i32
            %dma_start3A_105 = tpu.memref_slice %arg10[%add3A_98, %dma_start3A_104] : memref<16x128xi32, #tpu.memory_space<vmem>> -> memref<1x128xi32, #tpu.memory_space<vmem>>
            %dma_start3A_106 = tpu.memref_squeeze %dma_start3A_105 : memref<1x128xi32, #tpu.memory_space<vmem>> -> memref<128xi32, #tpu.memory_space<vmem>>
            %dma_start3A_107 = arith.constant 0 : i32
            %dma_start3A_108 = arith.constant 0 : i32
            %dma_start3A_109 = tpu.memref_slice %arg2[%dma_start3A_107, %dma_start3A_108] : memref<10000x128xf32, #tpu.memory_space<hbm>> -> memref<10000x128xf32, #tpu.memory_space<hbm>>
            tpu.enqueue_indirect_dma source(%dma_start3A_109 : memref<10000x128xf32, #tpu.memory_space<hbm>>) target(%dma_start3A_103 : memref<128x128xf32, #tpu.memory_space<vmem>>) offsets(%dma_start3A_106 : memref<128xi32, #tpu.memory_space<vmem>>) semaphore(%arg13 : memref<!tpu.dma_semaphore, #tpu.memory_space<semaphore_mem>>)
          } else {
          }
          %run_scoped3A_96 = arith.constant 1 : i32
          "tpu.region"() ({
            %run_scoped3A_97 = tpu.sem_alloc : memref<!tpu.dma_semaphore, #tpu.memory_space<semaphore_mem>>
            %dma_start3A_98 = arith.constant 0 : i32
            %dma_start3A_99 = arith.constant 0 : i32
            %dma_start3A_100 = tpu.memref_slice %arg12[%run_scoped3A_96, %dma_start3A_98, %dma_start3A_99] : memref<2x128x128xf32, #tpu.memory_space<vmem>> -> memref<1x128x128xf32, #tpu.memory_space<vmem>>
            %dma_start3A_101 = tpu.memref_squeeze %dma_start3A_100 : memref<1x128x128xf32, #tpu.memory_space<vmem>> -> memref<128x128xf32, #tpu.memory_space<vmem>>
            %dma_start3A_102 = arith.constant 0 : i32
            %dma_start3A_103 = tpu.memref_slice %arg11[%add3A_77, %dma_start3A_102] : memref<16x128xi32, #tpu.memory_space<vmem>> -> memref<1x128xi32, #tpu.memory_space<vmem>>
            %dma_start3A_104 = tpu.memref_squeeze %dma_start3A_103 : memref<1x128xi32, #tpu.memory_space<vmem>> -> memref<128xi32, #tpu.memory_space<vmem>>
            %dma_start3A_105 = arith.constant 0 : i32
            %dma_start3A_106 = arith.constant 0 : i32
            %dma_start3A_107 = tpu.memref_slice %arg9[%dma_start3A_105, %dma_start3A_106] : memref<10016x128xf32, #tpu.memory_space<vmem_shared>> -> memref<10016x128xf32, #tpu.memory_space<vmem_shared>>
            tpu.enqueue_indirect_dma source(%dma_start3A_101 : memref<128x128xf32, #tpu.memory_space<vmem>>) target(%dma_start3A_107 : memref<10016x128xf32, #tpu.memory_space<vmem_shared>>) offsets(%dma_start3A_104 : memref<128xi32, #tpu.memory_space<vmem>>) semaphore(%run_scoped3A_97 : memref<!tpu.dma_semaphore, #tpu.memory_space<semaphore_mem>>) {add = true}
            %dma_wait3A_108 = arith.constant 0 : i32
            %dma_wait3A_109 = arith.constant 0 : i32
            %dma_wait3A_110 = tpu.memref_slice %arg12[%run_scoped3A_96, %dma_wait3A_108, %dma_wait3A_109] : memref<2x128x128xf32, #tpu.memory_space<vmem>> -> memref<1x128x128xf32, #tpu.memory_space<vmem>>
            %dma_wait3A_111 = tpu.memref_squeeze %dma_wait3A_110 : memref<1x128x128xf32, #tpu.memory_space<vmem>> -> memref<128x128xf32, #tpu.memory_space<vmem>>
            %dma_wait3A_112 = arith.constant 0 : i32
            %dma_wait3A_113 = tpu.memref_slice %arg11[%add3A_77, %dma_wait3A_112] : memref<16x128xi32, #tpu.memory_space<vmem>> -> memref<1x128xi32, #tpu.memory_space<vmem>>
            %dma_wait3A_114 = tpu.memref_squeeze %dma_wait3A_113 : memref<1x128xi32, #tpu.memory_space<vmem>> -> memref<128xi32, #tpu.memory_space<vmem>>
            %dma_wait3A_115 = arith.constant 0 : i32
            %dma_wait3A_116 = arith.constant 0 : i32
            %dma_wait3A_117 = tpu.memref_slice %arg9[%dma_wait3A_115, %dma_wait3A_116] : memref<10016x128xf32, #tpu.memory_space<vmem_shared>> -> memref<10016x128xf32, #tpu.memory_space<vmem_shared>>
            tpu.wait_indirect_dma semaphore(%run_scoped3A_97 : memref<!tpu.dma_semaphore, #tpu.memory_space<semaphore_mem>>) src(%dma_wait3A_111 : memref<128x128xf32, #tpu.memory_space<vmem>>) dst(%dma_wait3A_117 : memref<10016x128xf32, #tpu.memory_space<vmem_shared>>)
            tpu.yield
          }) : () -> ()
        }
        %scan3A_52 = arith.constant 8 : i32
      }
      %scan3A_30 = arith.constant 5 : i32
    } else {
    }
    %eq3A_10 = arith.constant 1 : i32
    %eq3A_11 = arith.cmpi eq, %arg0, %eq3A_10 : i32
    %convert_element_type3A_12 = arith.extui %eq3A_11 : i1 to i32
    %cond3A_13 = arith.constant 0 : i32
    %cond3A_14 = arith.cmpi ne, %convert_element_type3A_12, %cond3A_13 : i32
    scf.if %cond3A_14 {
      %scan3A = arith.constant 0 : i32
      %scan3A_26 = arith.constant 0 : i32
      %scan3A_27 = arith.constant 5 : i32
      %scan3A_28 = arith.addi %scan3A_26, %scan3A_27 : i32
      %scan3A_29 = arith.constant 1 : i32
      scf.for %scan3A_31 = %scan3A_26 to %scan3A_28 step %scan3A_29  : i32 {
        %mul3A_32 = arith.constant 80 : i32
        %mul3A_33 = arith.muli %arg1, %mul3A_32 : i32
        %mul3A_34 = arith.constant 16 : i32
        %mul3A_35 = arith.muli %scan3A_31, %mul3A_34 : i32
        %add3A = arith.addi %mul3A_33, %mul3A_35 : i32
        "tpu.region"() ({
          %run_scoped3A = tpu.sem_alloc : memref<!tpu.dma_semaphore, #tpu.memory_space<semaphore_mem>>
          %dma_start3A_53 = arith.constant 0 : i32
          %dma_start3A_54 = tpu.memref_slice %arg4[%add3A, %dma_start3A_53] : memref<1280x128xi32, #tpu.memory_space<hbm>> -> memref<16x128xi32, #tpu.memory_space<hbm>>
          %dma_start3A_55 = arith.constant 0 : i32
          %dma_start3A_56 = tpu.memref_slice %arg4[%add3A, %dma_start3A_55] : memref<1280x128xi32, #tpu.memory_space<hbm>> -> memref<16x128xi32, #tpu.memory_space<hbm>>
          tpu.enqueue_dma source(%dma_start3A_56 : memref<16x128xi32, #tpu.memory_space<hbm>>) target(%arg10 : memref<16x128xi32, #tpu.memory_space<vmem>>) target_semaphore(%run_scoped3A : memref<!tpu.dma_semaphore, #tpu.memory_space<semaphore_mem>>)
          %dma_wait3A = arith.constant 0 : i32
          %dma_wait3A_57 = tpu.memref_slice %arg4[%add3A, %dma_wait3A] : memref<1280x128xi32, #tpu.memory_space<hbm>> -> memref<16x128xi32, #tpu.memory_space<hbm>>
          %dma_wait3A_58 = arith.constant 0 : i32
          %dma_wait3A_59 = tpu.memref_slice %arg4[%add3A, %dma_wait3A_58] : memref<1280x128xi32, #tpu.memory_space<hbm>> -> memref<16x128xi32, #tpu.memory_space<hbm>>
          tpu.wait_dma2 semaphore(%run_scoped3A : memref<!tpu.dma_semaphore, #tpu.memory_space<semaphore_mem>>) src(%dma_wait3A_59 : memref<16x128xi32, #tpu.memory_space<hbm>>) dst(%arg10 : memref<16x128xi32, #tpu.memory_space<vmem>>)
          tpu.yield
        }) : () -> ()
        "tpu.region"() ({
          %run_scoped3A = tpu.sem_alloc : memref<!tpu.dma_semaphore, #tpu.memory_space<semaphore_mem>>
          %dma_start3A_53 = arith.constant 0 : i32
          %dma_start3A_54 = tpu.memref_slice %arg5[%add3A, %dma_start3A_53] : memref<1280x128xi32, #tpu.memory_space<hbm>> -> memref<16x128xi32, #tpu.memory_space<hbm>>
          %dma_start3A_55 = arith.constant 0 : i32
          %dma_start3A_56 = tpu.memref_slice %arg5[%add3A, %dma_start3A_55] : memref<1280x128xi32, #tpu.memory_space<hbm>> -> memref<16x128xi32, #tpu.memory_space<hbm>>
          tpu.enqueue_dma source(%dma_start3A_56 : memref<16x128xi32, #tpu.memory_space<hbm>>) target(%arg11 : memref<16x128xi32, #tpu.memory_space<vmem>>) target_semaphore(%run_scoped3A : memref<!tpu.dma_semaphore, #tpu.memory_space<semaphore_mem>>)
          %dma_wait3A = arith.constant 0 : i32
          %dma_wait3A_57 = tpu.memref_slice %arg5[%add3A, %dma_wait3A] : memref<1280x128xi32, #tpu.memory_space<hbm>> -> memref<16x128xi32, #tpu.memory_space<hbm>>
          %dma_wait3A_58 = arith.constant 0 : i32
          %dma_wait3A_59 = tpu.memref_slice %arg5[%add3A, %dma_wait3A_58] : memref<1280x128xi32, #tpu.memory_space<hbm>> -> memref<16x128xi32, #tpu.memory_space<hbm>>
          tpu.wait_dma2 semaphore(%run_scoped3A : memref<!tpu.dma_semaphore, #tpu.memory_space<semaphore_mem>>) src(%dma_wait3A_59 : memref<16x128xi32, #tpu.memory_space<hbm>>) dst(%arg11 : memref<16x128xi32, #tpu.memory_space<vmem>>)
          tpu.yield
        }) : () -> ()
        %dma_start3A = arith.constant 0 : i32
        %dma_start3A_36 = arith.constant 0 : i32
        %dma_start3A_37 = arith.constant 0 : i32
        %dma_start3A_38 = arith.constant 0 : i32
        %dma_start3A_39 = tpu.memref_slice %arg12[%dma_start3A_36, %dma_start3A_37, %dma_start3A_38] : memref<2x128x128xf32, #tpu.memory_space<vmem>> -> memref<1x128x128xf32, #tpu.memory_space<vmem>>
        %dma_start3A_40 = tpu.memref_squeeze %dma_start3A_39 : memref<1x128x128xf32, #tpu.memory_space<vmem>> -> memref<128x128xf32, #tpu.memory_space<vmem>>
        %dma_start3A_41 = arith.constant 0 : i32
        %dma_start3A_42 = tpu.memref_slice %arg10[%dma_start3A, %dma_start3A_41] : memref<16x128xi32, #tpu.memory_space<vmem>> -> memref<1x128xi32, #tpu.memory_space<vmem>>
        %dma_start3A_43 = tpu.memref_squeeze %dma_start3A_42 : memref<1x128xi32, #tpu.memory_space<vmem>> -> memref<128xi32, #tpu.memory_space<vmem>>
        %dma_start3A_44 = arith.constant 0 : i32
        %dma_start3A_45 = arith.constant 0 : i32
        %dma_start3A_46 = tpu.memref_slice %arg3[%dma_start3A_44, %dma_start3A_45] : memref<10000x128xf32, #tpu.memory_space<hbm>> -> memref<10000x128xf32, #tpu.memory_space<hbm>>
        tpu.enqueue_indirect_dma source(%dma_start3A_46 : memref<10000x128xf32, #tpu.memory_space<hbm>>) target(%dma_start3A_40 : memref<128x128xf32, #tpu.memory_space<vmem>>) offsets(%dma_start3A_43 : memref<128xi32, #tpu.memory_space<vmem>>) semaphore(%arg13 : memref<!tpu.dma_semaphore, #tpu.memory_space<semaphore_mem>>)
        %scan3A_47 = arith.constant 0 : i32
        %scan3A_48 = arith.constant 0 : i32
        %scan3A_49 = arith.constant 8 : i32
        %scan3A_50 = arith.addi %scan3A_48, %scan3A_49 : i32
        %scan3A_51 = arith.constant 1 : i32
        scf.for %scan3A_53 = %scan3A_48 to %scan3A_50 step %scan3A_51  : i32 {
          %mul3A_54 = arith.constant 2 : i32
          %mul3A_55 = arith.muli %mul3A_54, %scan3A_53 : i32
          %add3A_56 = arith.constant 0 : i32
          %add3A_57 = arith.addi %mul3A_55, %add3A_56 : i32
          %dma_wait3A = arith.constant 0 : i32
          %dma_wait3A_58 = arith.constant 0 : i32
          %dma_wait3A_59 = arith.constant 0 : i32
          %dma_wait3A_60 = tpu.memref_slice %arg12[%dma_wait3A, %dma_wait3A_58, %dma_wait3A_59] : memref<2x128x128xf32, #tpu.memory_space<vmem>> -> memref<1x128x128xf32, #tpu.memory_space<vmem>>
          %dma_wait3A_61 = tpu.memref_squeeze %dma_wait3A_60 : memref<1x128x128xf32, #tpu.memory_space<vmem>> -> memref<128x128xf32, #tpu.memory_space<vmem>>
          %dma_wait3A_62 = arith.constant 0 : i32
          %dma_wait3A_63 = tpu.memref_slice %arg10[%add3A_57, %dma_wait3A_62] : memref<16x128xi32, #tpu.memory_space<vmem>> -> memref<1x128xi32, #tpu.memory_space<vmem>>
          %dma_wait3A_64 = tpu.memref_squeeze %dma_wait3A_63 : memref<1x128xi32, #tpu.memory_space<vmem>> -> memref<128xi32, #tpu.memory_space<vmem>>
          %dma_wait3A_65 = arith.constant 0 : i32
          %dma_wait3A_66 = arith.constant 0 : i32
          %dma_wait3A_67 = tpu.memref_slice %arg3[%dma_wait3A_65, %dma_wait3A_66] : memref<10000x128xf32, #tpu.memory_space<hbm>> -> memref<10000x128xf32, #tpu.memory_space<hbm>>
          tpu.wait_indirect_dma semaphore(%arg13 : memref<!tpu.dma_semaphore, #tpu.memory_space<semaphore_mem>>) src(%dma_wait3A_67 : memref<10000x128xf32, #tpu.memory_space<hbm>>) dst(%dma_wait3A_61 : memref<128x128xf32, #tpu.memory_space<vmem>>)
          %add3A_68 = arith.constant 1 : i32
          %add3A_69 = arith.addi %add3A_57, %add3A_68 : i32
          %lt3A = arith.constant 16 : i32
          %lt3A_70 = arith.cmpi slt, %add3A_69, %lt3A : i32
          %convert_element_type3A_71 = arith.extui %lt3A_70 : i1 to i32
          %cond3A_72 = arith.constant 0 : i32
          %cond3A_73 = arith.cmpi ne, %convert_element_type3A_71, %cond3A_72 : i32
          scf.if %cond3A_73 {
            %add3A_97 = arith.constant 1 : i32
            %add3A_98 = arith.addi %add3A_57, %add3A_97 : i32
            %dma_start3A_99 = arith.constant 1 : i32
            %dma_start3A_100 = arith.constant 0 : i32
            %dma_start3A_101 = arith.constant 0 : i32
            %dma_start3A_102 = tpu.memref_slice %arg12[%dma_start3A_99, %dma_start3A_100, %dma_start3A_101] : memref<2x128x128xf32, #tpu.memory_space<vmem>> -> memref<1x128x128xf32, #tpu.memory_space<vmem>>
            %dma_start3A_103 = tpu.memref_squeeze %dma_start3A_102 : memref<1x128x128xf32, #tpu.memory_space<vmem>> -> memref<128x128xf32, #tpu.memory_space<vmem>>
            %dma_start3A_104 = arith.constant 0 : i32
            %dma_start3A_105 = tpu.memref_slice %arg10[%add3A_98, %dma_start3A_104] : memref<16x128xi32, #tpu.memory_space<vmem>> -> memref<1x128xi32, #tpu.memory_space<vmem>>
            %dma_start3A_106 = tpu.memref_squeeze %dma_start3A_105 : memref<1x128xi32, #tpu.memory_space<vmem>> -> memref<128xi32, #tpu.memory_space<vmem>>
            %dma_start3A_107 = arith.constant 0 : i32
            %dma_start3A_108 = arith.constant 0 : i32
            %dma_start3A_109 = tpu.memref_slice %arg3[%dma_start3A_107, %dma_start3A_108] : memref<10000x128xf32, #tpu.memory_space<hbm>> -> memref<10000x128xf32, #tpu.memory_space<hbm>>
            tpu.enqueue_indirect_dma source(%dma_start3A_109 : memref<10000x128xf32, #tpu.memory_space<hbm>>) target(%dma_start3A_103 : memref<128x128xf32, #tpu.memory_space<vmem>>) offsets(%dma_start3A_106 : memref<128xi32, #tpu.memory_space<vmem>>) semaphore(%arg13 : memref<!tpu.dma_semaphore, #tpu.memory_space<semaphore_mem>>)
          } else {
          }
          %run_scoped3A = arith.constant 0 : i32
          "tpu.region"() ({
            %run_scoped3A_97 = tpu.sem_alloc : memref<!tpu.dma_semaphore, #tpu.memory_space<semaphore_mem>>
            %dma_start3A_98 = arith.constant 0 : i32
            %dma_start3A_99 = arith.constant 0 : i32
            %dma_start3A_100 = tpu.memref_slice %arg12[%run_scoped3A, %dma_start3A_98, %dma_start3A_99] : memref<2x128x128xf32, #tpu.memory_space<vmem>> -> memref<1x128x128xf32, #tpu.memory_space<vmem>>
            %dma_start3A_101 = tpu.memref_squeeze %dma_start3A_100 : memref<1x128x128xf32, #tpu.memory_space<vmem>> -> memref<128x128xf32, #tpu.memory_space<vmem>>
            %dma_start3A_102 = arith.constant 0 : i32
            %dma_start3A_103 = tpu.memref_slice %arg11[%add3A_57, %dma_start3A_102] : memref<16x128xi32, #tpu.memory_space<vmem>> -> memref<1x128xi32, #tpu.memory_space<vmem>>
            %dma_start3A_104 = tpu.memref_squeeze %dma_start3A_103 : memref<1x128xi32, #tpu.memory_space<vmem>> -> memref<128xi32, #tpu.memory_space<vmem>>
            %dma_start3A_105 = arith.constant 0 : i32
            %dma_start3A_106 = arith.constant 0 : i32
            %dma_start3A_107 = tpu.memref_slice %arg9[%dma_start3A_105, %dma_start3A_106] : memref<10016x128xf32, #tpu.memory_space<vmem_shared>> -> memref<10016x128xf32, #tpu.memory_space<vmem_shared>>
            tpu.enqueue_indirect_dma source(%dma_start3A_101 : memref<128x128xf32, #tpu.memory_space<vmem>>) target(%dma_start3A_107 : memref<10016x128xf32, #tpu.memory_space<vmem_shared>>) offsets(%dma_start3A_104 : memref<128xi32, #tpu.memory_space<vmem>>) semaphore(%run_scoped3A_97 : memref<!tpu.dma_semaphore, #tpu.memory_space<semaphore_mem>>) {add = true}
            %dma_wait3A_108 = arith.constant 0 : i32
            %dma_wait3A_109 = arith.constant 0 : i32
            %dma_wait3A_110 = tpu.memref_slice %arg12[%run_scoped3A, %dma_wait3A_108, %dma_wait3A_109] : memref<2x128x128xf32, #tpu.memory_space<vmem>> -> memref<1x128x128xf32, #tpu.memory_space<vmem>>
            %dma_wait3A_111 = tpu.memref_squeeze %dma_wait3A_110 : memref<1x128x128xf32, #tpu.memory_space<vmem>> -> memref<128x128xf32, #tpu.memory_space<vmem>>
            %dma_wait3A_112 = arith.constant 0 : i32
            %dma_wait3A_113 = tpu.memref_slice %arg11[%add3A_57, %dma_wait3A_112] : memref<16x128xi32, #tpu.memory_space<vmem>> -> memref<1x128xi32, #tpu.memory_space<vmem>>
            %dma_wait3A_114 = tpu.memref_squeeze %dma_wait3A_113 : memref<1x128xi32, #tpu.memory_space<vmem>> -> memref<128xi32, #tpu.memory_space<vmem>>
            %dma_wait3A_115 = arith.constant 0 : i32
            %dma_wait3A_116 = arith.constant 0 : i32
            %dma_wait3A_117 = tpu.memref_slice %arg9[%dma_wait3A_115, %dma_wait3A_116] : memref<10016x128xf32, #tpu.memory_space<vmem_shared>> -> memref<10016x128xf32, #tpu.memory_space<vmem_shared>>
            tpu.wait_indirect_dma semaphore(%run_scoped3A_97 : memref<!tpu.dma_semaphore, #tpu.memory_space<semaphore_mem>>) src(%dma_wait3A_111 : memref<128x128xf32, #tpu.memory_space<vmem>>) dst(%dma_wait3A_117 : memref<10016x128xf32, #tpu.memory_space<vmem_shared>>)
            tpu.yield
          }) : () -> ()
          %mul3A_74 = arith.constant 2 : i32
          %mul3A_75 = arith.muli %mul3A_74, %scan3A_53 : i32
          %add3A_76 = arith.constant 1 : i32
          %add3A_77 = arith.addi %mul3A_75, %add3A_76 : i32
          %dma_wait3A_78 = arith.constant 1 : i32
          %dma_wait3A_79 = arith.constant 0 : i32
          %dma_wait3A_80 = arith.constant 0 : i32
          %dma_wait3A_81 = tpu.memref_slice %arg12[%dma_wait3A_78, %dma_wait3A_79, %dma_wait3A_80] : memref<2x128x128xf32, #tpu.memory_space<vmem>> -> memref<1x128x128xf32, #tpu.memory_space<vmem>>
          %dma_wait3A_82 = tpu.memref_squeeze %dma_wait3A_81 : memref<1x128x128xf32, #tpu.memory_space<vmem>> -> memref<128x128xf32, #tpu.memory_space<vmem>>
          %dma_wait3A_83 = arith.constant 0 : i32
          %dma_wait3A_84 = tpu.memref_slice %arg10[%add3A_77, %dma_wait3A_83] : memref<16x128xi32, #tpu.memory_space<vmem>> -> memref<1x128xi32, #tpu.memory_space<vmem>>
          %dma_wait3A_85 = tpu.memref_squeeze %dma_wait3A_84 : memref<1x128xi32, #tpu.memory_space<vmem>> -> memref<128xi32, #tpu.memory_space<vmem>>
          %dma_wait3A_86 = arith.constant 0 : i32
          %dma_wait3A_87 = arith.constant 0 : i32
          %dma_wait3A_88 = tpu.memref_slice %arg3[%dma_wait3A_86, %dma_wait3A_87] : memref<10000x128xf32, #tpu.memory_space<hbm>> -> memref<10000x128xf32, #tpu.memory_space<hbm>>
          tpu.wait_indirect_dma semaphore(%arg13 : memref<!tpu.dma_semaphore, #tpu.memory_space<semaphore_mem>>) src(%dma_wait3A_88 : memref<10000x128xf32, #tpu.memory_space<hbm>>) dst(%dma_wait3A_82 : memref<128x128xf32, #tpu.memory_space<vmem>>)
          %add3A_89 = arith.constant 1 : i32
          %add3A_90 = arith.addi %add3A_77, %add3A_89 : i32
          %lt3A_91 = arith.constant 16 : i32
          %lt3A_92 = arith.cmpi slt, %add3A_90, %lt3A_91 : i32
          %convert_element_type3A_93 = arith.extui %lt3A_92 : i1 to i32
          %cond3A_94 = arith.constant 0 : i32
          %cond3A_95 = arith.cmpi ne, %convert_element_type3A_93, %cond3A_94 : i32
          scf.if %cond3A_95 {
            %add3A_97 = arith.constant 1 : i32
            %add3A_98 = arith.addi %add3A_77, %add3A_97 : i32
            %dma_start3A_99 = arith.constant 0 : i32
            %dma_start3A_100 = arith.constant 0 : i32
            %dma_start3A_101 = arith.constant 0 : i32
            %dma_start3A_102 = tpu.memref_slice %arg12[%dma_start3A_99, %dma_start3A_100, %dma_start3A_101] : memref<2x128x128xf32, #tpu.memory_space<vmem>> -> memref<1x128x128xf32, #tpu.memory_space<vmem>>
            %dma_start3A_103 = tpu.memref_squeeze %dma_start3A_102 : memref<1x128x128xf32, #tpu.memory_space<vmem>> -> memref<128x128xf32, #tpu.memory_space<vmem>>
            %dma_start3A_104 = arith.constant 0 : i32
            %dma_start3A_105 = tpu.memref_slice %arg10[%add3A_98, %dma_start3A_104] : memref<16x128xi32, #tpu.memory_space<vmem>> -> memref<1x128xi32, #tpu.memory_space<vmem>>
            %dma_start3A_106 = tpu.memref_squeeze %dma_start3A_105 : memref<1x128xi32, #tpu.memory_space<vmem>> -> memref<128xi32, #tpu.memory_space<vmem>>
            %dma_start3A_107 = arith.constant 0 : i32
            %dma_start3A_108 = arith.constant 0 : i32
            %dma_start3A_109 = tpu.memref_slice %arg3[%dma_start3A_107, %dma_start3A_108] : memref<10000x128xf32, #tpu.memory_space<hbm>> -> memref<10000x128xf32, #tpu.memory_space<hbm>>
            tpu.enqueue_indirect_dma source(%dma_start3A_109 : memref<10000x128xf32, #tpu.memory_space<hbm>>) target(%dma_start3A_103 : memref<128x128xf32, #tpu.memory_space<vmem>>) offsets(%dma_start3A_106 : memref<128xi32, #tpu.memory_space<vmem>>) semaphore(%arg13 : memref<!tpu.dma_semaphore, #tpu.memory_space<semaphore_mem>>)
          } else {
          }
          %run_scoped3A_96 = arith.constant 1 : i32
          "tpu.region"() ({
            %run_scoped3A_97 = tpu.sem_alloc : memref<!tpu.dma_semaphore, #tpu.memory_space<semaphore_mem>>
            %dma_start3A_98 = arith.constant 0 : i32
            %dma_start3A_99 = arith.constant 0 : i32
            %dma_start3A_100 = tpu.memref_slice %arg12[%run_scoped3A_96, %dma_start3A_98, %dma_start3A_99] : memref<2x128x128xf32, #tpu.memory_space<vmem>> -> memref<1x128x128xf32, #tpu.memory_space<vmem>>
            %dma_start3A_101 = tpu.memref_squeeze %dma_start3A_100 : memref<1x128x128xf32, #tpu.memory_space<vmem>> -> memref<128x128xf32, #tpu.memory_space<vmem>>
            %dma_start3A_102 = arith.constant 0 : i32
            %dma_start3A_103 = tpu.memref_slice %arg11[%add3A_77, %dma_start3A_102] : memref<16x128xi32, #tpu.memory_space<vmem>> -> memref<1x128xi32, #tpu.memory_space<vmem>>
            %dma_start3A_104 = tpu.memref_squeeze %dma_start3A_103 : memref<1x128xi32, #tpu.memory_space<vmem>> -> memref<128xi32, #tpu.memory_space<vmem>>
            %dma_start3A_105 = arith.constant 0 : i32
            %dma_start3A_106 = arith.constant 0 : i32
            %dma_start3A_107 = tpu.memref_slice %arg9[%dma_start3A_105, %dma_start3A_106] : memref<10016x128xf32, #tpu.memory_space<vmem_shared>> -> memref<10016x128xf32, #tpu.memory_space<vmem_shared>>
            tpu.enqueue_indirect_dma source(%dma_start3A_101 : memref<128x128xf32, #tpu.memory_space<vmem>>) target(%dma_start3A_107 : memref<10016x128xf32, #tpu.memory_space<vmem_shared>>) offsets(%dma_start3A_104 : memref<128xi32, #tpu.memory_space<vmem>>) semaphore(%run_scoped3A_97 : memref<!tpu.dma_semaphore, #tpu.memory_space<semaphore_mem>>) {add = true}
            %dma_wait3A_108 = arith.constant 0 : i32
            %dma_wait3A_109 = arith.constant 0 : i32
            %dma_wait3A_110 = tpu.memref_slice %arg12[%run_scoped3A_96, %dma_wait3A_108, %dma_wait3A_109] : memref<2x128x128xf32, #tpu.memory_space<vmem>> -> memref<1x128x128xf32, #tpu.memory_space<vmem>>
            %dma_wait3A_111 = tpu.memref_squeeze %dma_wait3A_110 : memref<1x128x128xf32, #tpu.memory_space<vmem>> -> memref<128x128xf32, #tpu.memory_space<vmem>>
            %dma_wait3A_112 = arith.constant 0 : i32
            %dma_wait3A_113 = tpu.memref_slice %arg11[%add3A_77, %dma_wait3A_112] : memref<16x128xi32, #tpu.memory_space<vmem>> -> memref<1x128xi32, #tpu.memory_space<vmem>>
            %dma_wait3A_114 = tpu.memref_squeeze %dma_wait3A_113 : memref<1x128xi32, #tpu.memory_space<vmem>> -> memref<128xi32, #tpu.memory_space<vmem>>
            %dma_wait3A_115 = arith.constant 0 : i32
            %dma_wait3A_116 = arith.constant 0 : i32
            %dma_wait3A_117 = tpu.memref_slice %arg9[%dma_wait3A_115, %dma_wait3A_116] : memref<10016x128xf32, #tpu.memory_space<vmem_shared>> -> memref<10016x128xf32, #tpu.memory_space<vmem_shared>>
            tpu.wait_indirect_dma semaphore(%run_scoped3A_97 : memref<!tpu.dma_semaphore, #tpu.memory_space<semaphore_mem>>) src(%dma_wait3A_111 : memref<128x128xf32, #tpu.memory_space<vmem>>) dst(%dma_wait3A_117 : memref<10016x128xf32, #tpu.memory_space<vmem_shared>>)
            tpu.yield
          }) : () -> ()
        }
        %scan3A_52 = arith.constant 8 : i32
      }
      %scan3A_30 = arith.constant 5 : i32
    } else {
    }
    %barrier3A_15 = arith.constant 0 : index
    tpu.barrier barrier_id(%barrier3A_15)
    %eq3A_16 = arith.constant 0 : i32
    %eq3A_17 = arith.cmpi eq, %arg0, %eq3A_16 : i32
    %convert_element_type3A_18 = arith.extui %eq3A_17 : i1 to i32
    %cond3A_19 = arith.constant 0 : i32
    %cond3A_20 = arith.cmpi ne, %convert_element_type3A_18, %cond3A_19 : i32
    scf.if %cond3A_20 {
      %mul3A_26 = arith.constant 624 : i32
      %mul3A_27 = arith.muli %arg1, %mul3A_26 : i32
      %mul3A_28 = arith.constant 624 : i32
      %mul3A_29 = arith.muli %arg1, %mul3A_28 : i32
      "tpu.region"() ({
        %run_scoped3A = tpu.sem_alloc : memref<!tpu.dma_semaphore, #tpu.memory_space<semaphore_mem>>
        %dma_start3A = arith.constant 0 : i32
        %dma_start3A_35 = tpu.memref_slice %arg7[%mul3A_29, %dma_start3A] : memref<10000x128xf32, #tpu.memory_space<hbm>> -> memref<624x128xf32, #tpu.memory_space<hbm>>
        %dma_start3A_36 = arith.constant 0 : i32
        %dma_start3A_37 = tpu.memref_slice %arg9[%mul3A_27, %dma_start3A_36] : memref<10016x128xf32, #tpu.memory_space<vmem_shared>> -> memref<624x128xf32, #tpu.memory_space<vmem_shared>>
        tpu.enqueue_dma source(%dma_start3A_37 : memref<624x128xf32, #tpu.memory_space<vmem_shared>>) target(%dma_start3A_35 : memref<624x128xf32, #tpu.memory_space<hbm>>) target_semaphore(%run_scoped3A : memref<!tpu.dma_semaphore, #tpu.memory_space<semaphore_mem>>)
        %dma_wait3A = arith.constant 0 : i32
        %dma_wait3A_38 = tpu.memref_slice %arg7[%mul3A_29, %dma_wait3A] : memref<10000x128xf32, #tpu.memory_space<hbm>> -> memref<624x128xf32, #tpu.memory_space<hbm>>
        %dma_wait3A_39 = arith.constant 0 : i32
        %dma_wait3A_40 = tpu.memref_slice %arg9[%mul3A_27, %dma_wait3A_39] : memref<10016x128xf32, #tpu.memory_space<vmem_shared>> -> memref<624x128xf32, #tpu.memory_space<vmem_shared>>
        tpu.wait_dma2 semaphore(%run_scoped3A : memref<!tpu.dma_semaphore, #tpu.memory_space<semaphore_mem>>) src(%dma_wait3A_40 : memref<624x128xf32, #tpu.memory_space<vmem_shared>>) dst(%dma_wait3A_38 : memref<624x128xf32, #tpu.memory_space<hbm>>)
        tpu.yield
      }) : () -> ()
      %eq3A_30 = arith.constant 15 : i32
      %eq3A_31 = arith.cmpi eq, %arg1, %eq3A_30 : i32
      %convert_element_type3A_32 = arith.extui %eq3A_31 : i1 to i32
      %cond3A_33 = arith.constant 0 : i32
      %cond3A_34 = arith.cmpi ne, %convert_element_type3A_32, %cond3A_33 : i32
      scf.if %cond3A_34 {
        "tpu.region"() ({
          %run_scoped3A = tpu.sem_alloc : memref<!tpu.dma_semaphore, #tpu.memory_space<semaphore_mem>>
          %dma_start3A = arith.constant 9984 : i32
          %dma_start3A_35 = arith.constant 0 : i32
          %dma_start3A_36 = tpu.memref_slice %arg7[%dma_start3A, %dma_start3A_35] : memref<10000x128xf32, #tpu.memory_space<hbm>> -> memref<16x128xf32, #tpu.memory_space<hbm>>
          %dma_start3A_37 = arith.constant 9984 : i32
          %dma_start3A_38 = arith.constant 0 : i32
          %dma_start3A_39 = tpu.memref_slice %arg9[%dma_start3A_37, %dma_start3A_38] : memref<10016x128xf32, #tpu.memory_space<vmem_shared>> -> memref<16x128xf32, #tpu.memory_space<vmem_shared>>
          tpu.enqueue_dma source(%dma_start3A_39 : memref<16x128xf32, #tpu.memory_space<vmem_shared>>) target(%dma_start3A_36 : memref<16x128xf32, #tpu.memory_space<hbm>>) target_semaphore(%run_scoped3A : memref<!tpu.dma_semaphore, #tpu.memory_space<semaphore_mem>>)
          %dma_wait3A = arith.constant 9984 : i32
          %dma_wait3A_40 = arith.constant 0 : i32
          %dma_wait3A_41 = tpu.memref_slice %arg7[%dma_wait3A, %dma_wait3A_40] : memref<10000x128xf32, #tpu.memory_space<hbm>> -> memref<16x128xf32, #tpu.memory_space<hbm>>
          %dma_wait3A_42 = arith.constant 9984 : i32
          %dma_wait3A_43 = arith.constant 0 : i32
          %dma_wait3A_44 = tpu.memref_slice %arg9[%dma_wait3A_42, %dma_wait3A_43] : memref<10016x128xf32, #tpu.memory_space<vmem_shared>> -> memref<16x128xf32, #tpu.memory_space<vmem_shared>>
          tpu.wait_dma2 semaphore(%run_scoped3A : memref<!tpu.dma_semaphore, #tpu.memory_space<semaphore_mem>>) src(%dma_wait3A_44 : memref<16x128xf32, #tpu.memory_space<vmem_shared>>) dst(%dma_wait3A_41 : memref<16x128xf32, #tpu.memory_space<hbm>>)
          tpu.yield
        }) : () -> ()
      } else {
      }
    } else {
    }
    %eq3A_21 = arith.constant 1 : i32
    %eq3A_22 = arith.cmpi eq, %arg0, %eq3A_21 : i32
    %convert_element_type3A_23 = arith.extui %eq3A_22 : i1 to i32
    %cond3A_24 = arith.constant 0 : i32
    %cond3A_25 = arith.cmpi ne, %convert_element_type3A_23, %cond3A_24 : i32
    scf.if %cond3A_25 {
      %mul3A_26 = arith.constant 624 : i32
      %mul3A_27 = arith.muli %arg1, %mul3A_26 : i32
      %mul3A_28 = arith.constant 624 : i32
      %mul3A_29 = arith.muli %arg1, %mul3A_28 : i32
      "tpu.region"() ({
        %run_scoped3A = tpu.sem_alloc : memref<!tpu.dma_semaphore, #tpu.memory_space<semaphore_mem>>
        %dma_start3A = arith.constant 0 : i32
        %dma_start3A_35 = tpu.memref_slice %arg8[%mul3A_29, %dma_start3A] : memref<10000x128xf32, #tpu.memory_space<hbm>> -> memref<624x128xf32, #tpu.memory_space<hbm>>
        %dma_start3A_36 = arith.constant 0 : i32
        %dma_start3A_37 = tpu.memref_slice %arg9[%mul3A_27, %dma_start3A_36] : memref<10016x128xf32, #tpu.memory_space<vmem_shared>> -> memref<624x128xf32, #tpu.memory_space<vmem_shared>>
        tpu.enqueue_dma source(%dma_start3A_37 : memref<624x128xf32, #tpu.memory_space<vmem_shared>>) target(%dma_start3A_35 : memref<624x128xf32, #tpu.memory_space<hbm>>) target_semaphore(%run_scoped3A : memref<!tpu.dma_semaphore, #tpu.memory_space<semaphore_mem>>)
        %dma_wait3A = arith.constant 0 : i32
        %dma_wait3A_38 = tpu.memref_slice %arg8[%mul3A_29, %dma_wait3A] : memref<10000x128xf32, #tpu.memory_space<hbm>> -> memref<624x128xf32, #tpu.memory_space<hbm>>
        %dma_wait3A_39 = arith.constant 0 : i32
        %dma_wait3A_40 = tpu.memref_slice %arg9[%mul3A_27, %dma_wait3A_39] : memref<10016x128xf32, #tpu.memory_space<vmem_shared>> -> memref<624x128xf32, #tpu.memory_space<vmem_shared>>
        tpu.wait_dma2 semaphore(%run_scoped3A : memref<!tpu.dma_semaphore, #tpu.memory_space<semaphore_mem>>) src(%dma_wait3A_40 : memref<624x128xf32, #tpu.memory_space<vmem_shared>>) dst(%dma_wait3A_38 : memref<624x128xf32, #tpu.memory_space<hbm>>)
        tpu.yield
      }) : () -> ()
      %eq3A_30 = arith.constant 15 : i32
      %eq3A_31 = arith.cmpi eq, %arg1, %eq3A_30 : i32
      %convert_element_type3A_32 = arith.extui %eq3A_31 : i1 to i32
      %cond3A_33 = arith.constant 0 : i32
      %cond3A_34 = arith.cmpi ne, %convert_element_type3A_32, %cond3A_33 : i32
      scf.if %cond3A_34 {
        "tpu.region"() ({
          %run_scoped3A = tpu.sem_alloc : memref<!tpu.dma_semaphore, #tpu.memory_space<semaphore_mem>>
          %dma_start3A = arith.constant 9984 : i32
          %dma_start3A_35 = arith.constant 0 : i32
          %dma_start3A_36 = tpu.memref_slice %arg8[%dma_start3A, %dma_start3A_35] : memref<10000x128xf32, #tpu.memory_space<hbm>> -> memref<16x128xf32, #tpu.memory_space<hbm>>
          %dma_start3A_37 = arith.constant 9984 : i32
          %dma_start3A_38 = arith.constant 0 : i32
          %dma_start3A_39 = tpu.memref_slice %arg9[%dma_start3A_37, %dma_start3A_38] : memref<10016x128xf32, #tpu.memory_space<vmem_shared>> -> memref<16x128xf32, #tpu.memory_space<vmem_shared>>
          tpu.enqueue_dma source(%dma_start3A_39 : memref<16x128xf32, #tpu.memory_space<vmem_shared>>) target(%dma_start3A_36 : memref<16x128xf32, #tpu.memory_space<hbm>>) target_semaphore(%run_scoped3A : memref<!tpu.dma_semaphore, #tpu.memory_space<semaphore_mem>>)
          %dma_wait3A = arith.constant 9984 : i32
          %dma_wait3A_40 = arith.constant 0 : i32
          %dma_wait3A_41 = tpu.memref_slice %arg8[%dma_wait3A, %dma_wait3A_40] : memref<10000x128xf32, #tpu.memory_space<hbm>> -> memref<16x128xf32, #tpu.memory_space<hbm>>
          %dma_wait3A_42 = arith.constant 9984 : i32
          %dma_wait3A_43 = arith.constant 0 : i32
          %dma_wait3A_44 = tpu.memref_slice %arg9[%dma_wait3A_42, %dma_wait3A_43] : memref<10016x128xf32, #tpu.memory_space<vmem_shared>> -> memref<16x128xf32, #tpu.memory_space<vmem_shared>>
          tpu.wait_dma2 semaphore(%run_scoped3A : memref<!tpu.dma_semaphore, #tpu.memory_space<semaphore_mem>>) src(%dma_wait3A_44 : memref<16x128xf32, #tpu.memory_space<vmem_shared>>) dst(%dma_wait3A_41 : memref<16x128xf32, #tpu.memory_space<hbm>>)
          tpu.yield
        }) : () -> ()
      } else {
      }
    } else {
    }
    return
  }
}

module attributes {stable_mosaic.version = 14 : i64} {
  func.func @_update_body(%arg0: i32, %arg1: memref<1000x128xf32, #tpu.memory_space<vmem>>, %arg2: memref<1000x128xf32, #tpu.memory_space<vmem>>, %arg3: memref<1000x128xf32, #tpu.memory_space<vmem>>, %arg4: memref<1000x128xf32, #tpu.memory_space<vmem>>, %arg5: memref<1000x128xf32, #tpu.memory_space<vmem>>, %arg6: memref<1000x128xf32, #tpu.memory_space<vmem>>, %arg7: memref<128x256xf32, #tpu.memory_space<vmem>>, %arg8: memref<256x256xf32, #tpu.memory_space<vmem>>, %arg9: memref<1x256xf32, #tpu.memory_space<vmem>>, %arg10: memref<1000x128xf32, #tpu.memory_space<vmem>>, %arg11: memref<1000x128xf32, #tpu.memory_space<vmem>>) attributes {dimension_semantics = [#tpu.dimension_semantics<arbitrary>], iteration_bounds = array<i64: 10>, scalar_prefetch = 0 : i64, scratch_operands = 0 : i64, tpu.core_type = #tpu.core_type<tc>, window_params = [{transform_indices = @transform_0, window_bounds = array<i64: 1000, 128>}, {transform_indices = @transform_1, window_bounds = array<i64: 1000, 128>}, {transform_indices = @transform_2, window_bounds = array<i64: 1000, 128>}, {transform_indices = @transform_3, window_bounds = array<i64: 1000, 128>}, {transform_indices = @transform_4, window_bounds = array<i64: 1000, 128>}, {transform_indices = @transform_5, window_bounds = array<i64: 1000, 128>}, {pipeline_mode = #tpu.pipeline_mode<synchronous>, transform_indices = @transform_6, window_bounds = array<i64: 128, 256>}, {pipeline_mode = #tpu.pipeline_mode<synchronous>, transform_indices = @transform_7, window_bounds = array<i64: 256, 256>}, {pipeline_mode = #tpu.pipeline_mode<synchronous>, transform_indices = @transform_8, window_bounds = array<i64: 1, 256>}, {transform_indices = @transform_9, window_bounds = array<i64: 1000, 128>}, {transform_indices = @transform_10, window_bounds = array<i64: 1000, 128>}]} {
    %get3A = arith.constant 0 : index
    %get3A_0 = arith.constant 0 : index
    %get3A_1 = vector.load %arg5[%get3A, %get3A_0] : memref<1000x128xf32, #tpu.memory_space<vmem>>, vector<1000x128xf32>
    %get3A_2 = arith.constant 0 : index
    %get3A_3 = arith.constant 0 : index
    %get3A_4 = vector.load %arg6[%get3A_2, %get3A_3] : memref<1000x128xf32, #tpu.memory_space<vmem>>, vector<1000x128xf32>
    %add3A = arith.addf %get3A_1, %get3A_4 : vector<1000x128xf32>
    %get3A_5 = arith.constant 0 : index
    %get3A_6 = arith.constant 0 : index
    %get3A_7 = vector.load %arg7[%get3A_5, %get3A_6] : memref<128x256xf32, #tpu.memory_space<vmem>>, vector<128x256xf32>
    %dot_general3A = arith.constant dense<0.000000e+00> : vector<1000x256xf32>
    %dot_general3A_8 = tpu.matmul %add3A, %get3A_7, %dot_general3A {dimension_numbers = #tpu.dot_dimension_numbers<[1], [0], [0], [1], [0, 0, 1, 1], [], []>, transpose_lhs_hint = false} : vector<1000x128xf32>, vector<128x256xf32>, vector<1000x256xf32> -> vector<1000x256xf32>
    %get3A_9 = arith.constant 0 : index
    %get3A_10 = arith.constant 0 : index
    %get3A_11 = vector.load %arg1[%get3A_9, %get3A_10] : memref<1000x128xf32, #tpu.memory_space<vmem>>, vector<1000x128xf32>
    %get3A_12 = arith.constant 0 : index
    %get3A_13 = arith.constant 0 : index
    %get3A_14 = vector.load %arg3[%get3A_12, %get3A_13] : memref<1000x128xf32, #tpu.memory_space<vmem>>, vector<1000x128xf32>
    %add3A_15 = arith.addf %get3A_11, %get3A_14 : vector<1000x128xf32>
    %slice3A = vector.extract_strided_slice %dot_general3A_8 {offsets = [0, 0], sizes = [1000, 128], strides = [1, 1]} : vector<1000x256xf32> to vector<1000x128xf32>
    %add3A_16 = arith.addf %add3A_15, %slice3A : vector<1000x128xf32>
    %get3A_17 = arith.constant 0 : index
    %get3A_18 = arith.constant 0 : index
    %get3A_19 = vector.load %arg2[%get3A_17, %get3A_18] : memref<1000x128xf32, #tpu.memory_space<vmem>>, vector<1000x128xf32>
    %get3A_20 = arith.constant 0 : index
    %get3A_21 = arith.constant 0 : index
    %get3A_22 = vector.load %arg4[%get3A_20, %get3A_21] : memref<1000x128xf32, #tpu.memory_space<vmem>>, vector<1000x128xf32>
    %add3A_23 = arith.addf %get3A_19, %get3A_22 : vector<1000x128xf32>
    %slice3A_24 = vector.extract_strided_slice %dot_general3A_8 {offsets = [0, 128], sizes = [1000, 128], strides = [1, 1]} : vector<1000x256xf32> to vector<1000x128xf32>
    %add3A_25 = arith.addf %add3A_23, %slice3A_24 : vector<1000x128xf32>
    %concatenate3A = tpu.concatenate %add3A_16, %add3A_25 in 1 : vector<1000x128xf32>, vector<1000x128xf32> -> vector<1000x256xf32>
    %get3A_26 = arith.constant 0 : index
    %get3A_27 = arith.constant 0 : index
    %get3A_28 = vector.load %arg8[%get3A_26, %get3A_27] : memref<256x256xf32, #tpu.memory_space<vmem>>, vector<256x256xf32>
    %dot_general3A_29 = arith.constant dense<0.000000e+00> : vector<1000x256xf32>
    %dot_general3A_30 = tpu.matmul %concatenate3A, %get3A_28, %dot_general3A_29 {dimension_numbers = #tpu.dot_dimension_numbers<[1], [0], [0], [1], [0, 0, 1, 1], [], []>, transpose_lhs_hint = false} : vector<1000x256xf32>, vector<256x256xf32>, vector<1000x256xf32> -> vector<1000x256xf32>
    %get3A_31 = arith.constant 0 : index
    %get3A_32 = arith.constant 0 : index
    %get3A_33 = vector.load %arg9[%get3A_31, %get3A_32] : memref<1x256xf32, #tpu.memory_space<vmem>>, vector<1x256xf32>
    %add3A_34 = vector.broadcast %get3A_33 : vector<1x256xf32> to vector<1000x256xf32>
    %add3A_35 = arith.addf %dot_general3A_30, %add3A_34 : vector<1000x256xf32>
    %max3A = arith.constant 0.000000e+00 : f32
    %max3A_36 = vector.broadcast %max3A : f32 to vector<1000x256xf32>
    %max3A_37 = arith.maximumf %add3A_35, %max3A_36 : vector<1000x256xf32>
    %slice3A_38 = vector.extract_strided_slice %max3A_37 {offsets = [0, 0], sizes = [1000, 128], strides = [1, 1]} : vector<1000x256xf32> to vector<1000x128xf32>
    %swap3A = arith.constant 0 : index
    %swap3A_39 = arith.constant 0 : index
    %swap3A_40 = vector.load %arg10[%swap3A, %swap3A_39] : memref<1000x128xf32, #tpu.memory_space<vmem>>, vector<1000x128xf32>
    tpu.vector_store %arg10[%swap3A, %swap3A_39], %slice3A_38 {strides = array<i32>} : memref<1000x128xf32, #tpu.memory_space<vmem>>, vector<1000x128xf32>,
    %slice3A_41 = vector.extract_strided_slice %max3A_37 {offsets = [0, 128], sizes = [1000, 128], strides = [1, 1]} : vector<1000x256xf32> to vector<1000x128xf32>
    %swap3A_42 = arith.constant 0 : index
    %swap3A_43 = arith.constant 0 : index
    %swap3A_44 = vector.load %arg11[%swap3A_42, %swap3A_43] : memref<1000x128xf32, #tpu.memory_space<vmem>>, vector<1000x128xf32>
    tpu.vector_store %arg11[%swap3A_42, %swap3A_43], %slice3A_41 {strides = array<i32>} : memref<1000x128xf32, #tpu.memory_space<vmem>>, vector<1000x128xf32>,
    return
  }
  func.func @transform_0(%arg0: i32) -> (i32, i32) {
    %c0_i32 = arith.constant 0 : i32
    %c0_i32_0 = arith.constant 0 : i32
    return %arg0, %c0_i32 : i32, i32
  }
  func.func @transform_1(%arg0: i32) -> (i32, i32) {
    %c0_i32 = arith.constant 0 : i32
    %c0_i32_0 = arith.constant 0 : i32
    return %arg0, %c0_i32 : i32, i32
  }
  func.func @transform_2(%arg0: i32) -> (i32, i32) {
    %c0_i32 = arith.constant 0 : i32
    %c0_i32_0 = arith.constant 0 : i32
    return %arg0, %c0_i32 : i32, i32
  }
  func.func @transform_3(%arg0: i32) -> (i32, i32) {
    %c0_i32 = arith.constant 0 : i32
    %c0_i32_0 = arith.constant 0 : i32
    return %arg0, %c0_i32 : i32, i32
  }
  func.func @transform_4(%arg0: i32) -> (i32, i32) {
    %c0_i32 = arith.constant 0 : i32
    %c0_i32_0 = arith.constant 0 : i32
    return %arg0, %c0_i32 : i32, i32
  }
  func.func @transform_5(%arg0: i32) -> (i32, i32) {
    %c0_i32 = arith.constant 0 : i32
    %c0_i32_0 = arith.constant 0 : i32
    return %arg0, %c0_i32 : i32, i32
  }
  func.func @transform_6(%arg0: i32) -> (i32, i32) {
    %c0_i32 = arith.constant 0 : i32
    %c0_i32_0 = arith.constant 0 : i32
    %c0_i32_1 = arith.constant 0 : i32
    return %c0_i32, %c0_i32_0 : i32, i32
  }
  func.func @transform_7(%arg0: i32) -> (i32, i32) {
    %c0_i32 = arith.constant 0 : i32
    %c0_i32_0 = arith.constant 0 : i32
    %c0_i32_1 = arith.constant 0 : i32
    return %c0_i32, %c0_i32_0 : i32, i32
  }
  func.func @transform_8(%arg0: i32) -> (i32, i32) {
    %c0_i32 = arith.constant 0 : i32
    %c0_i32_0 = arith.constant 0 : i32
    %c0_i32_1 = arith.constant 0 : i32
    return %c0_i32, %c0_i32_0 : i32, i32
  }
  func.func @transform_9(%arg0: i32) -> (i32, i32) {
    %c0_i32 = arith.constant 0 : i32
    %c0_i32_0 = arith.constant 0 : i32
    return %arg0, %c0_i32 : i32, i32
  }
  func.func @transform_10(%arg0: i32) -> (i32, i32) {
    %c0_i32 = arith.constant 0 : i32
    %c0_i32_0 = arith.constant 0 : i32
    return %arg0, %c0_i32 : i32, i32
  }
}

module attributes {stable_mosaic.version = 14 : i64} {
  func.func @_pool_body(%arg0: i32, %arg1: memref<1000x128xf32, #tpu.memory_space<vmem>>, %arg2: memref<1000x128xf32, #tpu.memory_space<vmem>>, %arg3: memref<1x1x1000xi32, #tpu.memory_space<vmem>>, %arg4: memref<256x12xf32, #tpu.memory_space<vmem>>, %arg5: memref<1x12xf32, #tpu.memory_space<vmem>>, %arg6: memref<128x12xf32, #tpu.memory_space<vmem>>, %arg7: memref<128x256xf32, #tpu.memory_space<vmem>>, %arg8: memref<128x128xf32, #tpu.memory_space<vmem>>) attributes {dimension_semantics = [#tpu.dimension_semantics<arbitrary>], iteration_bounds = array<i64: 10>, scalar_prefetch = 0 : i64, scratch_operands = 2 : i64, tpu.core_type = #tpu.core_type<tc>, window_params = [{transform_indices = @transform_0, window_bounds = array<i64: 1000, 128>}, {transform_indices = @transform_1, window_bounds = array<i64: 1000, 128>}, {transform_indices = @transform_2, window_bounds = array<i64: 1, 1, 1000>}, {pipeline_mode = #tpu.pipeline_mode<synchronous>, transform_indices = @transform_3, window_bounds = array<i64: 256, 12>}, {pipeline_mode = #tpu.pipeline_mode<synchronous>, transform_indices = @transform_4, window_bounds = array<i64: 1, 12>}, {pipeline_mode = #tpu.pipeline_mode<synchronous>, transform_indices = @transform_5, window_bounds = array<i64: 128, 12>}]} {
    %eq3A = arith.constant 0 : i32
    %eq3A_0 = arith.cmpi eq, %arg0, %eq3A : i32
    %convert_element_type3A = arith.extui %eq3A_0 : i1 to i32
    %cond3A = arith.constant 0 : i32
    %cond3A_1 = arith.cmpi ne, %convert_element_type3A, %cond3A : i32
    scf.if %cond3A_1 {
      %broadcast_in_dim3A_37 = arith.constant 0.000000e+00 : f32
      %broadcast_in_dim3A_38 = vector.broadcast %broadcast_in_dim3A_37 : f32 to vector<128x256xf32>
      %swap3A_39 = arith.constant 0 : index
      %swap3A_40 = arith.constant 0 : index
      %swap3A_41 = vector.load %arg7[%swap3A_39, %swap3A_40] : memref<128x256xf32, #tpu.memory_space<vmem>>, vector<128x256xf32>
      tpu.vector_store %arg7[%swap3A_39, %swap3A_40], %broadcast_in_dim3A_38 {strides = array<i32>} : memref<128x256xf32, #tpu.memory_space<vmem>>, vector<128x256xf32>,
      %broadcast_in_dim3A_42 = arith.constant 0.000000e+00 : f32
      %broadcast_in_dim3A_43 = vector.broadcast %broadcast_in_dim3A_42 : f32 to vector<128x128xf32>
      %swap3A_44 = arith.constant 0 : index
      %swap3A_45 = arith.constant 0 : index
      %swap3A_46 = vector.load %arg8[%swap3A_44, %swap3A_45] : memref<128x128xf32, #tpu.memory_space<vmem>>, vector<128x128xf32>
      tpu.vector_store %arg8[%swap3A_44, %swap3A_45], %broadcast_in_dim3A_43 {strides = array<i32>} : memref<128x128xf32, #tpu.memory_space<vmem>>, vector<128x128xf32>,
    } else {
    }
    %get3A = arith.constant 0 : index
    %get3A_2 = arith.constant 0 : index
    %get3A_3 = arith.constant 0 : index
    %get3A_4 = vector.load %arg3[%get3A, %get3A_2, %get3A_3] : memref<1x1x1000xi32, #tpu.memory_space<vmem>>, vector<1x1x1000xi32>
    %get3A_5 = vector.shape_cast %get3A_4 : vector<1x1x1000xi32> to vector<1x1000xi32>
    %iota3A = tpu.iota {dimensions = array<i32: 0>} : vector<128x1000xi32>
    %eq3A_6 = vector.broadcast %get3A_5 : vector<1x1000xi32> to vector<128x1000xi32>
    %eq3A_7 = arith.cmpi eq, %iota3A, %eq3A_6 : vector<128x1000xi32>
    %convert_element_type3A_8 = arith.extui %eq3A_7 : vector<128x1000xi1> to vector<128x1000xi32>
    %convert_element_type3A_9 = arith.sitofp %convert_element_type3A_8 : vector<128x1000xi32> to vector<128x1000xf32>
    %get3A_10 = arith.constant 0 : index
    %get3A_11 = arith.constant 0 : index
    %get3A_12 = vector.load %arg1[%get3A_10, %get3A_11] : memref<1000x128xf32, #tpu.memory_space<vmem>>, vector<1000x128xf32>
    %get3A_13 = arith.constant 0 : index
    %get3A_14 = arith.constant 0 : index
    %get3A_15 = vector.load %arg2[%get3A_13, %get3A_14] : memref<1000x128xf32, #tpu.memory_space<vmem>>, vector<1000x128xf32>
    %concatenate3A = tpu.concatenate %get3A_12, %get3A_15 in 1 : vector<1000x128xf32>, vector<1000x128xf32> -> vector<1000x256xf32>
    %get3A_16 = arith.constant 0 : index
    %get3A_17 = arith.constant 0 : index
    %get3A_18 = vector.load %arg7[%get3A_16, %get3A_17] : memref<128x256xf32, #tpu.memory_space<vmem>>, vector<128x256xf32>
    %dot_general3A = arith.constant dense<0.000000e+00> : vector<128x256xf32>
    %dot_general3A_19 = tpu.matmul %convert_element_type3A_9, %concatenate3A, %dot_general3A {dimension_numbers = #tpu.dot_dimension_numbers<[1], [0], [0], [1], [0, 0, 1, 1], [], []>, transpose_lhs_hint = false} : vector<128x1000xf32>, vector<1000x256xf32>, vector<128x256xf32> -> vector<128x256xf32>
    %add3A = arith.addf %get3A_18, %dot_general3A_19 : vector<128x256xf32>
    %swap3A = arith.constant 0 : index
    %swap3A_20 = arith.constant 0 : index
    %swap3A_21 = vector.load %arg7[%swap3A, %swap3A_20] : memref<128x256xf32, #tpu.memory_space<vmem>>, vector<128x256xf32>
    tpu.vector_store %arg7[%swap3A, %swap3A_20], %add3A {strides = array<i32>} : memref<128x256xf32, #tpu.memory_space<vmem>>, vector<128x256xf32>,
    %get3A_22 = arith.constant 0 : index
    %get3A_23 = arith.constant 0 : index
    %get3A_24 = vector.load %arg8[%get3A_22, %get3A_23] : memref<128x128xf32, #tpu.memory_space<vmem>>, vector<128x128xf32>
    %broadcast_in_dim3A = arith.constant 1.000000e+00 : f32
    %broadcast_in_dim3A_25 = vector.broadcast %broadcast_in_dim3A : f32 to vector<1000x128xf32>
    %dot_general3A_26 = arith.constant dense<0.000000e+00> : vector<128x128xf32>
    %dot_general3A_27 = tpu.matmul %convert_element_type3A_9, %broadcast_in_dim3A_25, %dot_general3A_26 {dimension_numbers = #tpu.dot_dimension_numbers<[1], [0], [0], [1], [0, 0, 1, 1], [], []>, transpose_lhs_hint = false} : vector<128x1000xf32>, vector<1000x128xf32>, vector<128x128xf32> -> vector<128x128xf32>
    %add3A_28 = arith.addf %get3A_24, %dot_general3A_27 : vector<128x128xf32>
    %swap3A_29 = arith.constant 0 : index
    %swap3A_30 = arith.constant 0 : index
    %swap3A_31 = vector.load %arg8[%swap3A_29, %swap3A_30] : memref<128x128xf32, #tpu.memory_space<vmem>>, vector<128x128xf32>
    tpu.vector_store %arg8[%swap3A_29, %swap3A_30], %add3A_28 {strides = array<i32>} : memref<128x128xf32, #tpu.memory_space<vmem>>, vector<128x128xf32>,
    %eq3A_32 = arith.constant 9 : i32
    %eq3A_33 = arith.cmpi eq, %arg0, %eq3A_32 : i32
    %convert_element_type3A_34 = arith.extui %eq3A_33 : i1 to i32
    %cond3A_35 = arith.constant 0 : i32
    %cond3A_36 = arith.cmpi ne, %convert_element_type3A_34, %cond3A_35 : i32
    scf.if %cond3A_36 {
      %get3A_37 = arith.constant 0 : index
      %get3A_38 = arith.constant 0 : index
      %get3A_39 = vector.load %arg8[%get3A_37, %get3A_38] : memref<128x128xf32, #tpu.memory_space<vmem>>, vector<128x128xf32>
      %max3A = arith.constant 1.000000e+00 : f32
      %max3A_40 = vector.broadcast %max3A : f32 to vector<128x128xf32>
      %max3A_41 = arith.maximumf %get3A_39, %max3A_40 : vector<128x128xf32>
      %div3A = arith.constant 1.000000e+00 : f32
      %div3A_42 = vector.broadcast %div3A : f32 to vector<128x128xf32>
      %div3A_43 = arith.divf %div3A_42, %max3A_41 : vector<128x128xf32>
      %get3A_44 = arith.constant 0 : index
      %get3A_45 = arith.constant 0 : index
      %get3A_46 = vector.load %arg7[%get3A_44, %get3A_45] : memref<128x256xf32, #tpu.memory_space<vmem>>, vector<128x128xf32>
      %mul3A = arith.mulf %get3A_46, %div3A_43 : vector<128x128xf32>
      %get3A_47 = arith.constant 0 : index
      %get3A_48 = arith.constant 128 : index
      %get3A_49 = vector.load %arg7[%get3A_47, %get3A_48] : memref<128x256xf32, #tpu.memory_space<vmem>>, vector<128x128xf32>
      %mul3A_50 = arith.mulf %get3A_49, %div3A_43 : vector<128x128xf32>
      %get3A_51 = arith.constant 0 : index
      %get3A_52 = arith.constant 0 : index
      %get3A_53 = vector.load %arg4[%get3A_51, %get3A_52] : memref<256x12xf32, #tpu.memory_space<vmem>>, vector<128x12xf32>
      %dot_general3A_54 = arith.constant dense<0.000000e+00> : vector<128x12xf32>
      %dot_general3A_55 = tpu.matmul %mul3A, %get3A_53, %dot_general3A_54 {dimension_numbers = #tpu.dot_dimension_numbers<[1], [0], [0], [1], [0, 0, 1, 1], [], []>, transpose_lhs_hint = false} : vector<128x128xf32>, vector<128x12xf32>, vector<128x12xf32> -> vector<128x12xf32>
      %get3A_56 = arith.constant 128 : index
      %get3A_57 = arith.constant 0 : index
      %get3A_58 = vector.load %arg4[%get3A_56, %get3A_57] : memref<256x12xf32, #tpu.memory_space<vmem>>, vector<128x12xf32>
      %dot_general3A_59 = arith.constant dense<0.000000e+00> : vector<128x12xf32>
      %dot_general3A_60 = tpu.matmul %mul3A_50, %get3A_58, %dot_general3A_59 {dimension_numbers = #tpu.dot_dimension_numbers<[1], [0], [0], [1], [0, 0, 1, 1], [], []>, transpose_lhs_hint = false} : vector<128x128xf32>, vector<128x12xf32>, vector<128x12xf32> -> vector<128x12xf32>
      %add3A_61 = arith.addf %dot_general3A_55, %dot_general3A_60 : vector<128x12xf32>
      %get3A_62 = arith.constant 0 : index
      %get3A_63 = arith.constant 0 : index
      %get3A_64 = vector.load %arg5[%get3A_62, %get3A_63] : memref<1x12xf32, #tpu.memory_space<vmem>>, vector<1x12xf32>
      %add3A_65 = vector.broadcast %get3A_64 : vector<1x12xf32> to vector<128x12xf32>
      %add3A_66 = arith.addf %add3A_61, %add3A_65 : vector<128x12xf32>
      %swap3A_67 = arith.constant 0 : index
      %swap3A_68 = arith.constant 0 : index
      %swap3A_69 = vector.load %arg6[%swap3A_67, %swap3A_68] : memref<128x12xf32, #tpu.memory_space<vmem>>, vector<128x12xf32>
      tpu.vector_store %arg6[%swap3A_67, %swap3A_68], %add3A_66 {strides = array<i32>} : memref<128x12xf32, #tpu.memory_space<vmem>>, vector<128x12xf32>,
    } else {
    }
    return
  }
  func.func @transform_0(%arg0: i32) -> (i32, i32) {
    %c0_i32 = arith.constant 0 : i32
    %c0_i32_0 = arith.constant 0 : i32
    return %arg0, %c0_i32 : i32, i32
  }
  func.func @transform_1(%arg0: i32) -> (i32, i32) {
    %c0_i32 = arith.constant 0 : i32
    %c0_i32_0 = arith.constant 0 : i32
    return %arg0, %c0_i32 : i32, i32
  }
  func.func @transform_2(%arg0: i32) -> (i32, i32, i32) {
    %c0_i32 = arith.constant 0 : i32
    %c0_i32_0 = arith.constant 0 : i32
    %c0_i32_1 = arith.constant 0 : i32
    return %arg0, %c0_i32, %c0_i32_0 : i32, i32, i32
  }
  func.func @transform_3(%arg0: i32) -> (i32, i32) {
    %c0_i32 = arith.constant 0 : i32
    %c0_i32_0 = arith.constant 0 : i32
    %c0_i32_1 = arith.constant 0 : i32
    return %c0_i32, %c0_i32_0 : i32, i32
  }
  func.func @transform_4(%arg0: i32) -> (i32, i32) {
    %c0_i32 = arith.constant 0 : i32
    %c0_i32_0 = arith.constant 0 : i32
    %c0_i32_1 = arith.constant 0 : i32
    return %c0_i32, %c0_i32_0 : i32, i32
  }
  func.func @transform_5(%arg0: i32) -> (i32, i32) {
    %c0_i32 = arith.constant 0 : i32
    %c0_i32_0 = arith.constant 0 : i32
    %c0_i32_1 = arith.constant 0 : i32
    return %c0_i32, %c0_i32_0 : i32, i32
  }
}

</mosaic_0001>

<sc_bundles>
// kernel: kernel.11.cloned.1.call-start
scs
__scs_entry_jumppad:
0x0: {  	(pc) =	sbr.rel $0x88, $3  }
0x1: {  	(tag) =	ssettag $0x0;
	lr =	simm.s32 $0x1  }
0x2: {  	[smem:$0x3F96] =	sst lr;
	_ =	strace $0xD0000000  }
0x3: {  	_ = 	snop  }
0x4: {  	_ = 	snop  }
0x5: {  	_ = 	snop  }
0x6: {  	_ = 	snop  }
0x7: {  	_ = 	snop  }
__scs_overlays_trampoline_lowered:
0x8: {  	[smem:$0x3FA5] =	sst s0  }
0x9: {  	[smem:$0x3FA6] =	sst s1  }
0xa: {  	[smem:$0x3FA7] =	sst s2  }
0xb: {  	[smem:$0x3FA8] =	sst s3  }
0xc: {  	[smem:$0x3FA9] =	sst s4  }
0xd: {  	[smem:$0x3FAA] =	sst s5  }
0xe: {  	[smem:$0x3FAB] =	sst s6  }
0xf: {  	[smem:$0x3FAC] =	sst s7  }
0x10: {  	[smem:$0x3FAD] =	sst s8  }
0x11: {  	[smem:$0x3FAE] =	sst s9;
	s0 =	simm.s32 @!p0 $0x0  }
0x12: {  	s1 =	sld [smem:$0x3F94];
	s0 =	simm.s32 @p0 $0x1  }
0x13: {  	[smem:$0x3FAF] =	sst s0;
	s0 =	simm.s32 @!p1 $0x0  }
0x14: {  	s2 =	sld [smem:$0x3F93];
	s0 =	simm.s32 @p1 $0x1  }
0x15: {  	[smem:$0x3FB0] =	sst s0;
	s0 =	simm.s32 @!p2 $0x0  }
0x16: {  	s3 =	sld [smem:$0x3FDB];
	s0 =	simm.s32 @p2 $0x1  }
0x17: {  	s4 =	simm.s32 $0x1BF5;
	[smem:$0x3FB2] =	sst s0  }
0x18: {  	s0 =	sld [smem:$0x3F95];
	_ =	swait.ge [sflag:s4], $0x0  }
0x19: {  	s7 =	sld [smem:$0x3F96]  }
0x1a: {  	s8 =	sadd.s32 $0xFFFFE003, lr  }
0x1b: {  	s9 =	sadd.s32 $0xFFFFFEF7, lr;
	s5 =	simm.s32 $0xFFFFFFFF;
	p2 =	slt.u32 s8, $0xFFFFF086  }
0x1c: {  	p1 =	slt.u32 s9, $0xF7A;
	s5 =	simm.s32 @!p2 $0x0  }
0x1d: {  	s5 =	simm.s32 @p1 $0x1;
	p0 =	seq.s32 s7, s2  }
0x1e: {  	s7 =	smul.u32 @!p0 $0xF7A, s2;
	p2 =	seq.s32 @!p0 s5, $0x0  }
0x1f: {  	s9 =	smul.u32 $0xF7A, s1;
	s8 =	simm.s32 @!p0 $0x1BF5;
	p2 =	por !p2, p0  }
0x20: {  	[sflag:s8] =	ssyncset.s32 @!p0 $0xFFFFF086;
	s6 =	sadd.s32 @!p0 s3, s7;
	s7 =	simm.s32 @!p0 $0x108  }
0x21: {  	s3 =	sadd.s32 s3, s9;
	s6 =	sadd.s32 @!p0 $0x88, s6;
	s7 =	simm.s32 @p2 $0x1082  }
0x22: {  	[simem:s7], [sflag:s8] =	dma.local @!p0 [hbm:s6], $0xF7A  }
0x23: {  	s9 =	sor.u32 $0xD0000000, s2;
	s6 =	simm.s32 $0x108;
	_ =	swait.ge @!p0 [sflag:s8], $0x0  }
0x24: {  	s3 =	sadd.s32 $0x88, s3;
	s6 =	simm.s32 @!p1 $0x1082;
	[sflag:s4] =	ssyncset.s32 $0xFFFFF086  }
0x25: {  	[simem:s6], [sflag:s4] =	dma.local [hbm:s3], $0xF7A  }
0x26: {  	[smem:$0x3F96] =	sst s1;
	(tag) =	ssettag s2;
	_ =	strace s9  }
0x27: {  	s1 =	sld [smem:$0x3FA6]  }
0x28: {  	s2 =	sld [smem:$0x3FA7]  }
0x29: {  	s4 =	sld [smem:$0x3FA9]  }
0x2a: {  	p0 =	seq.s32 s5, $0x0;
	s5 =	sld [smem:$0x3FAA]  }
0x2b: {  	s6 =	sld [smem:$0x3FAB]  }
0x2c: {  	s7 =	sld [smem:$0x3FAC]  }
0x2d: {  	s3 =	simm.s32 $0x108;
	s8 =	sld [smem:$0x3FAD]  }
0x2e: {  	s3 =	simm.s32 @!p0 $0x1082;
	s9 =	sld [smem:$0x3FAE]  }
0x2f: {  	lr =	sadd.s32 s0, s3;
	s0 =	sld [smem:$0x3FA5]  }
0x30: {  	s3 =	sld [smem:$0x3FA8]  }
0x31: {  	[smem:$0x3FB1] =	sst s10  }
0x32: {  	s10 =	sld [smem:$0x3FAF];
	_ =	sdelay $0x3  }
0x33: {  	p0 =	seq.s32 s10, $0x1;
	s10 =	sld [smem:$0x3FB1];
	_ =	sdelay $0x3  }
0x34: {  	[smem:$0x3FB1] =	sst s10  }
0x35: {  	s10 =	sld [smem:$0x3FB0];
	_ =	sdelay $0x3  }
0x36: {  	p1 =	seq.s32 s10, $0x1;
	s10 =	sld [smem:$0x3FB1];
	_ =	sdelay $0x3  }
0x37: {  	[smem:$0x3FB1] =	sst s10  }
0x38: {  	s10 =	sld [smem:$0x3FB2]  }
0x39: {  	_ = 	snop;
	(pc) =	sbr.ind lr, $3  }
0x3a: {  	_ = 	snop  }
0x3b: {  	_ = 	snop  }
0x3c: {  	p2 =	seq.s32 s10, $0x1;
	s10 =	sld [smem:$0x3FB1]  }
0x3d: {  	_ =	shalt  }
0x3e: {  	_ =	shalt  }
0x3f: {  	_ =	shalt  }
0x40: {  	_ =	shalt  }
0x41: {  	_ =	shalt  }
0x42: {  	_ =	shalt  }
0x43: {  	_ =	shalt  }
0x44: {  	_ =	shalt  }
0x45: {  	_ =	shalt  }
0x46: {  	_ =	shalt  }
0x47: {  	_ =	shalt  }
0x48: {  	_ =	shalt  }
0x49: {  	_ =	shalt  }
0x4a: {  	_ =	shalt  }
0x4b: {  	_ =	shalt  }
0x4c: {  	_ =	shalt  }
0x4d: {  	_ =	shalt  }
0x4e: {  	_ =	shalt  }
0x4f: {  	_ =	shalt  }
0x50: {  	_ =	shalt  }
0x51: {  	_ =	shalt  }
0x52: {  	_ =	shalt  }
0x53: {  	_ =	shalt  }
0x54: {  	_ =	shalt  }
0x55: {  	_ =	shalt  }
0x56: {  	_ =	shalt  }
0x57: {  	_ =	shalt  }
0x58: {  	_ =	shalt  }
0x59: {  	_ =	shalt  }
0x5a: {  	_ =	shalt  }
0x5b: {  	_ =	shalt  }
0x5c: {  	_ =	shalt  }
0x5d: {  	_ =	shalt  }
0x5e: {  	_ =	shalt  }
0x5f: {  	_ =	shalt  }
0x60: {  	_ =	shalt  }
0x61: {  	_ =	shalt  }
0x62: {  	_ =	shalt  }
0x63: {  	_ =	shalt  }
0x64: {  	_ =	shalt  }
0x65: {  	_ =	shalt  }
0x66: {  	_ =	shalt  }
0x67: {  	_ =	shalt  }
0x68: {  	_ =	shalt  }
0x69: {  	_ =	shalt  }
0x6a: {  	_ =	shalt  }
0x6b: {  	_ =	shalt  }
0x6c: {  	_ =	shalt  }
0x6d: {  	_ =	shalt  }
0x6e: {  	_ =	shalt  }
0x6f: {  	_ =	shalt  }
0x70: {  	_ =	shalt  }
0x71: {  	_ =	shalt  }
0x72: {  	_ =	shalt  }
0x73: {  	_ =	shalt  }
0x74: {  	_ =	shalt  }
0x75: {  	_ =	shalt  }
0x76: {  	_ =	shalt  }
0x77: {  	_ =	shalt  }
0x78: {  	_ =	shalt  }
0x79: {  	_ =	shalt  }
0x7a: {  	_ =	shalt  }
0x7b: {  	_ =	shalt  }
0x7c: {  	_ =	shalt  }
0x7d: {  	_ =	shalt  }
0x7e: {  	_ =	shalt  }
0x7f: {  	_ =	shalt  }
0x80: {  	_ =	shalt  }
0x81: {  	_ =	shalt  }
0x82: {  	_ =	shalt  }
0x83: {  	_ =	shalt  }
0x84: {  	_ =	shalt  }
0x85: {  	_ =	shalt  }
0x86: {  	_ =	shalt  }
0x87: {  	_ =	shalt  }
.Lfunc_end0:
.L_simem_size_0:
called_computation.1_lowered:
.L_overlay_start_0:
0x88: {  	s2 =	sld [smem:$0x3FD9]  }
0x89: {  	s3 =	sld [smem:$0x3FFE];
	_ =	sdelay $0x1  }
0x8a: {  	s1 =	srdreg.scid  }
0x8b: {  	s0 =	sand.u32 $0x1, s1  }
0x8c: {  	s14 =	sshll.u32 s0, $0xA;
	s2 =	sadd.s32 s3, s2  }
0x8d: {  	s2 =	sadd.s32 s2, s14  }
0x8e: {  	[smem:$0x3FBD] =	sst s2  }
0x8f: {  	_ = 	snop  }
0x90: {  	s2 =	sld [smem:$0x3FD0];
	_ =	sdelay $0x2  }
0x91: {  	s15 =	simm.s32 $0xB;
	s4 =	simm.s32 $0x10  }
0x92: {  	[smem:s4], [sflag:s15] =	dma.local [hbm:s2], $0x1  }
0x93: {  	_ =	swait.eq [sflag:s15], $0x1  }
0x94: {  	[sflag:s15] =	ssyncset.done $0x0  }
0x95: {  	[sflag:s15] =	ssyncadd.s32 $0xFFFFFFFF  }
0x96: {  	s16 =	sld [smem:$0x11];
	(tm) =	ssettm $0x1  }
0x97: {  	s17 =	sld [smem:$0x3FFB];
	_ =	sdelay $0x3  }
0x98: {  	_ =	strace s17  }
0x99: {  	s3 =	sld [smem:$0x3FFC];
	_ =	sdelay $0x3  }
0x9a: {  	_ =	strace s3  }
0x9b: {  	s3 =	sld [smem:$0x3FFD];
	_ =	sdelay $0x3  }
0x9c: {  	_ =	strace s3  }
0x9d: {  	_ =	strace $0x8FFFFFFF  }
0x9e: {  	s18 =	sld [smem:$0x3FDB];
	_ =	sdelay $0x1  }
0x9f: {  	s19 =	simm.s32 $_scs_section_size  }
0xa0: {  	s5 =	simm.s32 $_size__tile_overlayer_lowered;
	s6 =	simm.s32 $_tile_overlayer_lowered  }
0xa1: {  	s22 =	simm.s32 $0x1BFF;
	s21 =	sshll.u32 s6, $0x1;
	s3 =	sadd.s32 s19, s18  }
0xa2: {  	s7 =	simm.s32 $0x0;
	s20 =	sshll.u32 s5, $0x1;
	s5 =	sadd.s32 s21, s3  }
0xa3: {  	[timem:s7], [sflag:s22] =	dma.local [hbm:s5], s20  }
0xa4: {  	_ =	swait.ge [sflag:s22], s20  }
0xa5: {  	s4 =	ssub.s32 $0x0, s20;
	[sflag:s22] =	ssyncset.done $0x0  }
0xa6: {  	[sflag:s22] =	ssyncadd.s32 s4;
	_ =	sdelay $0x1  }
0xa7: {  	s23 =	simm.s32 $0x1B8B  }
0xa8: {  	_ =	swait.ge [sflag:s23], $0x1  }
0xa9: {  	[sflag:s23] =	ssyncset.done $0x0  }
0xaa: {  	s25 =	simm.s32 $0x1B8E;
	s24 =	sld [smem:$0x3FFE];
	[sflag:s23] =	ssyncadd.s32 $0xFFFFFFFF  }
0xab: {  	s26 =	simm.s32 $execute0_lowered;
	[smem:$0x3FD2] =	sst s25  }
0xac: {  	s5 =	sshll.u32 s26, $0x1;
	_ =	strace $0x80000046;
	[dreg:$0x1] =	wrdreg $0xFFFFFFFF  }
0xad: {  	s28 =	simm.s32 $_size_execute0_lowered;
	s3 =	sadd.s32 s3, s5;
	[dreg:$0x0] =	wrdreg $0x0  }
0xae: {  	s5 =	sshll.u32 s28, $0x1;
	[dreg:$0x2] =	wrdreg s3  }
0xaf: {  	[dreg:$0x3] =	wrdreg s5  }
0xb0: {  	[dreg:$0x4] =	wrdreg $0xC0  }
0xb1: {  	_ =	task [dreg:s7], $0x5FFFF  }
0xb2: {  	[dreg:$0x1] =	wrdreg $0xFFFFFFFF  }
0xb3: {  	[dreg:$0x0] =	wrdreg $0x60  }
0xb4: {  	[dreg:$0x2] =	wrdreg s24  }
0xb5: {  	[dreg:$0x3] =	wrdreg s16  }
0xb6: {  	[dreg:$0x4] =	wrdreg $0x0  }
0xb7: {  	[dreg:$0x5] =	wrdreg $0xA  }
0xb8: {  	_ =	task.clear_ibuf [dreg:s7], $0x6FFFF;
	_ =	strace $0x90000046  }
0xb9: {  	s29 =	simm.s32 $0xA;
	_ =	strace $0x80000048  }
0xba: {  	_ =	swait.ge [sflag:s29], $0x1  }
0xbb: {  	[sflag:s29] =	ssyncadd.s32 $0xFFFFFFFF  }
0xbc: {  	_ =	strace $0x90000048  }
0xbd: {  	_ =	sfence  }
0xbe: {  	s30 =	sld [smem:$0x0];
	_ =	sdelay $0x2  }
0xbf: {  	s31 =	sshll.u32 s1, $0xD;
	s1 =	sshrl.u32 s1, $0x2  }
0xc0: {  	s3 =	sand.u32 $0x4000, s31;
	s1 =	sadd.s32 s1, s30  }
0xc1: {  	s0 =	sor.u32 s3, s0;
	s1 =	sshll.u32 s1, $0x11  }
0xc2: {  	s0 =	sor.u32 s1, s0  }
0xc3: {  	s0 =	sadd.s32 $0x8F2B, s0  }
0xc4: {  	[sflag:s0] =	ssyncadd.remote.s32 $0x1  }
0xc5: {  	_ =	sfence.sel $0xFFFF  }
0xc6: {  	[dreg:$0x0] =	wrdreg $0xFFFFFFFF;
	(pc) =	sbr.abs _section_cstart, $3  }
0xc7: {  	[dreg:$0x1] =	wrdreg $0xFFFFFFFF  }
0xc8: {  	_ =	task.clear_ibuf [dreg:s7], $0x2FFFF;
	_ =	strace $0x9FFFFFFF  }
0xc9: {  	(tm) =	ssettm $0x7FFFFFFF  }
tec
execute0_lowered:
.L_overlay_start_1:
0x0: {  	(tag) =	ssettag $0x1  }
0x1: {  	s0 =	rddreg [dreg:$0x0]  }
0x2: {  	s1 =	rddreg [dreg:$0x1]  }
0x3: {  	s3 =	rddreg [dreg:$0x2];
	s4 =	simm.s32 $0x0  }
0x4: {  	s12 =	stileid.u32;
	s6 =	srdreg.scid;
	s18 =	simm.s32 $0x2  }
0x5: {  	s20 =	simm.s32 $0x13900;
	s21 =	simm.s32 $0x14100;
	s22 =	simm.s32 $0x80  }
0x6: {  	s23 =	simm.s32 $0x14900;
	s24 =	simm.s32 $0x1;
	s19 =	simm.s32 $0x13980  }
0x7: {  	s26 =	simm.s32 $0x18900;
	[smem:$0x7FF] =	sst s4;
	s2 =	smul.u32 $0x500, s12  }
0x8: {  	s5 =	sadd.s32 $0x4C00, s0;
	s7 =	smul.u32 $0x2700, s12;
	s6 =	sand.u32 $0x1, s6  }
0x9: {  	s9 =	smul.u32 $0x4E000, s12;
	s13 =	sadd.s32 $0x5D000, s0;
	s14 =	sadd.s32 $0x84200, s0  }
0xa: {  	s28 =	sshll.u32 s12, $0x6;
	p0 =	sne.s32 s12, $0xF;
	p2 =	seq.s32 s12, $0xF  }
0xb: {  	_ =	strace $0x80000047;
	s8 =	ssub.s32 $0x2, s6;
	[dreg:$0x5] =	wrdreg s14  }
0xc: {  	s17 =	sor.u32 $0x1C02, s28;
	[dreg:$0x4] =	wrdreg s13;
	s2 =	sadd.s32 s2, s0  }
0xd: {  	s10 =	sadd.s32 s7, s0;
	s0 =	sadd.s32 $0x5CE00, s0;
	[dreg:$0x7] =	wrdreg s17  }
0xe: {  	s11 =	sshrl.u32 s8, $0x1;
	s29 =	sadd.s32 s14, s7;
	[dreg:$0x9] =	wrdreg s0  }
0xf: {  	s9 =	sshrl.u32 s9, $0x2;
	s30 =	sadd.s32 s13, s7;
	[dreg:$0xa] =	wrdreg s29  }
0x10: {  	s8 =	ssub.s32 s8, s11;
	s10 =	sadd.s32 $0x35E00, s10;
	[dreg:$0xb] =	wrdreg s30  }
.Ltmp0:
0x11: {  	[dreg:$0x6] =	wrdreg s10;
	s31 =	smax.u32 s8, $0x1;
	(pc) =	sbr.rel .LBB2_1-.Ltmp0, $4  }
0x12: {  	s9 =	sadd.s32 s9, s3;
	s10 =	sadd.s32 $0x138000, s3;
	[dreg:$0xc] =	wrdreg s31  }
0x13: {  	p1 =	sne.s32 s6, $0x0;
	s14 =	sshrl.u32 s9, $0x3;
	[dreg:$0x8] =	wrdreg s10  }
0x14: {  	s15 =	sadd.s32 $0x2BE00, s2;
	s0 =	sshrl.u32 @!p0 s10, $0x3;
	[dreg:$0xd] =	wrdreg s14  }
0x15: {  	s16 =	sadd.s32 $0x30E00, s2;
	[dreg:$0xe] =	wrdreg s0;
	s0 =	simm.s32 $0x0  }
.LBB2_8:
0x16: {  	s11 =	rddreg [dreg:$0x8]  }
0x17: {  	s8 =	sadd.s32 $0x27000, s8;
	s11 =	sshrl.u32 s11, $0x3  }
0x18: {  	[hbm:s8], [sflag:s17] =	dma.local [spmem:s11], $0x100  }
0x19: {  	_ =	swait.ge [sflag:s18], $0x100  }
0x1a: {  	[sflag:s18] =	ssyncset.done $0x0  }
0x1b: {  	[sflag:s18] =	ssyncadd.s32 $0xFFFFFF00  }
.LBB2_9:
0x1c: {  	s0 =	sadd.s32 $0x1, s0;
	s8 =	rddreg [dreg:$0xc]  }
0x1d: {  	p3 =	sne.s32 s0, s8  }
.Ltmp1:
0x1e: {  	_ = 	snop;
	(pc) =	sbr.rel @!p3 .LBB2_10-.Ltmp1, $1  }
0x1f: {  	_ =	sdelay $0x3  }
.LBB2_1:
0x20: {  	[dreg:$0xf] =	wrdreg s0  }
0x21: {  	s8 =	rddreg [dreg:$0x6]  }
0x22: {  	[spmem:s14], [sflag:s17] =	dma.local [hbm:s8], $0x2700  }
0x23: {  	_ =	swait.ge [sflag:s18], $0x2700  }
0x24: {  	[sflag:s18] =	ssyncset.done $0x0;
	s8 =	rddreg [dreg:$0x9]  }
0x25: {  	s11 =	rddreg [dreg:$0xe];
	[sflag:s18] =	ssyncadd.s32 $0xFFFFD900  }
0x26: {  	[spmem:s11], [sflag:s17] =	dma.local @!p0 [hbm:s8], $0x100  }
0x27: {  	s8 =	simm.s32 @!p0 $0x2  }
.Ltmp2:
0x28: {  	_ =	swait.ge @!p0 [sflag:s8], $0x100;
	(pc) =	sbr.rel @p1 .LBB2_5-.Ltmp2, $4  }
0x29: {  	[sflag:s8] =	ssyncset.done @!p0 $0x0  }
0x2a: {  	[sflag:s8] =	ssyncadd.s32 @!p0 $0xFFFFFF00  }
0x2b: {  	[bflag:$0x0] =	sbarrier.arrive $0xFFFF  }
0x2c: {  	s8 =	sadd.s32 $0x0, s16  }
0x2d: {  	[tilespmem:s20], [sflag:$0x2] =	stream.linear.gather [hbm4b:s8+s4], $0x800, $0x38;
	[tilespmem:$0x1C900] =	vst v63  }
0x2e: {  	_ =	swait.ge [sflag:s18], $0x800  }
0x2f: {  	[sflag:s18] =	ssyncset.done $0x0  }
0x30: {  	s12 =	sadd.s32 $0x0, s15;
	[sflag:s18] =	ssyncadd.s32 $0xFFFFF800  }
0x31: {  	[tilespmem:s21], [sflag:$0x2] =	stream.linear.gather [hbm4b:s12+s4], $0x800, $0x38;
	[tilespmem:$0x1C900] =	vst v63  }
0x32: {  	_ =	swait.ge [sflag:s18], $0x800  }
0x33: {  	[sflag:s18] =	ssyncset.done $0x0  }
0x34: {  	[sflag:s18] =	ssyncadd.s32 $0xFFFFF800  }
0x35: {  	[tilespmem:s23], [sflag:$0x1] =	stream.indirect.gather [hbm4b:s5+s22], $0x80, s20, s22, $0xb8;
	[tilespmem:$0x1C900] =	vst v63  }
0x36: {  	_ =	swait.ge [sflag:s24], $0x4000  }
0x37: {  	[sflag:s24] =	ssyncset.done $0x0  }
0x38: {  	[sflag:s24] =	ssyncadd.s32 $0xFFFFC000  }
0x39: {  	[tilespmem:s26], [sflag:$0x1] =	stream.indirect.gather [hbm4b:s5+s22], $0x80, s19, s22, $0xb8;
	[tilespmem:$0x1C900] =	vst v63  }
0x3a: {  	_ = 	snop  }
0x3b: {  	[spmem:s3] =	stream.indirect.scatter.add.f32 [tilespmem:s23], [sflag:$0x2], $0x80, s21, s22, $0xb8;
	[tilespmem:$0x1C900] =	vst v63  }
0x3c: {  	_ =	swait.ge [sflag:s18], $0x4000  }
0x3d: {  	[sflag:s18] =	ssyncset.done $0x0  }
0x3e: {  	[sflag:s18] =	ssyncadd.s32 $0xFFFFC000  }
0x3f: {  	_ =	swait.ge [sflag:s24], $0x4000  }
0x40: {  	[sflag:s24] =	ssyncset.done $0x0  }
0x41: {  	s13 =	simm.s32 $0x13A00;
	[sflag:s24] =	ssyncadd.s32 $0xFFFFC000  }
0x42: {  	[tilespmem:s23], [sflag:$0x1] =	stream.indirect.gather [hbm4b:s5+s22], $0x80, s13, s22, $0xb8;
	[tilespmem:$0x1C900] =	vst v63  }
0x43: {  	s9 =	simm.s32 $0x14180  }
0x44: {  	[spmem:s3] =	stream.indirect.scatter.add.f32 [tilespmem:s26], [sflag:$0x2], $0x80, s9, s22, $0xb8;
	[tilespmem:$0x1C900] =	vst v63  }
0x45: {  	_ =	swait.ge [sflag:s18], $0x4000  }
0x46: {  	[sflag:s18] =	ssyncset.done $0x0  }
0x47: {  	[sflag:s18] =	ssyncadd.s32 $0xFFFFC000  }
0x48: {  	_ =	swait.ge [sflag:s24], $0x4000  }
0x49: {  	[sflag:s24] =	ssyncset.done $0x0  }
0x4a: {  	s25 =	simm.s32 $0x13A80;
	[sflag:s24] =	ssyncadd.s32 $0xFFFFC000  }
0x4b: {  	[tilespmem:s26], [sflag:$0x1] =	stream.indirect.gather [hbm4b:s5+s22], $0x80, s25, s22, $0xb8;
	[tilespmem:$0x1C900] =	vst v63  }
0x4c: {  	s28 =	simm.s32 $0x14200  }
0x4d: {  	[spmem:s3] =	stream.indirect.scatter.add.f32 [tilespmem:s23], [sflag:$0x2], $0x80, s28, s22, $0xb8;
	[tilespmem:$0x1C900] =	vst v63  }
0x4e: {  	_ =	swait.ge [sflag:s18], $0x4000  }
0x4f: {  	[sflag:s18] =	ssyncset.done $0x0  }
0x50: {  	[sflag:s18] =	ssyncadd.s32 $0xFFFFC000  }
0x51: {  	_ =	swait.ge [sflag:s24], $0x4000  }
0x52: {  	[sflag:s24] =	ssyncset.done $0x0  }
0x53: {  	s29 =	simm.s32 $0x13B00;
	[sflag:s24] =	ssyncadd.s32 $0xFFFFC000  }
0x54: {  	[tilespmem:s23], [sflag:$0x1] =	stream.indirect.gather [hbm4b:s5+s22], $0x80, s29, s22, $0xb8;
	[tilespmem:$0x1C900] =	vst v63  }
0x55: {  	s30 =	simm.s32 $0x14280  }
0x56: {  	[spmem:s3] =	stream.indirect.scatter.add.f32 [tilespmem:s26], [sflag:$0x2], $0x80, s30, s22, $0xb8;
	[tilespmem:$0x1C900] =	vst v63  }
0x57: {  	_ =	swait.ge [sflag:s18], $0x4000  }
0x58: {  	[sflag:s18] =	ssyncset.done $0x0  }
0x59: {  	[sflag:s18] =	ssyncadd.s32 $0xFFFFC000  }
0x5a: {  	_ =	swait.ge [sflag:s24], $0x4000  }
0x5b: {  	[sflag:s24] =	ssyncset.done $0x0  }
0x5c: {  	s31 =	simm.s32 $0x13B80;
	[sflag:s24] =	ssyncadd.s32 $0xFFFFC000  }
0x5d: {  	[tilespmem:s26], [sflag:$0x1] =	stream.indirect.gather [hbm4b:s5+s22], $0x80, s31, s22, $0xb8;
	[tilespmem:$0x1C900] =	vst v63  }
0x5e: {  	s0 =	simm.s32 $0x14300  }
0x5f: {  	[spmem:s3] =	stream.indirect.scatter.add.f32 [tilespmem:s23], [sflag:$0x2], $0x80, s0, s22, $0xb8;
	[tilespmem:$0x1C900] =	vst v63  }
0x60: {  	_ =	swait.ge [sflag:s18], $0x4000  }
0x61: {  	[sflag:s18] =	ssyncset.done $0x0  }
0x62: {  	[sflag:s18] =	ssyncadd.s32 $0xFFFFC000  }
0x63: {  	_ =	swait.ge [sflag:s24], $0x4000  }
0x64: {  	[sflag:s24] =	ssyncset.done $0x0  }
0x65: {  	s2 =	simm.s32 $0x13C00;
	[sflag:s24] =	ssyncadd.s32 $0xFFFFC000  }
0x66: {  	[tilespmem:s23], [sflag:$0x1] =	stream.indirect.gather [hbm4b:s5+s22], $0x80, s2, s22, $0xb8;
	[tilespmem:$0x1C900] =	vst v63  }
0x67: {  	s12 =	simm.s32 $0x14380  }
0x68: {  	[spmem:s3] =	stream.indirect.scatter.add.f32 [tilespmem:s26], [sflag:$0x2], $0x80, s12, s22, $0xb8;
	[tilespmem:$0x1C900] =	vst v63  }
0x69: {  	_ =	swait.ge [sflag:s18], $0x4000  }
0x6a: {  	[sflag:s18] =	ssyncset.done $0x0  }
0x6b: {  	[sflag:s18] =	ssyncadd.s32 $0xFFFFC000  }
0x6c: {  	_ =	swait.ge [sflag:s24], $0x4000  }
0x6d: {  	[sflag:s24] =	ssyncset.done $0x0  }
0x6e: {  	s13 =	simm.s32 $0x13C80;
	[sflag:s24] =	ssyncadd.s32 $0xFFFFC000  }
0x6f: {  	[tilespmem:s26], [sflag:$0x1] =	stream.indirect.gather [hbm4b:s5+s22], $0x80, s13, s22, $0xb8;
	[tilespmem:$0x1C900] =	vst v63  }
0x70: {  	s10 =	simm.s32 $0x14400  }
0x71: {  	[spmem:s3] =	stream.indirect.scatter.add.f32 [tilespmem:s23], [sflag:$0x2], $0x80, s10, s22, $0xb8;
	[tilespmem:$0x1C900] =	vst v63  }
0x72: {  	_ =	swait.ge [sflag:s18], $0x4000  }
0x73: {  	[sflag:s18] =	ssyncset.done $0x0  }
0x74: {  	[sflag:s18] =	ssyncadd.s32 $0xFFFFC000  }
0x75: {  	_ =	swait.ge [sflag:s24], $0x4000  }
0x76: {  	[sflag:s24] =	ssyncset.done $0x0  }
0x77: {  	s6 =	simm.s32 $0x13D00;
	[sflag:s24] =	ssyncadd.s32 $0xFFFFC000  }
0x78: {  	[tilespmem:s23], [sflag:$0x1] =	stream.indirect.gather [hbm4b:s5+s22], $0x80, s6, s22, $0xb8;
	[tilespmem:$0x1C900] =	vst v63  }
0x79: {  	s7 =	simm.s32 $0x14480  }
0x7a: {  	[spmem:s3] =	stream.indirect.scatter.add.f32 [tilespmem:s26], [sflag:$0x2], $0x80, s7, s22, $0xb8;
	[tilespmem:$0x1C900] =	vst v63  }
0x7b: {  	_ =	swait.ge [sflag:s18], $0x4000  }
0x7c: {  	[sflag:s18] =	ssyncset.done $0x0  }
0x7d: {  	[sflag:s18] =	ssyncadd.s32 $0xFFFFC000  }
0x7e: {  	_ =	swait.ge [sflag:s24], $0x4000  }
0x7f: {  	[sflag:s24] =	ssyncset.done $0x0  }
0x80: {  	s14 =	simm.s32 $0x13D80;
	[sflag:s24] =	ssyncadd.s32 $0xFFFFC000  }
0x81: {  	[tilespmem:s26], [sflag:$0x1] =	stream.indirect.gather [hbm4b:s5+s22], $0x80, s14, s22, $0xb8;
	[tilespmem:$0x1C900] =	vst v63  }
0x82: {  	s17 =	simm.s32 $0x14500  }
0x83: {  	[spmem:s3] =	stream.indirect.scatter.add.f32 [tilespmem:s23], [sflag:$0x2], $0x80, s17, s22, $0xb8;
	[tilespmem:$0x1C900] =	vst v63  }
0x84: {  	_ =	swait.ge [sflag:s18], $0x4000  }
0x85: {  	[sflag:s18] =	ssyncset.done $0x0  }
0x86: {  	[sflag:s18] =	ssyncadd.s32 $0xFFFFC000  }
0x87: {  	_ =	swait.ge [sflag:s24], $0x4000  }
0x88: {  	[sflag:s24] =	ssyncset.done $0x0  }
0x89: {  	s19 =	simm.s32 $0x13E00;
	[sflag:s24] =	ssyncadd.s32 $0xFFFFC000  }
0x8a: {  	[tilespmem:s23], [sflag:$0x1] =	stream.indirect.gather [hbm4b:s5+s22], $0x80, s19, s22, $0xb8;
	[tilespmem:$0x1C900] =	vst v63  }
0x8b: {  	s11 =	simm.s32 $0x14580  }
0x8c: {  	[spmem:s3] =	stream.indirect.scatter.add.f32 [tilespmem:s26], [sflag:$0x2], $0x80, s11, s22, $0xb8;
	[tilespmem:$0x1C900] =	vst v63  }
0x8d: {  	_ =	swait.ge [sflag:s18], $0x4000  }
0x8e: {  	[sflag:s18] =	ssyncset.done $0x0  }
0x8f: {  	[sflag:s18] =	ssyncadd.s32 $0xFFFFC000  }
0x90: {  	_ =	swait.ge [sflag:s24], $0x4000  }
0x91: {  	[sflag:s24] =	ssyncset.done $0x0  }
0x92: {  	s14 =	simm.s32 $0x13E80;
	[sflag:s24] =	ssyncadd.s32 $0xFFFFC000  }
0x93: {  	[tilespmem:s26], [sflag:$0x1] =	stream.indirect.gather [hbm4b:s5+s22], $0x80, s14, s22, $0xb8;
	[tilespmem:$0x1C900] =	vst v63  }
0x94: {  	s17 =	simm.s32 $0x14600  }
0x95: {  	[spmem:s3] =	stream.indirect.scatter.add.f32 [tilespmem:s23], [sflag:$0x2], $0x80, s17, s22, $0xb8;
	[tilespmem:$0x1C900] =	vst v63  }
0x96: {  	_ =	swait.ge [sflag:s18], $0x4000  }
0x97: {  	[sflag:s18] =	ssyncset.done $0x0  }
0x98: {  	[sflag:s18] =	ssyncadd.s32 $0xFFFFC000  }
0x99: {  	_ =	swait.ge [sflag:s24], $0x4000  }
0x9a: {  	[sflag:s24] =	ssyncset.done $0x0  }
0x9b: {  	s19 =	simm.s32 $0x13F00;
	[sflag:s24] =	ssyncadd.s32 $0xFFFFC000  }
0x9c: {  	[tilespmem:s23], [sflag:$0x1] =	stream.indirect.gather [hbm4b:s5+s22], $0x80, s19, s22, $0xb8;
	[tilespmem:$0x1C900] =	vst v63  }
0x9d: {  	s11 =	simm.s32 $0x14680  }
0x9e: {  	[spmem:s3] =	stream.indirect.scatter.add.f32 [tilespmem:s26], [sflag:$0x2], $0x80, s11, s22, $0xb8;
	[tilespmem:$0x1C900] =	vst v63  }
0x9f: {  	_ =	swait.ge [sflag:s18], $0x4000  }
0xa0: {  	[sflag:s18] =	ssyncset.done $0x0  }
0xa1: {  	[sflag:s18] =	ssyncadd.s32 $0xFFFFC000  }
0xa2: {  	_ =	swait.ge [sflag:s24], $0x4000  }
0xa3: {  	[sflag:s24] =	ssyncset.done $0x0  }
0xa4: {  	s14 =	simm.s32 $0x13F80;
	[sflag:s24] =	ssyncadd.s32 $0xFFFFC000  }
0xa5: {  	[tilespmem:s26], [sflag:$0x1] =	stream.indirect.gather [hbm4b:s5+s22], $0x80, s14, s22, $0xb8;
	[tilespmem:$0x1C900] =	vst v63  }
0xa6: {  	s17 =	simm.s32 $0x14700  }
0xa7: {  	[spmem:s3] =	stream.indirect.scatter.add.f32 [tilespmem:s23], [sflag:$0x2], $0x80, s17, s22, $0xb8;
	[tilespmem:$0x1C900] =	vst v63  }
0xa8: {  	_ =	swait.ge [sflag:s18], $0x4000  }
0xa9: {  	[sflag:s18] =	ssyncset.done $0x0  }
0xaa: {  	[sflag:s18] =	ssyncadd.s32 $0xFFFFC000  }
0xab: {  	_ =	swait.ge [sflag:s24], $0x4000  }
0xac: {  	[sflag:s24] =	ssyncset.done $0x0  }
0xad: {  	s19 =	simm.s32 $0x14000;
	[sflag:s24] =	ssyncadd.s32 $0xFFFFC000  }
0xae: {  	[tilespmem:s23], [sflag:$0x1] =	stream.indirect.gather [hbm4b:s5+s22], $0x80, s19, s22, $0xb8;
	[tilespmem:$0x1C900] =	vst v63  }
0xaf: {  	s11 =	simm.s32 $0x14780  }
0xb0: {  	[spmem:s3] =	stream.indirect.scatter.add.f32 [tilespmem:s26], [sflag:$0x2], $0x80, s11, s22, $0xb8;
	[tilespmem:$0x1C900] =	vst v63  }
0xb1: {  	_ =	swait.ge [sflag:s18], $0x4000  }
0xb2: {  	[sflag:s18] =	ssyncset.done $0x0  }
0xb3: {  	[sflag:s18] =	ssyncadd.s32 $0xFFFFC000  }
0xb4: {  	_ =	swait.ge [sflag:s24], $0x4000  }
0xb5: {  	[sflag:s24] =	ssyncset.done $0x0  }
0xb6: {  	s14 =	simm.s32 $0x14080;
	[sflag:s24] =	ssyncadd.s32 $0xFFFFC000  }
0xb7: {  	[tilespmem:s26], [sflag:$0x1] =	stream.indirect.gather [hbm4b:s5+s22], $0x80, s14, s22, $0xb8;
	[tilespmem:$0x1C900] =	vst v63  }
0xb8: {  	s17 =	simm.s32 $0x14800  }
0xb9: {  	[spmem:s3] =	stream.indirect.scatter.add.f32 [tilespmem:s23], [sflag:$0x2], $0x80, s17, s22, $0xb8;
	[tilespmem:$0x1C900] =	vst v63  }
0xba: {  	_ =	swait.ge [sflag:s18], $0x4000  }
0xbb: {  	[sflag:s18] =	ssyncset.done $0x0  }
0xbc: {  	[sflag:s18] =	ssyncadd.s32 $0xFFFFC000  }
0xbd: {  	_ =	swait.ge [sflag:s24], $0x4000  }
0xbe: {  	[sflag:s24] =	ssyncset.done $0x0  }
0xbf: {  	s19 =	simm.s32 $0x14880;
	[sflag:s24] =	ssyncadd.s32 $0xFFFFC000  }
0xc0: {  	[spmem:s3] =	stream.indirect.scatter.add.f32 [tilespmem:s26], [sflag:$0x2], $0x80, s19, s22, $0xb8;
	[tilespmem:$0x1C900] =	vst v63  }
0xc1: {  	_ =	swait.ge [sflag:s18], $0x4000  }
0xc2: {  	s8 =	simm.s32 $0x100;
	s11 =	simm.s32 $0x200;
	[sflag:s18] =	ssyncset.done $0x0  }
.LBB2_3:
0xc3: {  	s19 =	sadd.s32 s8, s16  }
0xc4: {  	[sflag:s18] =	ssyncadd.s32 $0xFFFFC000;
	s17 =	smov.u32 s11;
	s14 =	sadd.s32 $0x100, s11  }
0xc5: {  	[tilespmem:s20], [sflag:$0x2] =	stream.linear.gather [hbm4b:s19+s4], $0x800, $0x38;
	[tilespmem:$0x1C900] =	vst v63  }
0xc6: {  	s19 =	simm.s32 $0x13980  }
0xc7: {  	p3 =	sne.s32 s11, $0x400;
	_ =	swait.ge [sflag:s18], $0x800  }
0xc8: {  	s11 =	sadd.s32 s8, s15;
	[sflag:s18] =	ssyncset.done $0x0  }
0xc9: {  	s8 =	smov.u32 s17;
	s17 =	simm.s32 $0x13A00;
	[sflag:s18] =	ssyncadd.s32 $0xFFFFF800  }
0xca: {  	[tilespmem:s21], [sflag:$0x2] =	stream.linear.gather [hbm4b:s11+s4], $0x800, $0x38;
	[tilespmem:$0x1C900] =	vst v63  }
0xcb: {  	_ =	swait.ge [sflag:s18], $0x800  }
0xcc: {  	[sflag:s18] =	ssyncset.done $0x0  }
0xcd: {  	[sflag:s18] =	ssyncadd.s32 $0xFFFFF800  }
0xce: {  	[tilespmem:s23], [sflag:$0x1] =	stream.indirect.gather [hbm4b:s5+s22], $0x80, s20, s22, $0xb8;
	[tilespmem:$0x1C900] =	vst v63  }
0xcf: {  	_ =	swait.ge [sflag:s24], $0x4000  }
0xd0: {  	[sflag:s24] =	ssyncset.done $0x0  }
0xd1: {  	[sflag:s24] =	ssyncadd.s32 $0xFFFFC000  }
0xd2: {  	[tilespmem:s26], [sflag:$0x1] =	stream.indirect.gather [hbm4b:s5+s22], $0x80, s19, s22, $0xb8;
	[tilespmem:$0x1C900] =	vst v63  }
0xd3: {  	_ = 	snop  }
0xd4: {  	[spmem:s3] =	stream.indirect.scatter.add.f32 [tilespmem:s23], [sflag:$0x2], $0x80, s21, s22, $0xb8;
	[tilespmem:$0x1C900] =	vst v63  }
0xd5: {  	_ =	swait.ge [sflag:s18], $0x4000  }
0xd6: {  	[sflag:s18] =	ssyncset.done $0x0  }
0xd7: {  	[sflag:s18] =	ssyncadd.s32 $0xFFFFC000  }
0xd8: {  	_ =	swait.ge [sflag:s24], $0x4000  }
0xd9: {  	[sflag:s24] =	ssyncset.done $0x0  }
0xda: {  	[sflag:s24] =	ssyncadd.s32 $0xFFFFC000  }
0xdb: {  	[tilespmem:s23], [sflag:$0x1] =	stream.indirect.gather [hbm4b:s5+s22], $0x80, s17, s22, $0xb8;
	[tilespmem:$0x1C900] =	vst v63  }
0xdc: {  	_ = 	snop  }
0xdd: {  	[spmem:s3] =	stream.indirect.scatter.add.f32 [tilespmem:s26], [sflag:$0x2], $0x80, s9, s22, $0xb8;
	[tilespmem:$0x1C900] =	vst v63  }
0xde: {  	_ =	swait.ge [sflag:s18], $0x4000  }
0xdf: {  	[sflag:s18] =	ssyncset.done $0x0  }
0xe0: {  	[sflag:s18] =	ssyncadd.s32 $0xFFFFC000  }
0xe1: {  	_ =	swait.ge [sflag:s24], $0x4000  }
0xe2: {  	[sflag:s24] =	ssyncset.done $0x0  }
0xe3: {  	[sflag:s24] =	ssyncadd.s32 $0xFFFFC000  }
0xe4: {  	[tilespmem:s26], [sflag:$0x1] =	stream.indirect.gather [hbm4b:s5+s22], $0x80, s25, s22, $0xb8;
	[tilespmem:$0x1C900] =	vst v63  }
0xe5: {  	_ = 	snop  }
0xe6: {  	[spmem:s3] =	stream.indirect.scatter.add.f32 [tilespmem:s23], [sflag:$0x2], $0x80, s28, s22, $0xb8;
	[tilespmem:$0x1C900] =	vst v63  }
0xe7: {  	_ =	swait.ge [sflag:s18], $0x4000  }
0xe8: {  	[sflag:s18] =	ssyncset.done $0x0  }
0xe9: {  	[sflag:s18] =	ssyncadd.s32 $0xFFFFC000  }
0xea: {  	_ =	swait.ge [sflag:s24], $0x4000  }
0xeb: {  	[sflag:s24] =	ssyncset.done $0x0  }
0xec: {  	[sflag:s24] =	ssyncadd.s32 $0xFFFFC000  }
0xed: {  	[tilespmem:s23], [sflag:$0x1] =	stream.indirect.gather [hbm4b:s5+s22], $0x80, s29, s22, $0xb8;
	[tilespmem:$0x1C900] =	vst v63  }
0xee: {  	_ = 	snop  }
0xef: {  	[spmem:s3] =	stream.indirect.scatter.add.f32 [tilespmem:s26], [sflag:$0x2], $0x80, s30, s22, $0xb8;
	[tilespmem:$0x1C900] =	vst v63  }
0xf0: {  	_ =	swait.ge [sflag:s18], $0x4000  }
0xf1: {  	[sflag:s18] =	ssyncset.done $0x0  }
0xf2: {  	[sflag:s18] =	ssyncadd.s32 $0xFFFFC000  }
0xf3: {  	_ =	swait.ge [sflag:s24], $0x4000  }
0xf4: {  	[sflag:s24] =	ssyncset.done $0x0  }
0xf5: {  	[sflag:s24] =	ssyncadd.s32 $0xFFFFC000  }
0xf6: {  	[tilespmem:s26], [sflag:$0x1] =	stream.indirect.gather [hbm4b:s5+s22], $0x80, s31, s22, $0xb8;
	[tilespmem:$0x1C900] =	vst v63  }
0xf7: {  	_ = 	snop  }
0xf8: {  	[spmem:s3] =	stream.indirect.scatter.add.f32 [tilespmem:s23], [sflag:$0x2], $0x80, s0, s22, $0xb8;
	[tilespmem:$0x1C900] =	vst v63  }
0xf9: {  	_ =	swait.ge [sflag:s18], $0x4000  }
0xfa: {  	[sflag:s18] =	ssyncset.done $0x0  }
0xfb: {  	[sflag:s18] =	ssyncadd.s32 $0xFFFFC000  }
0xfc: {  	_ =	swait.ge [sflag:s24], $0x4000  }
0xfd: {  	[sflag:s24] =	ssyncset.done $0x0  }
0xfe: {  	[sflag:s24] =	ssyncadd.s32 $0xFFFFC000  }
0xff: {  	[tilespmem:s23], [sflag:$0x1] =	stream.indirect.gather [hbm4b:s5+s22], $0x80, s2, s22, $0xb8;
	[tilespmem:$0x1C900] =	vst v63  }
0x100: {  	_ = 	snop  }
0x101: {  	[spmem:s3] =	stream.indirect.scatter.add.f32 [tilespmem:s26], [sflag:$0x2], $0x80, s12, s22, $0xb8;
	[tilespmem:$0x1C900] =	vst v63  }
0x102: {  	_ =	swait.ge [sflag:s18], $0x4000  }
0x103: {  	[sflag:s18] =	ssyncset.done $0x0  }
0x104: {  	[sflag:s18] =	ssyncadd.s32 $0xFFFFC000  }
0x105: {  	_ =	swait.ge [sflag:s24], $0x4000  }
0x106: {  	[sflag:s24] =	ssyncset.done $0x0  }
0x107: {  	[sflag:s24] =	ssyncadd.s32 $0xFFFFC000  }
0x108: {  	[tilespmem:s26], [sflag:$0x1] =	stream.indirect.gather [hbm4b:s5+s22], $0x80, s13, s22, $0xb8;
	[tilespmem:$0x1C900] =	vst v63  }
0x109: {  	_ = 	snop  }
0x10a: {  	[spmem:s3] =	stream.indirect.scatter.add.f32 [tilespmem:s23], [sflag:$0x2], $0x80, s10, s22, $0xb8;
	[tilespmem:$0x1C900] =	vst v63  }
0x10b: {  	_ =	swait.ge [sflag:s18], $0x4000  }
0x10c: {  	[sflag:s18] =	ssyncset.done $0x0  }
0x10d: {  	[sflag:s18] =	ssyncadd.s32 $0xFFFFC000  }
0x10e: {  	_ =	swait.ge [sflag:s24], $0x4000  }
0x10f: {  	[sflag:s24] =	ssyncset.done $0x0  }
0x110: {  	[sflag:s24] =	ssyncadd.s32 $0xFFFFC000  }
0x111: {  	[tilespmem:s23], [sflag:$0x1] =	stream.indirect.gather [hbm4b:s5+s22], $0x80, s6, s22, $0xb8;
	[tilespmem:$0x1C900] =	vst v63  }
0x112: {  	_ = 	snop  }
0x113: {  	[spmem:s3] =	stream.indirect.scatter.add.f32 [tilespmem:s26], [sflag:$0x2], $0x80, s7, s22, $0xb8;
	[tilespmem:$0x1C900] =	vst v63  }
0x114: {  	_ =	swait.ge [sflag:s18], $0x4000  }
0x115: {  	[sflag:s18] =	ssyncset.done $0x0  }
0x116: {  	[sflag:s18] =	ssyncadd.s32 $0xFFFFC000  }
0x117: {  	_ =	swait.ge [sflag:s24], $0x4000  }
0x118: {  	[sflag:s24] =	ssyncset.done $0x0  }
0x119: {  	s11 =	simm.s32 $0x13D80;
	[sflag:s24] =	ssyncadd.s32 $0xFFFFC000  }
0x11a: {  	[tilespmem:s26], [sflag:$0x1] =	stream.indirect.gather [hbm4b:s5+s22], $0x80, s11, s22, $0xb8;
	[tilespmem:$0x1C900] =	vst v63  }
0x11b: {  	s11 =	simm.s32 $0x14500  }
0x11c: {  	[spmem:s3] =	stream.indirect.scatter.add.f32 [tilespmem:s23], [sflag:$0x2], $0x80, s11, s22, $0xb8;
	[tilespmem:$0x1C900] =	vst v63  }
0x11d: {  	_ =	swait.ge [sflag:s18], $0x4000  }
0x11e: {  	[sflag:s18] =	ssyncset.done $0x0  }
0x11f: {  	[sflag:s18] =	ssyncadd.s32 $0xFFFFC000  }
0x120: {  	_ =	swait.ge [sflag:s24], $0x4000  }
0x121: {  	[sflag:s24] =	ssyncset.done $0x0  }
0x122: {  	s11 =	simm.s32 $0x13E00;
	[sflag:s24] =	ssyncadd.s32 $0xFFFFC000  }
0x123: {  	[tilespmem:s23], [sflag:$0x1] =	stream.indirect.gather [hbm4b:s5+s22], $0x80, s11, s22, $0xb8;
	[tilespmem:$0x1C900] =	vst v63  }
0x124: {  	s11 =	simm.s32 $0x14580  }
0x125: {  	[spmem:s3] =	stream.indirect.scatter.add.f32 [tilespmem:s26], [sflag:$0x2], $0x80, s11, s22, $0xb8;
	[tilespmem:$0x1C900] =	vst v63  }
0x126: {  	_ =	swait.ge [sflag:s18], $0x4000  }
0x127: {  	[sflag:s18] =	ssyncset.done $0x0  }
0x128: {  	[sflag:s18] =	ssyncadd.s32 $0xFFFFC000  }
0x129: {  	_ =	swait.ge [sflag:s24], $0x4000  }
0x12a: {  	[sflag:s24] =	ssyncset.done $0x0  }
0x12b: {  	s11 =	simm.s32 $0x13E80;
	[sflag:s24] =	ssyncadd.s32 $0xFFFFC000  }
0x12c: {  	[tilespmem:s26], [sflag:$0x1] =	stream.indirect.gather [hbm4b:s5+s22], $0x80, s11, s22, $0xb8;
	[tilespmem:$0x1C900] =	vst v63  }
0x12d: {  	s11 =	simm.s32 $0x14600  }
0x12e: {  	[spmem:s3] =	stream.indirect.scatter.add.f32 [tilespmem:s23], [sflag:$0x2], $0x80, s11, s22, $0xb8;
	[tilespmem:$0x1C900] =	vst v63  }
0x12f: {  	_ =	swait.ge [sflag:s18], $0x4000  }
0x130: {  	[sflag:s18] =	ssyncset.done $0x0  }
0x131: {  	[sflag:s18] =	ssyncadd.s32 $0xFFFFC000  }
0x132: {  	_ =	swait.ge [sflag:s24], $0x4000  }
0x133: {  	[sflag:s24] =	ssyncset.done $0x0  }
0x134: {  	s11 =	simm.s32 $0x13F00;
	[sflag:s24] =	ssyncadd.s32 $0xFFFFC000  }
0x135: {  	[tilespmem:s23], [sflag:$0x1] =	stream.indirect.gather [hbm4b:s5+s22], $0x80, s11, s22, $0xb8;
	[tilespmem:$0x1C900] =	vst v63  }
0x136: {  	s11 =	simm.s32 $0x14680  }
0x137: {  	[spmem:s3] =	stream.indirect.scatter.add.f32 [tilespmem:s26], [sflag:$0x2], $0x80, s11, s22, $0xb8;
	[tilespmem:$0x1C900] =	vst v63  }
0x138: {  	_ =	swait.ge [sflag:s18], $0x4000  }
0x139: {  	[sflag:s18] =	ssyncset.done $0x0  }
0x13a: {  	[sflag:s18] =	ssyncadd.s32 $0xFFFFC000  }
0x13b: {  	_ =	swait.ge [sflag:s24], $0x4000  }
0x13c: {  	[sflag:s24] =	ssyncset.done $0x0  }
0x13d: {  	s11 =	simm.s32 $0x13F80;
	[sflag:s24] =	ssyncadd.s32 $0xFFFFC000  }
0x13e: {  	[tilespmem:s26], [sflag:$0x1] =	stream.indirect.gather [hbm4b:s5+s22], $0x80, s11, s22, $0xb8;
	[tilespmem:$0x1C900] =	vst v63  }
0x13f: {  	s11 =	simm.s32 $0x14700  }
0x140: {  	[spmem:s3] =	stream.indirect.scatter.add.f32 [tilespmem:s23], [sflag:$0x2], $0x80, s11, s22, $0xb8;
	[tilespmem:$0x1C900] =	vst v63  }
0x141: {  	_ =	swait.ge [sflag:s18], $0x4000  }
0x142: {  	[sflag:s18] =	ssyncset.done $0x0  }
0x143: {  	[sflag:s18] =	ssyncadd.s32 $0xFFFFC000  }
0x144: {  	_ =	swait.ge [sflag:s24], $0x4000  }
0x145: {  	[sflag:s24] =	ssyncset.done $0x0  }
0x146: {  	s11 =	simm.s32 $0x14000;
	[sflag:s24] =	ssyncadd.s32 $0xFFFFC000  }
0x147: {  	[tilespmem:s23], [sflag:$0x1] =	stream.indirect.gather [hbm4b:s5+s22], $0x80, s11, s22, $0xb8;
	[tilespmem:$0x1C900] =	vst v63  }
0x148: {  	s11 =	simm.s32 $0x14780  }
0x149: {  	[spmem:s3] =	stream.indirect.scatter.add.f32 [tilespmem:s26], [sflag:$0x2], $0x80, s11, s22, $0xb8;
	[tilespmem:$0x1C900] =	vst v63  }
0x14a: {  	_ =	swait.ge [sflag:s18], $0x4000  }
0x14b: {  	[sflag:s18] =	ssyncset.done $0x0  }
0x14c: {  	[sflag:s18] =	ssyncadd.s32 $0xFFFFC000  }
0x14d: {  	_ =	swait.ge [sflag:s24], $0x4000  }
0x14e: {  	[sflag:s24] =	ssyncset.done $0x0  }
0x14f: {  	s11 =	simm.s32 $0x14080;
	[sflag:s24] =	ssyncadd.s32 $0xFFFFC000  }
0x150: {  	[tilespmem:s26], [sflag:$0x1] =	stream.indirect.gather [hbm4b:s5+s22], $0x80, s11, s22, $0xb8;
	[tilespmem:$0x1C900] =	vst v63  }
0x151: {  	s11 =	simm.s32 $0x14800  }
0x152: {  	[spmem:s3] =	stream.indirect.scatter.add.f32 [tilespmem:s23], [sflag:$0x2], $0x80, s11, s22, $0xb8;
	[tilespmem:$0x1C900] =	vst v63  }
0x153: {  	_ =	swait.ge [sflag:s18], $0x4000  }
0x154: {  	[sflag:s18] =	ssyncset.done $0x0  }
0x155: {  	[sflag:s18] =	ssyncadd.s32 $0xFFFFC000  }
0x156: {  	_ =	swait.ge [sflag:s24], $0x4000  }
.Ltmp3:
0x157: {  	[sflag:s24] =	ssyncset.done $0x0;
	(pc) =	sbr.rel @p3 .LBB2_3-.Ltmp3, $4  }
0x158: {  	s11 =	simm.s32 $0x14880;
	[sflag:s24] =	ssyncadd.s32 $0xFFFFC000  }
0x159: {  	[spmem:s3] =	stream.indirect.scatter.add.f32 [tilespmem:s26], [sflag:$0x2], $0x80, s11, s22, $0xb8;
	[tilespmem:$0x1C900] =	vst v63  }
0x15a: {  	_ =	swait.ge [sflag:s18], $0x4000  }
0x15b: {  	s11 =	smov.u32 s14;
	[sflag:s18] =	ssyncset.done $0x0  }
0x15c: {  	s11 =	sadd.s32 s8, s16;
	[sflag:s18] =	ssyncadd.s32 $0xFFFFC000  }
0x15d: {  	[tilespmem:s20], [sflag:$0x2] =	stream.linear.gather [hbm4b:s11+s4], $0x800, $0x38;
	[tilespmem:$0x1C900] =	vst v63  }
0x15e: {  	_ =	swait.ge [sflag:s18], $0x800  }
0x15f: {  	[sflag:s18] =	ssyncset.done $0x0  }
0x160: {  	s14 =	sadd.s32 s8, s15;
	[sflag:s18] =	ssyncadd.s32 $0xFFFFF800  }
0x161: {  	[tilespmem:s21], [sflag:$0x2] =	stream.linear.gather [hbm4b:s14+s4], $0x800, $0x38;
	[tilespmem:$0x1C900] =	vst v63  }
0x162: {  	_ =	swait.ge [sflag:s18], $0x800  }
0x163: {  	[sflag:s18] =	ssyncset.done $0x0  }
0x164: {  	[sflag:s18] =	ssyncadd.s32 $0xFFFFF800  }
0x165: {  	[tilespmem:s23], [sflag:$0x1] =	stream.indirect.gather [hbm4b:s5+s22], $0x80, s20, s22, $0xb8;
	[tilespmem:$0x1C900] =	vst v63  }
0x166: {  	_ =	swait.ge [sflag:s24], $0x4000  }
0x167: {  	[sflag:s24] =	ssyncset.done $0x0  }
0x168: {  	[sflag:s24] =	ssyncadd.s32 $0xFFFFC000  }
0x169: {  	[tilespmem:s26], [sflag:$0x1] =	stream.indirect.gather [hbm4b:s5+s22], $0x80, s19, s22, $0xb8;
	[tilespmem:$0x1C900] =	vst v63  }
0x16a: {  	_ = 	snop  }
0x16b: {  	[spmem:s3] =	stream.indirect.scatter.add.f32 [tilespmem:s23], [sflag:$0x2], $0x80, s21, s22, $0xb8;
	[tilespmem:$0x1C900] =	vst v63  }
0x16c: {  	_ =	swait.ge [sflag:s18], $0x4000  }
0x16d: {  	[sflag:s18] =	ssyncset.done $0x0  }
0x16e: {  	[sflag:s18] =	ssyncadd.s32 $0xFFFFC000  }
0x16f: {  	_ =	swait.ge [sflag:s24], $0x4000  }
0x170: {  	[sflag:s24] =	ssyncset.done $0x0  }
0x171: {  	[sflag:s24] =	ssyncadd.s32 $0xFFFFC000  }
0x172: {  	[tilespmem:s23], [sflag:$0x1] =	stream.indirect.gather [hbm4b:s5+s22], $0x80, s17, s22, $0xb8;
	[tilespmem:$0x1C900] =	vst v63  }
0x173: {  	_ = 	snop  }
0x174: {  	[spmem:s3] =	stream.indirect.scatter.add.f32 [tilespmem:s26], [sflag:$0x2], $0x80, s9, s22, $0xb8;
	[tilespmem:$0x1C900] =	vst v63  }
0x175: {  	_ =	swait.ge [sflag:s18], $0x4000  }
0x176: {  	[sflag:s18] =	ssyncset.done $0x0  }
0x177: {  	[sflag:s18] =	ssyncadd.s32 $0xFFFFC000  }
0x178: {  	_ =	swait.ge [sflag:s24], $0x4000  }
0x179: {  	[sflag:s24] =	ssyncset.done $0x0  }
0x17a: {  	[sflag:s24] =	ssyncadd.s32 $0xFFFFC000  }
0x17b: {  	[tilespmem:s26], [sflag:$0x1] =	stream.indirect.gather [hbm4b:s5+s22], $0x80, s25, s22, $0xb8;
	[tilespmem:$0x1C900] =	vst v63  }
0x17c: {  	_ = 	snop  }
0x17d: {  	[spmem:s3] =	stream.indirect.scatter.add.f32 [tilespmem:s23], [sflag:$0x2], $0x80, s28, s22, $0xb8;
	[tilespmem:$0x1C900] =	vst v63  }
0x17e: {  	_ =	swait.ge [sflag:s18], $0x4000  }
0x17f: {  	[sflag:s18] =	ssyncset.done $0x0  }
0x180: {  	[sflag:s18] =	ssyncadd.s32 $0xFFFFC000  }
0x181: {  	_ =	swait.ge [sflag:s24], $0x4000  }
0x182: {  	[sflag:s24] =	ssyncset.done $0x0  }
0x183: {  	[sflag:s24] =	ssyncadd.s32 $0xFFFFC000  }
0x184: {  	[tilespmem:s23], [sflag:$0x1] =	stream.indirect.gather [hbm4b:s5+s22], $0x80, s29, s22, $0xb8;
	[tilespmem:$0x1C900] =	vst v63  }
0x185: {  	_ = 	snop  }
0x186: {  	[spmem:s3] =	stream.indirect.scatter.add.f32 [tilespmem:s26], [sflag:$0x2], $0x80, s30, s22, $0xb8;
	[tilespmem:$0x1C900] =	vst v63  }
0x187: {  	_ =	swait.ge [sflag:s18], $0x4000  }
0x188: {  	[sflag:s18] =	ssyncset.done $0x0  }
0x189: {  	[sflag:s18] =	ssyncadd.s32 $0xFFFFC000  }
0x18a: {  	_ =	swait.ge [sflag:s24], $0x4000  }
0x18b: {  	[sflag:s24] =	ssyncset.done $0x0  }
0x18c: {  	[sflag:s24] =	ssyncadd.s32 $0xFFFFC000  }
0x18d: {  	[tilespmem:s26], [sflag:$0x1] =	stream.indirect.gather [hbm4b:s5+s22], $0x80, s31, s22, $0xb8;
	[tilespmem:$0x1C900] =	vst v63  }
0x18e: {  	_ = 	snop  }
0x18f: {  	[spmem:s3] =	stream.indirect.scatter.add.f32 [tilespmem:s23], [sflag:$0x2], $0x80, s0, s22, $0xb8;
	[tilespmem:$0x1C900] =	vst v63  }
0x190: {  	_ =	swait.ge [sflag:s18], $0x4000  }
0x191: {  	[sflag:s18] =	ssyncset.done $0x0  }
0x192: {  	[sflag:s18] =	ssyncadd.s32 $0xFFFFC000  }
0x193: {  	_ =	swait.ge [sflag:s24], $0x4000  }
0x194: {  	[sflag:s24] =	ssyncset.done $0x0  }
0x195: {  	[sflag:s24] =	ssyncadd.s32 $0xFFFFC000  }
0x196: {  	[tilespmem:s23], [sflag:$0x1] =	stream.indirect.gather [hbm4b:s5+s22], $0x80, s2, s22, $0xb8;
	[tilespmem:$0x1C900] =	vst v63  }
0x197: {  	_ = 	snop  }
0x198: {  	[spmem:s3] =	stream.indirect.scatter.add.f32 [tilespmem:s26], [sflag:$0x2], $0x80, s12, s22, $0xb8;
	[tilespmem:$0x1C900] =	vst v63  }
0x199: {  	_ =	swait.ge [sflag:s18], $0x4000  }
0x19a: {  	[sflag:s18] =	ssyncset.done $0x0  }
0x19b: {  	[sflag:s18] =	ssyncadd.s32 $0xFFFFC000  }
0x19c: {  	_ =	swait.ge [sflag:s24], $0x4000  }
0x19d: {  	[sflag:s24] =	ssyncset.done $0x0  }
0x19e: {  	[sflag:s24] =	ssyncadd.s32 $0xFFFFC000  }
0x19f: {  	[tilespmem:s26], [sflag:$0x1] =	stream.indirect.gather [hbm4b:s5+s22], $0x80, s13, s22, $0xb8;
	[tilespmem:$0x1C900] =	vst v63  }
0x1a0: {  	_ = 	snop  }
0x1a1: {  	[spmem:s3] =	stream.indirect.scatter.add.f32 [tilespmem:s23], [sflag:$0x2], $0x80, s10, s22, $0xb8;
	[tilespmem:$0x1C900] =	vst v63  }
0x1a2: {  	_ =	swait.ge [sflag:s18], $0x4000  }
0x1a3: {  	[sflag:s18] =	ssyncset.done $0x0  }
0x1a4: {  	[sflag:s18] =	ssyncadd.s32 $0xFFFFC000  }
0x1a5: {  	_ =	swait.ge [sflag:s24], $0x4000  }
0x1a6: {  	[sflag:s24] =	ssyncset.done $0x0  }
0x1a7: {  	[sflag:s24] =	ssyncadd.s32 $0xFFFFC000  }
0x1a8: {  	[tilespmem:s23], [sflag:$0x1] =	stream.indirect.gather [hbm4b:s5+s22], $0x80, s6, s22, $0xb8;
	[tilespmem:$0x1C900] =	vst v63  }
0x1a9: {  	_ = 	snop  }
0x1aa: {  	[spmem:s3] =	stream.indirect.scatter.add.f32 [tilespmem:s26], [sflag:$0x2], $0x80, s7, s22, $0xb8;
	[tilespmem:$0x1C900] =	vst v63  }
0x1ab: {  	_ =	swait.ge [sflag:s18], $0x4000  }
0x1ac: {  	[sflag:s18] =	ssyncset.done $0x0  }
0x1ad: {  	[sflag:s18] =	ssyncadd.s32 $0xFFFFC000  }
0x1ae: {  	_ =	swait.ge [sflag:s24], $0x4000  }
0x1af: {  	[sflag:s24] =	ssyncset.done $0x0  }
0x1b0: {  	s2 =	simm.s32 $0x13D80;
	[sflag:s24] =	ssyncadd.s32 $0xFFFFC000  }
0x1b1: {  	[tilespmem:s26], [sflag:$0x1] =	stream.indirect.gather [hbm4b:s5+s22], $0x80, s2, s22, $0xb8;
	[tilespmem:$0x1C900] =	vst v63  }
0x1b2: {  	s6 =	simm.s32 $0x14500  }
0x1b3: {  	[spmem:s3] =	stream.indirect.scatter.add.f32 [tilespmem:s23], [sflag:$0x2], $0x80, s6, s22, $0xb8;
	[tilespmem:$0x1C900] =	vst v63  }
0x1b4: {  	_ =	swait.ge [sflag:s18], $0x4000  }
0x1b5: {  	[sflag:s18] =	ssyncset.done $0x0  }
0x1b6: {  	[sflag:s18] =	ssyncadd.s32 $0xFFFFC000  }
0x1b7: {  	_ =	swait.ge [sflag:s24], $0x4000  }
0x1b8: {  	[sflag:s24] =	ssyncset.done $0x0  }
0x1b9: {  	s7 =	simm.s32 $0x13E00;
	[sflag:s24] =	ssyncadd.s32 $0xFFFFC000  }
0x1ba: {  	[tilespmem:s23], [sflag:$0x1] =	stream.indirect.gather [hbm4b:s5+s22], $0x80, s7, s22, $0xb8;
	[tilespmem:$0x1C900] =	vst v63  }
0x1bb: {  	s8 =	simm.s32 $0x14580  }
0x1bc: {  	[spmem:s3] =	stream.indirect.scatter.add.f32 [tilespmem:s26], [sflag:$0x2], $0x80, s8, s22, $0xb8;
	[tilespmem:$0x1C900] =	vst v63  }
0x1bd: {  	_ =	swait.ge [sflag:s18], $0x4000  }
0x1be: {  	[sflag:s18] =	ssyncset.done $0x0  }
0x1bf: {  	[sflag:s18] =	ssyncadd.s32 $0xFFFFC000  }
0x1c0: {  	_ =	swait.ge [sflag:s24], $0x4000  }
0x1c1: {  	[sflag:s24] =	ssyncset.done $0x0  }
0x1c2: {  	s9 =	simm.s32 $0x13E80;
	[sflag:s24] =	ssyncadd.s32 $0xFFFFC000  }
0x1c3: {  	[tilespmem:s26], [sflag:$0x1] =	stream.indirect.gather [hbm4b:s5+s22], $0x80, s9, s22, $0xb8;
	[tilespmem:$0x1C900] =	vst v63  }
0x1c4: {  	s10 =	simm.s32 $0x14600  }
0x1c5: {  	[spmem:s3] =	stream.indirect.scatter.add.f32 [tilespmem:s23], [sflag:$0x2], $0x80, s10, s22, $0xb8;
	[tilespmem:$0x1C900] =	vst v63  }
0x1c6: {  	_ =	swait.ge [sflag:s18], $0x4000  }
0x1c7: {  	[sflag:s18] =	ssyncset.done $0x0  }
0x1c8: {  	[sflag:s18] =	ssyncadd.s32 $0xFFFFC000  }
0x1c9: {  	_ =	swait.ge [sflag:s24], $0x4000  }
0x1ca: {  	[sflag:s24] =	ssyncset.done $0x0  }
0x1cb: {  	s11 =	simm.s32 $0x13F00;
	[sflag:s24] =	ssyncadd.s32 $0xFFFFC000  }
0x1cc: {  	[tilespmem:s23], [sflag:$0x1] =	stream.indirect.gather [hbm4b:s5+s22], $0x80, s11, s22, $0xb8;
	[tilespmem:$0x1C900] =	vst v63  }
0x1cd: {  	s12 =	simm.s32 $0x14680  }
0x1ce: {  	[spmem:s3] =	stream.indirect.scatter.add.f32 [tilespmem:s26], [sflag:$0x2], $0x80, s12, s22, $0xb8;
	[tilespmem:$0x1C900] =	vst v63  }
0x1cf: {  	_ =	swait.ge [sflag:s18], $0x4000  }
0x1d0: {  	[sflag:s18] =	ssyncset.done $0x0  }
0x1d1: {  	[sflag:s18] =	ssyncadd.s32 $0xFFFFC000  }
0x1d2: {  	_ =	swait.ge [sflag:s24], $0x4000  }
0x1d3: {  	[sflag:s24] =	ssyncset.done $0x0  }
0x1d4: {  	s13 =	simm.s32 $0x13F80;
	[sflag:s24] =	ssyncadd.s32 $0xFFFFC000  }
0x1d5: {  	[tilespmem:s26], [sflag:$0x1] =	stream.indirect.gather [hbm4b:s5+s22], $0x80, s13, s22, $0xb8;
	[tilespmem:$0x1C900] =	vst v63  }
0x1d6: {  	s14 =	simm.s32 $0x14700  }
0x1d7: {  	[spmem:s3] =	stream.indirect.scatter.add.f32 [tilespmem:s23], [sflag:$0x2], $0x80, s14, s22, $0xb8;
	[tilespmem:$0x1C900] =	vst v63  }
0x1d8: {  	_ =	swait.ge [sflag:s18], $0x4000  }
0x1d9: {  	[sflag:s18] =	ssyncset.done $0x0  }
0x1da: {  	[sflag:s18] =	ssyncadd.s32 $0xFFFFC000  }
0x1db: {  	_ =	swait.ge [sflag:s24], $0x4000  }
0x1dc: {  	[sflag:s24] =	ssyncset.done $0x0  }
0x1dd: {  	s17 =	simm.s32 $0x14000;
	[sflag:s24] =	ssyncadd.s32 $0xFFFFC000  }
0x1de: {  	[tilespmem:s23], [sflag:$0x1] =	stream.indirect.gather [hbm4b:s5+s22], $0x80, s17, s22, $0xb8;
	[tilespmem:$0x1C900] =	vst v63  }
0x1df: {  	s25 =	simm.s32 $0x14780  }
0x1e0: {  	[spmem:s3] =	stream.indirect.scatter.add.f32 [tilespmem:s26], [sflag:$0x2], $0x80, s25, s22, $0xb8;
	[tilespmem:$0x1C900] =	vst v63  }
0x1e1: {  	_ =	swait.ge [sflag:s18], $0x4000  }
0x1e2: {  	[sflag:s18] =	ssyncset.done $0x0  }
0x1e3: {  	[sflag:s18] =	ssyncadd.s32 $0xFFFFC000  }
0x1e4: {  	_ =	swait.ge [sflag:s24], $0x4000  }
0x1e5: {  	[sflag:s24] =	ssyncset.done $0x0  }
0x1e6: {  	s28 =	simm.s32 $0x14080;
	[sflag:s24] =	ssyncadd.s32 $0xFFFFC000  }
0x1e7: {  	[tilespmem:s26], [sflag:$0x1] =	stream.indirect.gather [hbm4b:s5+s22], $0x80, s28, s22, $0xb8;
	[tilespmem:$0x1C900] =	vst v63  }
0x1e8: {  	s29 =	simm.s32 $0x14800  }
0x1e9: {  	[spmem:s3] =	stream.indirect.scatter.add.f32 [tilespmem:s23], [sflag:$0x2], $0x80, s29, s22, $0xb8;
	[tilespmem:$0x1C900] =	vst v63  }
0x1ea: {  	_ =	swait.ge [sflag:s18], $0x4000  }
0x1eb: {  	[sflag:s18] =	ssyncset.done $0x0  }
0x1ec: {  	[sflag:s18] =	ssyncadd.s32 $0xFFFFC000  }
0x1ed: {  	_ =	swait.ge [sflag:s24], $0x4000  }
0x1ee: {  	[sflag:s24] =	ssyncset.done $0x0  }
0x1ef: {  	s30 =	simm.s32 $0x14880;
	[sflag:s24] =	ssyncadd.s32 $0xFFFFC000  }
0x1f0: {  	[spmem:s3] =	stream.indirect.scatter.add.f32 [tilespmem:s26], [sflag:$0x2], $0x80, s30, s22, $0xb8;
	[tilespmem:$0x1C900] =	vst v63  }
0x1f1: {  	_ =	swait.ge [sflag:s18], $0x4000  }
0x1f2: {  	[sflag:s18] =	ssyncset.done $0x0  }
0x1f3: {  	[sflag:s18] =	ssyncadd.s32 $0xFFFFC000  }
0x1f4: {  	[bflag:$0x0] =	sbarrier.arrive $0xFFFF  }
0x1f5: {  	s17 =	rddreg [dreg:$0x7]  }
0x1f6: {  	s31 =	rddreg [dreg:$0xb]  }
0x1f7: {  	s14 =	rddreg [dreg:$0xd]  }
0x1f8: {  	[hbm:s31], [sflag:s17] =	dma.local [spmem:s14], $0x2700  }
.Ltmp4:
0x1f9: {  	_ = 	snop;
	(pc) =	sbr.rel @p2 .LBB2_8-.Ltmp4, $4  }
.Ltmp5:
0x1fa: {  	_ = 	snop;
	(pc) =	sbr.rel @!p2 .LBB2_9-.Ltmp5, $4  }
0x1fb: {  	_ =	swait.ge [sflag:s18], $0x2700  }
0x1fc: {  	[sflag:s18] =	ssyncset.done $0x0;
	s8 =	rddreg [dreg:$0x4]  }
0x1fd: {  	s0 =	rddreg [dreg:$0xf];
	[sflag:s18] =	ssyncadd.s32 $0xFFFFD900  }
0x1fe: {  	_ = 	snop  }
.LBB2_5:
0x1ff: {  	[tilespmem:s20], [sflag:$0x2] =	stream.linear.gather [hbm4b:s8+s4], $0x800, $0x38;
	[tilespmem:$0x1C900] =	vst v63  }
0x200: {  	_ =	swait.ge [sflag:s18], $0x800  }
0x201: {  	[sflag:s18] =	ssyncset.done $0x0  }
0x202: {  	s12 =	sadd.s32 $0x0, s15;
	[sflag:s18] =	ssyncadd.s32 $0xFFFFF800  }
0x203: {  	[tilespmem:s21], [sflag:$0x2] =	stream.linear.gather [hbm4b:s12+s4], $0x800, $0x38;
	[tilespmem:$0x1C900] =	vst v63  }
0x204: {  	_ =	swait.ge [sflag:s18], $0x800  }
0x205: {  	[sflag:s18] =	ssyncset.done $0x0  }
0x206: {  	[sflag:s18] =	ssyncadd.s32 $0xFFFFF800  }
0x207: {  	[tilespmem:s23], [sflag:$0x1] =	stream.indirect.gather [hbm4b:s1+s22], $0x80, s20, s22, $0xb8;
	[tilespmem:$0x1C900] =	vst v63  }
0x208: {  	_ =	swait.ge [sflag:s24], $0x4000  }
0x209: {  	[sflag:s24] =	ssyncset.done $0x0  }
0x20a: {  	[sflag:s24] =	ssyncadd.s32 $0xFFFFC000  }
0x20b: {  	[tilespmem:s26], [sflag:$0x1] =	stream.indirect.gather [hbm4b:s1+s22], $0x80, s19, s22, $0xb8;
	[tilespmem:$0x1C900] =	vst v63  }
0x20c: {  	_ = 	snop  }
0x20d: {  	[spmem:s3] =	stream.indirect.scatter.add.f32 [tilespmem:s23], [sflag:$0x2], $0x80, s21, s22, $0xb8;
	[tilespmem:$0x1C900] =	vst v63  }
0x20e: {  	_ =	swait.ge [sflag:s18], $0x4000  }
0x20f: {  	[sflag:s18] =	ssyncset.done $0x0  }
0x210: {  	[sflag:s18] =	ssyncadd.s32 $0xFFFFC000  }
0x211: {  	_ =	swait.ge [sflag:s24], $0x4000  }
0x212: {  	[sflag:s24] =	ssyncset.done $0x0  }
0x213: {  	s13 =	simm.s32 $0x13A00;
	[sflag:s24] =	ssyncadd.s32 $0xFFFFC000  }
0x214: {  	[tilespmem:s23], [sflag:$0x1] =	stream.indirect.gather [hbm4b:s1+s22], $0x80, s13, s22, $0xb8;
	[tilespmem:$0x1C900] =	vst v63  }
0x215: {  	s9 =	simm.s32 $0x14180  }
0x216: {  	[spmem:s3] =	stream.indirect.scatter.add.f32 [tilespmem:s26], [sflag:$0x2], $0x80, s9, s22, $0xb8;
	[tilespmem:$0x1C900] =	vst v63  }
0x217: {  	_ =	swait.ge [sflag:s18], $0x4000  }
0x218: {  	[sflag:s18] =	ssyncset.done $0x0  }
0x219: {  	[sflag:s18] =	ssyncadd.s32 $0xFFFFC000  }
0x21a: {  	_ =	swait.ge [sflag:s24], $0x4000  }
0x21b: {  	[sflag:s24] =	ssyncset.done $0x0  }
0x21c: {  	s25 =	simm.s32 $0x13A80;
	[sflag:s24] =	ssyncadd.s32 $0xFFFFC000  }
0x21d: {  	[tilespmem:s26], [sflag:$0x1] =	stream.indirect.gather [hbm4b:s1+s22], $0x80, s25, s22, $0xb8;
	[tilespmem:$0x1C900] =	vst v63  }
0x21e: {  	s28 =	simm.s32 $0x14200  }
0x21f: {  	[spmem:s3] =	stream.indirect.scatter.add.f32 [tilespmem:s23], [sflag:$0x2], $0x80, s28, s22, $0xb8;
	[tilespmem:$0x1C900] =	vst v63  }
0x220: {  	_ =	swait.ge [sflag:s18], $0x4000  }
0x221: {  	[sflag:s18] =	ssyncset.done $0x0  }
0x222: {  	[sflag:s18] =	ssyncadd.s32 $0xFFFFC000  }
0x223: {  	_ =	swait.ge [sflag:s24], $0x4000  }
0x224: {  	[sflag:s24] =	ssyncset.done $0x0  }
0x225: {  	s29 =	simm.s32 $0x13B00;
	[sflag:s24] =	ssyncadd.s32 $0xFFFFC000  }
0x226: {  	[tilespmem:s23], [sflag:$0x1] =	stream.indirect.gather [hbm4b:s1+s22], $0x80, s29, s22, $0xb8;
	[tilespmem:$0x1C900] =	vst v63  }
0x227: {  	s30 =	simm.s32 $0x14280  }
0x228: {  	[spmem:s3] =	stream.indirect.scatter.add.f32 [tilespmem:s26], [sflag:$0x2], $0x80, s30, s22, $0xb8;
	[tilespmem:$0x1C900] =	vst v63  }
0x229: {  	_ =	swait.ge [sflag:s18], $0x4000  }
0x22a: {  	[sflag:s18] =	ssyncset.done $0x0  }
0x22b: {  	[sflag:s18] =	ssyncadd.s32 $0xFFFFC000  }
0x22c: {  	_ =	swait.ge [sflag:s24], $0x4000  }
0x22d: {  	[sflag:s24] =	ssyncset.done $0x0  }
0x22e: {  	s31 =	simm.s32 $0x13B80;
	[sflag:s24] =	ssyncadd.s32 $0xFFFFC000  }
0x22f: {  	[tilespmem:s26], [sflag:$0x1] =	stream.indirect.gather [hbm4b:s1+s22], $0x80, s31, s22, $0xb8;
	[tilespmem:$0x1C900] =	vst v63  }
0x230: {  	s0 =	simm.s32 $0x14300  }
0x231: {  	[spmem:s3] =	stream.indirect.scatter.add.f32 [tilespmem:s23], [sflag:$0x2], $0x80, s0, s22, $0xb8;
	[tilespmem:$0x1C900] =	vst v63  }
0x232: {  	_ =	swait.ge [sflag:s18], $0x4000  }
0x233: {  	[sflag:s18] =	ssyncset.done $0x0  }
0x234: {  	[sflag:s18] =	ssyncadd.s32 $0xFFFFC000  }
0x235: {  	_ =	swait.ge [sflag:s24], $0x4000  }
0x236: {  	[sflag:s24] =	ssyncset.done $0x0  }
0x237: {  	s2 =	simm.s32 $0x13C00;
	[sflag:s24] =	ssyncadd.s32 $0xFFFFC000  }
0x238: {  	[tilespmem:s23], [sflag:$0x1] =	stream.indirect.gather [hbm4b:s1+s22], $0x80, s2, s22, $0xb8;
	[tilespmem:$0x1C900] =	vst v63  }
0x239: {  	s12 =	simm.s32 $0x14380  }
0x23a: {  	[spmem:s3] =	stream.indirect.scatter.add.f32 [tilespmem:s26], [sflag:$0x2], $0x80, s12, s22, $0xb8;
	[tilespmem:$0x1C900] =	vst v63  }
0x23b: {  	_ =	swait.ge [sflag:s18], $0x4000  }
0x23c: {  	[sflag:s18] =	ssyncset.done $0x0  }
0x23d: {  	[sflag:s18] =	ssyncadd.s32 $0xFFFFC000  }
0x23e: {  	_ =	swait.ge [sflag:s24], $0x4000  }
0x23f: {  	[sflag:s24] =	ssyncset.done $0x0  }
0x240: {  	s13 =	simm.s32 $0x13C80;
	[sflag:s24] =	ssyncadd.s32 $0xFFFFC000  }
0x241: {  	[tilespmem:s26], [sflag:$0x1] =	stream.indirect.gather [hbm4b:s1+s22], $0x80, s13, s22, $0xb8;
	[tilespmem:$0x1C900] =	vst v63  }
0x242: {  	s10 =	simm.s32 $0x14400  }
0x243: {  	[spmem:s3] =	stream.indirect.scatter.add.f32 [tilespmem:s23], [sflag:$0x2], $0x80, s10, s22, $0xb8;
	[tilespmem:$0x1C900] =	vst v63  }
0x244: {  	_ =	swait.ge [sflag:s18], $0x4000  }
0x245: {  	[sflag:s18] =	ssyncset.done $0x0  }
0x246: {  	[sflag:s18] =	ssyncadd.s32 $0xFFFFC000  }
0x247: {  	_ =	swait.ge [sflag:s24], $0x4000  }
0x248: {  	[sflag:s24] =	ssyncset.done $0x0  }
0x249: {  	s6 =	simm.s32 $0x13D00;
	[sflag:s24] =	ssyncadd.s32 $0xFFFFC000  }
0x24a: {  	[tilespmem:s23], [sflag:$0x1] =	stream.indirect.gather [hbm4b:s1+s22], $0x80, s6, s22, $0xb8;
	[tilespmem:$0x1C900] =	vst v63  }
0x24b: {  	s7 =	simm.s32 $0x14480  }
0x24c: {  	[spmem:s3] =	stream.indirect.scatter.add.f32 [tilespmem:s26], [sflag:$0x2], $0x80, s7, s22, $0xb8;
	[tilespmem:$0x1C900] =	vst v63  }
0x24d: {  	_ =	swait.ge [sflag:s18], $0x4000  }
0x24e: {  	[sflag:s18] =	ssyncset.done $0x0  }
0x24f: {  	[sflag:s18] =	ssyncadd.s32 $0xFFFFC000  }
0x250: {  	_ =	swait.ge [sflag:s24], $0x4000  }
0x251: {  	[sflag:s24] =	ssyncset.done $0x0  }
0x252: {  	s14 =	simm.s32 $0x13D80;
	[sflag:s24] =	ssyncadd.s32 $0xFFFFC000  }
0x253: {  	[tilespmem:s26], [sflag:$0x1] =	stream.indirect.gather [hbm4b:s1+s22], $0x80, s14, s22, $0xb8;
	[tilespmem:$0x1C900] =	vst v63  }
0x254: {  	s17 =	simm.s32 $0x14500  }
0x255: {  	[spmem:s3] =	stream.indirect.scatter.add.f32 [tilespmem:s23], [sflag:$0x2], $0x80, s17, s22, $0xb8;
	[tilespmem:$0x1C900] =	vst v63  }
0x256: {  	_ =	swait.ge [sflag:s18], $0x4000  }
0x257: {  	[sflag:s18] =	ssyncset.done $0x0  }
0x258: {  	[sflag:s18] =	ssyncadd.s32 $0xFFFFC000  }
0x259: {  	_ =	swait.ge [sflag:s24], $0x4000  }
0x25a: {  	[sflag:s24] =	ssyncset.done $0x0  }
0x25b: {  	s19 =	simm.s32 $0x13E00;
	[sflag:s24] =	ssyncadd.s32 $0xFFFFC000  }
0x25c: {  	[tilespmem:s23], [sflag:$0x1] =	stream.indirect.gather [hbm4b:s1+s22], $0x80, s19, s22, $0xb8;
	[tilespmem:$0x1C900] =	vst v63  }
0x25d: {  	s11 =	simm.s32 $0x14580  }
0x25e: {  	[spmem:s3] =	stream.indirect.scatter.add.f32 [tilespmem:s26], [sflag:$0x2], $0x80, s11, s22, $0xb8;
	[tilespmem:$0x1C900] =	vst v63  }
0x25f: {  	_ =	swait.ge [sflag:s18], $0x4000  }
0x260: {  	[sflag:s18] =	ssyncset.done $0x0  }
0x261: {  	[sflag:s18] =	ssyncadd.s32 $0xFFFFC000  }
0x262: {  	_ =	swait.ge [sflag:s24], $0x4000  }
0x263: {  	[sflag:s24] =	ssyncset.done $0x0  }
0x264: {  	s14 =	simm.s32 $0x13E80;
	[sflag:s24] =	ssyncadd.s32 $0xFFFFC000  }
0x265: {  	[tilespmem:s26], [sflag:$0x1] =	stream.indirect.gather [hbm4b:s1+s22], $0x80, s14, s22, $0xb8;
	[tilespmem:$0x1C900] =	vst v63  }
0x266: {  	s17 =	simm.s32 $0x14600  }
0x267: {  	[spmem:s3] =	stream.indirect.scatter.add.f32 [tilespmem:s23], [sflag:$0x2], $0x80, s17, s22, $0xb8;
	[tilespmem:$0x1C900] =	vst v63  }
0x268: {  	_ =	swait.ge [sflag:s18], $0x4000  }
0x269: {  	[sflag:s18] =	ssyncset.done $0x0  }
0x26a: {  	[sflag:s18] =	ssyncadd.s32 $0xFFFFC000  }
0x26b: {  	_ =	swait.ge [sflag:s24], $0x4000  }
0x26c: {  	[sflag:s24] =	ssyncset.done $0x0  }
0x26d: {  	s19 =	simm.s32 $0x13F00;
	[sflag:s24] =	ssyncadd.s32 $0xFFFFC000  }
0x26e: {  	[tilespmem:s23], [sflag:$0x1] =	stream.indirect.gather [hbm4b:s1+s22], $0x80, s19, s22, $0xb8;
	[tilespmem:$0x1C900] =	vst v63  }
0x26f: {  	s11 =	simm.s32 $0x14680  }
0x270: {  	[spmem:s3] =	stream.indirect.scatter.add.f32 [tilespmem:s26], [sflag:$0x2], $0x80, s11, s22, $0xb8;
	[tilespmem:$0x1C900] =	vst v63  }
0x271: {  	_ =	swait.ge [sflag:s18], $0x4000  }
0x272: {  	[sflag:s18] =	ssyncset.done $0x0  }
0x273: {  	[sflag:s18] =	ssyncadd.s32 $0xFFFFC000  }
0x274: {  	_ =	swait.ge [sflag:s24], $0x4000  }
0x275: {  	[sflag:s24] =	ssyncset.done $0x0  }
0x276: {  	s14 =	simm.s32 $0x13F80;
	[sflag:s24] =	ssyncadd.s32 $0xFFFFC000  }
0x277: {  	[tilespmem:s26], [sflag:$0x1] =	stream.indirect.gather [hbm4b:s1+s22], $0x80, s14, s22, $0xb8;
	[tilespmem:$0x1C900] =	vst v63  }
0x278: {  	s17 =	simm.s32 $0x14700  }
0x279: {  	[spmem:s3] =	stream.indirect.scatter.add.f32 [tilespmem:s23], [sflag:$0x2], $0x80, s17, s22, $0xb8;
	[tilespmem:$0x1C900] =	vst v63  }
0x27a: {  	_ =	swait.ge [sflag:s18], $0x4000  }
0x27b: {  	[sflag:s18] =	ssyncset.done $0x0  }
0x27c: {  	[sflag:s18] =	ssyncadd.s32 $0xFFFFC000  }
0x27d: {  	_ =	swait.ge [sflag:s24], $0x4000  }
0x27e: {  	[sflag:s24] =	ssyncset.done $0x0  }
0x27f: {  	s19 =	simm.s32 $0x14000;
	[sflag:s24] =	ssyncadd.s32 $0xFFFFC000  }
0x280: {  	[tilespmem:s23], [sflag:$0x1] =	stream.indirect.gather [hbm4b:s1+s22], $0x80, s19, s22, $0xb8;
	[tilespmem:$0x1C900] =	vst v63  }
0x281: {  	s11 =	simm.s32 $0x14780  }
0x282: {  	[spmem:s3] =	stream.indirect.scatter.add.f32 [tilespmem:s26], [sflag:$0x2], $0x80, s11, s22, $0xb8;
	[tilespmem:$0x1C900] =	vst v63  }
0x283: {  	_ =	swait.ge [sflag:s18], $0x4000  }
0x284: {  	[sflag:s18] =	ssyncset.done $0x0  }
0x285: {  	[sflag:s18] =	ssyncadd.s32 $0xFFFFC000  }
0x286: {  	_ =	swait.ge [sflag:s24], $0x4000  }
0x287: {  	[sflag:s24] =	ssyncset.done $0x0  }
0x288: {  	s14 =	simm.s32 $0x14080;
	[sflag:s24] =	ssyncadd.s32 $0xFFFFC000  }
0x289: {  	[tilespmem:s26], [sflag:$0x1] =	stream.indirect.gather [hbm4b:s1+s22], $0x80, s14, s22, $0xb8;
	[tilespmem:$0x1C900] =	vst v63  }
0x28a: {  	s17 =	simm.s32 $0x14800  }
0x28b: {  	[spmem:s3] =	stream.indirect.scatter.add.f32 [tilespmem:s23], [sflag:$0x2], $0x80, s17, s22, $0xb8;
	[tilespmem:$0x1C900] =	vst v63  }
0x28c: {  	_ =	swait.ge [sflag:s18], $0x4000  }
0x28d: {  	[sflag:s18] =	ssyncset.done $0x0  }
0x28e: {  	[sflag:s18] =	ssyncadd.s32 $0xFFFFC000  }
0x28f: {  	_ =	swait.ge [sflag:s24], $0x4000  }
0x290: {  	[sflag:s24] =	ssyncset.done $0x0  }
0x291: {  	s19 =	simm.s32 $0x14880;
	[sflag:s24] =	ssyncadd.s32 $0xFFFFC000  }
0x292: {  	[spmem:s3] =	stream.indirect.scatter.add.f32 [tilespmem:s26], [sflag:$0x2], $0x80, s19, s22, $0xb8;
	[tilespmem:$0x1C900] =	vst v63  }
0x293: {  	_ =	swait.ge [sflag:s18], $0x4000  }
0x294: {  	s8 =	simm.s32 $0x100;
	s14 =	simm.s32 $0x200;
	[sflag:s18] =	ssyncset.done $0x0  }
.LBB2_6:
0x295: {  	s17 =	sadd.s32 s8, s16  }
0x296: {  	[sflag:s18] =	ssyncadd.s32 $0xFFFFC000;
	s19 =	smov.u32 s14;
	s11 =	sadd.s32 $0x100, s14  }
0x297: {  	[tilespmem:s20], [sflag:$0x2] =	stream.linear.gather [hbm4b:s17+s4], $0x800, $0x38;
	[tilespmem:$0x1C900] =	vst v63  }
0x298: {  	s17 =	simm.s32 $0x13A00  }
0x299: {  	p3 =	sne.s32 s14, $0x400;
	_ =	swait.ge [sflag:s18], $0x800  }
0x29a: {  	s14 =	sadd.s32 s8, s15;
	[sflag:s18] =	ssyncset.done $0x0  }
0x29b: {  	s8 =	smov.u32 s19;
	s19 =	simm.s32 $0x13980;
	[sflag:s18] =	ssyncadd.s32 $0xFFFFF800  }
0x29c: {  	[tilespmem:s21], [sflag:$0x2] =	stream.linear.gather [hbm4b:s14+s4], $0x800, $0x38;
	[tilespmem:$0x1C900] =	vst v63  }
0x29d: {  	_ =	swait.ge [sflag:s18], $0x800  }
0x29e: {  	[sflag:s18] =	ssyncset.done $0x0  }
0x29f: {  	[sflag:s18] =	ssyncadd.s32 $0xFFFFF800  }
0x2a0: {  	[tilespmem:s23], [sflag:$0x1] =	stream.indirect.gather [hbm4b:s1+s22], $0x80, s20, s22, $0xb8;
	[tilespmem:$0x1C900] =	vst v63  }
0x2a1: {  	_ =	swait.ge [sflag:s24], $0x4000  }
0x2a2: {  	[sflag:s24] =	ssyncset.done $0x0  }
0x2a3: {  	[sflag:s24] =	ssyncadd.s32 $0xFFFFC000  }
0x2a4: {  	[tilespmem:s26], [sflag:$0x1] =	stream.indirect.gather [hbm4b:s1+s22], $0x80, s19, s22, $0xb8;
	[tilespmem:$0x1C900] =	vst v63  }
0x2a5: {  	_ = 	snop  }
0x2a6: {  	[spmem:s3] =	stream.indirect.scatter.add.f32 [tilespmem:s23], [sflag:$0x2], $0x80, s21, s22, $0xb8;
	[tilespmem:$0x1C900] =	vst v63  }
0x2a7: {  	_ =	swait.ge [sflag:s18], $0x4000  }
0x2a8: {  	[sflag:s18] =	ssyncset.done $0x0  }
0x2a9: {  	[sflag:s18] =	ssyncadd.s32 $0xFFFFC000  }
0x2aa: {  	_ =	swait.ge [sflag:s24], $0x4000  }
0x2ab: {  	[sflag:s24] =	ssyncset.done $0x0  }
0x2ac: {  	[sflag:s24] =	ssyncadd.s32 $0xFFFFC000  }
0x2ad: {  	[tilespmem:s23], [sflag:$0x1] =	stream.indirect.gather [hbm4b:s1+s22], $0x80, s17, s22, $0xb8;
	[tilespmem:$0x1C900] =	vst v63  }
0x2ae: {  	_ = 	snop  }
0x2af: {  	[spmem:s3] =	stream.indirect.scatter.add.f32 [tilespmem:s26], [sflag:$0x2], $0x80, s9, s22, $0xb8;
	[tilespmem:$0x1C900] =	vst v63  }
0x2b0: {  	_ =	swait.ge [sflag:s18], $0x4000  }
0x2b1: {  	[sflag:s18] =	ssyncset.done $0x0  }
0x2b2: {  	[sflag:s18] =	ssyncadd.s32 $0xFFFFC000  }
0x2b3: {  	_ =	swait.ge [sflag:s24], $0x4000  }
0x2b4: {  	[sflag:s24] =	ssyncset.done $0x0  }
0x2b5: {  	[sflag:s24] =	ssyncadd.s32 $0xFFFFC000  }
0x2b6: {  	[tilespmem:s26], [sflag:$0x1] =	stream.indirect.gather [hbm4b:s1+s22], $0x80, s25, s22, $0xb8;
	[tilespmem:$0x1C900] =	vst v63  }
0x2b7: {  	_ = 	snop  }
0x2b8: {  	[spmem:s3] =	stream.indirect.scatter.add.f32 [tilespmem:s23], [sflag:$0x2], $0x80, s28, s22, $0xb8;
	[tilespmem:$0x1C900] =	vst v63  }
0x2b9: {  	_ =	swait.ge [sflag:s18], $0x4000  }
0x2ba: {  	[sflag:s18] =	ssyncset.done $0x0  }
0x2bb: {  	[sflag:s18] =	ssyncadd.s32 $0xFFFFC000  }
0x2bc: {  	_ =	swait.ge [sflag:s24], $0x4000  }
0x2bd: {  	[sflag:s24] =	ssyncset.done $0x0  }
0x2be: {  	[sflag:s24] =	ssyncadd.s32 $0xFFFFC000  }
0x2bf: {  	[tilespmem:s23], [sflag:$0x1] =	stream.indirect.gather [hbm4b:s1+s22], $0x80, s29, s22, $0xb8;
	[tilespmem:$0x1C900] =	vst v63  }
0x2c0: {  	_ = 	snop  }
0x2c1: {  	[spmem:s3] =	stream.indirect.scatter.add.f32 [tilespmem:s26], [sflag:$0x2], $0x80, s30, s22, $0xb8;
	[tilespmem:$0x1C900] =	vst v63  }
0x2c2: {  	_ =	swait.ge [sflag:s18], $0x4000  }
0x2c3: {  	[sflag:s18] =	ssyncset.done $0x0  }
0x2c4: {  	[sflag:s18] =	ssyncadd.s32 $0xFFFFC000  }
0x2c5: {  	_ =	swait.ge [sflag:s24], $0x4000  }
0x2c6: {  	[sflag:s24] =	ssyncset.done $0x0  }
0x2c7: {  	[sflag:s24] =	ssyncadd.s32 $0xFFFFC000  }
0x2c8: {  	[tilespmem:s26], [sflag:$0x1] =	stream.indirect.gather [hbm4b:s1+s22], $0x80, s31, s22, $0xb8;
	[tilespmem:$0x1C900] =	vst v63  }
0x2c9: {  	_ = 	snop  }
0x2ca: {  	[spmem:s3] =	stream.indirect.scatter.add.f32 [tilespmem:s23], [sflag:$0x2], $0x80, s0, s22, $0xb8;
	[tilespmem:$0x1C900] =	vst v63  }
0x2cb: {  	_ =	swait.ge [sflag:s18], $0x4000  }
0x2cc: {  	[sflag:s18] =	ssyncset.done $0x0  }
0x2cd: {  	[sflag:s18] =	ssyncadd.s32 $0xFFFFC000  }
0x2ce: {  	_ =	swait.ge [sflag:s24], $0x4000  }
0x2cf: {  	[sflag:s24] =	ssyncset.done $0x0  }
0x2d0: {  	[sflag:s24] =	ssyncadd.s32 $0xFFFFC000  }
0x2d1: {  	[tilespmem:s23], [sflag:$0x1] =	stream.indirect.gather [hbm4b:s1+s22], $0x80, s2, s22, $0xb8;
	[tilespmem:$0x1C900] =	vst v63  }
0x2d2: {  	_ = 	snop  }
0x2d3: {  	[spmem:s3] =	stream.indirect.scatter.add.f32 [tilespmem:s26], [sflag:$0x2], $0x80, s12, s22, $0xb8;
	[tilespmem:$0x1C900] =	vst v63  }
0x2d4: {  	_ =	swait.ge [sflag:s18], $0x4000  }
0x2d5: {  	[sflag:s18] =	ssyncset.done $0x0  }
0x2d6: {  	[sflag:s18] =	ssyncadd.s32 $0xFFFFC000  }
0x2d7: {  	_ =	swait.ge [sflag:s24], $0x4000  }
0x2d8: {  	[sflag:s24] =	ssyncset.done $0x0  }
0x2d9: {  	[sflag:s24] =	ssyncadd.s32 $0xFFFFC000  }
0x2da: {  	[tilespmem:s26], [sflag:$0x1] =	stream.indirect.gather [hbm4b:s1+s22], $0x80, s13, s22, $0xb8;
	[tilespmem:$0x1C900] =	vst v63  }
0x2db: {  	_ = 	snop  }
0x2dc: {  	[spmem:s3] =	stream.indirect.scatter.add.f32 [tilespmem:s23], [sflag:$0x2], $0x80, s10, s22, $0xb8;
	[tilespmem:$0x1C900] =	vst v63  }
0x2dd: {  	_ =	swait.ge [sflag:s18], $0x4000  }
0x2de: {  	[sflag:s18] =	ssyncset.done $0x0  }
0x2df: {  	[sflag:s18] =	ssyncadd.s32 $0xFFFFC000  }
0x2e0: {  	_ =	swait.ge [sflag:s24], $0x4000  }
0x2e1: {  	[sflag:s24] =	ssyncset.done $0x0  }
0x2e2: {  	[sflag:s24] =	ssyncadd.s32 $0xFFFFC000  }
0x2e3: {  	[tilespmem:s23], [sflag:$0x1] =	stream.indirect.gather [hbm4b:s1+s22], $0x80, s6, s22, $0xb8;
	[tilespmem:$0x1C900] =	vst v63  }
0x2e4: {  	_ = 	snop  }
0x2e5: {  	[spmem:s3] =	stream.indirect.scatter.add.f32 [tilespmem:s26], [sflag:$0x2], $0x80, s7, s22, $0xb8;
	[tilespmem:$0x1C900] =	vst v63  }
0x2e6: {  	_ =	swait.ge [sflag:s18], $0x4000  }
0x2e7: {  	[sflag:s18] =	ssyncset.done $0x0  }
0x2e8: {  	[sflag:s18] =	ssyncadd.s32 $0xFFFFC000  }
0x2e9: {  	_ =	swait.ge [sflag:s24], $0x4000  }
0x2ea: {  	[sflag:s24] =	ssyncset.done $0x0  }
0x2eb: {  	s14 =	simm.s32 $0x13D80;
	[sflag:s24] =	ssyncadd.s32 $0xFFFFC000  }
0x2ec: {  	[tilespmem:s26], [sflag:$0x1] =	stream.indirect.gather [hbm4b:s1+s22], $0x80, s14, s22, $0xb8;
	[tilespmem:$0x1C900] =	vst v63  }
0x2ed: {  	s14 =	simm.s32 $0x14500  }
0x2ee: {  	[spmem:s3] =	stream.indirect.scatter.add.f32 [tilespmem:s23], [sflag:$0x2], $0x80, s14, s22, $0xb8;
	[tilespmem:$0x1C900] =	vst v63  }
0x2ef: {  	_ =	swait.ge [sflag:s18], $0x4000  }
0x2f0: {  	[sflag:s18] =	ssyncset.done $0x0  }
0x2f1: {  	[sflag:s18] =	ssyncadd.s32 $0xFFFFC000  }
0x2f2: {  	_ =	swait.ge [sflag:s24], $0x4000  }
0x2f3: {  	[sflag:s24] =	ssyncset.done $0x0  }
0x2f4: {  	s14 =	simm.s32 $0x13E00;
	[sflag:s24] =	ssyncadd.s32 $0xFFFFC000  }
0x2f5: {  	[tilespmem:s23], [sflag:$0x1] =	stream.indirect.gather [hbm4b:s1+s22], $0x80, s14, s22, $0xb8;
	[tilespmem:$0x1C900] =	vst v63  }
0x2f6: {  	s14 =	simm.s32 $0x14580  }
0x2f7: {  	[spmem:s3] =	stream.indirect.scatter.add.f32 [tilespmem:s26], [sflag:$0x2], $0x80, s14, s22, $0xb8;
	[tilespmem:$0x1C900] =	vst v63  }
0x2f8: {  	_ =	swait.ge [sflag:s18], $0x4000  }
0x2f9: {  	[sflag:s18] =	ssyncset.done $0x0  }
0x2fa: {  	[sflag:s18] =	ssyncadd.s32 $0xFFFFC000  }
0x2fb: {  	_ =	swait.ge [sflag:s24], $0x4000  }
0x2fc: {  	[sflag:s24] =	ssyncset.done $0x0  }
0x2fd: {  	s14 =	simm.s32 $0x13E80;
	[sflag:s24] =	ssyncadd.s32 $0xFFFFC000  }
0x2fe: {  	[tilespmem:s26], [sflag:$0x1] =	stream.indirect.gather [hbm4b:s1+s22], $0x80, s14, s22, $0xb8;
	[tilespmem:$0x1C900] =	vst v63  }
0x2ff: {  	s14 =	simm.s32 $0x14600  }
0x300: {  	[spmem:s3] =	stream.indirect.scatter.add.f32 [tilespmem:s23], [sflag:$0x2], $0x80, s14, s22, $0xb8;
	[tilespmem:$0x1C900] =	vst v63  }
0x301: {  	_ =	swait.ge [sflag:s18], $0x4000  }
0x302: {  	[sflag:s18] =	ssyncset.done $0x0  }
0x303: {  	[sflag:s18] =	ssyncadd.s32 $0xFFFFC000  }
0x304: {  	_ =	swait.ge [sflag:s24], $0x4000  }
0x305: {  	[sflag:s24] =	ssyncset.done $0x0  }
0x306: {  	s14 =	simm.s32 $0x13F00;
	[sflag:s24] =	ssyncadd.s32 $0xFFFFC000  }
0x307: {  	[tilespmem:s23], [sflag:$0x1] =	stream.indirect.gather [hbm4b:s1+s22], $0x80, s14, s22, $0xb8;
	[tilespmem:$0x1C900] =	vst v63  }
0x308: {  	s14 =	simm.s32 $0x14680  }
0x309: {  	[spmem:s3] =	stream.indirect.scatter.add.f32 [tilespmem:s26], [sflag:$0x2], $0x80, s14, s22, $0xb8;
	[tilespmem:$0x1C900] =	vst v63  }
0x30a: {  	_ =	swait.ge [sflag:s18], $0x4000  }
0x30b: {  	[sflag:s18] =	ssyncset.done $0x0  }
0x30c: {  	[sflag:s18] =	ssyncadd.s32 $0xFFFFC000  }
0x30d: {  	_ =	swait.ge [sflag:s24], $0x4000  }
0x30e: {  	[sflag:s24] =	ssyncset.done $0x0  }
0x30f: {  	s14 =	simm.s32 $0x13F80;
	[sflag:s24] =	ssyncadd.s32 $0xFFFFC000  }
0x310: {  	[tilespmem:s26], [sflag:$0x1] =	stream.indirect.gather [hbm4b:s1+s22], $0x80, s14, s22, $0xb8;
	[tilespmem:$0x1C900] =	vst v63  }
0x311: {  	s14 =	simm.s32 $0x14700  }
0x312: {  	[spmem:s3] =	stream.indirect.scatter.add.f32 [tilespmem:s23], [sflag:$0x2], $0x80, s14, s22, $0xb8;
	[tilespmem:$0x1C900] =	vst v63  }
0x313: {  	_ =	swait.ge [sflag:s18], $0x4000  }
0x314: {  	[sflag:s18] =	ssyncset.done $0x0  }
0x315: {  	[sflag:s18] =	ssyncadd.s32 $0xFFFFC000  }
0x316: {  	_ =	swait.ge [sflag:s24], $0x4000  }
0x317: {  	[sflag:s24] =	ssyncset.done $0x0  }
0x318: {  	s14 =	simm.s32 $0x14000;
	[sflag:s24] =	ssyncadd.s32 $0xFFFFC000  }
0x319: {  	[tilespmem:s23], [sflag:$0x1] =	stream.indirect.gather [hbm4b:s1+s22], $0x80, s14, s22, $0xb8;
	[tilespmem:$0x1C900] =	vst v63  }
0x31a: {  	s14 =	simm.s32 $0x14780  }
0x31b: {  	[spmem:s3] =	stream.indirect.scatter.add.f32 [tilespmem:s26], [sflag:$0x2], $0x80, s14, s22, $0xb8;
	[tilespmem:$0x1C900] =	vst v63  }
0x31c: {  	_ =	swait.ge [sflag:s18], $0x4000  }
0x31d: {  	[sflag:s18] =	ssyncset.done $0x0  }
0x31e: {  	[sflag:s18] =	ssyncadd.s32 $0xFFFFC000  }
0x31f: {  	_ =	swait.ge [sflag:s24], $0x4000  }
0x320: {  	[sflag:s24] =	ssyncset.done $0x0  }
0x321: {  	s14 =	simm.s32 $0x14080;
	[sflag:s24] =	ssyncadd.s32 $0xFFFFC000  }
0x322: {  	[tilespmem:s26], [sflag:$0x1] =	stream.indirect.gather [hbm4b:s1+s22], $0x80, s14, s22, $0xb8;
	[tilespmem:$0x1C900] =	vst v63  }
0x323: {  	s14 =	simm.s32 $0x14800  }
0x324: {  	[spmem:s3] =	stream.indirect.scatter.add.f32 [tilespmem:s23], [sflag:$0x2], $0x80, s14, s22, $0xb8;
	[tilespmem:$0x1C900] =	vst v63  }
0x325: {  	_ =	swait.ge [sflag:s18], $0x4000  }
0x326: {  	[sflag:s18] =	ssyncset.done $0x0  }
0x327: {  	[sflag:s18] =	ssyncadd.s32 $0xFFFFC000  }
0x328: {  	_ =	swait.ge [sflag:s24], $0x4000  }
.Ltmp6:
0x329: {  	[sflag:s24] =	ssyncset.done $0x0;
	(pc) =	sbr.rel @p3 .LBB2_6-.Ltmp6, $4  }
0x32a: {  	s14 =	simm.s32 $0x14880;
	[sflag:s24] =	ssyncadd.s32 $0xFFFFC000  }
0x32b: {  	[spmem:s3] =	stream.indirect.scatter.add.f32 [tilespmem:s26], [sflag:$0x2], $0x80, s14, s22, $0xb8;
	[tilespmem:$0x1C900] =	vst v63  }
0x32c: {  	_ =	swait.ge [sflag:s18], $0x4000  }
0x32d: {  	s14 =	smov.u32 s11;
	[sflag:s18] =	ssyncset.done $0x0  }
0x32e: {  	s11 =	sadd.s32 s8, s16;
	[sflag:s18] =	ssyncadd.s32 $0xFFFFC000  }
0x32f: {  	[tilespmem:s20], [sflag:$0x2] =	stream.linear.gather [hbm4b:s11+s4], $0x800, $0x38;
	[tilespmem:$0x1C900] =	vst v63  }
0x330: {  	_ =	swait.ge [sflag:s18], $0x800  }
0x331: {  	[sflag:s18] =	ssyncset.done $0x0  }
0x332: {  	s14 =	sadd.s32 s8, s15;
	[sflag:s18] =	ssyncadd.s32 $0xFFFFF800  }
0x333: {  	[tilespmem:s21], [sflag:$0x2] =	stream.linear.gather [hbm4b:s14+s4], $0x800, $0x38;
	[tilespmem:$0x1C900] =	vst v63  }
0x334: {  	_ =	swait.ge [sflag:s18], $0x800  }
0x335: {  	[sflag:s18] =	ssyncset.done $0x0  }
0x336: {  	[sflag:s18] =	ssyncadd.s32 $0xFFFFF800  }
0x337: {  	[tilespmem:s23], [sflag:$0x1] =	stream.indirect.gather [hbm4b:s1+s22], $0x80, s20, s22, $0xb8;
	[tilespmem:$0x1C900] =	vst v63  }
0x338: {  	_ =	swait.ge [sflag:s24], $0x4000  }
0x339: {  	[sflag:s24] =	ssyncset.done $0x0  }
0x33a: {  	[sflag:s24] =	ssyncadd.s32 $0xFFFFC000  }
0x33b: {  	[tilespmem:s26], [sflag:$0x1] =	stream.indirect.gather [hbm4b:s1+s22], $0x80, s19, s22, $0xb8;
	[tilespmem:$0x1C900] =	vst v63  }
0x33c: {  	_ = 	snop  }
0x33d: {  	[spmem:s3] =	stream.indirect.scatter.add.f32 [tilespmem:s23], [sflag:$0x2], $0x80, s21, s22, $0xb8;
	[tilespmem:$0x1C900] =	vst v63  }
0x33e: {  	_ =	swait.ge [sflag:s18], $0x4000  }
0x33f: {  	[sflag:s18] =	ssyncset.done $0x0  }
0x340: {  	[sflag:s18] =	ssyncadd.s32 $0xFFFFC000  }
0x341: {  	_ =	swait.ge [sflag:s24], $0x4000  }
0x342: {  	[sflag:s24] =	ssyncset.done $0x0  }
0x343: {  	[sflag:s24] =	ssyncadd.s32 $0xFFFFC000  }
0x344: {  	[tilespmem:s23], [sflag:$0x1] =	stream.indirect.gather [hbm4b:s1+s22], $0x80, s17, s22, $0xb8;
	[tilespmem:$0x1C900] =	vst v63  }
0x345: {  	_ = 	snop  }
0x346: {  	[spmem:s3] =	stream.indirect.scatter.add.f32 [tilespmem:s26], [sflag:$0x2], $0x80, s9, s22, $0xb8;
	[tilespmem:$0x1C900] =	vst v63  }
0x347: {  	_ =	swait.ge [sflag:s18], $0x4000  }
0x348: {  	[sflag:s18] =	ssyncset.done $0x0  }
0x349: {  	[sflag:s18] =	ssyncadd.s32 $0xFFFFC000  }
0x34a: {  	_ =	swait.ge [sflag:s24], $0x4000  }
0x34b: {  	[sflag:s24] =	ssyncset.done $0x0  }
0x34c: {  	[sflag:s24] =	ssyncadd.s32 $0xFFFFC000  }
0x34d: {  	[tilespmem:s26], [sflag:$0x1] =	stream.indirect.gather [hbm4b:s1+s22], $0x80, s25, s22, $0xb8;
	[tilespmem:$0x1C900] =	vst v63  }
0x34e: {  	_ = 	snop  }
0x34f: {  	[spmem:s3] =	stream.indirect.scatter.add.f32 [tilespmem:s23], [sflag:$0x2], $0x80, s28, s22, $0xb8;
	[tilespmem:$0x1C900] =	vst v63  }
0x350: {  	_ =	swait.ge [sflag:s18], $0x4000  }
0x351: {  	[sflag:s18] =	ssyncset.done $0x0  }
0x352: {  	[sflag:s18] =	ssyncadd.s32 $0xFFFFC000  }
0x353: {  	_ =	swait.ge [sflag:s24], $0x4000  }
0x354: {  	[sflag:s24] =	ssyncset.done $0x0  }
0x355: {  	[sflag:s24] =	ssyncadd.s32 $0xFFFFC000  }
0x356: {  	[tilespmem:s23], [sflag:$0x1] =	stream.indirect.gather [hbm4b:s1+s22], $0x80, s29, s22, $0xb8;
	[tilespmem:$0x1C900] =	vst v63  }
0x357: {  	_ = 	snop  }
0x358: {  	[spmem:s3] =	stream.indirect.scatter.add.f32 [tilespmem:s26], [sflag:$0x2], $0x80, s30, s22, $0xb8;
	[tilespmem:$0x1C900] =	vst v63  }
0x359: {  	_ =	swait.ge [sflag:s18], $0x4000  }
0x35a: {  	[sflag:s18] =	ssyncset.done $0x0  }
0x35b: {  	[sflag:s18] =	ssyncadd.s32 $0xFFFFC000  }
0x35c: {  	_ =	swait.ge [sflag:s24], $0x4000  }
0x35d: {  	[sflag:s24] =	ssyncset.done $0x0  }
0x35e: {  	[sflag:s24] =	ssyncadd.s32 $0xFFFFC000  }
0x35f: {  	[tilespmem:s26], [sflag:$0x1] =	stream.indirect.gather [hbm4b:s1+s22], $0x80, s31, s22, $0xb8;
	[tilespmem:$0x1C900] =	vst v63  }
0x360: {  	_ = 	snop  }
0x361: {  	[spmem:s3] =	stream.indirect.scatter.add.f32 [tilespmem:s23], [sflag:$0x2], $0x80, s0, s22, $0xb8;
	[tilespmem:$0x1C900] =	vst v63  }
0x362: {  	_ =	swait.ge [sflag:s18], $0x4000  }
0x363: {  	[sflag:s18] =	ssyncset.done $0x0  }
0x364: {  	[sflag:s18] =	ssyncadd.s32 $0xFFFFC000  }
0x365: {  	_ =	swait.ge [sflag:s24], $0x4000  }
0x366: {  	[sflag:s24] =	ssyncset.done $0x0  }
0x367: {  	[sflag:s24] =	ssyncadd.s32 $0xFFFFC000  }
0x368: {  	[tilespmem:s23], [sflag:$0x1] =	stream.indirect.gather [hbm4b:s1+s22], $0x80, s2, s22, $0xb8;
	[tilespmem:$0x1C900] =	vst v63  }
0x369: {  	_ = 	snop  }
0x36a: {  	[spmem:s3] =	stream.indirect.scatter.add.f32 [tilespmem:s26], [sflag:$0x2], $0x80, s12, s22, $0xb8;
	[tilespmem:$0x1C900] =	vst v63  }
0x36b: {  	_ =	swait.ge [sflag:s18], $0x4000  }
0x36c: {  	[sflag:s18] =	ssyncset.done $0x0  }
0x36d: {  	[sflag:s18] =	ssyncadd.s32 $0xFFFFC000  }
0x36e: {  	_ =	swait.ge [sflag:s24], $0x4000  }
0x36f: {  	[sflag:s24] =	ssyncset.done $0x0  }
0x370: {  	[sflag:s24] =	ssyncadd.s32 $0xFFFFC000  }
0x371: {  	[tilespmem:s26], [sflag:$0x1] =	stream.indirect.gather [hbm4b:s1+s22], $0x80, s13, s22, $0xb8;
	[tilespmem:$0x1C900] =	vst v63  }
0x372: {  	_ = 	snop  }
0x373: {  	[spmem:s3] =	stream.indirect.scatter.add.f32 [tilespmem:s23], [sflag:$0x2], $0x80, s10, s22, $0xb8;
	[tilespmem:$0x1C900] =	vst v63  }
0x374: {  	_ =	swait.ge [sflag:s18], $0x4000  }
0x375: {  	[sflag:s18] =	ssyncset.done $0x0  }
0x376: {  	[sflag:s18] =	ssyncadd.s32 $0xFFFFC000  }
0x377: {  	_ =	swait.ge [sflag:s24], $0x4000  }
0x378: {  	[sflag:s24] =	ssyncset.done $0x0  }
0x379: {  	[sflag:s24] =	ssyncadd.s32 $0xFFFFC000  }
0x37a: {  	[tilespmem:s23], [sflag:$0x1] =	stream.indirect.gather [hbm4b:s1+s22], $0x80, s6, s22, $0xb8;
	[tilespmem:$0x1C900] =	vst v63  }
0x37b: {  	_ = 	snop  }
0x37c: {  	[spmem:s3] =	stream.indirect.scatter.add.f32 [tilespmem:s26], [sflag:$0x2], $0x80, s7, s22, $0xb8;
	[tilespmem:$0x1C900] =	vst v63  }
0x37d: {  	_ =	swait.ge [sflag:s18], $0x4000  }
0x37e: {  	[sflag:s18] =	ssyncset.done $0x0  }
0x37f: {  	[sflag:s18] =	ssyncadd.s32 $0xFFFFC000  }
0x380: {  	_ =	swait.ge [sflag:s24], $0x4000  }
0x381: {  	[sflag:s24] =	ssyncset.done $0x0  }
0x382: {  	s2 =	simm.s32 $0x13D80;
	[sflag:s24] =	ssyncadd.s32 $0xFFFFC000  }
0x383: {  	[tilespmem:s26], [sflag:$0x1] =	stream.indirect.gather [hbm4b:s1+s22], $0x80, s2, s22, $0xb8;
	[tilespmem:$0x1C900] =	vst v63  }
0x384: {  	s6 =	simm.s32 $0x14500  }
0x385: {  	[spmem:s3] =	stream.indirect.scatter.add.f32 [tilespmem:s23], [sflag:$0x2], $0x80, s6, s22, $0xb8;
	[tilespmem:$0x1C900] =	vst v63  }
0x386: {  	_ =	swait.ge [sflag:s18], $0x4000  }
0x387: {  	[sflag:s18] =	ssyncset.done $0x0  }
0x388: {  	[sflag:s18] =	ssyncadd.s32 $0xFFFFC000  }
0x389: {  	_ =	swait.ge [sflag:s24], $0x4000  }
0x38a: {  	[sflag:s24] =	ssyncset.done $0x0  }
0x38b: {  	s7 =	simm.s32 $0x13E00;
	[sflag:s24] =	ssyncadd.s32 $0xFFFFC000  }
0x38c: {  	[tilespmem:s23], [sflag:$0x1] =	stream.indirect.gather [hbm4b:s1+s22], $0x80, s7, s22, $0xb8;
	[tilespmem:$0x1C900] =	vst v63  }
0x38d: {  	s8 =	simm.s32 $0x14580  }
0x38e: {  	[spmem:s3] =	stream.indirect.scatter.add.f32 [tilespmem:s26], [sflag:$0x2], $0x80, s8, s22, $0xb8;
	[tilespmem:$0x1C900] =	vst v63  }
0x38f: {  	_ =	swait.ge [sflag:s18], $0x4000  }
0x390: {  	[sflag:s18] =	ssyncset.done $0x0  }
0x391: {  	[sflag:s18] =	ssyncadd.s32 $0xFFFFC000  }
0x392: {  	_ =	swait.ge [sflag:s24], $0x4000  }
0x393: {  	[sflag:s24] =	ssyncset.done $0x0  }
0x394: {  	s9 =	simm.s32 $0x13E80;
	[sflag:s24] =	ssyncadd.s32 $0xFFFFC000  }
0x395: {  	[tilespmem:s26], [sflag:$0x1] =	stream.indirect.gather [hbm4b:s1+s22], $0x80, s9, s22, $0xb8;
	[tilespmem:$0x1C900] =	vst v63  }
0x396: {  	s10 =	simm.s32 $0x14600  }
0x397: {  	[spmem:s3] =	stream.indirect.scatter.add.f32 [tilespmem:s23], [sflag:$0x2], $0x80, s10, s22, $0xb8;
	[tilespmem:$0x1C900] =	vst v63  }
0x398: {  	_ =	swait.ge [sflag:s18], $0x4000  }
0x399: {  	[sflag:s18] =	ssyncset.done $0x0  }
0x39a: {  	[sflag:s18] =	ssyncadd.s32 $0xFFFFC000  }
0x39b: {  	_ =	swait.ge [sflag:s24], $0x4000  }
0x39c: {  	[sflag:s24] =	ssyncset.done $0x0  }
0x39d: {  	s11 =	simm.s32 $0x13F00;
	[sflag:s24] =	ssyncadd.s32 $0xFFFFC000  }
0x39e: {  	[tilespmem:s23], [sflag:$0x1] =	stream.indirect.gather [hbm4b:s1+s22], $0x80, s11, s22, $0xb8;
	[tilespmem:$0x1C900] =	vst v63  }
0x39f: {  	s12 =	simm.s32 $0x14680  }
0x3a0: {  	[spmem:s3] =	stream.indirect.scatter.add.f32 [tilespmem:s26], [sflag:$0x2], $0x80, s12, s22, $0xb8;
	[tilespmem:$0x1C900] =	vst v63  }
0x3a1: {  	_ =	swait.ge [sflag:s18], $0x4000  }
0x3a2: {  	[sflag:s18] =	ssyncset.done $0x0  }
0x3a3: {  	[sflag:s18] =	ssyncadd.s32 $0xFFFFC000  }
0x3a4: {  	_ =	swait.ge [sflag:s24], $0x4000  }
0x3a5: {  	[sflag:s24] =	ssyncset.done $0x0  }
0x3a6: {  	s13 =	simm.s32 $0x13F80;
	[sflag:s24] =	ssyncadd.s32 $0xFFFFC000  }
0x3a7: {  	[tilespmem:s26], [sflag:$0x1] =	stream.indirect.gather [hbm4b:s1+s22], $0x80, s13, s22, $0xb8;
	[tilespmem:$0x1C900] =	vst v63  }
0x3a8: {  	s14 =	simm.s32 $0x14700  }
0x3a9: {  	[spmem:s3] =	stream.indirect.scatter.add.f32 [tilespmem:s23], [sflag:$0x2], $0x80, s14, s22, $0xb8;
	[tilespmem:$0x1C900] =	vst v63  }
0x3aa: {  	_ =	swait.ge [sflag:s18], $0x4000  }
0x3ab: {  	[sflag:s18] =	ssyncset.done $0x0  }
0x3ac: {  	[sflag:s18] =	ssyncadd.s32 $0xFFFFC000  }
0x3ad: {  	_ =	swait.ge [sflag:s24], $0x4000  }
0x3ae: {  	[sflag:s24] =	ssyncset.done $0x0  }
0x3af: {  	s17 =	simm.s32 $0x14000;
	[sflag:s24] =	ssyncadd.s32 $0xFFFFC000  }
0x3b0: {  	[tilespmem:s23], [sflag:$0x1] =	stream.indirect.gather [hbm4b:s1+s22], $0x80, s17, s22, $0xb8;
	[tilespmem:$0x1C900] =	vst v63  }
0x3b1: {  	s25 =	simm.s32 $0x14780  }
0x3b2: {  	[spmem:s3] =	stream.indirect.scatter.add.f32 [tilespmem:s26], [sflag:$0x2], $0x80, s25, s22, $0xb8;
	[tilespmem:$0x1C900] =	vst v63  }
0x3b3: {  	_ =	swait.ge [sflag:s18], $0x4000  }
0x3b4: {  	[sflag:s18] =	ssyncset.done $0x0  }
0x3b5: {  	[sflag:s18] =	ssyncadd.s32 $0xFFFFC000  }
0x3b6: {  	_ =	swait.ge [sflag:s24], $0x4000  }
0x3b7: {  	[sflag:s24] =	ssyncset.done $0x0  }
0x3b8: {  	s28 =	simm.s32 $0x14080;
	[sflag:s24] =	ssyncadd.s32 $0xFFFFC000  }
0x3b9: {  	[tilespmem:s26], [sflag:$0x1] =	stream.indirect.gather [hbm4b:s1+s22], $0x80, s28, s22, $0xb8;
	[tilespmem:$0x1C900] =	vst v63  }
0x3ba: {  	s29 =	simm.s32 $0x14800  }
0x3bb: {  	[spmem:s3] =	stream.indirect.scatter.add.f32 [tilespmem:s23], [sflag:$0x2], $0x80, s29, s22, $0xb8;
	[tilespmem:$0x1C900] =	vst v63  }
0x3bc: {  	_ =	swait.ge [sflag:s18], $0x4000  }
0x3bd: {  	[sflag:s18] =	ssyncset.done $0x0  }
0x3be: {  	[sflag:s18] =	ssyncadd.s32 $0xFFFFC000  }
0x3bf: {  	_ =	swait.ge [sflag:s24], $0x4000  }
0x3c0: {  	[sflag:s24] =	ssyncset.done $0x0  }
0x3c1: {  	s30 =	simm.s32 $0x14880;
	[sflag:s24] =	ssyncadd.s32 $0xFFFFC000  }
0x3c2: {  	[spmem:s3] =	stream.indirect.scatter.add.f32 [tilespmem:s26], [sflag:$0x2], $0x80, s30, s22, $0xb8;
	[tilespmem:$0x1C900] =	vst v63  }
0x3c3: {  	_ =	swait.ge [sflag:s18], $0x4000  }
0x3c4: {  	[sflag:s18] =	ssyncset.done $0x0  }
0x3c5: {  	[sflag:s18] =	ssyncadd.s32 $0xFFFFC000  }
0x3c6: {  	[bflag:$0x0] =	sbarrier.arrive $0xFFFF  }
0x3c7: {  	s17 =	rddreg [dreg:$0x7]  }
0x3c8: {  	s31 =	rddreg [dreg:$0xa]  }
0x3c9: {  	s14 =	rddreg [dreg:$0xd]  }
0x3ca: {  	[hbm:s31], [sflag:s17] =	dma.local [spmem:s14], $0x2700  }
.Ltmp7:
0x3cb: {  	_ = 	snop;
	(pc) =	sbr.rel @p0 .LBB2_9-.Ltmp7, $4  }
.Ltmp8:
0x3cc: {  	_ = 	snop;
	(pc) =	sbr.rel @!p0 .LBB2_8-.Ltmp8, $4  }
0x3cd: {  	_ =	swait.ge [sflag:s18], $0x2700  }
0x3ce: {  	[sflag:s18] =	ssyncset.done $0x0;
	s8 =	rddreg [dreg:$0x5]  }
0x3cf: {  	s0 =	rddreg [dreg:$0xf];
	[sflag:s18] =	ssyncadd.s32 $0xFFFFD900  }
0x3d0: {  	_ = 	snop  }
.LBB2_10:
0x3d1: {  	_ =	sfence.sel $0x180000  }
0x3d2: {  	[bflag:$0x0] =	sbarrier.arrive $0xFFFF  }
0x3d3: {  	_ =	strace $0x90000047  }
0x3d4: {  	s0 =	stileid.u32;
	[bflag:$0x2] =	sbarrier.arrive $0xFFFF  }
0x3d5: {  	p0 =	sne.s32 s0, $0x0;
	s0 =	rddreg [dreg:$0x3]  }
0x3d6: {  	s0 =	sadd.s32 @!p0 $0x100000, s0  }
0x3d7: {  	[sflag:s0] =	ssyncadd.tile.s32 @!p0 $0x1;
	_ =	shalt  }
.Lfunc_end2:
_tile_overlayer_lowered:
.L_overlay_start_2:
0x3d8: {  	(tag) =	ssettag $0x2  }
0x3d9: {  	s0 =	rddreg [dreg:$0x0];
	s2 =	stileid.u32  }
0x3da: {  	s1 =	rddreg [dreg:$0x1];
	p0 =	sne.s32 s2, $0x0  }
0x3db: {  	s3 =	rddreg [dreg:$0x2];
	[bflag:$0x3] =	sbarrier.arrive $0xFFFF;
	s2 =	simm.s32 @!p0 $0x1C02  }
0x3dc: {  	[timem:s3], [sflag:s2] =	dma.local @!p0 [hbm:s0], s1  }
0x3dd: {  	s0 =	simm.s32 @!p0 $0x2  }
0x3de: {  	_ =	swait.ge @!p0 [sflag:s0], s1  }
0x3df: {  	s1 =	ssub.s32 @!p0 $0x0, s1;
	[sflag:s0] =	ssyncset.done @!p0 $0x0  }
0x3e0: {  	[sflag:s0] =	ssyncadd.s32 @!p0 s1  }
0x3e1: {  	[bflag:$0x3] =	sbarrier.arrive $0xFFFF  }
0x3e2: {  	_ =	shalt  }

// kernel: kernel.14.cloned.1.call-start
scs
__scs_entry_jumppad:
0x0: {  	(pc) =	sbr.rel $0x88, $3  }
0x1: {  	(tag) =	ssettag $0x0;
	lr =	simm.s32 $0x1  }
0x2: {  	[smem:$0x3F96] =	sst lr;
	_ =	strace $0xD0000000  }
0x3: {  	_ = 	snop  }
0x4: {  	_ = 	snop  }
0x5: {  	_ = 	snop  }
0x6: {  	_ = 	snop  }
0x7: {  	_ = 	snop  }
__scs_overlays_trampoline_lowered:
0x8: {  	[smem:$0x3FA5] =	sst s0  }
0x9: {  	[smem:$0x3FA6] =	sst s1  }
0xa: {  	[smem:$0x3FA7] =	sst s2  }
0xb: {  	[smem:$0x3FA8] =	sst s3  }
0xc: {  	[smem:$0x3FA9] =	sst s4  }
0xd: {  	[smem:$0x3FAA] =	sst s5  }
0xe: {  	[smem:$0x3FAB] =	sst s6  }
0xf: {  	[smem:$0x3FAC] =	sst s7  }
0x10: {  	[smem:$0x3FAD] =	sst s8  }
0x11: {  	[smem:$0x3FAE] =	sst s9;
	s0 =	simm.s32 @!p0 $0x0  }
0x12: {  	s1 =	sld [smem:$0x3F94];
	s0 =	simm.s32 @p0 $0x1  }
0x13: {  	[smem:$0x3FAF] =	sst s0;
	s0 =	simm.s32 @!p1 $0x0  }
0x14: {  	s2 =	sld [smem:$0x3F93];
	s0 =	simm.s32 @p1 $0x1  }
0x15: {  	[smem:$0x3FB0] =	sst s0;
	s0 =	simm.s32 @!p2 $0x0  }
0x16: {  	s3 =	sld [smem:$0x3FDB];
	s0 =	simm.s32 @p2 $0x1  }
0x17: {  	s4 =	simm.s32 $0x1BF5;
	[smem:$0x3FB2] =	sst s0  }
0x18: {  	s0 =	sld [smem:$0x3F95];
	_ =	swait.ge [sflag:s4], $0x0  }
0x19: {  	s7 =	sld [smem:$0x3F96]  }
0x1a: {  	s8 =	sadd.s32 $0xFFFFE003, lr  }
0x1b: {  	s9 =	sadd.s32 $0xFFFFFEF7, lr;
	s5 =	simm.s32 $0xFFFFFFFF;
	p2 =	slt.u32 s8, $0xFFFFF086  }
0x1c: {  	p1 =	slt.u32 s9, $0xF7A;
	s5 =	simm.s32 @!p2 $0x0  }
0x1d: {  	s5 =	simm.s32 @p1 $0x1;
	p0 =	seq.s32 s7, s2  }
0x1e: {  	s7 =	smul.u32 @!p0 $0xF7A, s2;
	p2 =	seq.s32 @!p0 s5, $0x0  }
0x1f: {  	s9 =	smul.u32 $0xF7A, s1;
	s8 =	simm.s32 @!p0 $0x1BF5;
	p2 =	por !p2, p0  }
0x20: {  	[sflag:s8] =	ssyncset.s32 @!p0 $0xFFFFF086;
	s6 =	sadd.s32 @!p0 s3, s7;
	s7 =	simm.s32 @!p0 $0x108  }
0x21: {  	s3 =	sadd.s32 s3, s9;
	s6 =	sadd.s32 @!p0 $0x88, s6;
	s7 =	simm.s32 @p2 $0x1082  }
0x22: {  	[simem:s7], [sflag:s8] =	dma.local @!p0 [hbm:s6], $0xF7A  }
0x23: {  	s9 =	sor.u32 $0xD0000000, s2;
	s6 =	simm.s32 $0x108;
	_ =	swait.ge @!p0 [sflag:s8], $0x0  }
0x24: {  	s3 =	sadd.s32 $0x88, s3;
	s6 =	simm.s32 @!p1 $0x1082;
	[sflag:s4] =	ssyncset.s32 $0xFFFFF086  }
0x25: {  	[simem:s6], [sflag:s4] =	dma.local [hbm:s3], $0xF7A  }
0x26: {  	[smem:$0x3F96] =	sst s1;
	(tag) =	ssettag s2;
	_ =	strace s9  }
0x27: {  	s1 =	sld [smem:$0x3FA6]  }
0x28: {  	s2 =	sld [smem:$0x3FA7]  }
0x29: {  	s4 =	sld [smem:$0x3FA9]  }
0x2a: {  	p0 =	seq.s32 s5, $0x0;
	s5 =	sld [smem:$0x3FAA]  }
0x2b: {  	s6 =	sld [smem:$0x3FAB]  }
0x2c: {  	s7 =	sld [smem:$0x3FAC]  }
0x2d: {  	s3 =	simm.s32 $0x108;
	s8 =	sld [smem:$0x3FAD]  }
0x2e: {  	s3 =	simm.s32 @!p0 $0x1082;
	s9 =	sld [smem:$0x3FAE]  }
0x2f: {  	lr =	sadd.s32 s0, s3;
	s0 =	sld [smem:$0x3FA5]  }
0x30: {  	s3 =	sld [smem:$0x3FA8]  }
0x31: {  	[smem:$0x3FB1] =	sst s10  }
0x32: {  	s10 =	sld [smem:$0x3FAF];
	_ =	sdelay $0x3  }
0x33: {  	p0 =	seq.s32 s10, $0x1;
	s10 =	sld [smem:$0x3FB1];
	_ =	sdelay $0x3  }
0x34: {  	[smem:$0x3FB1] =	sst s10  }
0x35: {  	s10 =	sld [smem:$0x3FB0];
	_ =	sdelay $0x3  }
0x36: {  	p1 =	seq.s32 s10, $0x1;
	s10 =	sld [smem:$0x3FB1];
	_ =	sdelay $0x3  }
0x37: {  	[smem:$0x3FB1] =	sst s10  }
0x38: {  	s10 =	sld [smem:$0x3FB2]  }
0x39: {  	_ = 	snop;
	(pc) =	sbr.ind lr, $3  }
0x3a: {  	_ = 	snop  }
0x3b: {  	_ = 	snop  }
0x3c: {  	p2 =	seq.s32 s10, $0x1;
	s10 =	sld [smem:$0x3FB1]  }
0x3d: {  	_ =	shalt  }
0x3e: {  	_ =	shalt  }
0x3f: {  	_ =	shalt  }
0x40: {  	_ =	shalt  }
0x41: {  	_ =	shalt  }
0x42: {  	_ =	shalt  }
0x43: {  	_ =	shalt  }
0x44: {  	_ =	shalt  }
0x45: {  	_ =	shalt  }
0x46: {  	_ =	shalt  }
0x47: {  	_ =	shalt  }
0x48: {  	_ =	shalt  }
0x49: {  	_ =	shalt  }
0x4a: {  	_ =	shalt  }
0x4b: {  	_ =	shalt  }
0x4c: {  	_ =	shalt  }
0x4d: {  	_ =	shalt  }
0x4e: {  	_ =	shalt  }
0x4f: {  	_ =	shalt  }
0x50: {  	_ =	shalt  }
0x51: {  	_ =	shalt  }
0x52: {  	_ =	shalt  }
0x53: {  	_ =	shalt  }
0x54: {  	_ =	shalt  }
0x55: {  	_ =	shalt  }
0x56: {  	_ =	shalt  }
0x57: {  	_ =	shalt  }
0x58: {  	_ =	shalt  }
0x59: {  	_ =	shalt  }
0x5a: {  	_ =	shalt  }
0x5b: {  	_ =	shalt  }
0x5c: {  	_ =	shalt  }
0x5d: {  	_ =	shalt  }
0x5e: {  	_ =	shalt  }
0x5f: {  	_ =	shalt  }
0x60: {  	_ =	shalt  }
0x61: {  	_ =	shalt  }
0x62: {  	_ =	shalt  }
0x63: {  	_ =	shalt  }
0x64: {  	_ =	shalt  }
0x65: {  	_ =	shalt  }
0x66: {  	_ =	shalt  }
0x67: {  	_ =	shalt  }
0x68: {  	_ =	shalt  }
0x69: {  	_ =	shalt  }
0x6a: {  	_ =	shalt  }
0x6b: {  	_ =	shalt  }
0x6c: {  	_ =	shalt  }
0x6d: {  	_ =	shalt  }
0x6e: {  	_ =	shalt  }
0x6f: {  	_ =	shalt  }
0x70: {  	_ =	shalt  }
0x71: {  	_ =	shalt  }
0x72: {  	_ =	shalt  }
0x73: {  	_ =	shalt  }
0x74: {  	_ =	shalt  }
0x75: {  	_ =	shalt  }
0x76: {  	_ =	shalt  }
0x77: {  	_ =	shalt  }
0x78: {  	_ =	shalt  }
0x79: {  	_ =	shalt  }
0x7a: {  	_ =	shalt  }
0x7b: {  	_ =	shalt  }
0x7c: {  	_ =	shalt  }
0x7d: {  	_ =	shalt  }
0x7e: {  	_ =	shalt  }
0x7f: {  	_ =	shalt  }
0x80: {  	_ =	shalt  }
0x81: {  	_ =	shalt  }
0x82: {  	_ =	shalt  }
0x83: {  	_ =	shalt  }
0x84: {  	_ =	shalt  }
0x85: {  	_ =	shalt  }
0x86: {  	_ =	shalt  }
0x87: {  	_ =	shalt  }
.Lfunc_end0:
.L_simem_size_0:
called_computation.2_lowered:
.L_overlay_start_0:
0x88: {  	s2 =	sld [smem:$0x3FD9]  }
0x89: {  	s3 =	sld [smem:$0x3FFE];
	_ =	sdelay $0x1  }
0x8a: {  	s1 =	srdreg.scid  }
0x8b: {  	s0 =	sand.u32 $0x1, s1  }
0x8c: {  	s14 =	sshll.u32 s0, $0xA;
	s2 =	sadd.s32 s3, s2  }
0x8d: {  	s2 =	sadd.s32 s2, s14  }
0x8e: {  	[smem:$0x3FBD] =	sst s2  }
0x8f: {  	_ = 	snop  }
0x90: {  	s2 =	sld [smem:$0x3FD0];
	_ =	sdelay $0x2  }
0x91: {  	s15 =	simm.s32 $0xB;
	s4 =	simm.s32 $0x10  }
0x92: {  	[smem:s4], [sflag:s15] =	dma.local [hbm:s2], $0x1  }
0x93: {  	_ =	swait.eq [sflag:s15], $0x1  }
0x94: {  	[sflag:s15] =	ssyncset.done $0x0  }
0x95: {  	[sflag:s15] =	ssyncadd.s32 $0xFFFFFFFF  }
0x96: {  	s16 =	sld [smem:$0x11];
	(tm) =	ssettm $0x1  }
0x97: {  	s17 =	sld [smem:$0x3FFB];
	_ =	sdelay $0x3  }
0x98: {  	_ =	strace s17  }
0x99: {  	s3 =	sld [smem:$0x3FFC];
	_ =	sdelay $0x3  }
0x9a: {  	_ =	strace s3  }
0x9b: {  	s3 =	sld [smem:$0x3FFD];
	_ =	sdelay $0x3  }
0x9c: {  	_ =	strace s3  }
0x9d: {  	_ =	strace $0x8FFFFFFF  }
0x9e: {  	s18 =	sld [smem:$0x3FDB];
	_ =	sdelay $0x1  }
0x9f: {  	s19 =	simm.s32 $_scs_section_size  }
0xa0: {  	s5 =	simm.s32 $_size__tile_overlayer_lowered;
	s6 =	simm.s32 $_tile_overlayer_lowered  }
0xa1: {  	s22 =	simm.s32 $0x1BFF;
	s21 =	sshll.u32 s6, $0x1;
	s3 =	sadd.s32 s19, s18  }
0xa2: {  	s7 =	simm.s32 $0x0;
	s20 =	sshll.u32 s5, $0x1;
	s5 =	sadd.s32 s21, s3  }
0xa3: {  	[timem:s7], [sflag:s22] =	dma.local [hbm:s5], s20  }
0xa4: {  	_ =	swait.ge [sflag:s22], s20  }
0xa5: {  	s4 =	ssub.s32 $0x0, s20;
	[sflag:s22] =	ssyncset.done $0x0  }
0xa6: {  	[sflag:s22] =	ssyncadd.s32 s4;
	_ =	sdelay $0x1  }
0xa7: {  	s23 =	simm.s32 $0x1B8B  }
0xa8: {  	_ =	swait.ge [sflag:s23], $0x1  }
0xa9: {  	[sflag:s23] =	ssyncset.done $0x0  }
0xaa: {  	s25 =	simm.s32 $0x1B8E;
	s24 =	sld [smem:$0x3FFE];
	[sflag:s23] =	ssyncadd.s32 $0xFFFFFFFF  }
0xab: {  	s26 =	simm.s32 $execute0_lowered;
	[smem:$0x3FD2] =	sst s25  }
0xac: {  	s5 =	sshll.u32 s26, $0x1;
	_ =	strace $0x8000004C;
	[dreg:$0x1] =	wrdreg $0xFFFFFFFF  }
0xad: {  	s28 =	simm.s32 $_size_execute0_lowered;
	s3 =	sadd.s32 s3, s5;
	[dreg:$0x0] =	wrdreg $0x0  }
0xae: {  	s5 =	sshll.u32 s28, $0x1;
	[dreg:$0x2] =	wrdreg s3  }
0xaf: {  	[dreg:$0x3] =	wrdreg s5  }
0xb0: {  	[dreg:$0x4] =	wrdreg $0xC0  }
0xb1: {  	_ =	task [dreg:s7], $0x5FFFF  }
0xb2: {  	[dreg:$0x1] =	wrdreg $0xFFFFFFFF  }
0xb3: {  	[dreg:$0x0] =	wrdreg $0x60  }
0xb4: {  	[dreg:$0x2] =	wrdreg s16  }
0xb5: {  	[dreg:$0x3] =	wrdreg s24  }
0xb6: {  	[dreg:$0x4] =	wrdreg $0x0  }
0xb7: {  	[dreg:$0x5] =	wrdreg $0x9  }
0xb8: {  	_ =	task.clear_ibuf [dreg:s7], $0x6FFFF;
	_ =	strace $0x9000004C  }
0xb9: {  	s29 =	simm.s32 $0x9;
	_ =	strace $0x8000004E  }
0xba: {  	_ =	swait.ge [sflag:s29], $0x1  }
0xbb: {  	[sflag:s29] =	ssyncadd.s32 $0xFFFFFFFF  }
0xbc: {  	_ =	strace $0x9000004E  }
0xbd: {  	_ =	sfence  }
0xbe: {  	s30 =	sld [smem:$0x0];
	_ =	sdelay $0x2  }
0xbf: {  	s31 =	sshll.u32 s1, $0xD;
	s1 =	sshrl.u32 s1, $0x2  }
0xc0: {  	s3 =	sand.u32 $0x4000, s31;
	s1 =	sadd.s32 s1, s30  }
0xc1: {  	s0 =	sor.u32 s3, s0;
	s1 =	sshll.u32 s1, $0x11  }
0xc2: {  	s0 =	sor.u32 s1, s0  }
0xc3: {  	s0 =	sadd.s32 $0x8F2B, s0  }
0xc4: {  	[sflag:s0] =	ssyncadd.remote.s32 $0x1  }
0xc5: {  	_ =	sfence.sel $0xFFFF  }
0xc6: {  	[dreg:$0x0] =	wrdreg $0xFFFFFFFF;
	(pc) =	sbr.abs _section_cstart, $3  }
0xc7: {  	[dreg:$0x1] =	wrdreg $0xFFFFFFFF  }
0xc8: {  	_ =	task.clear_ibuf [dreg:s7], $0x2FFFF;
	_ =	strace $0x9FFFFFFF  }
0xc9: {  	(tm) =	ssettm $0x7FFFFFFF  }
tec
execute0_lowered:
.L_overlay_start_1:
0x0: {  	(tag) =	ssettag $0x1  }
0x1: {  	s1 =	rddreg [dreg:$0x0]  }
0x2: {  	s0 =	rddreg [dreg:$0x1]  }
0x3: {  	s3 =	rddreg [dreg:$0x2];
	s4 =	simm.s32 $0x0  }
0x4: {  	s12 =	stileid.u32;
	s6 =	srdreg.scid;
	s18 =	simm.s32 $0x2  }
0x5: {  	s20 =	simm.s32 $0x13900;
	s21 =	simm.s32 $0x14100;
	s22 =	simm.s32 $0x80  }
0x6: {  	s23 =	simm.s32 $0x14900;
	s24 =	simm.s32 $0x1;
	s19 =	simm.s32 $0x13980  }
0x7: {  	s26 =	simm.s32 $0x18900;
	[smem:$0x7FF] =	sst s4;
	s2 =	smul.u32 $0x500, s12  }
0x8: {  	s5 =	sadd.s32 $0x4C00, s0;
	s7 =	smul.u32 $0x2700, s12;
	s6 =	sand.u32 $0x1, s6  }
0x9: {  	s9 =	smul.u32 $0x4E000, s12;
	s13 =	sadd.s32 $0x5D000, s0;
	s14 =	sadd.s32 $0x84200, s0  }
0xa: {  	s28 =	sshll.u32 s12, $0x6;
	p0 =	sne.s32 s12, $0xF;
	p2 =	seq.s32 s12, $0xF  }
0xb: {  	_ =	strace $0x8000004D;
	s8 =	ssub.s32 $0x2, s6;
	[dreg:$0x5] =	wrdreg s14  }
0xc: {  	s17 =	sor.u32 $0x1C02, s28;
	[dreg:$0x4] =	wrdreg s13;
	s2 =	sadd.s32 s2, s0  }
0xd: {  	s10 =	sadd.s32 s7, s0;
	s0 =	sadd.s32 $0x5CE00, s0;
	[dreg:$0x7] =	wrdreg s17  }
0xe: {  	s11 =	sshrl.u32 s8, $0x1;
	s29 =	sadd.s32 s14, s7;
	[dreg:$0x9] =	wrdreg s0  }
0xf: {  	s9 =	sshrl.u32 s9, $0x2;
	s30 =	sadd.s32 s13, s7;
	[dreg:$0xa] =	wrdreg s29  }
0x10: {  	s8 =	ssub.s32 s8, s11;
	s10 =	sadd.s32 $0x35E00, s10;
	[dreg:$0xb] =	wrdreg s30  }
.Ltmp0:
0x11: {  	[dreg:$0x6] =	wrdreg s10;
	s31 =	smax.u32 s8, $0x1;
	(pc) =	sbr.rel .LBB2_1-.Ltmp0, $4  }
0x12: {  	s9 =	sadd.s32 s9, s3;
	s10 =	sadd.s32 $0x138000, s3;
	[dreg:$0xc] =	wrdreg s31  }
0x13: {  	p1 =	sne.s32 s6, $0x0;
	s14 =	sshrl.u32 s9, $0x3;
	[dreg:$0x8] =	wrdreg s10  }
0x14: {  	s15 =	sadd.s32 $0x2BE00, s2;
	s0 =	sshrl.u32 @!p0 s10, $0x3;
	[dreg:$0xd] =	wrdreg s14  }
0x15: {  	s16 =	sadd.s32 $0x30E00, s2;
	[dreg:$0xe] =	wrdreg s0;
	s0 =	simm.s32 $0x0  }
.LBB2_8:
0x16: {  	s11 =	rddreg [dreg:$0x8]  }
0x17: {  	s8 =	sadd.s32 $0x27000, s8;
	s11 =	sshrl.u32 s11, $0x3  }
0x18: {  	[hbm:s8], [sflag:s17] =	dma.local [spmem:s11], $0x100  }
0x19: {  	_ =	swait.ge [sflag:s18], $0x100  }
0x1a: {  	[sflag:s18] =	ssyncset.done $0x0  }
0x1b: {  	[sflag:s18] =	ssyncadd.s32 $0xFFFFFF00  }
.LBB2_9:
0x1c: {  	s0 =	sadd.s32 $0x1, s0;
	s8 =	rddreg [dreg:$0xc]  }
0x1d: {  	p3 =	sne.s32 s0, s8  }
.Ltmp1:
0x1e: {  	_ = 	snop;
	(pc) =	sbr.rel @!p3 .LBB2_10-.Ltmp1, $1  }
0x1f: {  	_ =	sdelay $0x3  }
.LBB2_1:
0x20: {  	[dreg:$0xf] =	wrdreg s0  }
0x21: {  	s8 =	rddreg [dreg:$0x6]  }
0x22: {  	[spmem:s14], [sflag:s17] =	dma.local [hbm:s8], $0x2700  }
0x23: {  	_ =	swait.ge [sflag:s18], $0x2700  }
0x24: {  	[sflag:s18] =	ssyncset.done $0x0;
	s8 =	rddreg [dreg:$0x9]  }
0x25: {  	s11 =	rddreg [dreg:$0xe];
	[sflag:s18] =	ssyncadd.s32 $0xFFFFD900  }
0x26: {  	[spmem:s11], [sflag:s17] =	dma.local @!p0 [hbm:s8], $0x100  }
0x27: {  	s8 =	simm.s32 @!p0 $0x2  }
.Ltmp2:
0x28: {  	_ =	swait.ge @!p0 [sflag:s8], $0x100;
	(pc) =	sbr.rel @p1 .LBB2_5-.Ltmp2, $4  }
0x29: {  	[sflag:s8] =	ssyncset.done @!p0 $0x0  }
0x2a: {  	[sflag:s8] =	ssyncadd.s32 @!p0 $0xFFFFFF00  }
0x2b: {  	[bflag:$0x0] =	sbarrier.arrive $0xFFFF  }
0x2c: {  	s8 =	sadd.s32 $0x0, s16  }
0x2d: {  	[tilespmem:s20], [sflag:$0x2] =	stream.linear.gather [hbm4b:s8+s4], $0x800, $0x38;
	[tilespmem:$0x1C900] =	vst v63  }
0x2e: {  	_ =	swait.ge [sflag:s18], $0x800  }
0x2f: {  	[sflag:s18] =	ssyncset.done $0x0  }
0x30: {  	s12 =	sadd.s32 $0x0, s15;
	[sflag:s18] =	ssyncadd.s32 $0xFFFFF800  }
0x31: {  	[tilespmem:s21], [sflag:$0x2] =	stream.linear.gather [hbm4b:s12+s4], $0x800, $0x38;
	[tilespmem:$0x1C900] =	vst v63  }
0x32: {  	_ =	swait.ge [sflag:s18], $0x800  }
0x33: {  	[sflag:s18] =	ssyncset.done $0x0  }
0x34: {  	[sflag:s18] =	ssyncadd.s32 $0xFFFFF800  }
0x35: {  	[tilespmem:s23], [sflag:$0x1] =	stream.indirect.gather [hbm4b:s1+s22], $0x80, s20, s22, $0xb8;
	[tilespmem:$0x1C900] =	vst v63  }
0x36: {  	_ =	swait.ge [sflag:s24], $0x4000  }
0x37: {  	[sflag:s24] =	ssyncset.done $0x0  }
0x38: {  	[sflag:s24] =	ssyncadd.s32 $0xFFFFC000  }
0x39: {  	[tilespmem:s26], [sflag:$0x1] =	stream.indirect.gather [hbm4b:s1+s22], $0x80, s19, s22, $0xb8;
	[tilespmem:$0x1C900] =	vst v63  }
0x3a: {  	_ = 	snop  }
0x3b: {  	[spmem:s3] =	stream.indirect.scatter.add.f32 [tilespmem:s23], [sflag:$0x2], $0x80, s21, s22, $0xb8;
	[tilespmem:$0x1C900] =	vst v63  }
0x3c: {  	_ =	swait.ge [sflag:s18], $0x4000  }
0x3d: {  	[sflag:s18] =	ssyncset.done $0x0  }
0x3e: {  	[sflag:s18] =	ssyncadd.s32 $0xFFFFC000  }
0x3f: {  	_ =	swait.ge [sflag:s24], $0x4000  }
0x40: {  	[sflag:s24] =	ssyncset.done $0x0  }
0x41: {  	s13 =	simm.s32 $0x13A00;
	[sflag:s24] =	ssyncadd.s32 $0xFFFFC000  }
0x42: {  	[tilespmem:s23], [sflag:$0x1] =	stream.indirect.gather [hbm4b:s1+s22], $0x80, s13, s22, $0xb8;
	[tilespmem:$0x1C900] =	vst v63  }
0x43: {  	s9 =	simm.s32 $0x14180  }
0x44: {  	[spmem:s3] =	stream.indirect.scatter.add.f32 [tilespmem:s26], [sflag:$0x2], $0x80, s9, s22, $0xb8;
	[tilespmem:$0x1C900] =	vst v63  }
0x45: {  	_ =	swait.ge [sflag:s18], $0x4000  }
0x46: {  	[sflag:s18] =	ssyncset.done $0x0  }
0x47: {  	[sflag:s18] =	ssyncadd.s32 $0xFFFFC000  }
0x48: {  	_ =	swait.ge [sflag:s24], $0x4000  }
0x49: {  	[sflag:s24] =	ssyncset.done $0x0  }
0x4a: {  	s25 =	simm.s32 $0x13A80;
	[sflag:s24] =	ssyncadd.s32 $0xFFFFC000  }
0x4b: {  	[tilespmem:s26], [sflag:$0x1] =	stream.indirect.gather [hbm4b:s1+s22], $0x80, s25, s22, $0xb8;
	[tilespmem:$0x1C900] =	vst v63  }
0x4c: {  	s28 =	simm.s32 $0x14200  }
0x4d: {  	[spmem:s3] =	stream.indirect.scatter.add.f32 [tilespmem:s23], [sflag:$0x2], $0x80, s28, s22, $0xb8;
	[tilespmem:$0x1C900] =	vst v63  }
0x4e: {  	_ =	swait.ge [sflag:s18], $0x4000  }
0x4f: {  	[sflag:s18] =	ssyncset.done $0x0  }
0x50: {  	[sflag:s18] =	ssyncadd.s32 $0xFFFFC000  }
0x51: {  	_ =	swait.ge [sflag:s24], $0x4000  }
0x52: {  	[sflag:s24] =	ssyncset.done $0x0  }
0x53: {  	s29 =	simm.s32 $0x13B00;
	[sflag:s24] =	ssyncadd.s32 $0xFFFFC000  }
0x54: {  	[tilespmem:s23], [sflag:$0x1] =	stream.indirect.gather [hbm4b:s1+s22], $0x80, s29, s22, $0xb8;
	[tilespmem:$0x1C900] =	vst v63  }
0x55: {  	s30 =	simm.s32 $0x14280  }
0x56: {  	[spmem:s3] =	stream.indirect.scatter.add.f32 [tilespmem:s26], [sflag:$0x2], $0x80, s30, s22, $0xb8;
	[tilespmem:$0x1C900] =	vst v63  }
0x57: {  	_ =	swait.ge [sflag:s18], $0x4000  }
0x58: {  	[sflag:s18] =	ssyncset.done $0x0  }
0x59: {  	[sflag:s18] =	ssyncadd.s32 $0xFFFFC000  }
0x5a: {  	_ =	swait.ge [sflag:s24], $0x4000  }
0x5b: {  	[sflag:s24] =	ssyncset.done $0x0  }
0x5c: {  	s31 =	simm.s32 $0x13B80;
	[sflag:s24] =	ssyncadd.s32 $0xFFFFC000  }
0x5d: {  	[tilespmem:s26], [sflag:$0x1] =	stream.indirect.gather [hbm4b:s1+s22], $0x80, s31, s22, $0xb8;
	[tilespmem:$0x1C900] =	vst v63  }
0x5e: {  	s0 =	simm.s32 $0x14300  }
0x5f: {  	[spmem:s3] =	stream.indirect.scatter.add.f32 [tilespmem:s23], [sflag:$0x2], $0x80, s0, s22, $0xb8;
	[tilespmem:$0x1C900] =	vst v63  }
0x60: {  	_ =	swait.ge [sflag:s18], $0x4000  }
0x61: {  	[sflag:s18] =	ssyncset.done $0x0  }
0x62: {  	[sflag:s18] =	ssyncadd.s32 $0xFFFFC000  }
0x63: {  	_ =	swait.ge [sflag:s24], $0x4000  }
0x64: {  	[sflag:s24] =	ssyncset.done $0x0  }
0x65: {  	s2 =	simm.s32 $0x13C00;
	[sflag:s24] =	ssyncadd.s32 $0xFFFFC000  }
0x66: {  	[tilespmem:s23], [sflag:$0x1] =	stream.indirect.gather [hbm4b:s1+s22], $0x80, s2, s22, $0xb8;
	[tilespmem:$0x1C900] =	vst v63  }
0x67: {  	s12 =	simm.s32 $0x14380  }
0x68: {  	[spmem:s3] =	stream.indirect.scatter.add.f32 [tilespmem:s26], [sflag:$0x2], $0x80, s12, s22, $0xb8;
	[tilespmem:$0x1C900] =	vst v63  }
0x69: {  	_ =	swait.ge [sflag:s18], $0x4000  }
0x6a: {  	[sflag:s18] =	ssyncset.done $0x0  }
0x6b: {  	[sflag:s18] =	ssyncadd.s32 $0xFFFFC000  }
0x6c: {  	_ =	swait.ge [sflag:s24], $0x4000  }
0x6d: {  	[sflag:s24] =	ssyncset.done $0x0  }
0x6e: {  	s13 =	simm.s32 $0x13C80;
	[sflag:s24] =	ssyncadd.s32 $0xFFFFC000  }
0x6f: {  	[tilespmem:s26], [sflag:$0x1] =	stream.indirect.gather [hbm4b:s1+s22], $0x80, s13, s22, $0xb8;
	[tilespmem:$0x1C900] =	vst v63  }
0x70: {  	s10 =	simm.s32 $0x14400  }
0x71: {  	[spmem:s3] =	stream.indirect.scatter.add.f32 [tilespmem:s23], [sflag:$0x2], $0x80, s10, s22, $0xb8;
	[tilespmem:$0x1C900] =	vst v63  }
0x72: {  	_ =	swait.ge [sflag:s18], $0x4000  }
0x73: {  	[sflag:s18] =	ssyncset.done $0x0  }
0x74: {  	[sflag:s18] =	ssyncadd.s32 $0xFFFFC000  }
0x75: {  	_ =	swait.ge [sflag:s24], $0x4000  }
0x76: {  	[sflag:s24] =	ssyncset.done $0x0  }
0x77: {  	s6 =	simm.s32 $0x13D00;
	[sflag:s24] =	ssyncadd.s32 $0xFFFFC000  }
0x78: {  	[tilespmem:s23], [sflag:$0x1] =	stream.indirect.gather [hbm4b:s1+s22], $0x80, s6, s22, $0xb8;
	[tilespmem:$0x1C900] =	vst v63  }
0x79: {  	s7 =	simm.s32 $0x14480  }
0x7a: {  	[spmem:s3] =	stream.indirect.scatter.add.f32 [tilespmem:s26], [sflag:$0x2], $0x80, s7, s22, $0xb8;
	[tilespmem:$0x1C900] =	vst v63  }
0x7b: {  	_ =	swait.ge [sflag:s18], $0x4000  }
0x7c: {  	[sflag:s18] =	ssyncset.done $0x0  }
0x7d: {  	[sflag:s18] =	ssyncadd.s32 $0xFFFFC000  }
0x7e: {  	_ =	swait.ge [sflag:s24], $0x4000  }
0x7f: {  	[sflag:s24] =	ssyncset.done $0x0  }
0x80: {  	s14 =	simm.s32 $0x13D80;
	[sflag:s24] =	ssyncadd.s32 $0xFFFFC000  }
0x81: {  	[tilespmem:s26], [sflag:$0x1] =	stream.indirect.gather [hbm4b:s1+s22], $0x80, s14, s22, $0xb8;
	[tilespmem:$0x1C900] =	vst v63  }
0x82: {  	s17 =	simm.s32 $0x14500  }
0x83: {  	[spmem:s3] =	stream.indirect.scatter.add.f32 [tilespmem:s23], [sflag:$0x2], $0x80, s17, s22, $0xb8;
	[tilespmem:$0x1C900] =	vst v63  }
0x84: {  	_ =	swait.ge [sflag:s18], $0x4000  }
0x85: {  	[sflag:s18] =	ssyncset.done $0x0  }
0x86: {  	[sflag:s18] =	ssyncadd.s32 $0xFFFFC000  }
0x87: {  	_ =	swait.ge [sflag:s24], $0x4000  }
0x88: {  	[sflag:s24] =	ssyncset.done $0x0  }
0x89: {  	s19 =	simm.s32 $0x13E00;
	[sflag:s24] =	ssyncadd.s32 $0xFFFFC000  }
0x8a: {  	[tilespmem:s23], [sflag:$0x1] =	stream.indirect.gather [hbm4b:s1+s22], $0x80, s19, s22, $0xb8;
	[tilespmem:$0x1C900] =	vst v63  }
0x8b: {  	s11 =	simm.s32 $0x14580  }
0x8c: {  	[spmem:s3] =	stream.indirect.scatter.add.f32 [tilespmem:s26], [sflag:$0x2], $0x80, s11, s22, $0xb8;
	[tilespmem:$0x1C900] =	vst v63  }
0x8d: {  	_ =	swait.ge [sflag:s18], $0x4000  }
0x8e: {  	[sflag:s18] =	ssyncset.done $0x0  }
0x8f: {  	[sflag:s18] =	ssyncadd.s32 $0xFFFFC000  }
0x90: {  	_ =	swait.ge [sflag:s24], $0x4000  }
0x91: {  	[sflag:s24] =	ssyncset.done $0x0  }
0x92: {  	s14 =	simm.s32 $0x13E80;
	[sflag:s24] =	ssyncadd.s32 $0xFFFFC000  }
0x93: {  	[tilespmem:s26], [sflag:$0x1] =	stream.indirect.gather [hbm4b:s1+s22], $0x80, s14, s22, $0xb8;
	[tilespmem:$0x1C900] =	vst v63  }
0x94: {  	s17 =	simm.s32 $0x14600  }
0x95: {  	[spmem:s3] =	stream.indirect.scatter.add.f32 [tilespmem:s23], [sflag:$0x2], $0x80, s17, s22, $0xb8;
	[tilespmem:$0x1C900] =	vst v63  }
0x96: {  	_ =	swait.ge [sflag:s18], $0x4000  }
0x97: {  	[sflag:s18] =	ssyncset.done $0x0  }
0x98: {  	[sflag:s18] =	ssyncadd.s32 $0xFFFFC000  }
0x99: {  	_ =	swait.ge [sflag:s24], $0x4000  }
0x9a: {  	[sflag:s24] =	ssyncset.done $0x0  }
0x9b: {  	s19 =	simm.s32 $0x13F00;
	[sflag:s24] =	ssyncadd.s32 $0xFFFFC000  }
0x9c: {  	[tilespmem:s23], [sflag:$0x1] =	stream.indirect.gather [hbm4b:s1+s22], $0x80, s19, s22, $0xb8;
	[tilespmem:$0x1C900] =	vst v63  }
0x9d: {  	s11 =	simm.s32 $0x14680  }
0x9e: {  	[spmem:s3] =	stream.indirect.scatter.add.f32 [tilespmem:s26], [sflag:$0x2], $0x80, s11, s22, $0xb8;
	[tilespmem:$0x1C900] =	vst v63  }
0x9f: {  	_ =	swait.ge [sflag:s18], $0x4000  }
0xa0: {  	[sflag:s18] =	ssyncset.done $0x0  }
0xa1: {  	[sflag:s18] =	ssyncadd.s32 $0xFFFFC000  }
0xa2: {  	_ =	swait.ge [sflag:s24], $0x4000  }
0xa3: {  	[sflag:s24] =	ssyncset.done $0x0  }
0xa4: {  	s14 =	simm.s32 $0x13F80;
	[sflag:s24] =	ssyncadd.s32 $0xFFFFC000  }
0xa5: {  	[tilespmem:s26], [sflag:$0x1] =	stream.indirect.gather [hbm4b:s1+s22], $0x80, s14, s22, $0xb8;
	[tilespmem:$0x1C900] =	vst v63  }
0xa6: {  	s17 =	simm.s32 $0x14700  }
0xa7: {  	[spmem:s3] =	stream.indirect.scatter.add.f32 [tilespmem:s23], [sflag:$0x2], $0x80, s17, s22, $0xb8;
	[tilespmem:$0x1C900] =	vst v63  }
0xa8: {  	_ =	swait.ge [sflag:s18], $0x4000  }
0xa9: {  	[sflag:s18] =	ssyncset.done $0x0  }
0xaa: {  	[sflag:s18] =	ssyncadd.s32 $0xFFFFC000  }
0xab: {  	_ =	swait.ge [sflag:s24], $0x4000  }
0xac: {  	[sflag:s24] =	ssyncset.done $0x0  }
0xad: {  	s19 =	simm.s32 $0x14000;
	[sflag:s24] =	ssyncadd.s32 $0xFFFFC000  }
0xae: {  	[tilespmem:s23], [sflag:$0x1] =	stream.indirect.gather [hbm4b:s1+s22], $0x80, s19, s22, $0xb8;
	[tilespmem:$0x1C900] =	vst v63  }
0xaf: {  	s11 =	simm.s32 $0x14780  }
0xb0: {  	[spmem:s3] =	stream.indirect.scatter.add.f32 [tilespmem:s26], [sflag:$0x2], $0x80, s11, s22, $0xb8;
	[tilespmem:$0x1C900] =	vst v63  }
0xb1: {  	_ =	swait.ge [sflag:s18], $0x4000  }
0xb2: {  	[sflag:s18] =	ssyncset.done $0x0  }
0xb3: {  	[sflag:s18] =	ssyncadd.s32 $0xFFFFC000  }
0xb4: {  	_ =	swait.ge [sflag:s24], $0x4000  }
0xb5: {  	[sflag:s24] =	ssyncset.done $0x0  }
0xb6: {  	s14 =	simm.s32 $0x14080;
	[sflag:s24] =	ssyncadd.s32 $0xFFFFC000  }
0xb7: {  	[tilespmem:s26], [sflag:$0x1] =	stream.indirect.gather [hbm4b:s1+s22], $0x80, s14, s22, $0xb8;
	[tilespmem:$0x1C900] =	vst v63  }
0xb8: {  	s17 =	simm.s32 $0x14800  }
0xb9: {  	[spmem:s3] =	stream.indirect.scatter.add.f32 [tilespmem:s23], [sflag:$0x2], $0x80, s17, s22, $0xb8;
	[tilespmem:$0x1C900] =	vst v63  }
0xba: {  	_ =	swait.ge [sflag:s18], $0x4000  }
0xbb: {  	[sflag:s18] =	ssyncset.done $0x0  }
0xbc: {  	[sflag:s18] =	ssyncadd.s32 $0xFFFFC000  }
0xbd: {  	_ =	swait.ge [sflag:s24], $0x4000  }
0xbe: {  	[sflag:s24] =	ssyncset.done $0x0  }
0xbf: {  	s19 =	simm.s32 $0x14880;
	[sflag:s24] =	ssyncadd.s32 $0xFFFFC000  }
0xc0: {  	[spmem:s3] =	stream.indirect.scatter.add.f32 [tilespmem:s26], [sflag:$0x2], $0x80, s19, s22, $0xb8;
	[tilespmem:$0x1C900] =	vst v63  }
0xc1: {  	_ =	swait.ge [sflag:s18], $0x4000  }
0xc2: {  	s8 =	simm.s32 $0x100;
	s11 =	simm.s32 $0x200;
	[sflag:s18] =	ssyncset.done $0x0  }
.LBB2_3:
0xc3: {  	s19 =	sadd.s32 s8, s16  }
0xc4: {  	[sflag:s18] =	ssyncadd.s32 $0xFFFFC000;
	s17 =	smov.u32 s11;
	s14 =	sadd.s32 $0x100, s11  }
0xc5: {  	[tilespmem:s20], [sflag:$0x2] =	stream.linear.gather [hbm4b:s19+s4], $0x800, $0x38;
	[tilespmem:$0x1C900] =	vst v63  }
0xc6: {  	s19 =	simm.s32 $0x13980  }
0xc7: {  	p3 =	sne.s32 s11, $0x400;
	_ =	swait.ge [sflag:s18], $0x800  }
0xc8: {  	s11 =	sadd.s32 s8, s15;
	[sflag:s18] =	ssyncset.done $0x0  }
0xc9: {  	s8 =	smov.u32 s17;
	s17 =	simm.s32 $0x13A00;
	[sflag:s18] =	ssyncadd.s32 $0xFFFFF800  }
0xca: {  	[tilespmem:s21], [sflag:$0x2] =	stream.linear.gather [hbm4b:s11+s4], $0x800, $0x38;
	[tilespmem:$0x1C900] =	vst v63  }
0xcb: {  	_ =	swait.ge [sflag:s18], $0x800  }
0xcc: {  	[sflag:s18] =	ssyncset.done $0x0  }
0xcd: {  	[sflag:s18] =	ssyncadd.s32 $0xFFFFF800  }
0xce: {  	[tilespmem:s23], [sflag:$0x1] =	stream.indirect.gather [hbm4b:s1+s22], $0x80, s20, s22, $0xb8;
	[tilespmem:$0x1C900] =	vst v63  }
0xcf: {  	_ =	swait.ge [sflag:s24], $0x4000  }
0xd0: {  	[sflag:s24] =	ssyncset.done $0x0  }
0xd1: {  	[sflag:s24] =	ssyncadd.s32 $0xFFFFC000  }
0xd2: {  	[tilespmem:s26], [sflag:$0x1] =	stream.indirect.gather [hbm4b:s1+s22], $0x80, s19, s22, $0xb8;
	[tilespmem:$0x1C900] =	vst v63  }
0xd3: {  	_ = 	snop  }
0xd4: {  	[spmem:s3] =	stream.indirect.scatter.add.f32 [tilespmem:s23], [sflag:$0x2], $0x80, s21, s22, $0xb8;
	[tilespmem:$0x1C900] =	vst v63  }
0xd5: {  	_ =	swait.ge [sflag:s18], $0x4000  }
0xd6: {  	[sflag:s18] =	ssyncset.done $0x0  }
0xd7: {  	[sflag:s18] =	ssyncadd.s32 $0xFFFFC000  }
0xd8: {  	_ =	swait.ge [sflag:s24], $0x4000  }
0xd9: {  	[sflag:s24] =	ssyncset.done $0x0  }
0xda: {  	[sflag:s24] =	ssyncadd.s32 $0xFFFFC000  }
0xdb: {  	[tilespmem:s23], [sflag:$0x1] =	stream.indirect.gather [hbm4b:s1+s22], $0x80, s17, s22, $0xb8;
	[tilespmem:$0x1C900] =	vst v63  }
0xdc: {  	_ = 	snop  }
0xdd: {  	[spmem:s3] =	stream.indirect.scatter.add.f32 [tilespmem:s26], [sflag:$0x2], $0x80, s9, s22, $0xb8;
	[tilespmem:$0x1C900] =	vst v63  }
0xde: {  	_ =	swait.ge [sflag:s18], $0x4000  }
0xdf: {  	[sflag:s18] =	ssyncset.done $0x0  }
0xe0: {  	[sflag:s18] =	ssyncadd.s32 $0xFFFFC000  }
0xe1: {  	_ =	swait.ge [sflag:s24], $0x4000  }
0xe2: {  	[sflag:s24] =	ssyncset.done $0x0  }
0xe3: {  	[sflag:s24] =	ssyncadd.s32 $0xFFFFC000  }
0xe4: {  	[tilespmem:s26], [sflag:$0x1] =	stream.indirect.gather [hbm4b:s1+s22], $0x80, s25, s22, $0xb8;
	[tilespmem:$0x1C900] =	vst v63  }
0xe5: {  	_ = 	snop  }
0xe6: {  	[spmem:s3] =	stream.indirect.scatter.add.f32 [tilespmem:s23], [sflag:$0x2], $0x80, s28, s22, $0xb8;
	[tilespmem:$0x1C900] =	vst v63  }
0xe7: {  	_ =	swait.ge [sflag:s18], $0x4000  }
0xe8: {  	[sflag:s18] =	ssyncset.done $0x0  }
0xe9: {  	[sflag:s18] =	ssyncadd.s32 $0xFFFFC000  }
0xea: {  	_ =	swait.ge [sflag:s24], $0x4000  }
0xeb: {  	[sflag:s24] =	ssyncset.done $0x0  }
0xec: {  	[sflag:s24] =	ssyncadd.s32 $0xFFFFC000  }
0xed: {  	[tilespmem:s23], [sflag:$0x1] =	stream.indirect.gather [hbm4b:s1+s22], $0x80, s29, s22, $0xb8;
	[tilespmem:$0x1C900] =	vst v63  }
0xee: {  	_ = 	snop  }
0xef: {  	[spmem:s3] =	stream.indirect.scatter.add.f32 [tilespmem:s26], [sflag:$0x2], $0x80, s30, s22, $0xb8;
	[tilespmem:$0x1C900] =	vst v63  }
0xf0: {  	_ =	swait.ge [sflag:s18], $0x4000  }
0xf1: {  	[sflag:s18] =	ssyncset.done $0x0  }
0xf2: {  	[sflag:s18] =	ssyncadd.s32 $0xFFFFC000  }
0xf3: {  	_ =	swait.ge [sflag:s24], $0x4000  }
0xf4: {  	[sflag:s24] =	ssyncset.done $0x0  }
0xf5: {  	[sflag:s24] =	ssyncadd.s32 $0xFFFFC000  }
0xf6: {  	[tilespmem:s26], [sflag:$0x1] =	stream.indirect.gather [hbm4b:s1+s22], $0x80, s31, s22, $0xb8;
	[tilespmem:$0x1C900] =	vst v63  }
0xf7: {  	_ = 	snop  }
0xf8: {  	[spmem:s3] =	stream.indirect.scatter.add.f32 [tilespmem:s23], [sflag:$0x2], $0x80, s0, s22, $0xb8;
	[tilespmem:$0x1C900] =	vst v63  }
0xf9: {  	_ =	swait.ge [sflag:s18], $0x4000  }
0xfa: {  	[sflag:s18] =	ssyncset.done $0x0  }
0xfb: {  	[sflag:s18] =	ssyncadd.s32 $0xFFFFC000  }
0xfc: {  	_ =	swait.ge [sflag:s24], $0x4000  }
0xfd: {  	[sflag:s24] =	ssyncset.done $0x0  }
0xfe: {  	[sflag:s24] =	ssyncadd.s32 $0xFFFFC000  }
0xff: {  	[tilespmem:s23], [sflag:$0x1] =	stream.indirect.gather [hbm4b:s1+s22], $0x80, s2, s22, $0xb8;
	[tilespmem:$0x1C900] =	vst v63  }
0x100: {  	_ = 	snop  }
0x101: {  	[spmem:s3] =	stream.indirect.scatter.add.f32 [tilespmem:s26], [sflag:$0x2], $0x80, s12, s22, $0xb8;
	[tilespmem:$0x1C900] =	vst v63  }
0x102: {  	_ =	swait.ge [sflag:s18], $0x4000  }
0x103: {  	[sflag:s18] =	ssyncset.done $0x0  }
0x104: {  	[sflag:s18] =	ssyncadd.s32 $0xFFFFC000  }
0x105: {  	_ =	swait.ge [sflag:s24], $0x4000  }
0x106: {  	[sflag:s24] =	ssyncset.done $0x0  }
0x107: {  	[sflag:s24] =	ssyncadd.s32 $0xFFFFC000  }
0x108: {  	[tilespmem:s26], [sflag:$0x1] =	stream.indirect.gather [hbm4b:s1+s22], $0x80, s13, s22, $0xb8;
	[tilespmem:$0x1C900] =	vst v63  }
0x109: {  	_ = 	snop  }
0x10a: {  	[spmem:s3] =	stream.indirect.scatter.add.f32 [tilespmem:s23], [sflag:$0x2], $0x80, s10, s22, $0xb8;
	[tilespmem:$0x1C900] =	vst v63  }
0x10b: {  	_ =	swait.ge [sflag:s18], $0x4000  }
0x10c: {  	[sflag:s18] =	ssyncset.done $0x0  }
0x10d: {  	[sflag:s18] =	ssyncadd.s32 $0xFFFFC000  }
0x10e: {  	_ =	swait.ge [sflag:s24], $0x4000  }
0x10f: {  	[sflag:s24] =	ssyncset.done $0x0  }
0x110: {  	[sflag:s24] =	ssyncadd.s32 $0xFFFFC000  }
0x111: {  	[tilespmem:s23], [sflag:$0x1] =	stream.indirect.gather [hbm4b:s1+s22], $0x80, s6, s22, $0xb8;
	[tilespmem:$0x1C900] =	vst v63  }
0x112: {  	_ = 	snop  }
0x113: {  	[spmem:s3] =	stream.indirect.scatter.add.f32 [tilespmem:s26], [sflag:$0x2], $0x80, s7, s22, $0xb8;
	[tilespmem:$0x1C900] =	vst v63  }
0x114: {  	_ =	swait.ge [sflag:s18], $0x4000  }
0x115: {  	[sflag:s18] =	ssyncset.done $0x0  }
0x116: {  	[sflag:s18] =	ssyncadd.s32 $0xFFFFC000  }
0x117: {  	_ =	swait.ge [sflag:s24], $0x4000  }
0x118: {  	[sflag:s24] =	ssyncset.done $0x0  }
0x119: {  	s11 =	simm.s32 $0x13D80;
	[sflag:s24] =	ssyncadd.s32 $0xFFFFC000  }
0x11a: {  	[tilespmem:s26], [sflag:$0x1] =	stream.indirect.gather [hbm4b:s1+s22], $0x80, s11, s22, $0xb8;
	[tilespmem:$0x1C900] =	vst v63  }
0x11b: {  	s11 =	simm.s32 $0x14500  }
0x11c: {  	[spmem:s3] =	stream.indirect.scatter.add.f32 [tilespmem:s23], [sflag:$0x2], $0x80, s11, s22, $0xb8;
	[tilespmem:$0x1C900] =	vst v63  }
0x11d: {  	_ =	swait.ge [sflag:s18], $0x4000  }
0x11e: {  	[sflag:s18] =	ssyncset.done $0x0  }
0x11f: {  	[sflag:s18] =	ssyncadd.s32 $0xFFFFC000  }
0x120: {  	_ =	swait.ge [sflag:s24], $0x4000  }
0x121: {  	[sflag:s24] =	ssyncset.done $0x0  }
0x122: {  	s11 =	simm.s32 $0x13E00;
	[sflag:s24] =	ssyncadd.s32 $0xFFFFC000  }
0x123: {  	[tilespmem:s23], [sflag:$0x1] =	stream.indirect.gather [hbm4b:s1+s22], $0x80, s11, s22, $0xb8;
	[tilespmem:$0x1C900] =	vst v63  }
0x124: {  	s11 =	simm.s32 $0x14580  }
0x125: {  	[spmem:s3] =	stream.indirect.scatter.add.f32 [tilespmem:s26], [sflag:$0x2], $0x80, s11, s22, $0xb8;
	[tilespmem:$0x1C900] =	vst v63  }
0x126: {  	_ =	swait.ge [sflag:s18], $0x4000  }
0x127: {  	[sflag:s18] =	ssyncset.done $0x0  }
0x128: {  	[sflag:s18] =	ssyncadd.s32 $0xFFFFC000  }
0x129: {  	_ =	swait.ge [sflag:s24], $0x4000  }
0x12a: {  	[sflag:s24] =	ssyncset.done $0x0  }
0x12b: {  	s11 =	simm.s32 $0x13E80;
	[sflag:s24] =	ssyncadd.s32 $0xFFFFC000  }
0x12c: {  	[tilespmem:s26], [sflag:$0x1] =	stream.indirect.gather [hbm4b:s1+s22], $0x80, s11, s22, $0xb8;
	[tilespmem:$0x1C900] =	vst v63  }
0x12d: {  	s11 =	simm.s32 $0x14600  }
0x12e: {  	[spmem:s3] =	stream.indirect.scatter.add.f32 [tilespmem:s23], [sflag:$0x2], $0x80, s11, s22, $0xb8;
	[tilespmem:$0x1C900] =	vst v63  }
0x12f: {  	_ =	swait.ge [sflag:s18], $0x4000  }
0x130: {  	[sflag:s18] =	ssyncset.done $0x0  }
0x131: {  	[sflag:s18] =	ssyncadd.s32 $0xFFFFC000  }
0x132: {  	_ =	swait.ge [sflag:s24], $0x4000  }
0x133: {  	[sflag:s24] =	ssyncset.done $0x0  }
0x134: {  	s11 =	simm.s32 $0x13F00;
	[sflag:s24] =	ssyncadd.s32 $0xFFFFC000  }
0x135: {  	[tilespmem:s23], [sflag:$0x1] =	stream.indirect.gather [hbm4b:s1+s22], $0x80, s11, s22, $0xb8;
	[tilespmem:$0x1C900] =	vst v63  }
0x136: {  	s11 =	simm.s32 $0x14680  }
0x137: {  	[spmem:s3] =	stream.indirect.scatter.add.f32 [tilespmem:s26], [sflag:$0x2], $0x80, s11, s22, $0xb8;
	[tilespmem:$0x1C900] =	vst v63  }
0x138: {  	_ =	swait.ge [sflag:s18], $0x4000  }
0x139: {  	[sflag:s18] =	ssyncset.done $0x0  }
0x13a: {  	[sflag:s18] =	ssyncadd.s32 $0xFFFFC000  }
0x13b: {  	_ =	swait.ge [sflag:s24], $0x4000  }
0x13c: {  	[sflag:s24] =	ssyncset.done $0x0  }
0x13d: {  	s11 =	simm.s32 $0x13F80;
	[sflag:s24] =	ssyncadd.s32 $0xFFFFC000  }
0x13e: {  	[tilespmem:s26], [sflag:$0x1] =	stream.indirect.gather [hbm4b:s1+s22], $0x80, s11, s22, $0xb8;
	[tilespmem:$0x1C900] =	vst v63  }
0x13f: {  	s11 =	simm.s32 $0x14700  }
0x140: {  	[spmem:s3] =	stream.indirect.scatter.add.f32 [tilespmem:s23], [sflag:$0x2], $0x80, s11, s22, $0xb8;
	[tilespmem:$0x1C900] =	vst v63  }
0x141: {  	_ =	swait.ge [sflag:s18], $0x4000  }
0x142: {  	[sflag:s18] =	ssyncset.done $0x0  }
0x143: {  	[sflag:s18] =	ssyncadd.s32 $0xFFFFC000  }
0x144: {  	_ =	swait.ge [sflag:s24], $0x4000  }
0x145: {  	[sflag:s24] =	ssyncset.done $0x0  }
0x146: {  	s11 =	simm.s32 $0x14000;
	[sflag:s24] =	ssyncadd.s32 $0xFFFFC000  }
0x147: {  	[tilespmem:s23], [sflag:$0x1] =	stream.indirect.gather [hbm4b:s1+s22], $0x80, s11, s22, $0xb8;
	[tilespmem:$0x1C900] =	vst v63  }
0x148: {  	s11 =	simm.s32 $0x14780  }
0x149: {  	[spmem:s3] =	stream.indirect.scatter.add.f32 [tilespmem:s26], [sflag:$0x2], $0x80, s11, s22, $0xb8;
	[tilespmem:$0x1C900] =	vst v63  }
0x14a: {  	_ =	swait.ge [sflag:s18], $0x4000  }
0x14b: {  	[sflag:s18] =	ssyncset.done $0x0  }
0x14c: {  	[sflag:s18] =	ssyncadd.s32 $0xFFFFC000  }
0x14d: {  	_ =	swait.ge [sflag:s24], $0x4000  }
0x14e: {  	[sflag:s24] =	ssyncset.done $0x0  }
0x14f: {  	s11 =	simm.s32 $0x14080;
	[sflag:s24] =	ssyncadd.s32 $0xFFFFC000  }
0x150: {  	[tilespmem:s26], [sflag:$0x1] =	stream.indirect.gather [hbm4b:s1+s22], $0x80, s11, s22, $0xb8;
	[tilespmem:$0x1C900] =	vst v63  }
0x151: {  	s11 =	simm.s32 $0x14800  }
0x152: {  	[spmem:s3] =	stream.indirect.scatter.add.f32 [tilespmem:s23], [sflag:$0x2], $0x80, s11, s22, $0xb8;
	[tilespmem:$0x1C900] =	vst v63  }
0x153: {  	_ =	swait.ge [sflag:s18], $0x4000  }
0x154: {  	[sflag:s18] =	ssyncset.done $0x0  }
0x155: {  	[sflag:s18] =	ssyncadd.s32 $0xFFFFC000  }
0x156: {  	_ =	swait.ge [sflag:s24], $0x4000  }
.Ltmp3:
0x157: {  	[sflag:s24] =	ssyncset.done $0x0;
	(pc) =	sbr.rel @p3 .LBB2_3-.Ltmp3, $4  }
0x158: {  	s11 =	simm.s32 $0x14880;
	[sflag:s24] =	ssyncadd.s32 $0xFFFFC000  }
0x159: {  	[spmem:s3] =	stream.indirect.scatter.add.f32 [tilespmem:s26], [sflag:$0x2], $0x80, s11, s22, $0xb8;
	[tilespmem:$0x1C900] =	vst v63  }
0x15a: {  	_ =	swait.ge [sflag:s18], $0x4000  }
0x15b: {  	s11 =	smov.u32 s14;
	[sflag:s18] =	ssyncset.done $0x0  }
0x15c: {  	s11 =	sadd.s32 s8, s16;
	[sflag:s18] =	ssyncadd.s32 $0xFFFFC000  }
0x15d: {  	[tilespmem:s20], [sflag:$0x2] =	stream.linear.gather [hbm4b:s11+s4], $0x800, $0x38;
	[tilespmem:$0x1C900] =	vst v63  }
0x15e: {  	_ =	swait.ge [sflag:s18], $0x800  }
0x15f: {  	[sflag:s18] =	ssyncset.done $0x0  }
0x160: {  	s14 =	sadd.s32 s8, s15;
	[sflag:s18] =	ssyncadd.s32 $0xFFFFF800  }
0x161: {  	[tilespmem:s21], [sflag:$0x2] =	stream.linear.gather [hbm4b:s14+s4], $0x800, $0x38;
	[tilespmem:$0x1C900] =	vst v63  }
0x162: {  	_ =	swait.ge [sflag:s18], $0x800  }
0x163: {  	[sflag:s18] =	ssyncset.done $0x0  }
0x164: {  	[sflag:s18] =	ssyncadd.s32 $0xFFFFF800  }
0x165: {  	[tilespmem:s23], [sflag:$0x1] =	stream.indirect.gather [hbm4b:s1+s22], $0x80, s20, s22, $0xb8;
	[tilespmem:$0x1C900] =	vst v63  }
0x166: {  	_ =	swait.ge [sflag:s24], $0x4000  }
0x167: {  	[sflag:s24] =	ssyncset.done $0x0  }
0x168: {  	[sflag:s24] =	ssyncadd.s32 $0xFFFFC000  }
0x169: {  	[tilespmem:s26], [sflag:$0x1] =	stream.indirect.gather [hbm4b:s1+s22], $0x80, s19, s22, $0xb8;
	[tilespmem:$0x1C900] =	vst v63  }
0x16a: {  	_ = 	snop  }
0x16b: {  	[spmem:s3] =	stream.indirect.scatter.add.f32 [tilespmem:s23], [sflag:$0x2], $0x80, s21, s22, $0xb8;
	[tilespmem:$0x1C900] =	vst v63  }
0x16c: {  	_ =	swait.ge [sflag:s18], $0x4000  }
0x16d: {  	[sflag:s18] =	ssyncset.done $0x0  }
0x16e: {  	[sflag:s18] =	ssyncadd.s32 $0xFFFFC000  }
0x16f: {  	_ =	swait.ge [sflag:s24], $0x4000  }
0x170: {  	[sflag:s24] =	ssyncset.done $0x0  }
0x171: {  	[sflag:s24] =	ssyncadd.s32 $0xFFFFC000  }
0x172: {  	[tilespmem:s23], [sflag:$0x1] =	stream.indirect.gather [hbm4b:s1+s22], $0x80, s17, s22, $0xb8;
	[tilespmem:$0x1C900] =	vst v63  }
0x173: {  	_ = 	snop  }
0x174: {  	[spmem:s3] =	stream.indirect.scatter.add.f32 [tilespmem:s26], [sflag:$0x2], $0x80, s9, s22, $0xb8;
	[tilespmem:$0x1C900] =	vst v63  }
0x175: {  	_ =	swait.ge [sflag:s18], $0x4000  }
0x176: {  	[sflag:s18] =	ssyncset.done $0x0  }
0x177: {  	[sflag:s18] =	ssyncadd.s32 $0xFFFFC000  }
0x178: {  	_ =	swait.ge [sflag:s24], $0x4000  }
0x179: {  	[sflag:s24] =	ssyncset.done $0x0  }
0x17a: {  	[sflag:s24] =	ssyncadd.s32 $0xFFFFC000  }
0x17b: {  	[tilespmem:s26], [sflag:$0x1] =	stream.indirect.gather [hbm4b:s1+s22], $0x80, s25, s22, $0xb8;
	[tilespmem:$0x1C900] =	vst v63  }
0x17c: {  	_ = 	snop  }
0x17d: {  	[spmem:s3] =	stream.indirect.scatter.add.f32 [tilespmem:s23], [sflag:$0x2], $0x80, s28, s22, $0xb8;
	[tilespmem:$0x1C900] =	vst v63  }
0x17e: {  	_ =	swait.ge [sflag:s18], $0x4000  }
0x17f: {  	[sflag:s18] =	ssyncset.done $0x0  }
0x180: {  	[sflag:s18] =	ssyncadd.s32 $0xFFFFC000  }
0x181: {  	_ =	swait.ge [sflag:s24], $0x4000  }
0x182: {  	[sflag:s24] =	ssyncset.done $0x0  }
0x183: {  	[sflag:s24] =	ssyncadd.s32 $0xFFFFC000  }
0x184: {  	[tilespmem:s23], [sflag:$0x1] =	stream.indirect.gather [hbm4b:s1+s22], $0x80, s29, s22, $0xb8;
	[tilespmem:$0x1C900] =	vst v63  }
0x185: {  	_ = 	snop  }
0x186: {  	[spmem:s3] =	stream.indirect.scatter.add.f32 [tilespmem:s26], [sflag:$0x2], $0x80, s30, s22, $0xb8;
	[tilespmem:$0x1C900] =	vst v63  }
0x187: {  	_ =	swait.ge [sflag:s18], $0x4000  }
0x188: {  	[sflag:s18] =	ssyncset.done $0x0  }
0x189: {  	[sflag:s18] =	ssyncadd.s32 $0xFFFFC000  }
0x18a: {  	_ =	swait.ge [sflag:s24], $0x4000  }
0x18b: {  	[sflag:s24] =	ssyncset.done $0x0  }
0x18c: {  	[sflag:s24] =	ssyncadd.s32 $0xFFFFC000  }
0x18d: {  	[tilespmem:s26], [sflag:$0x1] =	stream.indirect.gather [hbm4b:s1+s22], $0x80, s31, s22, $0xb8;
	[tilespmem:$0x1C900] =	vst v63  }
0x18e: {  	_ = 	snop  }
0x18f: {  	[spmem:s3] =	stream.indirect.scatter.add.f32 [tilespmem:s23], [sflag:$0x2], $0x80, s0, s22, $0xb8;
	[tilespmem:$0x1C900] =	vst v63  }
0x190: {  	_ =	swait.ge [sflag:s18], $0x4000  }
0x191: {  	[sflag:s18] =	ssyncset.done $0x0  }
0x192: {  	[sflag:s18] =	ssyncadd.s32 $0xFFFFC000  }
0x193: {  	_ =	swait.ge [sflag:s24], $0x4000  }
0x194: {  	[sflag:s24] =	ssyncset.done $0x0  }
0x195: {  	[sflag:s24] =	ssyncadd.s32 $0xFFFFC000  }
0x196: {  	[tilespmem:s23], [sflag:$0x1] =	stream.indirect.gather [hbm4b:s1+s22], $0x80, s2, s22, $0xb8;
	[tilespmem:$0x1C900] =	vst v63  }
0x197: {  	_ = 	snop  }
0x198: {  	[spmem:s3] =	stream.indirect.scatter.add.f32 [tilespmem:s26], [sflag:$0x2], $0x80, s12, s22, $0xb8;
	[tilespmem:$0x1C900] =	vst v63  }
0x199: {  	_ =	swait.ge [sflag:s18], $0x4000  }
0x19a: {  	[sflag:s18] =	ssyncset.done $0x0  }
0x19b: {  	[sflag:s18] =	ssyncadd.s32 $0xFFFFC000  }
0x19c: {  	_ =	swait.ge [sflag:s24], $0x4000  }
0x19d: {  	[sflag:s24] =	ssyncset.done $0x0  }
0x19e: {  	[sflag:s24] =	ssyncadd.s32 $0xFFFFC000  }
0x19f: {  	[tilespmem:s26], [sflag:$0x1] =	stream.indirect.gather [hbm4b:s1+s22], $0x80, s13, s22, $0xb8;
	[tilespmem:$0x1C900] =	vst v63  }
0x1a0: {  	_ = 	snop  }
0x1a1: {  	[spmem:s3] =	stream.indirect.scatter.add.f32 [tilespmem:s23], [sflag:$0x2], $0x80, s10, s22, $0xb8;
	[tilespmem:$0x1C900] =	vst v63  }
0x1a2: {  	_ =	swait.ge [sflag:s18], $0x4000  }
0x1a3: {  	[sflag:s18] =	ssyncset.done $0x0  }
0x1a4: {  	[sflag:s18] =	ssyncadd.s32 $0xFFFFC000  }
0x1a5: {  	_ =	swait.ge [sflag:s24], $0x4000  }
0x1a6: {  	[sflag:s24] =	ssyncset.done $0x0  }
0x1a7: {  	[sflag:s24] =	ssyncadd.s32 $0xFFFFC000  }
0x1a8: {  	[tilespmem:s23], [sflag:$0x1] =	stream.indirect.gather [hbm4b:s1+s22], $0x80, s6, s22, $0xb8;
	[tilespmem:$0x1C900] =	vst v63  }
0x1a9: {  	_ = 	snop  }
0x1aa: {  	[spmem:s3] =	stream.indirect.scatter.add.f32 [tilespmem:s26], [sflag:$0x2], $0x80, s7, s22, $0xb8;
	[tilespmem:$0x1C900] =	vst v63  }
0x1ab: {  	_ =	swait.ge [sflag:s18], $0x4000  }
0x1ac: {  	[sflag:s18] =	ssyncset.done $0x0  }
0x1ad: {  	[sflag:s18] =	ssyncadd.s32 $0xFFFFC000  }
0x1ae: {  	_ =	swait.ge [sflag:s24], $0x4000  }
0x1af: {  	[sflag:s24] =	ssyncset.done $0x0  }
0x1b0: {  	s2 =	simm.s32 $0x13D80;
	[sflag:s24] =	ssyncadd.s32 $0xFFFFC000  }
0x1b1: {  	[tilespmem:s26], [sflag:$0x1] =	stream.indirect.gather [hbm4b:s1+s22], $0x80, s2, s22, $0xb8;
	[tilespmem:$0x1C900] =	vst v63  }
0x1b2: {  	s6 =	simm.s32 $0x14500  }
0x1b3: {  	[spmem:s3] =	stream.indirect.scatter.add.f32 [tilespmem:s23], [sflag:$0x2], $0x80, s6, s22, $0xb8;
	[tilespmem:$0x1C900] =	vst v63  }
0x1b4: {  	_ =	swait.ge [sflag:s18], $0x4000  }
0x1b5: {  	[sflag:s18] =	ssyncset.done $0x0  }
0x1b6: {  	[sflag:s18] =	ssyncadd.s32 $0xFFFFC000  }
0x1b7: {  	_ =	swait.ge [sflag:s24], $0x4000  }
0x1b8: {  	[sflag:s24] =	ssyncset.done $0x0  }
0x1b9: {  	s7 =	simm.s32 $0x13E00;
	[sflag:s24] =	ssyncadd.s32 $0xFFFFC000  }
0x1ba: {  	[tilespmem:s23], [sflag:$0x1] =	stream.indirect.gather [hbm4b:s1+s22], $0x80, s7, s22, $0xb8;
	[tilespmem:$0x1C900] =	vst v63  }
0x1bb: {  	s8 =	simm.s32 $0x14580  }
0x1bc: {  	[spmem:s3] =	stream.indirect.scatter.add.f32 [tilespmem:s26], [sflag:$0x2], $0x80, s8, s22, $0xb8;
	[tilespmem:$0x1C900] =	vst v63  }
0x1bd: {  	_ =	swait.ge [sflag:s18], $0x4000  }
0x1be: {  	[sflag:s18] =	ssyncset.done $0x0  }
0x1bf: {  	[sflag:s18] =	ssyncadd.s32 $0xFFFFC000  }
0x1c0: {  	_ =	swait.ge [sflag:s24], $0x4000  }
0x1c1: {  	[sflag:s24] =	ssyncset.done $0x0  }
0x1c2: {  	s9 =	simm.s32 $0x13E80;
	[sflag:s24] =	ssyncadd.s32 $0xFFFFC000  }
0x1c3: {  	[tilespmem:s26], [sflag:$0x1] =	stream.indirect.gather [hbm4b:s1+s22], $0x80, s9, s22, $0xb8;
	[tilespmem:$0x1C900] =	vst v63  }
0x1c4: {  	s10 =	simm.s32 $0x14600  }
0x1c5: {  	[spmem:s3] =	stream.indirect.scatter.add.f32 [tilespmem:s23], [sflag:$0x2], $0x80, s10, s22, $0xb8;
	[tilespmem:$0x1C900] =	vst v63  }
0x1c6: {  	_ =	swait.ge [sflag:s18], $0x4000  }
0x1c7: {  	[sflag:s18] =	ssyncset.done $0x0  }
0x1c8: {  	[sflag:s18] =	ssyncadd.s32 $0xFFFFC000  }
0x1c9: {  	_ =	swait.ge [sflag:s24], $0x4000  }
0x1ca: {  	[sflag:s24] =	ssyncset.done $0x0  }
0x1cb: {  	s11 =	simm.s32 $0x13F00;
	[sflag:s24] =	ssyncadd.s32 $0xFFFFC000  }
0x1cc: {  	[tilespmem:s23], [sflag:$0x1] =	stream.indirect.gather [hbm4b:s1+s22], $0x80, s11, s22, $0xb8;
	[tilespmem:$0x1C900] =	vst v63  }
0x1cd: {  	s12 =	simm.s32 $0x14680  }
0x1ce: {  	[spmem:s3] =	stream.indirect.scatter.add.f32 [tilespmem:s26], [sflag:$0x2], $0x80, s12, s22, $0xb8;
	[tilespmem:$0x1C900] =	vst v63  }
0x1cf: {  	_ =	swait.ge [sflag:s18], $0x4000  }
0x1d0: {  	[sflag:s18] =	ssyncset.done $0x0  }
0x1d1: {  	[sflag:s18] =	ssyncadd.s32 $0xFFFFC000  }
0x1d2: {  	_ =	swait.ge [sflag:s24], $0x4000  }
0x1d3: {  	[sflag:s24] =	ssyncset.done $0x0  }
0x1d4: {  	s13 =	simm.s32 $0x13F80;
	[sflag:s24] =	ssyncadd.s32 $0xFFFFC000  }
0x1d5: {  	[tilespmem:s26], [sflag:$0x1] =	stream.indirect.gather [hbm4b:s1+s22], $0x80, s13, s22, $0xb8;
	[tilespmem:$0x1C900] =	vst v63  }
0x1d6: {  	s14 =	simm.s32 $0x14700  }
0x1d7: {  	[spmem:s3] =	stream.indirect.scatter.add.f32 [tilespmem:s23], [sflag:$0x2], $0x80, s14, s22, $0xb8;
	[tilespmem:$0x1C900] =	vst v63  }
0x1d8: {  	_ =	swait.ge [sflag:s18], $0x4000  }
0x1d9: {  	[sflag:s18] =	ssyncset.done $0x0  }
0x1da: {  	[sflag:s18] =	ssyncadd.s32 $0xFFFFC000  }
0x1db: {  	_ =	swait.ge [sflag:s24], $0x4000  }
0x1dc: {  	[sflag:s24] =	ssyncset.done $0x0  }
0x1dd: {  	s17 =	simm.s32 $0x14000;
	[sflag:s24] =	ssyncadd.s32 $0xFFFFC000  }
0x1de: {  	[tilespmem:s23], [sflag:$0x1] =	stream.indirect.gather [hbm4b:s1+s22], $0x80, s17, s22, $0xb8;
	[tilespmem:$0x1C900] =	vst v63  }
0x1df: {  	s25 =	simm.s32 $0x14780  }
0x1e0: {  	[spmem:s3] =	stream.indirect.scatter.add.f32 [tilespmem:s26], [sflag:$0x2], $0x80, s25, s22, $0xb8;
	[tilespmem:$0x1C900] =	vst v63  }
0x1e1: {  	_ =	swait.ge [sflag:s18], $0x4000  }
0x1e2: {  	[sflag:s18] =	ssyncset.done $0x0  }
0x1e3: {  	[sflag:s18] =	ssyncadd.s32 $0xFFFFC000  }
0x1e4: {  	_ =	swait.ge [sflag:s24], $0x4000  }
0x1e5: {  	[sflag:s24] =	ssyncset.done $0x0  }
0x1e6: {  	s28 =	simm.s32 $0x14080;
	[sflag:s24] =	ssyncadd.s32 $0xFFFFC000  }
0x1e7: {  	[tilespmem:s26], [sflag:$0x1] =	stream.indirect.gather [hbm4b:s1+s22], $0x80, s28, s22, $0xb8;
	[tilespmem:$0x1C900] =	vst v63  }
0x1e8: {  	s29 =	simm.s32 $0x14800  }
0x1e9: {  	[spmem:s3] =	stream.indirect.scatter.add.f32 [tilespmem:s23], [sflag:$0x2], $0x80, s29, s22, $0xb8;
	[tilespmem:$0x1C900] =	vst v63  }
0x1ea: {  	_ =	swait.ge [sflag:s18], $0x4000  }
0x1eb: {  	[sflag:s18] =	ssyncset.done $0x0  }
0x1ec: {  	[sflag:s18] =	ssyncadd.s32 $0xFFFFC000  }
0x1ed: {  	_ =	swait.ge [sflag:s24], $0x4000  }
0x1ee: {  	[sflag:s24] =	ssyncset.done $0x0  }
0x1ef: {  	s30 =	simm.s32 $0x14880;
	[sflag:s24] =	ssyncadd.s32 $0xFFFFC000  }
0x1f0: {  	[spmem:s3] =	stream.indirect.scatter.add.f32 [tilespmem:s26], [sflag:$0x2], $0x80, s30, s22, $0xb8;
	[tilespmem:$0x1C900] =	vst v63  }
0x1f1: {  	_ =	swait.ge [sflag:s18], $0x4000  }
0x1f2: {  	[sflag:s18] =	ssyncset.done $0x0  }
0x1f3: {  	[sflag:s18] =	ssyncadd.s32 $0xFFFFC000  }
0x1f4: {  	[bflag:$0x0] =	sbarrier.arrive $0xFFFF  }
0x1f5: {  	s17 =	rddreg [dreg:$0x7]  }
0x1f6: {  	s31 =	rddreg [dreg:$0xb]  }
0x1f7: {  	s14 =	rddreg [dreg:$0xd]  }
0x1f8: {  	[hbm:s31], [sflag:s17] =	dma.local [spmem:s14], $0x2700  }
.Ltmp4:
0x1f9: {  	_ = 	snop;
	(pc) =	sbr.rel @p2 .LBB2_8-.Ltmp4, $4  }
.Ltmp5:
0x1fa: {  	_ = 	snop;
	(pc) =	sbr.rel @!p2 .LBB2_9-.Ltmp5, $4  }
0x1fb: {  	_ =	swait.ge [sflag:s18], $0x2700  }
0x1fc: {  	[sflag:s18] =	ssyncset.done $0x0;
	s8 =	rddreg [dreg:$0x4]  }
0x1fd: {  	s0 =	rddreg [dreg:$0xf];
	[sflag:s18] =	ssyncadd.s32 $0xFFFFD900  }
0x1fe: {  	_ = 	snop  }
.LBB2_5:
0x1ff: {  	[tilespmem:s20], [sflag:$0x2] =	stream.linear.gather [hbm4b:s8+s4], $0x800, $0x38;
	[tilespmem:$0x1C900] =	vst v63  }
0x200: {  	_ =	swait.ge [sflag:s18], $0x800  }
0x201: {  	[sflag:s18] =	ssyncset.done $0x0  }
0x202: {  	s12 =	sadd.s32 $0x0, s15;
	[sflag:s18] =	ssyncadd.s32 $0xFFFFF800  }
0x203: {  	[tilespmem:s21], [sflag:$0x2] =	stream.linear.gather [hbm4b:s12+s4], $0x800, $0x38;
	[tilespmem:$0x1C900] =	vst v63  }
0x204: {  	_ =	swait.ge [sflag:s18], $0x800  }
0x205: {  	[sflag:s18] =	ssyncset.done $0x0  }
0x206: {  	[sflag:s18] =	ssyncadd.s32 $0xFFFFF800  }
0x207: {  	[tilespmem:s23], [sflag:$0x1] =	stream.indirect.gather [hbm4b:s5+s22], $0x80, s20, s22, $0xb8;
	[tilespmem:$0x1C900] =	vst v63  }
0x208: {  	_ =	swait.ge [sflag:s24], $0x4000  }
0x209: {  	[sflag:s24] =	ssyncset.done $0x0  }
0x20a: {  	[sflag:s24] =	ssyncadd.s32 $0xFFFFC000  }
0x20b: {  	[tilespmem:s26], [sflag:$0x1] =	stream.indirect.gather [hbm4b:s5+s22], $0x80, s19, s22, $0xb8;
	[tilespmem:$0x1C900] =	vst v63  }
0x20c: {  	_ = 	snop  }
0x20d: {  	[spmem:s3] =	stream.indirect.scatter.add.f32 [tilespmem:s23], [sflag:$0x2], $0x80, s21, s22, $0xb8;
	[tilespmem:$0x1C900] =	vst v63  }
0x20e: {  	_ =	swait.ge [sflag:s18], $0x4000  }
0x20f: {  	[sflag:s18] =	ssyncset.done $0x0  }
0x210: {  	[sflag:s18] =	ssyncadd.s32 $0xFFFFC000  }
0x211: {  	_ =	swait.ge [sflag:s24], $0x4000  }
0x212: {  	[sflag:s24] =	ssyncset.done $0x0  }
0x213: {  	s13 =	simm.s32 $0x13A00;
	[sflag:s24] =	ssyncadd.s32 $0xFFFFC000  }
0x214: {  	[tilespmem:s23], [sflag:$0x1] =	stream.indirect.gather [hbm4b:s5+s22], $0x80, s13, s22, $0xb8;
	[tilespmem:$0x1C900] =	vst v63  }
0x215: {  	s9 =	simm.s32 $0x14180  }
0x216: {  	[spmem:s3] =	stream.indirect.scatter.add.f32 [tilespmem:s26], [sflag:$0x2], $0x80, s9, s22, $0xb8;
	[tilespmem:$0x1C900] =	vst v63  }
0x217: {  	_ =	swait.ge [sflag:s18], $0x4000  }
0x218: {  	[sflag:s18] =	ssyncset.done $0x0  }
0x219: {  	[sflag:s18] =	ssyncadd.s32 $0xFFFFC000  }
0x21a: {  	_ =	swait.ge [sflag:s24], $0x4000  }
0x21b: {  	[sflag:s24] =	ssyncset.done $0x0  }
0x21c: {  	s25 =	simm.s32 $0x13A80;
	[sflag:s24] =	ssyncadd.s32 $0xFFFFC000  }
0x21d: {  	[tilespmem:s26], [sflag:$0x1] =	stream.indirect.gather [hbm4b:s5+s22], $0x80, s25, s22, $0xb8;
	[tilespmem:$0x1C900] =	vst v63  }
0x21e: {  	s28 =	simm.s32 $0x14200  }
0x21f: {  	[spmem:s3] =	stream.indirect.scatter.add.f32 [tilespmem:s23], [sflag:$0x2], $0x80, s28, s22, $0xb8;
	[tilespmem:$0x1C900] =	vst v63  }
0x220: {  	_ =	swait.ge [sflag:s18], $0x4000  }
0x221: {  	[sflag:s18] =	ssyncset.done $0x0  }
0x222: {  	[sflag:s18] =	ssyncadd.s32 $0xFFFFC000  }
0x223: {  	_ =	swait.ge [sflag:s24], $0x4000  }
0x224: {  	[sflag:s24] =	ssyncset.done $0x0  }
0x225: {  	s29 =	simm.s32 $0x13B00;
	[sflag:s24] =	ssyncadd.s32 $0xFFFFC000  }
0x226: {  	[tilespmem:s23], [sflag:$0x1] =	stream.indirect.gather [hbm4b:s5+s22], $0x80, s29, s22, $0xb8;
	[tilespmem:$0x1C900] =	vst v63  }
0x227: {  	s30 =	simm.s32 $0x14280  }
0x228: {  	[spmem:s3] =	stream.indirect.scatter.add.f32 [tilespmem:s26], [sflag:$0x2], $0x80, s30, s22, $0xb8;
	[tilespmem:$0x1C900] =	vst v63  }
0x229: {  	_ =	swait.ge [sflag:s18], $0x4000  }
0x22a: {  	[sflag:s18] =	ssyncset.done $0x0  }
0x22b: {  	[sflag:s18] =	ssyncadd.s32 $0xFFFFC000  }
0x22c: {  	_ =	swait.ge [sflag:s24], $0x4000  }
0x22d: {  	[sflag:s24] =	ssyncset.done $0x0  }
0x22e: {  	s31 =	simm.s32 $0x13B80;
	[sflag:s24] =	ssyncadd.s32 $0xFFFFC000  }
0x22f: {  	[tilespmem:s26], [sflag:$0x1] =	stream.indirect.gather [hbm4b:s5+s22], $0x80, s31, s22, $0xb8;
	[tilespmem:$0x1C900] =	vst v63  }
0x230: {  	s0 =	simm.s32 $0x14300  }
0x231: {  	[spmem:s3] =	stream.indirect.scatter.add.f32 [tilespmem:s23], [sflag:$0x2], $0x80, s0, s22, $0xb8;
	[tilespmem:$0x1C900] =	vst v63  }
0x232: {  	_ =	swait.ge [sflag:s18], $0x4000  }
0x233: {  	[sflag:s18] =	ssyncset.done $0x0  }
0x234: {  	[sflag:s18] =	ssyncadd.s32 $0xFFFFC000  }
0x235: {  	_ =	swait.ge [sflag:s24], $0x4000  }
0x236: {  	[sflag:s24] =	ssyncset.done $0x0  }
0x237: {  	s2 =	simm.s32 $0x13C00;
	[sflag:s24] =	ssyncadd.s32 $0xFFFFC000  }
0x238: {  	[tilespmem:s23], [sflag:$0x1] =	stream.indirect.gather [hbm4b:s5+s22], $0x80, s2, s22, $0xb8;
	[tilespmem:$0x1C900] =	vst v63  }
0x239: {  	s12 =	simm.s32 $0x14380  }
0x23a: {  	[spmem:s3] =	stream.indirect.scatter.add.f32 [tilespmem:s26], [sflag:$0x2], $0x80, s12, s22, $0xb8;
	[tilespmem:$0x1C900] =	vst v63  }
0x23b: {  	_ =	swait.ge [sflag:s18], $0x4000  }
0x23c: {  	[sflag:s18] =	ssyncset.done $0x0  }
0x23d: {  	[sflag:s18] =	ssyncadd.s32 $0xFFFFC000  }
0x23e: {  	_ =	swait.ge [sflag:s24], $0x4000  }
0x23f: {  	[sflag:s24] =	ssyncset.done $0x0  }
0x240: {  	s13 =	simm.s32 $0x13C80;
	[sflag:s24] =	ssyncadd.s32 $0xFFFFC000  }
0x241: {  	[tilespmem:s26], [sflag:$0x1] =	stream.indirect.gather [hbm4b:s5+s22], $0x80, s13, s22, $0xb8;
	[tilespmem:$0x1C900] =	vst v63  }
0x242: {  	s10 =	simm.s32 $0x14400  }
0x243: {  	[spmem:s3] =	stream.indirect.scatter.add.f32 [tilespmem:s23], [sflag:$0x2], $0x80, s10, s22, $0xb8;
	[tilespmem:$0x1C900] =	vst v63  }
0x244: {  	_ =	swait.ge [sflag:s18], $0x4000  }
0x245: {  	[sflag:s18] =	ssyncset.done $0x0  }
0x246: {  	[sflag:s18] =	ssyncadd.s32 $0xFFFFC000  }
0x247: {  	_ =	swait.ge [sflag:s24], $0x4000  }
0x248: {  	[sflag:s24] =	ssyncset.done $0x0  }
0x249: {  	s6 =	simm.s32 $0x13D00;
	[sflag:s24] =	ssyncadd.s32 $0xFFFFC000  }
0x24a: {  	[tilespmem:s23], [sflag:$0x1] =	stream.indirect.gather [hbm4b:s5+s22], $0x80, s6, s22, $0xb8;
	[tilespmem:$0x1C900] =	vst v63  }
0x24b: {  	s7 =	simm.s32 $0x14480  }
0x24c: {  	[spmem:s3] =	stream.indirect.scatter.add.f32 [tilespmem:s26], [sflag:$0x2], $0x80, s7, s22, $0xb8;
	[tilespmem:$0x1C900] =	vst v63  }
0x24d: {  	_ =	swait.ge [sflag:s18], $0x4000  }
0x24e: {  	[sflag:s18] =	ssyncset.done $0x0  }
0x24f: {  	[sflag:s18] =	ssyncadd.s32 $0xFFFFC000  }
0x250: {  	_ =	swait.ge [sflag:s24], $0x4000  }
0x251: {  	[sflag:s24] =	ssyncset.done $0x0  }
0x252: {  	s14 =	simm.s32 $0x13D80;
	[sflag:s24] =	ssyncadd.s32 $0xFFFFC000  }
0x253: {  	[tilespmem:s26], [sflag:$0x1] =	stream.indirect.gather [hbm4b:s5+s22], $0x80, s14, s22, $0xb8;
	[tilespmem:$0x1C900] =	vst v63  }
0x254: {  	s17 =	simm.s32 $0x14500  }
0x255: {  	[spmem:s3] =	stream.indirect.scatter.add.f32 [tilespmem:s23], [sflag:$0x2], $0x80, s17, s22, $0xb8;
	[tilespmem:$0x1C900] =	vst v63  }
0x256: {  	_ =	swait.ge [sflag:s18], $0x4000  }
0x257: {  	[sflag:s18] =	ssyncset.done $0x0  }
0x258: {  	[sflag:s18] =	ssyncadd.s32 $0xFFFFC000  }
0x259: {  	_ =	swait.ge [sflag:s24], $0x4000  }
0x25a: {  	[sflag:s24] =	ssyncset.done $0x0  }
0x25b: {  	s19 =	simm.s32 $0x13E00;
	[sflag:s24] =	ssyncadd.s32 $0xFFFFC000  }
0x25c: {  	[tilespmem:s23], [sflag:$0x1] =	stream.indirect.gather [hbm4b:s5+s22], $0x80, s19, s22, $0xb8;
	[tilespmem:$0x1C900] =	vst v63  }
0x25d: {  	s11 =	simm.s32 $0x14580  }
0x25e: {  	[spmem:s3] =	stream.indirect.scatter.add.f32 [tilespmem:s26], [sflag:$0x2], $0x80, s11, s22, $0xb8;
	[tilespmem:$0x1C900] =	vst v63  }
0x25f: {  	_ =	swait.ge [sflag:s18], $0x4000  }
0x260: {  	[sflag:s18] =	ssyncset.done $0x0  }
0x261: {  	[sflag:s18] =	ssyncadd.s32 $0xFFFFC000  }
0x262: {  	_ =	swait.ge [sflag:s24], $0x4000  }
0x263: {  	[sflag:s24] =	ssyncset.done $0x0  }
0x264: {  	s14 =	simm.s32 $0x13E80;
	[sflag:s24] =	ssyncadd.s32 $0xFFFFC000  }
0x265: {  	[tilespmem:s26], [sflag:$0x1] =	stream.indirect.gather [hbm4b:s5+s22], $0x80, s14, s22, $0xb8;
	[tilespmem:$0x1C900] =	vst v63  }
0x266: {  	s17 =	simm.s32 $0x14600  }
0x267: {  	[spmem:s3] =	stream.indirect.scatter.add.f32 [tilespmem:s23], [sflag:$0x2], $0x80, s17, s22, $0xb8;
	[tilespmem:$0x1C900] =	vst v63  }
0x268: {  	_ =	swait.ge [sflag:s18], $0x4000  }
0x269: {  	[sflag:s18] =	ssyncset.done $0x0  }
0x26a: {  	[sflag:s18] =	ssyncadd.s32 $0xFFFFC000  }
0x26b: {  	_ =	swait.ge [sflag:s24], $0x4000  }
0x26c: {  	[sflag:s24] =	ssyncset.done $0x0  }
0x26d: {  	s19 =	simm.s32 $0x13F00;
	[sflag:s24] =	ssyncadd.s32 $0xFFFFC000  }
0x26e: {  	[tilespmem:s23], [sflag:$0x1] =	stream.indirect.gather [hbm4b:s5+s22], $0x80, s19, s22, $0xb8;
	[tilespmem:$0x1C900] =	vst v63  }
0x26f: {  	s11 =	simm.s32 $0x14680  }
0x270: {  	[spmem:s3] =	stream.indirect.scatter.add.f32 [tilespmem:s26], [sflag:$0x2], $0x80, s11, s22, $0xb8;
	[tilespmem:$0x1C900] =	vst v63  }
0x271: {  	_ =	swait.ge [sflag:s18], $0x4000  }
0x272: {  	[sflag:s18] =	ssyncset.done $0x0  }
0x273: {  	[sflag:s18] =	ssyncadd.s32 $0xFFFFC000  }
0x274: {  	_ =	swait.ge [sflag:s24], $0x4000  }
0x275: {  	[sflag:s24] =	ssyncset.done $0x0  }
0x276: {  	s14 =	simm.s32 $0x13F80;
	[sflag:s24] =	ssyncadd.s32 $0xFFFFC000  }
0x277: {  	[tilespmem:s26], [sflag:$0x1] =	stream.indirect.gather [hbm4b:s5+s22], $0x80, s14, s22, $0xb8;
	[tilespmem:$0x1C900] =	vst v63  }
0x278: {  	s17 =	simm.s32 $0x14700  }
0x279: {  	[spmem:s3] =	stream.indirect.scatter.add.f32 [tilespmem:s23], [sflag:$0x2], $0x80, s17, s22, $0xb8;
	[tilespmem:$0x1C900] =	vst v63  }
0x27a: {  	_ =	swait.ge [sflag:s18], $0x4000  }
0x27b: {  	[sflag:s18] =	ssyncset.done $0x0  }
0x27c: {  	[sflag:s18] =	ssyncadd.s32 $0xFFFFC000  }
0x27d: {  	_ =	swait.ge [sflag:s24], $0x4000  }
0x27e: {  	[sflag:s24] =	ssyncset.done $0x0  }
0x27f: {  	s19 =	simm.s32 $0x14000;
	[sflag:s24] =	ssyncadd.s32 $0xFFFFC000  }
0x280: {  	[tilespmem:s23], [sflag:$0x1] =	stream.indirect.gather [hbm4b:s5+s22], $0x80, s19, s22, $0xb8;
	[tilespmem:$0x1C900] =	vst v63  }
0x281: {  	s11 =	simm.s32 $0x14780  }
0x282: {  	[spmem:s3] =	stream.indirect.scatter.add.f32 [tilespmem:s26], [sflag:$0x2], $0x80, s11, s22, $0xb8;
	[tilespmem:$0x1C900] =	vst v63  }
0x283: {  	_ =	swait.ge [sflag:s18], $0x4000  }
0x284: {  	[sflag:s18] =	ssyncset.done $0x0  }
0x285: {  	[sflag:s18] =	ssyncadd.s32 $0xFFFFC000  }
0x286: {  	_ =	swait.ge [sflag:s24], $0x4000  }
0x287: {  	[sflag:s24] =	ssyncset.done $0x0  }
0x288: {  	s14 =	simm.s32 $0x14080;
	[sflag:s24] =	ssyncadd.s32 $0xFFFFC000  }
0x289: {  	[tilespmem:s26], [sflag:$0x1] =	stream.indirect.gather [hbm4b:s5+s22], $0x80, s14, s22, $0xb8;
	[tilespmem:$0x1C900] =	vst v63  }
0x28a: {  	s17 =	simm.s32 $0x14800  }
0x28b: {  	[spmem:s3] =	stream.indirect.scatter.add.f32 [tilespmem:s23], [sflag:$0x2], $0x80, s17, s22, $0xb8;
	[tilespmem:$0x1C900] =	vst v63  }
0x28c: {  	_ =	swait.ge [sflag:s18], $0x4000  }
0x28d: {  	[sflag:s18] =	ssyncset.done $0x0  }
0x28e: {  	[sflag:s18] =	ssyncadd.s32 $0xFFFFC000  }
0x28f: {  	_ =	swait.ge [sflag:s24], $0x4000  }
0x290: {  	[sflag:s24] =	ssyncset.done $0x0  }
0x291: {  	s19 =	simm.s32 $0x14880;
	[sflag:s24] =	ssyncadd.s32 $0xFFFFC000  }
0x292: {  	[spmem:s3] =	stream.indirect.scatter.add.f32 [tilespmem:s26], [sflag:$0x2], $0x80, s19, s22, $0xb8;
	[tilespmem:$0x1C900] =	vst v63  }
0x293: {  	_ =	swait.ge [sflag:s18], $0x4000  }
0x294: {  	s8 =	simm.s32 $0x100;
	s14 =	simm.s32 $0x200;
	[sflag:s18] =	ssyncset.done $0x0  }
.LBB2_6:
0x295: {  	s17 =	sadd.s32 s8, s16  }
0x296: {  	[sflag:s18] =	ssyncadd.s32 $0xFFFFC000;
	s19 =	smov.u32 s14;
	s11 =	sadd.s32 $0x100, s14  }
0x297: {  	[tilespmem:s20], [sflag:$0x2] =	stream.linear.gather [hbm4b:s17+s4], $0x800, $0x38;
	[tilespmem:$0x1C900] =	vst v63  }
0x298: {  	s17 =	simm.s32 $0x13A00  }
0x299: {  	p3 =	sne.s32 s14, $0x400;
	_ =	swait.ge [sflag:s18], $0x800  }
0x29a: {  	s14 =	sadd.s32 s8, s15;
	[sflag:s18] =	ssyncset.done $0x0  }
0x29b: {  	s8 =	smov.u32 s19;
	s19 =	simm.s32 $0x13980;
	[sflag:s18] =	ssyncadd.s32 $0xFFFFF800  }
0x29c: {  	[tilespmem:s21], [sflag:$0x2] =	stream.linear.gather [hbm4b:s14+s4], $0x800, $0x38;
	[tilespmem:$0x1C900] =	vst v63  }
0x29d: {  	_ =	swait.ge [sflag:s18], $0x800  }
0x29e: {  	[sflag:s18] =	ssyncset.done $0x0  }
0x29f: {  	[sflag:s18] =	ssyncadd.s32 $0xFFFFF800  }
0x2a0: {  	[tilespmem:s23], [sflag:$0x1] =	stream.indirect.gather [hbm4b:s5+s22], $0x80, s20, s22, $0xb8;
	[tilespmem:$0x1C900] =	vst v63  }
0x2a1: {  	_ =	swait.ge [sflag:s24], $0x4000  }
0x2a2: {  	[sflag:s24] =	ssyncset.done $0x0  }
0x2a3: {  	[sflag:s24] =	ssyncadd.s32 $0xFFFFC000  }
0x2a4: {  	[tilespmem:s26], [sflag:$0x1] =	stream.indirect.gather [hbm4b:s5+s22], $0x80, s19, s22, $0xb8;
	[tilespmem:$0x1C900] =	vst v63  }
0x2a5: {  	_ = 	snop  }
0x2a6: {  	[spmem:s3] =	stream.indirect.scatter.add.f32 [tilespmem:s23], [sflag:$0x2], $0x80, s21, s22, $0xb8;
	[tilespmem:$0x1C900] =	vst v63  }
0x2a7: {  	_ =	swait.ge [sflag:s18], $0x4000  }
0x2a8: {  	[sflag:s18] =	ssyncset.done $0x0  }
0x2a9: {  	[sflag:s18] =	ssyncadd.s32 $0xFFFFC000  }
0x2aa: {  	_ =	swait.ge [sflag:s24], $0x4000  }
0x2ab: {  	[sflag:s24] =	ssyncset.done $0x0  }
0x2ac: {  	[sflag:s24] =	ssyncadd.s32 $0xFFFFC000  }
0x2ad: {  	[tilespmem:s23], [sflag:$0x1] =	stream.indirect.gather [hbm4b:s5+s22], $0x80, s17, s22, $0xb8;
	[tilespmem:$0x1C900] =	vst v63  }
0x2ae: {  	_ = 	snop  }
0x2af: {  	[spmem:s3] =	stream.indirect.scatter.add.f32 [tilespmem:s26], [sflag:$0x2], $0x80, s9, s22, $0xb8;
	[tilespmem:$0x1C900] =	vst v63  }
0x2b0: {  	_ =	swait.ge [sflag:s18], $0x4000  }
0x2b1: {  	[sflag:s18] =	ssyncset.done $0x0  }
0x2b2: {  	[sflag:s18] =	ssyncadd.s32 $0xFFFFC000  }
0x2b3: {  	_ =	swait.ge [sflag:s24], $0x4000  }
0x2b4: {  	[sflag:s24] =	ssyncset.done $0x0  }
0x2b5: {  	[sflag:s24] =	ssyncadd.s32 $0xFFFFC000  }
0x2b6: {  	[tilespmem:s26], [sflag:$0x1] =	stream.indirect.gather [hbm4b:s5+s22], $0x80, s25, s22, $0xb8;
	[tilespmem:$0x1C900] =	vst v63  }
0x2b7: {  	_ = 	snop  }
0x2b8: {  	[spmem:s3] =	stream.indirect.scatter.add.f32 [tilespmem:s23], [sflag:$0x2], $0x80, s28, s22, $0xb8;
	[tilespmem:$0x1C900] =	vst v63  }
0x2b9: {  	_ =	swait.ge [sflag:s18], $0x4000  }
0x2ba: {  	[sflag:s18] =	ssyncset.done $0x0  }
0x2bb: {  	[sflag:s18] =	ssyncadd.s32 $0xFFFFC000  }
0x2bc: {  	_ =	swait.ge [sflag:s24], $0x4000  }
0x2bd: {  	[sflag:s24] =	ssyncset.done $0x0  }
0x2be: {  	[sflag:s24] =	ssyncadd.s32 $0xFFFFC000  }
0x2bf: {  	[tilespmem:s23], [sflag:$0x1] =	stream.indirect.gather [hbm4b:s5+s22], $0x80, s29, s22, $0xb8;
	[tilespmem:$0x1C900] =	vst v63  }
0x2c0: {  	_ = 	snop  }
0x2c1: {  	[spmem:s3] =	stream.indirect.scatter.add.f32 [tilespmem:s26], [sflag:$0x2], $0x80, s30, s22, $0xb8;
	[tilespmem:$0x1C900] =	vst v63  }
0x2c2: {  	_ =	swait.ge [sflag:s18], $0x4000  }
0x2c3: {  	[sflag:s18] =	ssyncset.done $0x0  }
0x2c4: {  	[sflag:s18] =	ssyncadd.s32 $0xFFFFC000  }
0x2c5: {  	_ =	swait.ge [sflag:s24], $0x4000  }
0x2c6: {  	[sflag:s24] =	ssyncset.done $0x0  }
0x2c7: {  	[sflag:s24] =	ssyncadd.s32 $0xFFFFC000  }
0x2c8: {  	[tilespmem:s26], [sflag:$0x1] =	stream.indirect.gather [hbm4b:s5+s22], $0x80, s31, s22, $0xb8;
	[tilespmem:$0x1C900] =	vst v63  }
0x2c9: {  	_ = 	snop  }
0x2ca: {  	[spmem:s3] =	stream.indirect.scatter.add.f32 [tilespmem:s23], [sflag:$0x2], $0x80, s0, s22, $0xb8;
	[tilespmem:$0x1C900] =	vst v63  }
0x2cb: {  	_ =	swait.ge [sflag:s18], $0x4000  }
0x2cc: {  	[sflag:s18] =	ssyncset.done $0x0  }
0x2cd: {  	[sflag:s18] =	ssyncadd.s32 $0xFFFFC000  }
0x2ce: {  	_ =	swait.ge [sflag:s24], $0x4000  }
0x2cf: {  	[sflag:s24] =	ssyncset.done $0x0  }
0x2d0: {  	[sflag:s24] =	ssyncadd.s32 $0xFFFFC000  }
0x2d1: {  	[tilespmem:s23], [sflag:$0x1] =	stream.indirect.gather [hbm4b:s5+s22], $0x80, s2, s22, $0xb8;
	[tilespmem:$0x1C900] =	vst v63  }
0x2d2: {  	_ = 	snop  }
0x2d3: {  	[spmem:s3] =	stream.indirect.scatter.add.f32 [tilespmem:s26], [sflag:$0x2], $0x80, s12, s22, $0xb8;
	[tilespmem:$0x1C900] =	vst v63  }
0x2d4: {  	_ =	swait.ge [sflag:s18], $0x4000  }
0x2d5: {  	[sflag:s18] =	ssyncset.done $0x0  }
0x2d6: {  	[sflag:s18] =	ssyncadd.s32 $0xFFFFC000  }
0x2d7: {  	_ =	swait.ge [sflag:s24], $0x4000  }
0x2d8: {  	[sflag:s24] =	ssyncset.done $0x0  }
0x2d9: {  	[sflag:s24] =	ssyncadd.s32 $0xFFFFC000  }
0x2da: {  	[tilespmem:s26], [sflag:$0x1] =	stream.indirect.gather [hbm4b:s5+s22], $0x80, s13, s22, $0xb8;
	[tilespmem:$0x1C900] =	vst v63  }
0x2db: {  	_ = 	snop  }
0x2dc: {  	[spmem:s3] =	stream.indirect.scatter.add.f32 [tilespmem:s23], [sflag:$0x2], $0x80, s10, s22, $0xb8;
	[tilespmem:$0x1C900] =	vst v63  }
0x2dd: {  	_ =	swait.ge [sflag:s18], $0x4000  }
0x2de: {  	[sflag:s18] =	ssyncset.done $0x0  }
0x2df: {  	[sflag:s18] =	ssyncadd.s32 $0xFFFFC000  }
0x2e0: {  	_ =	swait.ge [sflag:s24], $0x4000  }
0x2e1: {  	[sflag:s24] =	ssyncset.done $0x0  }
0x2e2: {  	[sflag:s24] =	ssyncadd.s32 $0xFFFFC000  }
0x2e3: {  	[tilespmem:s23], [sflag:$0x1] =	stream.indirect.gather [hbm4b:s5+s22], $0x80, s6, s22, $0xb8;
	[tilespmem:$0x1C900] =	vst v63  }
0x2e4: {  	_ = 	snop  }
0x2e5: {  	[spmem:s3] =	stream.indirect.scatter.add.f32 [tilespmem:s26], [sflag:$0x2], $0x80, s7, s22, $0xb8;
	[tilespmem:$0x1C900] =	vst v63  }
0x2e6: {  	_ =	swait.ge [sflag:s18], $0x4000  }
0x2e7: {  	[sflag:s18] =	ssyncset.done $0x0  }
0x2e8: {  	[sflag:s18] =	ssyncadd.s32 $0xFFFFC000  }
0x2e9: {  	_ =	swait.ge [sflag:s24], $0x4000  }
0x2ea: {  	[sflag:s24] =	ssyncset.done $0x0  }
0x2eb: {  	s14 =	simm.s32 $0x13D80;
	[sflag:s24] =	ssyncadd.s32 $0xFFFFC000  }
0x2ec: {  	[tilespmem:s26], [sflag:$0x1] =	stream.indirect.gather [hbm4b:s5+s22], $0x80, s14, s22, $0xb8;
	[tilespmem:$0x1C900] =	vst v63  }
0x2ed: {  	s14 =	simm.s32 $0x14500  }
0x2ee: {  	[spmem:s3] =	stream.indirect.scatter.add.f32 [tilespmem:s23], [sflag:$0x2], $0x80, s14, s22, $0xb8;
	[tilespmem:$0x1C900] =	vst v63  }
0x2ef: {  	_ =	swait.ge [sflag:s18], $0x4000  }
0x2f0: {  	[sflag:s18] =	ssyncset.done $0x0  }
0x2f1: {  	[sflag:s18] =	ssyncadd.s32 $0xFFFFC000  }
0x2f2: {  	_ =	swait.ge [sflag:s24], $0x4000  }
0x2f3: {  	[sflag:s24] =	ssyncset.done $0x0  }
0x2f4: {  	s14 =	simm.s32 $0x13E00;
	[sflag:s24] =	ssyncadd.s32 $0xFFFFC000  }
0x2f5: {  	[tilespmem:s23], [sflag:$0x1] =	stream.indirect.gather [hbm4b:s5+s22], $0x80, s14, s22, $0xb8;
	[tilespmem:$0x1C900] =	vst v63  }
0x2f6: {  	s14 =	simm.s32 $0x14580  }
0x2f7: {  	[spmem:s3] =	stream.indirect.scatter.add.f32 [tilespmem:s26], [sflag:$0x2], $0x80, s14, s22, $0xb8;
	[tilespmem:$0x1C900] =	vst v63  }
0x2f8: {  	_ =	swait.ge [sflag:s18], $0x4000  }
0x2f9: {  	[sflag:s18] =	ssyncset.done $0x0  }
0x2fa: {  	[sflag:s18] =	ssyncadd.s32 $0xFFFFC000  }
0x2fb: {  	_ =	swait.ge [sflag:s24], $0x4000  }
0x2fc: {  	[sflag:s24] =	ssyncset.done $0x0  }
0x2fd: {  	s14 =	simm.s32 $0x13E80;
	[sflag:s24] =	ssyncadd.s32 $0xFFFFC000  }
0x2fe: {  	[tilespmem:s26], [sflag:$0x1] =	stream.indirect.gather [hbm4b:s5+s22], $0x80, s14, s22, $0xb8;
	[tilespmem:$0x1C900] =	vst v63  }
0x2ff: {  	s14 =	simm.s32 $0x14600  }
0x300: {  	[spmem:s3] =	stream.indirect.scatter.add.f32 [tilespmem:s23], [sflag:$0x2], $0x80, s14, s22, $0xb8;
	[tilespmem:$0x1C900] =	vst v63  }
0x301: {  	_ =	swait.ge [sflag:s18], $0x4000  }
0x302: {  	[sflag:s18] =	ssyncset.done $0x0  }
0x303: {  	[sflag:s18] =	ssyncadd.s32 $0xFFFFC000  }
0x304: {  	_ =	swait.ge [sflag:s24], $0x4000  }
0x305: {  	[sflag:s24] =	ssyncset.done $0x0  }
0x306: {  	s14 =	simm.s32 $0x13F00;
	[sflag:s24] =	ssyncadd.s32 $0xFFFFC000  }
0x307: {  	[tilespmem:s23], [sflag:$0x1] =	stream.indirect.gather [hbm4b:s5+s22], $0x80, s14, s22, $0xb8;
	[tilespmem:$0x1C900] =	vst v63  }
0x308: {  	s14 =	simm.s32 $0x14680  }
0x309: {  	[spmem:s3] =	stream.indirect.scatter.add.f32 [tilespmem:s26], [sflag:$0x2], $0x80, s14, s22, $0xb8;
	[tilespmem:$0x1C900] =	vst v63  }
0x30a: {  	_ =	swait.ge [sflag:s18], $0x4000  }
0x30b: {  	[sflag:s18] =	ssyncset.done $0x0  }
0x30c: {  	[sflag:s18] =	ssyncadd.s32 $0xFFFFC000  }
0x30d: {  	_ =	swait.ge [sflag:s24], $0x4000  }
0x30e: {  	[sflag:s24] =	ssyncset.done $0x0  }
0x30f: {  	s14 =	simm.s32 $0x13F80;
	[sflag:s24] =	ssyncadd.s32 $0xFFFFC000  }
0x310: {  	[tilespmem:s26], [sflag:$0x1] =	stream.indirect.gather [hbm4b:s5+s22], $0x80, s14, s22, $0xb8;
	[tilespmem:$0x1C900] =	vst v63  }
0x311: {  	s14 =	simm.s32 $0x14700  }
0x312: {  	[spmem:s3] =	stream.indirect.scatter.add.f32 [tilespmem:s23], [sflag:$0x2], $0x80, s14, s22, $0xb8;
	[tilespmem:$0x1C900] =	vst v63  }
0x313: {  	_ =	swait.ge [sflag:s18], $0x4000  }
0x314: {  	[sflag:s18] =	ssyncset.done $0x0  }
0x315: {  	[sflag:s18] =	ssyncadd.s32 $0xFFFFC000  }
0x316: {  	_ =	swait.ge [sflag:s24], $0x4000  }
0x317: {  	[sflag:s24] =	ssyncset.done $0x0  }
0x318: {  	s14 =	simm.s32 $0x14000;
	[sflag:s24] =	ssyncadd.s32 $0xFFFFC000  }
0x319: {  	[tilespmem:s23], [sflag:$0x1] =	stream.indirect.gather [hbm4b:s5+s22], $0x80, s14, s22, $0xb8;
	[tilespmem:$0x1C900] =	vst v63  }
0x31a: {  	s14 =	simm.s32 $0x14780  }
0x31b: {  	[spmem:s3] =	stream.indirect.scatter.add.f32 [tilespmem:s26], [sflag:$0x2], $0x80, s14, s22, $0xb8;
	[tilespmem:$0x1C900] =	vst v63  }
0x31c: {  	_ =	swait.ge [sflag:s18], $0x4000  }
0x31d: {  	[sflag:s18] =	ssyncset.done $0x0  }
0x31e: {  	[sflag:s18] =	ssyncadd.s32 $0xFFFFC000  }
0x31f: {  	_ =	swait.ge [sflag:s24], $0x4000  }
0x320: {  	[sflag:s24] =	ssyncset.done $0x0  }
0x321: {  	s14 =	simm.s32 $0x14080;
	[sflag:s24] =	ssyncadd.s32 $0xFFFFC000  }
0x322: {  	[tilespmem:s26], [sflag:$0x1] =	stream.indirect.gather [hbm4b:s5+s22], $0x80, s14, s22, $0xb8;
	[tilespmem:$0x1C900] =	vst v63  }
0x323: {  	s14 =	simm.s32 $0x14800  }
0x324: {  	[spmem:s3] =	stream.indirect.scatter.add.f32 [tilespmem:s23], [sflag:$0x2], $0x80, s14, s22, $0xb8;
	[tilespmem:$0x1C900] =	vst v63  }
0x325: {  	_ =	swait.ge [sflag:s18], $0x4000  }
0x326: {  	[sflag:s18] =	ssyncset.done $0x0  }
0x327: {  	[sflag:s18] =	ssyncadd.s32 $0xFFFFC000  }
0x328: {  	_ =	swait.ge [sflag:s24], $0x4000  }
.Ltmp6:
0x329: {  	[sflag:s24] =	ssyncset.done $0x0;
	(pc) =	sbr.rel @p3 .LBB2_6-.Ltmp6, $4  }
0x32a: {  	s14 =	simm.s32 $0x14880;
	[sflag:s24] =	ssyncadd.s32 $0xFFFFC000  }
0x32b: {  	[spmem:s3] =	stream.indirect.scatter.add.f32 [tilespmem:s26], [sflag:$0x2], $0x80, s14, s22, $0xb8;
	[tilespmem:$0x1C900] =	vst v63  }
0x32c: {  	_ =	swait.ge [sflag:s18], $0x4000  }
0x32d: {  	s14 =	smov.u32 s11;
	[sflag:s18] =	ssyncset.done $0x0  }
0x32e: {  	s11 =	sadd.s32 s8, s16;
	[sflag:s18] =	ssyncadd.s32 $0xFFFFC000  }
0x32f: {  	[tilespmem:s20], [sflag:$0x2] =	stream.linear.gather [hbm4b:s11+s4], $0x800, $0x38;
	[tilespmem:$0x1C900] =	vst v63  }
0x330: {  	_ =	swait.ge [sflag:s18], $0x800  }
0x331: {  	[sflag:s18] =	ssyncset.done $0x0  }
0x332: {  	s14 =	sadd.s32 s8, s15;
	[sflag:s18] =	ssyncadd.s32 $0xFFFFF800  }
0x333: {  	[tilespmem:s21], [sflag:$0x2] =	stream.linear.gather [hbm4b:s14+s4], $0x800, $0x38;
	[tilespmem:$0x1C900] =	vst v63  }
0x334: {  	_ =	swait.ge [sflag:s18], $0x800  }
0x335: {  	[sflag:s18] =	ssyncset.done $0x0  }
0x336: {  	[sflag:s18] =	ssyncadd.s32 $0xFFFFF800  }
0x337: {  	[tilespmem:s23], [sflag:$0x1] =	stream.indirect.gather [hbm4b:s5+s22], $0x80, s20, s22, $0xb8;
	[tilespmem:$0x1C900] =	vst v63  }
0x338: {  	_ =	swait.ge [sflag:s24], $0x4000  }
0x339: {  	[sflag:s24] =	ssyncset.done $0x0  }
0x33a: {  	[sflag:s24] =	ssyncadd.s32 $0xFFFFC000  }
0x33b: {  	[tilespmem:s26], [sflag:$0x1] =	stream.indirect.gather [hbm4b:s5+s22], $0x80, s19, s22, $0xb8;
	[tilespmem:$0x1C900] =	vst v63  }
0x33c: {  	_ = 	snop  }
0x33d: {  	[spmem:s3] =	stream.indirect.scatter.add.f32 [tilespmem:s23], [sflag:$0x2], $0x80, s21, s22, $0xb8;
	[tilespmem:$0x1C900] =	vst v63  }
0x33e: {  	_ =	swait.ge [sflag:s18], $0x4000  }
0x33f: {  	[sflag:s18] =	ssyncset.done $0x0  }
0x340: {  	[sflag:s18] =	ssyncadd.s32 $0xFFFFC000  }
0x341: {  	_ =	swait.ge [sflag:s24], $0x4000  }
0x342: {  	[sflag:s24] =	ssyncset.done $0x0  }
0x343: {  	[sflag:s24] =	ssyncadd.s32 $0xFFFFC000  }
0x344: {  	[tilespmem:s23], [sflag:$0x1] =	stream.indirect.gather [hbm4b:s5+s22], $0x80, s17, s22, $0xb8;
	[tilespmem:$0x1C900] =	vst v63  }
0x345: {  	_ = 	snop  }
0x346: {  	[spmem:s3] =	stream.indirect.scatter.add.f32 [tilespmem:s26], [sflag:$0x2], $0x80, s9, s22, $0xb8;
	[tilespmem:$0x1C900] =	vst v63  }
0x347: {  	_ =	swait.ge [sflag:s18], $0x4000  }
0x348: {  	[sflag:s18] =	ssyncset.done $0x0  }
0x349: {  	[sflag:s18] =	ssyncadd.s32 $0xFFFFC000  }
0x34a: {  	_ =	swait.ge [sflag:s24], $0x4000  }
0x34b: {  	[sflag:s24] =	ssyncset.done $0x0  }
0x34c: {  	[sflag:s24] =	ssyncadd.s32 $0xFFFFC000  }
0x34d: {  	[tilespmem:s26], [sflag:$0x1] =	stream.indirect.gather [hbm4b:s5+s22], $0x80, s25, s22, $0xb8;
	[tilespmem:$0x1C900] =	vst v63  }
0x34e: {  	_ = 	snop  }
0x34f: {  	[spmem:s3] =	stream.indirect.scatter.add.f32 [tilespmem:s23], [sflag:$0x2], $0x80, s28, s22, $0xb8;
	[tilespmem:$0x1C900] =	vst v63  }
0x350: {  	_ =	swait.ge [sflag:s18], $0x4000  }
0x351: {  	[sflag:s18] =	ssyncset.done $0x0  }
0x352: {  	[sflag:s18] =	ssyncadd.s32 $0xFFFFC000  }
0x353: {  	_ =	swait.ge [sflag:s24], $0x4000  }
0x354: {  	[sflag:s24] =	ssyncset.done $0x0  }
0x355: {  	[sflag:s24] =	ssyncadd.s32 $0xFFFFC000  }
0x356: {  	[tilespmem:s23], [sflag:$0x1] =	stream.indirect.gather [hbm4b:s5+s22], $0x80, s29, s22, $0xb8;
	[tilespmem:$0x1C900] =	vst v63  }
0x357: {  	_ = 	snop  }
0x358: {  	[spmem:s3] =	stream.indirect.scatter.add.f32 [tilespmem:s26], [sflag:$0x2], $0x80, s30, s22, $0xb8;
	[tilespmem:$0x1C900] =	vst v63  }
0x359: {  	_ =	swait.ge [sflag:s18], $0x4000  }
0x35a: {  	[sflag:s18] =	ssyncset.done $0x0  }
0x35b: {  	[sflag:s18] =	ssyncadd.s32 $0xFFFFC000  }
0x35c: {  	_ =	swait.ge [sflag:s24], $0x4000  }
0x35d: {  	[sflag:s24] =	ssyncset.done $0x0  }
0x35e: {  	[sflag:s24] =	ssyncadd.s32 $0xFFFFC000  }
0x35f: {  	[tilespmem:s26], [sflag:$0x1] =	stream.indirect.gather [hbm4b:s5+s22], $0x80, s31, s22, $0xb8;
	[tilespmem:$0x1C900] =	vst v63  }
0x360: {  	_ = 	snop  }
0x361: {  	[spmem:s3] =	stream.indirect.scatter.add.f32 [tilespmem:s23], [sflag:$0x2], $0x80, s0, s22, $0xb8;
	[tilespmem:$0x1C900] =	vst v63  }
0x362: {  	_ =	swait.ge [sflag:s18], $0x4000  }
0x363: {  	[sflag:s18] =	ssyncset.done $0x0  }
0x364: {  	[sflag:s18] =	ssyncadd.s32 $0xFFFFC000  }
0x365: {  	_ =	swait.ge [sflag:s24], $0x4000  }
0x366: {  	[sflag:s24] =	ssyncset.done $0x0  }
0x367: {  	[sflag:s24] =	ssyncadd.s32 $0xFFFFC000  }
0x368: {  	[tilespmem:s23], [sflag:$0x1] =	stream.indirect.gather [hbm4b:s5+s22], $0x80, s2, s22, $0xb8;
	[tilespmem:$0x1C900] =	vst v63  }
0x369: {  	_ = 	snop  }
0x36a: {  	[spmem:s3] =	stream.indirect.scatter.add.f32 [tilespmem:s26], [sflag:$0x2], $0x80, s12, s22, $0xb8;
	[tilespmem:$0x1C900] =	vst v63  }
0x36b: {  	_ =	swait.ge [sflag:s18], $0x4000  }
0x36c: {  	[sflag:s18] =	ssyncset.done $0x0  }
0x36d: {  	[sflag:s18] =	ssyncadd.s32 $0xFFFFC000  }
0x36e: {  	_ =	swait.ge [sflag:s24], $0x4000  }
0x36f: {  	[sflag:s24] =	ssyncset.done $0x0  }
0x370: {  	[sflag:s24] =	ssyncadd.s32 $0xFFFFC000  }
0x371: {  	[tilespmem:s26], [sflag:$0x1] =	stream.indirect.gather [hbm4b:s5+s22], $0x80, s13, s22, $0xb8;
	[tilespmem:$0x1C900] =	vst v63  }
0x372: {  	_ = 	snop  }
0x373: {  	[spmem:s3] =	stream.indirect.scatter.add.f32 [tilespmem:s23], [sflag:$0x2], $0x80, s10, s22, $0xb8;
	[tilespmem:$0x1C900] =	vst v63  }
0x374: {  	_ =	swait.ge [sflag:s18], $0x4000  }
0x375: {  	[sflag:s18] =	ssyncset.done $0x0  }
0x376: {  	[sflag:s18] =	ssyncadd.s32 $0xFFFFC000  }
0x377: {  	_ =	swait.ge [sflag:s24], $0x4000  }
0x378: {  	[sflag:s24] =	ssyncset.done $0x0  }
0x379: {  	[sflag:s24] =	ssyncadd.s32 $0xFFFFC000  }
0x37a: {  	[tilespmem:s23], [sflag:$0x1] =	stream.indirect.gather [hbm4b:s5+s22], $0x80, s6, s22, $0xb8;
	[tilespmem:$0x1C900] =	vst v63  }
0x37b: {  	_ = 	snop  }
0x37c: {  	[spmem:s3] =	stream.indirect.scatter.add.f32 [tilespmem:s26], [sflag:$0x2], $0x80, s7, s22, $0xb8;
	[tilespmem:$0x1C900] =	vst v63  }
0x37d: {  	_ =	swait.ge [sflag:s18], $0x4000  }
0x37e: {  	[sflag:s18] =	ssyncset.done $0x0  }
0x37f: {  	[sflag:s18] =	ssyncadd.s32 $0xFFFFC000  }
0x380: {  	_ =	swait.ge [sflag:s24], $0x4000  }
0x381: {  	[sflag:s24] =	ssyncset.done $0x0  }
0x382: {  	s2 =	simm.s32 $0x13D80;
	[sflag:s24] =	ssyncadd.s32 $0xFFFFC000  }
0x383: {  	[tilespmem:s26], [sflag:$0x1] =	stream.indirect.gather [hbm4b:s5+s22], $0x80, s2, s22, $0xb8;
	[tilespmem:$0x1C900] =	vst v63  }
0x384: {  	s6 =	simm.s32 $0x14500  }
0x385: {  	[spmem:s3] =	stream.indirect.scatter.add.f32 [tilespmem:s23], [sflag:$0x2], $0x80, s6, s22, $0xb8;
	[tilespmem:$0x1C900] =	vst v63  }
0x386: {  	_ =	swait.ge [sflag:s18], $0x4000  }
0x387: {  	[sflag:s18] =	ssyncset.done $0x0  }
0x388: {  	[sflag:s18] =	ssyncadd.s32 $0xFFFFC000  }
0x389: {  	_ =	swait.ge [sflag:s24], $0x4000  }
0x38a: {  	[sflag:s24] =	ssyncset.done $0x0  }
0x38b: {  	s7 =	simm.s32 $0x13E00;
	[sflag:s24] =	ssyncadd.s32 $0xFFFFC000  }
0x38c: {  	[tilespmem:s23], [sflag:$0x1] =	stream.indirect.gather [hbm4b:s5+s22], $0x80, s7, s22, $0xb8;
	[tilespmem:$0x1C900] =	vst v63  }
0x38d: {  	s8 =	simm.s32 $0x14580  }
0x38e: {  	[spmem:s3] =	stream.indirect.scatter.add.f32 [tilespmem:s26], [sflag:$0x2], $0x80, s8, s22, $0xb8;
	[tilespmem:$0x1C900] =	vst v63  }
0x38f: {  	_ =	swait.ge [sflag:s18], $0x4000  }
0x390: {  	[sflag:s18] =	ssyncset.done $0x0  }
0x391: {  	[sflag:s18] =	ssyncadd.s32 $0xFFFFC000  }
0x392: {  	_ =	swait.ge [sflag:s24], $0x4000  }
0x393: {  	[sflag:s24] =	ssyncset.done $0x0  }
0x394: {  	s9 =	simm.s32 $0x13E80;
	[sflag:s24] =	ssyncadd.s32 $0xFFFFC000  }
0x395: {  	[tilespmem:s26], [sflag:$0x1] =	stream.indirect.gather [hbm4b:s5+s22], $0x80, s9, s22, $0xb8;
	[tilespmem:$0x1C900] =	vst v63  }
0x396: {  	s10 =	simm.s32 $0x14600  }
0x397: {  	[spmem:s3] =	stream.indirect.scatter.add.f32 [tilespmem:s23], [sflag:$0x2], $0x80, s10, s22, $0xb8;
	[tilespmem:$0x1C900] =	vst v63  }
0x398: {  	_ =	swait.ge [sflag:s18], $0x4000  }
0x399: {  	[sflag:s18] =	ssyncset.done $0x0  }
0x39a: {  	[sflag:s18] =	ssyncadd.s32 $0xFFFFC000  }
0x39b: {  	_ =	swait.ge [sflag:s24], $0x4000  }
0x39c: {  	[sflag:s24] =	ssyncset.done $0x0  }
0x39d: {  	s11 =	simm.s32 $0x13F00;
	[sflag:s24] =	ssyncadd.s32 $0xFFFFC000  }
0x39e: {  	[tilespmem:s23], [sflag:$0x1] =	stream.indirect.gather [hbm4b:s5+s22], $0x80, s11, s22, $0xb8;
	[tilespmem:$0x1C900] =	vst v63  }
0x39f: {  	s12 =	simm.s32 $0x14680  }
0x3a0: {  	[spmem:s3] =	stream.indirect.scatter.add.f32 [tilespmem:s26], [sflag:$0x2], $0x80, s12, s22, $0xb8;
	[tilespmem:$0x1C900] =	vst v63  }
0x3a1: {  	_ =	swait.ge [sflag:s18], $0x4000  }
0x3a2: {  	[sflag:s18] =	ssyncset.done $0x0  }
0x3a3: {  	[sflag:s18] =	ssyncadd.s32 $0xFFFFC000  }
0x3a4: {  	_ =	swait.ge [sflag:s24], $0x4000  }
0x3a5: {  	[sflag:s24] =	ssyncset.done $0x0  }
0x3a6: {  	s13 =	simm.s32 $0x13F80;
	[sflag:s24] =	ssyncadd.s32 $0xFFFFC000  }
0x3a7: {  	[tilespmem:s26], [sflag:$0x1] =	stream.indirect.gather [hbm4b:s5+s22], $0x80, s13, s22, $0xb8;
	[tilespmem:$0x1C900] =	vst v63  }
0x3a8: {  	s14 =	simm.s32 $0x14700  }
0x3a9: {  	[spmem:s3] =	stream.indirect.scatter.add.f32 [tilespmem:s23], [sflag:$0x2], $0x80, s14, s22, $0xb8;
	[tilespmem:$0x1C900] =	vst v63  }
0x3aa: {  	_ =	swait.ge [sflag:s18], $0x4000  }
0x3ab: {  	[sflag:s18] =	ssyncset.done $0x0  }
0x3ac: {  	[sflag:s18] =	ssyncadd.s32 $0xFFFFC000  }
0x3ad: {  	_ =	swait.ge [sflag:s24], $0x4000  }
0x3ae: {  	[sflag:s24] =	ssyncset.done $0x0  }
0x3af: {  	s17 =	simm.s32 $0x14000;
	[sflag:s24] =	ssyncadd.s32 $0xFFFFC000  }
0x3b0: {  	[tilespmem:s23], [sflag:$0x1] =	stream.indirect.gather [hbm4b:s5+s22], $0x80, s17, s22, $0xb8;
	[tilespmem:$0x1C900] =	vst v63  }
0x3b1: {  	s25 =	simm.s32 $0x14780  }
0x3b2: {  	[spmem:s3] =	stream.indirect.scatter.add.f32 [tilespmem:s26], [sflag:$0x2], $0x80, s25, s22, $0xb8;
	[tilespmem:$0x1C900] =	vst v63  }
0x3b3: {  	_ =	swait.ge [sflag:s18], $0x4000  }
0x3b4: {  	[sflag:s18] =	ssyncset.done $0x0  }
0x3b5: {  	[sflag:s18] =	ssyncadd.s32 $0xFFFFC000  }
0x3b6: {  	_ =	swait.ge [sflag:s24], $0x4000  }
0x3b7: {  	[sflag:s24] =	ssyncset.done $0x0  }
0x3b8: {  	s28 =	simm.s32 $0x14080;
	[sflag:s24] =	ssyncadd.s32 $0xFFFFC000  }
0x3b9: {  	[tilespmem:s26], [sflag:$0x1] =	stream.indirect.gather [hbm4b:s5+s22], $0x80, s28, s22, $0xb8;
	[tilespmem:$0x1C900] =	vst v63  }
0x3ba: {  	s29 =	simm.s32 $0x14800  }
0x3bb: {  	[spmem:s3] =	stream.indirect.scatter.add.f32 [tilespmem:s23], [sflag:$0x2], $0x80, s29, s22, $0xb8;
	[tilespmem:$0x1C900] =	vst v63  }
0x3bc: {  	_ =	swait.ge [sflag:s18], $0x4000  }
0x3bd: {  	[sflag:s18] =	ssyncset.done $0x0  }
0x3be: {  	[sflag:s18] =	ssyncadd.s32 $0xFFFFC000  }
0x3bf: {  	_ =	swait.ge [sflag:s24], $0x4000  }
0x3c0: {  	[sflag:s24] =	ssyncset.done $0x0  }
0x3c1: {  	s30 =	simm.s32 $0x14880;
	[sflag:s24] =	ssyncadd.s32 $0xFFFFC000  }
0x3c2: {  	[spmem:s3] =	stream.indirect.scatter.add.f32 [tilespmem:s26], [sflag:$0x2], $0x80, s30, s22, $0xb8;
	[tilespmem:$0x1C900] =	vst v63  }
0x3c3: {  	_ =	swait.ge [sflag:s18], $0x4000  }
0x3c4: {  	[sflag:s18] =	ssyncset.done $0x0  }
0x3c5: {  	[sflag:s18] =	ssyncadd.s32 $0xFFFFC000  }
0x3c6: {  	[bflag:$0x0] =	sbarrier.arrive $0xFFFF  }
0x3c7: {  	s17 =	rddreg [dreg:$0x7]  }
0x3c8: {  	s31 =	rddreg [dreg:$0xa]  }
0x3c9: {  	s14 =	rddreg [dreg:$0xd]  }
0x3ca: {  	[hbm:s31], [sflag:s17] =	dma.local [spmem:s14], $0x2700  }
.Ltmp7:
0x3cb: {  	_ = 	snop;
	(pc) =	sbr.rel @p0 .LBB2_9-.Ltmp7, $4  }
.Ltmp8:
0x3cc: {  	_ = 	snop;
	(pc) =	sbr.rel @!p0 .LBB2_8-.Ltmp8, $4  }
0x3cd: {  	_ =	swait.ge [sflag:s18], $0x2700  }
0x3ce: {  	[sflag:s18] =	ssyncset.done $0x0;
	s8 =	rddreg [dreg:$0x5]  }
0x3cf: {  	s0 =	rddreg [dreg:$0xf];
	[sflag:s18] =	ssyncadd.s32 $0xFFFFD900  }
0x3d0: {  	_ = 	snop  }
.LBB2_10:
0x3d1: {  	_ =	sfence.sel $0x180000  }
0x3d2: {  	[bflag:$0x0] =	sbarrier.arrive $0xFFFF  }
0x3d3: {  	_ =	strace $0x9000004D  }
0x3d4: {  	s0 =	stileid.u32;
	[bflag:$0x2] =	sbarrier.arrive $0xFFFF  }
0x3d5: {  	p0 =	sne.s32 s0, $0x0;
	s0 =	rddreg [dreg:$0x3]  }
0x3d6: {  	s0 =	sadd.s32 @!p0 $0x100000, s0  }
0x3d7: {  	[sflag:s0] =	ssyncadd.tile.s32 @!p0 $0x1;
	_ =	shalt  }
.Lfunc_end2:
_tile_overlayer_lowered:
.L_overlay_start_2:
0x3d8: {  	(tag) =	ssettag $0x2  }
0x3d9: {  	s0 =	rddreg [dreg:$0x0];
	s2 =	stileid.u32  }
0x3da: {  	s1 =	rddreg [dreg:$0x1];
	p0 =	sne.s32 s2, $0x0  }
0x3db: {  	s3 =	rddreg [dreg:$0x2];
	[bflag:$0x3] =	sbarrier.arrive $0xFFFF;
	s2 =	simm.s32 @!p0 $0x1C02  }
0x3dc: {  	[timem:s3], [sflag:s2] =	dma.local @!p0 [hbm:s0], s1  }
0x3dd: {  	s0 =	simm.s32 @!p0 $0x2  }
0x3de: {  	_ =	swait.ge @!p0 [sflag:s0], s1  }
0x3df: {  	s1 =	ssub.s32 @!p0 $0x0, s1;
	[sflag:s0] =	ssyncset.done @!p0 $0x0  }
0x3e0: {  	[sflag:s0] =	ssyncadd.s32 @!p0 s1  }
0x3e1: {  	[bflag:$0x3] =	sbarrier.arrive $0xFFFF  }
0x3e2: {  	_ =	shalt  }

// kernel: kernel.8.cloned.1.call-start
scs
__scs_entry_jumppad:
0x0: {  	(pc) =	sbr.rel $0x88, $3  }
0x1: {  	(tag) =	ssettag $0x0;
	lr =	simm.s32 $0x1  }
0x2: {  	[smem:$0x3F96] =	sst lr;
	_ =	strace $0xD0000000  }
0x3: {  	_ = 	snop  }
0x4: {  	_ = 	snop  }
0x5: {  	_ = 	snop  }
0x6: {  	_ = 	snop  }
0x7: {  	_ = 	snop  }
__scs_overlays_trampoline_lowered:
0x8: {  	[smem:$0x3FA5] =	sst s0  }
0x9: {  	[smem:$0x3FA6] =	sst s1  }
0xa: {  	[smem:$0x3FA7] =	sst s2  }
0xb: {  	[smem:$0x3FA8] =	sst s3  }
0xc: {  	[smem:$0x3FA9] =	sst s4  }
0xd: {  	[smem:$0x3FAA] =	sst s5  }
0xe: {  	[smem:$0x3FAB] =	sst s6  }
0xf: {  	[smem:$0x3FAC] =	sst s7  }
0x10: {  	[smem:$0x3FAD] =	sst s8  }
0x11: {  	[smem:$0x3FAE] =	sst s9;
	s0 =	simm.s32 @!p0 $0x0  }
0x12: {  	s1 =	sld [smem:$0x3F94];
	s0 =	simm.s32 @p0 $0x1  }
0x13: {  	[smem:$0x3FAF] =	sst s0;
	s0 =	simm.s32 @!p1 $0x0  }
0x14: {  	s2 =	sld [smem:$0x3F93];
	s0 =	simm.s32 @p1 $0x1  }
0x15: {  	[smem:$0x3FB0] =	sst s0;
	s0 =	simm.s32 @!p2 $0x0  }
0x16: {  	s3 =	sld [smem:$0x3FDB];
	s0 =	simm.s32 @p2 $0x1  }
0x17: {  	s4 =	simm.s32 $0x1BF5;
	[smem:$0x3FB2] =	sst s0  }
0x18: {  	s0 =	sld [smem:$0x3F95];
	_ =	swait.ge [sflag:s4], $0x0  }
0x19: {  	s7 =	sld [smem:$0x3F96]  }
0x1a: {  	s8 =	sadd.s32 $0xFFFFE003, lr  }
0x1b: {  	s9 =	sadd.s32 $0xFFFFFEF7, lr;
	s5 =	simm.s32 $0xFFFFFFFF;
	p2 =	slt.u32 s8, $0xFFFFF086  }
0x1c: {  	p1 =	slt.u32 s9, $0xF7A;
	s5 =	simm.s32 @!p2 $0x0  }
0x1d: {  	s5 =	simm.s32 @p1 $0x1;
	p0 =	seq.s32 s7, s2  }
0x1e: {  	s7 =	smul.u32 @!p0 $0xF7A, s2;
	p2 =	seq.s32 @!p0 s5, $0x0  }
0x1f: {  	s9 =	smul.u32 $0xF7A, s1;
	s8 =	simm.s32 @!p0 $0x1BF5;
	p2 =	por !p2, p0  }
0x20: {  	[sflag:s8] =	ssyncset.s32 @!p0 $0xFFFFF086;
	s6 =	sadd.s32 @!p0 s3, s7;
	s7 =	simm.s32 @!p0 $0x108  }
0x21: {  	s3 =	sadd.s32 s3, s9;
	s6 =	sadd.s32 @!p0 $0x88, s6;
	s7 =	simm.s32 @p2 $0x1082  }
0x22: {  	[simem:s7], [sflag:s8] =	dma.local @!p0 [hbm:s6], $0xF7A  }
0x23: {  	s9 =	sor.u32 $0xD0000000, s2;
	s6 =	simm.s32 $0x108;
	_ =	swait.ge @!p0 [sflag:s8], $0x0  }
0x24: {  	s3 =	sadd.s32 $0x88, s3;
	s6 =	simm.s32 @!p1 $0x1082;
	[sflag:s4] =	ssyncset.s32 $0xFFFFF086  }
0x25: {  	[simem:s6], [sflag:s4] =	dma.local [hbm:s3], $0xF7A  }
0x26: {  	[smem:$0x3F96] =	sst s1;
	(tag) =	ssettag s2;
	_ =	strace s9  }
0x27: {  	s1 =	sld [smem:$0x3FA6]  }
0x28: {  	s2 =	sld [smem:$0x3FA7]  }
0x29: {  	s4 =	sld [smem:$0x3FA9]  }
0x2a: {  	p0 =	seq.s32 s5, $0x0;
	s5 =	sld [smem:$0x3FAA]  }
0x2b: {  	s6 =	sld [smem:$0x3FAB]  }
0x2c: {  	s7 =	sld [smem:$0x3FAC]  }
0x2d: {  	s3 =	simm.s32 $0x108;
	s8 =	sld [smem:$0x3FAD]  }
0x2e: {  	s3 =	simm.s32 @!p0 $0x1082;
	s9 =	sld [smem:$0x3FAE]  }
0x2f: {  	lr =	sadd.s32 s0, s3;
	s0 =	sld [smem:$0x3FA5]  }
0x30: {  	s3 =	sld [smem:$0x3FA8]  }
0x31: {  	[smem:$0x3FB1] =	sst s10  }
0x32: {  	s10 =	sld [smem:$0x3FAF];
	_ =	sdelay $0x3  }
0x33: {  	p0 =	seq.s32 s10, $0x1;
	s10 =	sld [smem:$0x3FB1];
	_ =	sdelay $0x3  }
0x34: {  	[smem:$0x3FB1] =	sst s10  }
0x35: {  	s10 =	sld [smem:$0x3FB0];
	_ =	sdelay $0x3  }
0x36: {  	p1 =	seq.s32 s10, $0x1;
	s10 =	sld [smem:$0x3FB1];
	_ =	sdelay $0x3  }
0x37: {  	[smem:$0x3FB1] =	sst s10  }
0x38: {  	s10 =	sld [smem:$0x3FB2]  }
0x39: {  	_ = 	snop;
	(pc) =	sbr.ind lr, $3  }
0x3a: {  	_ = 	snop  }
0x3b: {  	_ = 	snop  }
0x3c: {  	p2 =	seq.s32 s10, $0x1;
	s10 =	sld [smem:$0x3FB1]  }
0x3d: {  	_ =	shalt  }
0x3e: {  	_ =	shalt  }
0x3f: {  	_ =	shalt  }
0x40: {  	_ =	shalt  }
0x41: {  	_ =	shalt  }
0x42: {  	_ =	shalt  }
0x43: {  	_ =	shalt  }
0x44: {  	_ =	shalt  }
0x45: {  	_ =	shalt  }
0x46: {  	_ =	shalt  }
0x47: {  	_ =	shalt  }
0x48: {  	_ =	shalt  }
0x49: {  	_ =	shalt  }
0x4a: {  	_ =	shalt  }
0x4b: {  	_ =	shalt  }
0x4c: {  	_ =	shalt  }
0x4d: {  	_ =	shalt  }
0x4e: {  	_ =	shalt  }
0x4f: {  	_ =	shalt  }
0x50: {  	_ =	shalt  }
0x51: {  	_ =	shalt  }
0x52: {  	_ =	shalt  }
0x53: {  	_ =	shalt  }
0x54: {  	_ =	shalt  }
0x55: {  	_ =	shalt  }
0x56: {  	_ =	shalt  }
0x57: {  	_ =	shalt  }
0x58: {  	_ =	shalt  }
0x59: {  	_ =	shalt  }
0x5a: {  	_ =	shalt  }
0x5b: {  	_ =	shalt  }
0x5c: {  	_ =	shalt  }
0x5d: {  	_ =	shalt  }
0x5e: {  	_ =	shalt  }
0x5f: {  	_ =	shalt  }
0x60: {  	_ =	shalt  }
0x61: {  	_ =	shalt  }
0x62: {  	_ =	shalt  }
0x63: {  	_ =	shalt  }
0x64: {  	_ =	shalt  }
0x65: {  	_ =	shalt  }
0x66: {  	_ =	shalt  }
0x67: {  	_ =	shalt  }
0x68: {  	_ =	shalt  }
0x69: {  	_ =	shalt  }
0x6a: {  	_ =	shalt  }
0x6b: {  	_ =	shalt  }
0x6c: {  	_ =	shalt  }
0x6d: {  	_ =	shalt  }
0x6e: {  	_ =	shalt  }
0x6f: {  	_ =	shalt  }
0x70: {  	_ =	shalt  }
0x71: {  	_ =	shalt  }
0x72: {  	_ =	shalt  }
0x73: {  	_ =	shalt  }
0x74: {  	_ =	shalt  }
0x75: {  	_ =	shalt  }
0x76: {  	_ =	shalt  }
0x77: {  	_ =	shalt  }
0x78: {  	_ =	shalt  }
0x79: {  	_ =	shalt  }
0x7a: {  	_ =	shalt  }
0x7b: {  	_ =	shalt  }
0x7c: {  	_ =	shalt  }
0x7d: {  	_ =	shalt  }
0x7e: {  	_ =	shalt  }
0x7f: {  	_ =	shalt  }
0x80: {  	_ =	shalt  }
0x81: {  	_ =	shalt  }
0x82: {  	_ =	shalt  }
0x83: {  	_ =	shalt  }
0x84: {  	_ =	shalt  }
0x85: {  	_ =	shalt  }
0x86: {  	_ =	shalt  }
0x87: {  	_ =	shalt  }
.Lfunc_end0:
.L_simem_size_0:
called_computation_lowered:
.L_overlay_start_0:
0x88: {  	s2 =	sld [smem:$0x3FD9]  }
0x89: {  	s3 =	sld [smem:$0x3FFE];
	_ =	sdelay $0x1  }
0x8a: {  	s1 =	srdreg.scid  }
0x8b: {  	s0 =	sand.u32 $0x1, s1  }
0x8c: {  	s17 =	sshll.u32 s0, $0xA;
	s2 =	sadd.s32 s3, s2  }
0x8d: {  	s2 =	sadd.s32 s2, s17  }
0x8e: {  	[smem:$0x3FBD] =	sst s2  }
0x8f: {  	_ = 	snop  }
0x90: {  	(tm) =	ssettm $0x1  }
0x91: {  	s18 =	sld [smem:$0x3FFB];
	_ =	sdelay $0x3  }
0x92: {  	_ =	strace s18  }
0x93: {  	s2 =	sld [smem:$0x3FFC];
	_ =	sdelay $0x3  }
0x94: {  	_ =	strace s2  }
0x95: {  	s2 =	sld [smem:$0x3FFD];
	_ =	sdelay $0x3  }
0x96: {  	_ =	strace s2  }
0x97: {  	_ =	strace $0x8FFFFFFF  }
0x98: {  	s19 =	sld [smem:$0x3FDB];
	_ =	sdelay $0x1  }
0x99: {  	s20 =	simm.s32 $_scs_section_size  }
0x9a: {  	s4 =	simm.s32 $_size__tile_overlayer_lowered;
	s5 =	simm.s32 $_tile_overlayer_lowered  }
0x9b: {  	s6 =	simm.s32 $0x1BFF;
	s21 =	sshll.u32 s5, $0x1;
	s3 =	sadd.s32 s20, s19  }
0x9c: {  	s22 =	simm.s32 $0x0;
	s4 =	sshll.u32 s4, $0x1;
	s5 =	sadd.s32 s21, s3  }
0x9d: {  	[timem:s22], [sflag:s6] =	dma.local [hbm:s5], s4  }
0x9e: {  	_ =	swait.ge [sflag:s6], s4  }
0x9f: {  	s4 =	ssub.s32 $0x0, s4;
	[sflag:s6] =	ssyncset.done $0x0  }
0xa0: {  	[sflag:s6] =	ssyncadd.s32 s4;
	_ =	sdelay $0x1  }
0xa1: {  	s23 =	simm.s32 $0x1B8B  }
0xa2: {  	_ =	swait.ge [sflag:s23], $0x1  }
0xa3: {  	[sflag:s23] =	ssyncset.done $0x0  }
0xa4: {  	[sflag:s23] =	ssyncadd.s32 $0xFFFFFFFF  }
0xa5: {  	s4 =	sld [smem:$0x0]  }
0xa6: {  	s5 =	sand.u32 $0xFFFFFFFE, s1  }
0xa7: {  	p0 =	sne.s32 s1, s5  }
0xa8: {  	s5 =	sshll.u32 @p0 s5, $0xE  }
0xa9: {  	s5 =	sadd.s32 @p0 $0x11B8D, s5;
	s6 =	sshll.u32 @p0 s4, $0x11  }
0xaa: {  	s5 =	sor.u32 @p0 s6, s5  }
0xab: {  	[sflag:s5] =	ssyncadd.remote.s32 @p0 $0x1;
	_ =	sdelay $0x1  }
0xac: {  	s5 =	simm.s32 @p0 $0x1B8D  }
0xad: {  	_ =	swait.eq @p0 [sflag:s5], $0x1  }
0xae: {  	[sflag:s5] =	ssyncadd.s32 @p0 $0xFFFFFFFF  }
0xaf: {  	s6 =	sshll.u32 @!p0 s1, $0xE  }
0xb0: {  	s6 =	sor.u32 @!p0 $0x4000, s6;
	s5 =	simm.s32 @!p0 $0x1B8D  }
0xb1: {  	s4 =	sshll.u32 @!p0 s4, $0x11;
	s6 =	sadd.s32 @!p0 $0x11B8D, s6;
	_ =	swait.eq @!p0 [sflag:s5], $0x1  }
0xb2: {  	s4 =	sor.u32 @!p0 s4, s6;
	[sflag:s5] =	ssyncadd.s32 @!p0 $0xFFFFFFFF  }
0xb3: {  	s25 =	simm.s32 $0x1B8E;
	s24 =	sld [smem:$0x3FFE];
	[sflag:s4] =	ssyncadd.remote.s32 @!p0 $0x1  }
0xb4: {  	s26 =	simm.s32 $execute0_lowered;
	[smem:$0x3FD2] =	sst s25  }
0xb5: {  	s5 =	sshll.u32 s26, $0x1;
	_ =	strace $0x80000049;
	[dreg:$0x1] =	wrdreg $0xFFFFFFFF  }
0xb6: {  	s28 =	simm.s32 $_size_execute0_lowered;
	s3 =	sadd.s32 s3, s5;
	[dreg:$0x0] =	wrdreg $0x0  }
0xb7: {  	s5 =	sshll.u32 s28, $0x1;
	[dreg:$0x2] =	wrdreg s3  }
0xb8: {  	[dreg:$0x3] =	wrdreg s5  }
0xb9: {  	[dreg:$0x4] =	wrdreg $0xC0  }
0xba: {  	_ =	task [dreg:s22], $0x5FFFF  }
0xbb: {  	[dreg:$0x1] =	wrdreg $0xFFFFFFFF  }
0xbc: {  	[dreg:$0x0] =	wrdreg $0x60  }
0xbd: {  	[dreg:$0x2] =	wrdreg s24  }
0xbe: {  	[dreg:$0x3] =	wrdreg $0x0  }
0xbf: {  	[dreg:$0x4] =	wrdreg $0x9  }
0xc0: {  	_ =	task.clear_ibuf [dreg:s22], $0x5FFFF;
	_ =	strace $0x90000049  }
0xc1: {  	s29 =	simm.s32 $0x9;
	_ =	strace $0x8000004B  }
0xc2: {  	_ =	swait.ge [sflag:s29], $0x1  }
0xc3: {  	[sflag:s29] =	ssyncadd.s32 $0xFFFFFFFF  }
0xc4: {  	_ =	strace $0x9000004B  }
0xc5: {  	_ =	sfence  }
0xc6: {  	s30 =	sld [smem:$0x0];
	_ =	sdelay $0x2  }
0xc7: {  	s31 =	sshll.u32 s1, $0xD;
	s1 =	sshrl.u32 s1, $0x2  }
0xc8: {  	s4 =	sand.u32 $0x4000, s31;
	s1 =	sadd.s32 s1, s30  }
0xc9: {  	s0 =	sor.u32 s4, s0;
	s1 =	sshll.u32 s1, $0x11  }
0xca: {  	s0 =	sor.u32 s1, s0  }
0xcb: {  	s0 =	sadd.s32 $0x8F2B, s0  }
0xcc: {  	[sflag:s0] =	ssyncadd.remote.s32 $0x1  }
0xcd: {  	_ =	sfence.sel $0xFFFF  }
0xce: {  	[dreg:$0x0] =	wrdreg $0xFFFFFFFF;
	(pc) =	sbr.abs _section_cstart, $3  }
0xcf: {  	[dreg:$0x1] =	wrdreg $0xFFFFFFFF  }
0xd0: {  	_ =	task.clear_ibuf [dreg:s22], $0x2FFFF;
	_ =	strace $0x9FFFFFFF  }
0xd1: {  	(tm) =	ssettm $0x7FFFFFFF  }
tec
execute0_lowered:
.L_overlay_start_1:
0x0: {  	(tag) =	ssettag $0x1  }
0x1: {  	s0 =	srdreg.scid;
	s9 =	rddreg [dreg:$0x0]  }
0x2: {  	s2 =	rddreg [dreg:$0x1];
	s3 =	simm.s32 $0x0;
	s20 =	simm.s32 $0x13900  }
0x3: {  	s21 =	simm.s32 $0x14D00;
	s22 =	simm.s32 $0x1;
	s12 =	sand.u32 $0x1, s0  }
0x4: {  	s23 =	simm.s32 $0x18D00;
	s0 =	stileid.u32;
	s4 =	smul.u32 $0x280, s12  }
0x5: {  	s24 =	simm.s32 $0x80;
	s25 =	simm.s32 $0x14C00;
	s5 =	smul.u32 $0x28, s0  }
0x6: {  	s26 =	simm.s32 $0x14C80;
	s28 =	simm.s32 $0x0;
	s13 =	smul.u32 $0x2700, s0  }
0x7: {  	[smem:$0x7FF] =	sst s3;
	s14 =	sadd.s32 $0x31C400, s9;
	s6 =	smul.u32 $0x4E000, s0  }
0x8: {  	_ =	strace $0x8000004A;
	s8 =	ssub.s32 $0x2, s12;
	s18 =	smul.u32 $0x140000, s12  }
0x9: {  	s30 =	sshll.u32 s0, $0x6;
	s31 =	smul.u32 $0x14000, s0;
	p0 =	seq.s32 s12, $0x1  }
0xa: {  	p1 =	sne.s32 s0, $0xF;
	p2 =	seq.s32 s0, $0xF;
	s15 =	sshrl.u32 s8, $0x1  }
0xb: {  	s10 =	sadd.s32 s5, s4;
	s7 =	sadd.s32 s13, s9;
	s5 =	sadd.s32 $0xD2600, s9  }
0xc: {  	s6 =	sshrl.u32 s6, $0x2;
	s15 =	ssub.s32 s8, s15;
	s8 =	sadd.s32 $0x138000, s2  }
0xd: {  	s18 =	sadd.s32 s18, s14;
	s4 =	sshll.u32 s10, $0x4;
	s17 =	sadd.s32 s6, s2  }
0xe: {  	s6 =	sadd.s32 $0x35E00, s7;
	s7 =	sor.u32 $0x1C02, s30;
	s16 =	sshll.u32 s10, $0xB  }
.Ltmp0:
0xf: {  	s19 =	sshrl.u32 @!p1 s8, $0x3;
	s11 =	sadd.s32 s4, s9;
	(pc) =	sbr.rel .LBB2_1-.Ltmp0, $4  }
0x10: {  	s4 =	sadd.s32 $0xAB400, s9;
	s9 =	sadd.s32 $0x5CE00, s9;
	s17 =	sshrl.u32 s17, $0x3  }
0x11: {  	s10 =	sadd.s32 $0x2BE00, s11;
	s11 =	sadd.s32 s14, s16;
	s12 =	sadd.s32 s4, s13  }
0x12: {  	s13 =	sadd.s32 s5, s13;
	s14 =	smax.u32 s15, $0x1;
	s16 =	sadd.s32 s31, s18  }
0x13: {  	s18 =	simm.s32 $0x2;
	s15 =	sadd.s32 $0x13800, s11;
	s16 =	sadd.s32 $0x1000, s16  }
.LBB2_6:
0x14: {  	s1 =	sadd.s32 $0x27000, s29;
	s31 =	sshrl.u32 s8, $0x3  }
0x15: {  	[hbm:s1], [sflag:s7] =	dma.local [spmem:s31], $0x100  }
0x16: {  	_ =	swait.ge [sflag:s18], $0x100  }
0x17: {  	[sflag:s18] =	ssyncset.done $0x0  }
0x18: {  	[sflag:s18] =	ssyncadd.s32 $0xFFFFFF00  }
.LBB2_7:
0x19: {  	s28 =	sadd.s32 $0x1, s28  }
0x1a: {  	p3 =	sne.s32 s28, s14  }
.Ltmp1:
0x1b: {  	_ = 	snop;
	(pc) =	sbr.rel @!p3 .LBB2_8-.Ltmp1, $1  }
0x1c: {  	_ =	sdelay $0x3  }
.LBB2_1:
0x1d: {  	[spmem:s17], [sflag:s7] =	dma.local [hbm:s6], $0x2700  }
0x1e: {  	_ =	swait.ge [sflag:s18], $0x2700  }
0x1f: {  	[sflag:s18] =	ssyncset.done $0x0  }
0x20: {  	s29 =	simm.s32 @!p1 $0x2;
	[sflag:s18] =	ssyncadd.s32 $0xFFFFD900  }
0x21: {  	[spmem:s19], [sflag:s7] =	dma.local @!p1 [hbm:s9], $0x100  }
0x22: {  	_ =	swait.ge @!p1 [sflag:s29], $0x100  }
0x23: {  	[sflag:s29] =	ssyncset.done @!p1 $0x0  }
0x24: {  	[sflag:s29] =	ssyncadd.s32 @!p1 $0xFFFFFF00  }
0x25: {  	[tilespmem:s20], [sflag:$0x2] =	stream.linear.gather [hbm4b:s10+s3], $0x1400, $0x38;
	[tilespmem:$0x1CD00] =	vst v63  }
0x26: {  	_ =	swait.ge [sflag:s18], $0x1400  }
0x27: {  	[sflag:s18] =	ssyncset.done $0x0  }
0x28: {  	[sflag:s18] =	ssyncadd.s32 $0xFFFFEC00  }
0x29: {  	[bflag:$0x0] =	sbarrier.arrive $0xFFFF  }
0x2a: {  	[tilespmem:s21], [sflag:$0x1] =	stream.linear.gather [hbm4b:s11+s3], $0x4000, $0x38;
	[tilespmem:$0x1CD00] =	vst v63  }
0x2b: {  	_ =	swait.ge [sflag:s22], $0x4000  }
0x2c: {  	[sflag:s22] =	ssyncset.done $0x0  }
0x2d: {  	s29 =	sadd.s32 $0xFFFFF800, s16;
	[sflag:s22] =	ssyncadd.s32 $0xFFFFC000  }
0x2e: {  	[tilespmem:s23], [sflag:$0x1] =	stream.linear.gather [hbm4b:s29+s3], $0x4000, $0x38;
	[tilespmem:$0x1CD00] =	vst v63  }
0x2f: {  	s29 =	simm.s32 $0x13900  }
0x30: {  	[spmem:s2] =	stream.indirect.scatter.add.f32 [tilespmem:s21], [sflag:$0x2], $0x80, s29, s24, $0xb8;
	[tilespmem:$0x1CD00] =	vst v63  }
0x31: {  	_ =	swait.ge [sflag:s18], $0x4000  }
0x32: {  	[sflag:s18] =	ssyncset.done $0x0  }
0x33: {  	[sflag:s18] =	ssyncadd.s32 $0xFFFFC000  }
0x34: {  	_ =	swait.ge [sflag:s22], $0x4000  }
0x35: {  	[sflag:s22] =	ssyncset.done $0x0  }
0x36: {  	[sflag:s22] =	ssyncadd.s32 $0xFFFFC000  }
0x37: {  	[tilespmem:s21], [sflag:$0x1] =	stream.linear.gather [hbm4b:s16+s3], $0x4000, $0x38;
	[tilespmem:$0x1CD00] =	vst v63  }
0x38: {  	s29 =	simm.s32 $0x13980  }
0x39: {  	[spmem:s2] =	stream.indirect.scatter.add.f32 [tilespmem:s23], [sflag:$0x2], $0x80, s29, s24, $0xb8;
	[tilespmem:$0x1CD00] =	vst v63  }
0x3a: {  	_ =	swait.ge [sflag:s18], $0x4000  }
0x3b: {  	s30 =	smov.u32 s16;
	s29 =	simm.s32 $0x400;
	[sflag:s18] =	ssyncset.done $0x0  }
.LBB2_2:
0x3c: {  	p3 =	sne.s32 s29, $0x4800;
	[sflag:s18] =	ssyncadd.s32 $0xFFFFC000;
	s30 =	sadd.s32 $0x1000, s30  }
0x3d: {  	s31 =	smov.u32 s29;
	s29 =	sadd.s32 $0x400, s29  }
0x3e: {  	_ =	swait.ge [sflag:s22], $0x4000  }
0x3f: {  	[sflag:s22] =	ssyncset.done $0x0  }
0x40: {  	s1 =	sadd.s32 $0xFFFFF800, s30;
	s31 =	sshra.s32 s31, $0x2;
	[sflag:s22] =	ssyncadd.s32 $0xFFFFC000  }
0x41: {  	[tilespmem:s23], [sflag:$0x1] =	stream.linear.gather [hbm4b:s1+s3], $0x4000, $0x38;
	[tilespmem:$0x1CD00] =	vst v63  }
0x42: {  	s1 =	sadd.s32 $0x13900, s31  }
0x43: {  	[spmem:s2] =	stream.indirect.scatter.add.f32 [tilespmem:s21], [sflag:$0x2], $0x80, s1, s24, $0xb8;
	[tilespmem:$0x1CD00] =	vst v63  }
0x44: {  	_ =	swait.ge [sflag:s18], $0x4000  }
0x45: {  	[sflag:s18] =	ssyncset.done $0x0  }
0x46: {  	[sflag:s18] =	ssyncadd.s32 $0xFFFFC000  }
0x47: {  	_ =	swait.ge [sflag:s22], $0x4000  }
0x48: {  	[sflag:s22] =	ssyncset.done $0x0  }
0x49: {  	[sflag:s22] =	ssyncadd.s32 $0xFFFFC000  }
0x4a: {  	[tilespmem:s21], [sflag:$0x1] =	stream.linear.gather [hbm4b:s30+s3], $0x4000, $0x38;
	[tilespmem:$0x1CD00] =	vst v63  }
.Ltmp2:
0x4b: {  	_ = 	snop;
	(pc) =	sbr.rel @p3 .LBB2_2-.Ltmp2, $4  }
0x4c: {  	s1 =	sadd.s32 $0x13980, s31  }
0x4d: {  	[spmem:s2] =	stream.indirect.scatter.add.f32 [tilespmem:s23], [sflag:$0x2], $0x80, s1, s24, $0xb8;
	[tilespmem:$0x1CD00] =	vst v63  }
0x4e: {  	_ =	swait.ge [sflag:s18], $0x4000  }
0x4f: {  	[sflag:s18] =	ssyncset.done $0x0  }
0x50: {  	[sflag:s18] =	ssyncadd.s32 $0xFFFFC000  }
0x51: {  	_ =	swait.ge [sflag:s22], $0x4000  }
0x52: {  	[sflag:s22] =	ssyncset.done $0x0  }
0x53: {  	[sflag:s22] =	ssyncadd.s32 $0xFFFFC000  }
0x54: {  	[tilespmem:s23], [sflag:$0x1] =	stream.linear.gather [hbm4b:s15+s3], $0x4000, $0x38;
	[tilespmem:$0x1CD00] =	vst v63  }
0x55: {  	_ = 	snop  }
0x56: {  	[spmem:s2] =	stream.indirect.scatter.add.f32 [tilespmem:s21], [sflag:$0x2], $0x80, s25, s24, $0xb8;
	[tilespmem:$0x1CD00] =	vst v63  }
0x57: {  	_ =	swait.ge [sflag:s18], $0x4000  }
0x58: {  	[sflag:s18] =	ssyncset.done $0x0  }
0x59: {  	[sflag:s18] =	ssyncadd.s32 $0xFFFFC000  }
0x5a: {  	_ =	swait.ge [sflag:s22], $0x4000  }
0x5b: {  	[sflag:s22] =	ssyncset.done $0x0  }
0x5c: {  	[sflag:s22] =	ssyncadd.s32 $0xFFFFC000  }
0x5d: {  	[spmem:s2] =	stream.indirect.scatter.add.f32 [tilespmem:s23], [sflag:$0x2], $0x80, s26, s24, $0xb8;
	[tilespmem:$0x1CD00] =	vst v63  }
.Ltmp3:
0x5e: {  	_ =	swait.ge [sflag:s18], $0x4000;
	(pc) =	sbr.rel @!p0 .LBB2_4-.Ltmp3, $3  }
0x5f: {  	[sflag:s18] =	ssyncset.done $0x0  }
0x60: {  	[sflag:s18] =	ssyncadd.s32 $0xFFFFC000  }
0x61: {  	[bflag:$0x0] =	sbarrier.arrive $0xFFFF;
	_ =	sdelay $0x1  }
0x62: {  	[hbm:s13], [sflag:s7] =	dma.local [spmem:s17], $0x2700  }
.Ltmp4:
0x63: {  	_ = 	snop;
	(pc) =	sbr.rel @p1 .LBB2_7-.Ltmp4, $4  }
.Ltmp5:
0x64: {  	_ = 	snop;
	(pc) =	sbr.rel @!p1 .LBB2_6-.Ltmp5, $4  }
0x65: {  	_ =	swait.ge [sflag:s18], $0x2700  }
0x66: {  	[sflag:s18] =	ssyncset.done $0x0  }
0x67: {  	s29 =	smov.u32 s5;
	[sflag:s18] =	ssyncadd.s32 $0xFFFFD900  }
0x68: {  	_ = 	snop  }
.LBB2_4:
0x69: {  	[hbm:s12], [sflag:s7] =	dma.local [spmem:s17], $0x2700  }
.Ltmp6:
0x6a: {  	_ = 	snop;
	(pc) =	sbr.rel @p2 .LBB2_6-.Ltmp6, $4  }
.Ltmp7:
0x6b: {  	_ = 	snop;
	(pc) =	sbr.rel @!p2 .LBB2_7-.Ltmp7, $4  }
0x6c: {  	_ =	swait.ge [sflag:s18], $0x2700  }
0x6d: {  	[sflag:s18] =	ssyncset.done $0x0  }
0x6e: {  	s29 =	smov.u32 s4;
	[sflag:s18] =	ssyncadd.s32 $0xFFFFD900  }
0x6f: {  	_ = 	snop  }
.LBB2_8:
0x70: {  	_ =	sfence.sel $0x180000  }
0x71: {  	[bflag:$0x0] =	sbarrier.arrive $0xFFFF  }
0x72: {  	_ =	strace $0x9000004A  }
0x73: {  	[bflag:$0x2] =	sbarrier.arrive $0xFFFF  }
0x74: {  	p0 =	sne.s32 s0, $0x0;
	s0 =	rddreg [dreg:$0x2]  }
0x75: {  	s0 =	sadd.s32 @!p0 $0x100000, s0  }
0x76: {  	[sflag:s0] =	ssyncadd.tile.s32 @!p0 $0x1;
	_ =	shalt  }
.Lfunc_end2:
_tile_overlayer_lowered:
.L_overlay_start_2:
0x77: {  	(tag) =	ssettag $0x2  }
0x78: {  	s0 =	rddreg [dreg:$0x0];
	s2 =	stileid.u32  }
0x79: {  	s1 =	rddreg [dreg:$0x1];
	p0 =	sne.s32 s2, $0x0  }
0x7a: {  	s3 =	rddreg [dreg:$0x2];
	[bflag:$0x3] =	sbarrier.arrive $0xFFFF;
	s2 =	simm.s32 @!p0 $0x1C02  }
0x7b: {  	[timem:s3], [sflag:s2] =	dma.local @!p0 [hbm:s0], s1  }
0x7c: {  	s0 =	simm.s32 @!p0 $0x2  }
0x7d: {  	_ =	swait.ge @!p0 [sflag:s0], s1  }
0x7e: {  	s1 =	ssub.s32 @!p0 $0x0, s1;
	[sflag:s0] =	ssyncset.done @!p0 $0x0  }
0x7f: {  	[sflag:s0] =	ssyncadd.s32 @!p0 s1  }
0x80: {  	[bflag:$0x3] =	sbarrier.arrive $0xFFFF  }
0x81: {  	_ =	shalt  }

</sc_bundles>
